<compile_context>
chip_gen: v7x
topology: tpu7x:2x2x1
jax: 0.10.2.dev20260603
libtpu: 0.0.44.dev20260713+nightly
codegen_flags: <defaults>
</compile_context>

<pallas_src>
import functools

import jax
import jax.numpy as jnp
from jax import lax
from jax.experimental import pallas as pl
from jax.experimental.pallas import tpu as pltpu
import jax.experimental.pallas.tpu_sc as plsc

N = 10000
NPAD = 10240
E = 320000
D_IN = 128
HID = 64
HEADS = 8
G = 64
CLASSES = 10

NC = 2
NS = 16
NW = NC * NS
EPW = E // NW
C = 400
NCHUNK = EPW // C
EPW2 = E // NS
NCHUNK2 = EPW2 // C
RPS = NPAD // NS
NEG = 0.2
GBYTES = C * HID * 4 + C * HEADS * 4
SBYTES = C * HID * 4


def _t1_body(x_ref, w1_ref, am_ref, h1_ref, asd_ref):
    h1 = jnp.dot(x_ref[...], w1_ref[...], preferred_element_type=jnp.float32)
    h1_ref[...] = h1
    asd_ref[...] = jnp.dot(h1, am_ref[...], preferred_element_type=jnp.float32)


_t1 = pl.pallas_call(
    _t1_body,
    grid=(10,),
    in_specs=[
        pl.BlockSpec((N // 10, D_IN), lambda i: (i, 0)),
        pl.BlockSpec((D_IN, HEADS * HID), lambda i: (0, 0)),
        pl.BlockSpec((HEADS * HID, 2 * HEADS), lambda i: (0, 0)),
    ],
    out_specs=[
        pl.BlockSpec((N // 10, HEADS * HID), lambda i: (i, 0)),
        pl.BlockSpec((N // 10, 2 * HEADS), lambda i: (i, 0)),
    ],
    out_shape=[
        jax.ShapeDtypeStruct((N, HEADS * HID), jnp.float32),
        jax.ShapeDtypeStruct((N, 2 * HEADS), jnp.float32),
    ],
)


def _edge_multiply(msgb, wvb, wcol, g_unused=None):
    def quad(ii, carry):
        for u in range(4):
            i = ii * 4 + u
            ic = jnp.full((16,), i, jnp.int32)
            wb = plsc.load_gather(wvb, [ic, jnp.full((16,), wcol, jnp.int32)])
            for q in range(HID // 16):
                msgb[i, pl.ds(q * 16, 16)] = msgb[i, pl.ds(q * 16, 16)] * wb
        return carry
    lax.fori_loop(0, C // 4, quad, 0)


def _sc1a_body(srcr_hbm, dstr_hbm, asd_hbm, z8_hbm,
               w_hbm, den_hbm,
               src_all, dst_all, a_src, a_dst, wrow, dacc, gsem):
    c = lax.axis_index("c")
    s = lax.axis_index("s")
    wid = c * NS + s
    ebase = wid * EPW
    r0 = s * RPS
    iota = lax.iota(jnp.int32, 16)

    pltpu.sync_copy(srcr_hbm.at[wid], src_all)
    pltpu.sync_copy(dstr_hbm.at[wid], dst_all)
    pltpu.sync_copy(z8_hbm.at[pl.ds(r0, RPS)], dacc.at[pl.ds(r0, RPS)])
    plsc.subcore_barrier()

    def chunk_a(j, carry):
        eb = ebase + j * C
        da = pltpu.async_copy(asd_hbm.at[src_all.at[j]], a_src, gsem)
        db = pltpu.async_copy(asd_hbm.at[dst_all.at[j]], a_dst, gsem)
        da.wait()
        db.wait()

        def tile(t, carry2):
            rows = iota + t * 16
            for h in range(HEADS):
                hc = jnp.full((16,), h, jnp.int32)
                sv = plsc.load_gather(a_src, [rows, hc])
                dv = plsc.load_gather(a_dst, [rows, hc + HEADS])
                e = sv + dv
                e = jnp.where(e > 0.0, e, NEG * e)
                wv = jnp.exp(e)
                plsc.store_scatter(wrow, [rows, hc], wv)
            return carry2

        lax.fori_loop(0, C // 16, tile, 0)
        pltpu.sync_copy(wrow, w_hbm.at[pl.ds(eb, C)])
        pltpu.sync_copy(wrow, dacc.at[dst_all.at[j]], add=True)
        return carry

    lax.fori_loop(0, NCHUNK, chunk_a, 0)
    plsc.subcore_barrier()
    pltpu.sync_copy(dacc.at[pl.ds(r0, RPS)], den_hbm.at[c, pl.ds(r0, RPS)])


_sc1a = functools.partial(
    pl.kernel,
    out_type=(
        jax.ShapeDtypeStruct((E, HEADS), jnp.float32),
        jax.ShapeDtypeStruct((NC, NPAD, HEADS), jnp.float32),
    ),
    mesh=plsc.VectorSubcoreMesh(core_axis_name="c", subcore_axis_name="s"),
    compiler_params=pltpu.CompilerParams(use_tc_tiling_on_sc=False, needs_layout_passes=False),
    scratch_types=[
        pltpu.VMEM((NCHUNK, C), jnp.int32),
        pltpu.VMEM((NCHUNK, C), jnp.int32),
        pltpu.VMEM((C, 16), jnp.float32),
        pltpu.VMEM((C, 16), jnp.float32),
        pltpu.VMEM((C, HEADS), jnp.float32),
        pltpu.VMEM_SHARED((NPAD, HEADS), jnp.float32),
        pltpu.SemaphoreType.DMA,
    ],
)(_sc1a_body)


def _sc1b_body(srcr_hbm, dstr_hbm, w_hbm, h1f_hbm, z64_hbm, z8_hbm,
               num_hbm,
               src_all, dst_all, msg0, msg1, wv0, wv1, acc,
               gsem0, gsem1, ssem0, ssem1):
    c = lax.axis_index("c")
    s = lax.axis_index("s")
    r0 = s * RPS

    def one_pass(g_local, carry0):
        gidx = 4 * c + g_local
        plsc.subcore_barrier()
        pltpu.sync_copy(z64_hbm.at[pl.ds(r0, RPS)], acc.at[pl.ds(r0, RPS)])
        plsc.subcore_barrier()

        def issue_g(j, ebase_h, msgb, wvb, sem):
            pltpu.async_copy(h1f_hbm.at[src_all.at[j]], msgb, sem)
            pltpu.async_copy(w_hbm.at[pl.ds(ebase_h + j * C, C)], wvb, sem)

        def issue_s(j, msgb, sem):
            pltpu.async_copy(msgb, acc.at[dst_all.at[j]], sem, add=True)

        def wait_g(msgb, wvb, sem):
            pltpu.make_async_copy(z64_hbm.at[pl.ds(0, C)], msgb, sem).wait()
            pltpu.make_async_copy(z8_hbm.at[pl.ds(0, C)], wvb, sem).wait()

        def wait_s(msgb, sem):
            pltpu.make_async_copy(z64_hbm.at[pl.ds(0, C)], msgb, sem).wait()

        def half_pass(hf, carryh, gidx=gidx):
            ebase_h = (s * 2 + hf) * EPW
            pltpu.sync_copy(srcr_hbm.at[s, hf], src_all)
            pltpu.sync_copy(dstr_hbm.at[s, hf], dst_all)

            def sh(t, carry):
                a = t // (C // 16)
                b = (t % (C // 16)) * 16
                src_all[a, pl.ds(b, 16)] = src_all[a, pl.ds(b, 16)] + gidx * N
                return carry
            carryh = lax.fori_loop(0, NCHUNK * (C // 16), sh, carryh)

            issue_g(0, ebase_h, msg0, wv0, gsem0)
            wait_g(msg0, wv0, gsem0)
            issue_g(1, ebase_h, msg1, wv1, gsem1)
            _edge_multiply(msg0, wv0, gidx)
            issue_s(0, msg0, ssem0)
            wait_g(msg1, wv1, gsem1)
            wait_s(msg0, ssem0)
            issue_g(2, ebase_h, msg0, wv0, gsem0)
            _edge_multiply(msg1, wv1, gidx)
            issue_s(1, msg1, ssem1)

            def pair(k, carry):
                j0 = 2 * k + 2
                wait_g(msg0, wv0, gsem0)
                wait_s(msg1, ssem1)
                issue_g(j0 + 1, ebase_h, msg1, wv1, gsem1)
                _edge_multiply(msg0, wv0, gidx)
                issue_s(j0, msg0, ssem0)
                wait_g(msg1, wv1, gsem1)
                wait_s(msg0, ssem0)
                issue_g(j0 + 2, ebase_h, msg0, wv0, gsem0)
                _edge_multiply(msg1, wv1, gidx)
                issue_s(j0 + 1, msg1, ssem1)
                return carry

            carryh = lax.fori_loop(0, (NCHUNK - 3) // 2, pair, carryh)
            wait_g(msg0, wv0, gsem0)
            wait_s(msg1, ssem1)
            _edge_multiply(msg0, wv0, gidx)
            pltpu.sync_copy(msg0, acc.at[dst_all.at[NCHUNK - 1]], add=True)
            return carryh

        carry0 = lax.fori_loop(0, 2, half_pass, carry0)
        plsc.subcore_barrier()
        pltpu.sync_copy(acc.at[pl.ds(r0, RPS)], num_hbm.at[gidx, pl.ds(r0, RPS)])
        return carry0

    lax.fori_loop(0, 4, one_pass, 0)


_sc1b = functools.partial(
    pl.kernel,
    out_type=(
        jax.ShapeDtypeStruct((HEADS, NPAD, HID), jnp.float32),
    ),
    mesh=plsc.VectorSubcoreMesh(core_axis_name="c", subcore_axis_name="s"),
    compiler_params=pltpu.CompilerParams(use_tc_tiling_on_sc=False, needs_layout_passes=False),
    scratch_types=[
        pltpu.VMEM((NCHUNK, C), jnp.int32),
        pltpu.VMEM((NCHUNK, C), jnp.int32),
        pltpu.VMEM((C, HID), jnp.float32),
        pltpu.VMEM((C, HID), jnp.float32),
        pltpu.VMEM((C, HEADS), jnp.float32),
        pltpu.VMEM((C, HEADS), jnp.float32),
        pltpu.VMEM_SHARED((NPAD, HID), jnp.float32),
        pltpu.SemaphoreType.DMA,
        pltpu.SemaphoreType.DMA,
        pltpu.SemaphoreType.DMA,
        pltpu.SemaphoreType.DMA,
    ],
)(_sc1b_body)


def _t2_body(num_ref, den_ref, b1_ref, w2_ref, am2_ref, dmat_ref, h2_ref, asd2_ref):
    num = num_ref[...]
    den = den_ref[0] + den_ref[1]
    rep = jnp.dot(den, dmat_ref[...], preferred_element_type=jnp.float32)
    h = jnp.maximum(num / (rep + 1e-16) + b1_ref[...], 0.0)
    h2 = jnp.dot(h, w2_ref[...], preferred_element_type=jnp.float32)
    h2_ref[...] = h2
    asd2_ref[...] = jnp.dot(h2, am2_ref[...], preferred_element_type=jnp.float32)


_t2 = pl.pallas_call(
    _t2_body,
    grid=(10,),
    in_specs=[
        pl.BlockSpec((NPAD // 10, HEADS * HID), lambda i: (i, 0)),
        pl.BlockSpec((NC, NPAD // 10, HEADS), lambda i: (0, i, 0)),
        pl.BlockSpec((1, HEADS * HID), lambda i: (0, 0)),
        pl.BlockSpec((HEADS * HID, HID), lambda i: (0, 0)),
        pl.BlockSpec((HID, 2 * HEADS), lambda i: (0, 0)),
        pl.BlockSpec((HEADS, HEADS * HID), lambda i: (0, 0)),
    ],
    out_specs=[
        pl.BlockSpec((NPAD // 10, HID), lambda i: (i, 0)),
        pl.BlockSpec((NPAD // 10, 2 * HEADS), lambda i: (i, 0)),
    ],
    out_shape=[
        jax.ShapeDtypeStruct((NPAD, HID), jnp.float32),
        jax.ShapeDtypeStruct((NPAD, 2 * HEADS), jnp.float32),
    ],
)


def _sc2_body(srcr_hbm, dstr_hbm, asd_hbm, h2_hbm, z64_hbm, z8_hbm,
              num_hbm, den_hbm,
              src_all, dst_all, a_src, a_dst, wrow,
              msg0, msg1, acc, dacc, gsem0, gsem1):
    c = lax.axis_index("c")
    s = lax.axis_index("s")
    wid = c * NS + s
    ebase = wid * EPW
    r0 = s * RPS
    iota = lax.iota(jnp.int32, 16)

    pltpu.sync_copy(srcr_hbm.at[wid], src_all)
    pltpu.sync_copy(dstr_hbm.at[wid], dst_all)
    pltpu.sync_copy(z8_hbm.at[pl.ds(0, C)], wrow)
    pltpu.sync_copy(z64_hbm.at[pl.ds(r0, RPS)], acc.at[pl.ds(r0, RPS)])
    pltpu.sync_copy(z8_hbm.at[pl.ds(r0, RPS)], dacc.at[pl.ds(r0, RPS)])
    plsc.subcore_barrier()

    def consume(j, msgb):
        dm = pltpu.async_copy(h2_hbm.at[src_all.at[j]], msgb, gsem0)
        da = pltpu.async_copy(asd_hbm.at[src_all.at[j]], a_src, gsem1)
        db = pltpu.async_copy(asd_hbm.at[dst_all.at[j]], a_dst, gsem1)
        da.wait()
        db.wait()

        def tile(t, carry2):
            rows = iota + t * 16
            zc = jnp.full((16,), 0, jnp.int32)
            sv = plsc.load_gather(a_src, [rows, zc])
            dv = plsc.load_gather(a_dst, [rows, zc + HEADS])
            e = sv + dv
            e = jnp.where(e > 0.0, e, NEG * e)
            wv = jnp.exp(e)
            plsc.store_scatter(wrow, [rows, zc], wv)
            return carry2

        lax.fori_loop(0, C // 16, tile, 0)
        dm.wait()
        _edge_multiply(msgb, wrow, 0)
        pltpu.sync_copy(msgb, acc.at[dst_all.at[j]], add=True)
        pltpu.sync_copy(wrow, dacc.at[dst_all.at[j]], add=True)

    def chunk_loop(j, carry):
        consume(j, msg0)
        return carry

    lax.fori_loop(0, NCHUNK, chunk_loop, 0)

    plsc.subcore_barrier()
    pltpu.sync_copy(acc.at[pl.ds(r0, RPS)], num_hbm.at[c, pl.ds(r0, RPS)])
    pltpu.sync_copy(dacc.at[pl.ds(r0, RPS)], den_hbm.at[c, pl.ds(r0, RPS)])


_sc2 = functools.partial(
    pl.kernel,
    out_type=(
        jax.ShapeDtypeStruct((NC, NPAD, HID), jnp.float32),
        jax.ShapeDtypeStruct((NC, NPAD, HEADS), jnp.float32),
    ),
    mesh=plsc.VectorSubcoreMesh(core_axis_name="c", subcore_axis_name="s"),
    compiler_params=pltpu.CompilerParams(use_tc_tiling_on_sc=False, needs_layout_passes=False),
    scratch_types=[
        pltpu.VMEM((NCHUNK, C), jnp.int32),
        pltpu.VMEM((NCHUNK, C), jnp.int32),
        pltpu.VMEM((C, 16), jnp.float32),
        pltpu.VMEM((C, 16), jnp.float32),
        pltpu.VMEM((C, HEADS), jnp.float32),
        pltpu.VMEM((C, HID), jnp.float32),
        pltpu.VMEM((C, HID), jnp.float32),
        pltpu.VMEM_SHARED((NPAD, HID), jnp.float32),
        pltpu.VMEM_SHARED((NPAD, HEADS), jnp.float32),
        pltpu.SemaphoreType.DMA,
        pltpu.SemaphoreType.DMA,
    ],
)(_sc2_body)


def _t3_body(num_ref, den_ref, batch_ref, b2_ref, fcw_ref, fcb_ref, out_ref):
    num = num_ref[0] + num_ref[1]
    den = (den_ref[0] + den_ref[1])[:, 0:1]
    h = num / (den + 1e-16) + b2_ref[...]
    gids = lax.broadcasted_iota(jnp.int32, (G, N), 0)
    oh = (gids == batch_ref[...]).astype(jnp.float32)
    gp = jax.lax.dot(oh, h)
    logits = jax.lax.dot(gp, fcw_ref[...]) + fcb_ref[...]
    m = jnp.max(logits, axis=1, keepdims=True)
    z = logits - m
    lse = jnp.log(jnp.sum(jnp.exp(z), axis=1, keepdims=True))
    out_ref[...] = z - lse


_t3 = pl.pallas_call(
    _t3_body,
    out_shape=jax.ShapeDtypeStruct((G, CLASSES), jnp.float32),
)


def kernel(x, edge_index, batch, W1, a_s1, a_d1, b1, W2, a_s2, a_d2, b2, fc_W, fc_b):
    f32 = jnp.float32
    src = edge_index[0].reshape(NW, NCHUNK, C)
    dst = edge_index[1].reshape(NW, NCHUNK, C)

    eye8 = jnp.eye(HEADS, dtype=f32)
    asm1 = (eye8[:, None, :] * a_s1[:, :, None]).reshape(HEADS * HID, HEADS)
    adm1 = (eye8[:, None, :] * a_d1[:, :, None]).reshape(HEADS * HID, HEADS)
    am1 = jnp.concatenate([asm1, adm1], axis=1)

    srcH = edge_index[0].reshape(NS, 2, NCHUNK, C)
    dstH = edge_index[1].reshape(NS, 2, NCHUNK, C)

    h1, asd1 = _t1(x, W1, am1)
    h1f = jnp.transpose(h1.reshape(N, HEADS, HID), (1, 0, 2)).reshape(HEADS * N, HID)
    z64 = jnp.zeros((NPAD, HID), f32)
    z8 = jnp.zeros((NPAD, HEADS), f32)

    w1e, den1p = _sc1a(src, dst, asd1, z8)
    (num1p,) = _sc1b(srcH, dstH, w1e, h1f, z64, z8)
    num1 = jnp.transpose(num1p, (1, 0, 2)).reshape(NPAD, HEADS * HID)

    am2 = jnp.concatenate(
        [a_s2.T, jnp.zeros((HID, 7), f32), a_d2.T, jnp.zeros((HID, 7), f32)], axis=1)
    dmat = jnp.repeat(eye8, HID, axis=1)

    h2, asd2 = _t2(num1, den1p, b1.reshape(1, HEADS * HID), W2, am2, dmat)

    num2p, den2p = _sc2(src, dst, asd2, h2, z64, z8)

    return _t3(num2p[:, :N], den2p[:, :N], batch.reshape(1, N).astype(jnp.int32),
               b2.reshape(1, HID), fc_W, fc_b.reshape(1, CLASSES))

# --- scband reference (transcript-rebuilt; emitter-appended) ---
"""Pipeline reference for scband-gatgraph-classifier-1391569404378 (READ-ONLY COPY).

The authoritative reference and input builder live on the scoring server;
editing this copy changes nothing except your own understanding.
"""

import jax, jax.numpy as jnp
import numpy as np

N = 10000
E = 320000
D_IN = 128
HID = 64
HEADS = 8
G = 64
CLASSES = 10


def setup_inputs(seed: int = 0) -> dict:
    key = jax.random.key(seed)
    ks = jax.random.split(key, 14)
    x = jax.random.normal(ks[0], (N, D_IN), dtype=jnp.float32)
    edge_index = jax.random.randint(ks[1], (2, E), 0, N, dtype=jnp.int32)
    batch = jnp.sort(jax.random.randint(ks[2], (N,), 0, G, dtype=jnp.int32))
    # Layer 1: GATConv(128 -> 64, heads=8, concat=True)
    W1 = jax.random.normal(ks[3], (D_IN, HEADS * HID), dtype=jnp.float32) * (1.0 / np.sqrt(D_IN))
    a_s1 = jax.random.normal(ks[4], (HEADS, HID), dtype=jnp.float32) * (1.0 / np.sqrt(HID))
    a_d1 = jax.random.normal(ks[5], (HEADS, HID), dtype=jnp.float32) * (1.0 / np.sqrt(HID))
    b1 = jnp.zeros((HEADS * HID,), dtype=jnp.float32)
    # Layer 2: GATConv(512 -> 64, heads=1, concat=False)
    W2 = jax.random.normal(ks[6], (HEADS * HID, 1 * HID), dtype=jnp.float32) * (1.0 / np.sqrt(HEADS * HID))
    a_s2 = jax.random.normal(ks[7], (1, HID), dtype=jnp.float32) * (1.0 / np.sqrt(HID))
    a_d2 = jax.random.normal(ks[8], (1, HID), dtype=jnp.float32) * (1.0 / np.sqrt(HID))
    b2 = jnp.zeros((HID,), dtype=jnp.float32)
    # Final classifier
    fc_W = jax.random.normal(ks[9], (HID, CLASSES), dtype=jnp.float32) * (1.0 / np.sqrt(HID))
    fc_b = jnp.zeros((CLASSES,), dtype=jnp.float32)
    return {"x": x, "edge_index": edge_index, "batch": batch,
            "W1": W1, "a_s1": a_s1, "a_d1": a_d1, "b1": b1,
            "W2": W2, "a_s2": a_s2, "a_d2": a_d2, "b2": b2,
            "fc_W": fc_W, "fc_b": fc_b}


def _gat_conv(x, edge_index, W, a_s, a_d, b, concat):
    src = edge_index[0]
    dst = edge_index[1]
    Nn = x.shape[0]
    heads, C = a_s.shape
    h = (x @ W).reshape(Nn, heads, C)
    alpha_s = jnp.sum(h * a_s[None, :, :], axis=-1)  # [N, heads]
    alpha_d = jnp.sum(h * a_d[None, :, :], axis=-1)  # [N, heads]
    e = jax.nn.leaky_relu(alpha_s[src] + alpha_d[dst], negative_slope=0.2)  # [E, heads]
    e_max = jax.ops.segment_max(e, dst, num_segments=Nn)
    e_exp = jnp.exp(e - e_max[dst])
    denom = jax.ops.segment_sum(e_exp, dst, num_segments=Nn)
    alpha = e_exp / (denom[dst] + 1e-16)
    out = jax.ops.segment_sum(h[src] * alpha[:, :, None], dst, num_segments=Nn)
    if concat:
        out = out.reshape(Nn, heads * C)
    else:
        out = jnp.mean(out, axis=1)
    return out + b


def reference(x, edge_index, batch, W1, a_s1, a_d1, b1, W2, a_s2, a_d2, b2, fc_W, fc_b):
    h = _gat_conv(x, edge_index, W1, a_s1, a_d1, b1, True)
    h = jax.nn.relu(h)
    # dropout p=0.5 is inactive at inference (training=False)
    h = _gat_conv(h, edge_index, W2, a_s2, a_d2, b2, False)
    g = jax.ops.segment_sum(h, batch, num_segments=G)  # global_add_pool
    logits = g @ fc_W + fc_b
    return jax.nn.log_softmax(logits, axis=1)

if __name__ == "__main__":
    import jax
    _d = setup_inputs()
    print(jax.jit(kernel)(*tuple(_d.values())))

</pallas_src>

<mosaic_0001>
#map = affine_map<(d0, d1) -> (0, 0, 0)>
#map1 = affine_map<(d0, d1) -> (0, 0)>
module attributes {stable_mosaic.version = 14 : i64} {
  func.func @_sc2_body(%arg0: i32, %arg1: i32, %arg2: memref<32x25x400xi32, #tpu.memory_space<hbm>>, %arg3: memref<32x25x400xi32, #tpu.memory_space<hbm>>, %arg4: memref<10240x16xf32, #tpu.memory_space<hbm>>, %arg5: memref<10240x64xf32, #tpu.memory_space<hbm>>, %arg6: memref<10240x64xf32, #tpu.memory_space<hbm>>, %arg7: memref<10240x8xf32, #tpu.memory_space<hbm>>, %arg8: memref<2x10240x64xf32, #tpu.memory_space<hbm>>, %arg9: memref<2x10240x8xf32, #tpu.memory_space<hbm>>, %arg10: memref<25x400xi32, #tpu.memory_space<vmem>>, %arg11: memref<25x400xi32, #tpu.memory_space<vmem>>, %arg12: memref<400x16xf32, #tpu.memory_space<vmem>>, %arg13: memref<400x16xf32, #tpu.memory_space<vmem>>, %arg14: memref<400x8xf32, #tpu.memory_space<vmem>>, %arg15: memref<400x64xf32, #tpu.memory_space<vmem>>, %arg16: memref<400x64xf32, #tpu.memory_space<vmem>>, %arg17: memref<10240x64xf32, #tpu.memory_space<vmem_shared>>, %arg18: memref<10240x8xf32, #tpu.memory_space<vmem_shared>>, %arg19: memref<!tpu.dma_semaphore, #tpu.memory_space<semaphore_mem>>, %arg20: memref<!tpu.dma_semaphore, #tpu.memory_space<semaphore_mem>>) attributes {dimension_semantics = [#tpu.dimension_semantics<core_parallel>, #tpu.dimension_semantics<subcore_parallel>], iteration_bounds = array<i64: 2, 16>, scalar_prefetch = 0 : i64, scratch_operands = 11 : i64, tpu.core_type = #tpu.core_type<sc_vector_subcore>, window_params = [{transform_indices = #map}, {transform_indices = #map}, {transform_indices = #map1}, {transform_indices = #map1}, {transform_indices = #map1}, {transform_indices = #map1}, {transform_indices = #map}, {transform_indices = #map}]} {
    %mul3A = arith.constant 16 : i32
    %mul3A_0 = arith.muli %arg0, %mul3A : i32
    %add3A = arith.addi %mul3A_0, %arg1 : i32
    %mul3A_1 = arith.constant 10000 : i32
    %mul3A_2 = arith.muli %add3A, %mul3A_1 : i32
    %mul3A_3 = arith.constant 640 : i32
    %mul3A_4 = arith.muli %arg1, %mul3A_3 : i32
    %iota3A = tpu.iota {dimensions = array<i32: 0>} : vector<16xi32>
    "tpu.region"() ({
      %run_scoped3A = tpu.sem_alloc : memref<!tpu.dma_semaphore, #tpu.memory_space<semaphore_mem>>
      %dma_start3A = arith.constant 0 : i32
      %dma_start3A_11 = arith.constant 0 : i32
      %dma_start3A_12 = tpu.memref_slice %arg2[%add3A, %dma_start3A, %dma_start3A_11] : memref<32x25x400xi32, #tpu.memory_space<hbm>> -> memref<1x25x400xi32, #tpu.memory_space<hbm>>
      %dma_start3A_13 = tpu.memref_squeeze %dma_start3A_12 : memref<1x25x400xi32, #tpu.memory_space<hbm>> -> memref<25x400xi32, #tpu.memory_space<hbm>>
      %dma_start3A_14 = arith.constant 0 : i32
      %dma_start3A_15 = arith.constant 0 : i32
      %dma_start3A_16 = tpu.memref_slice %arg2[%add3A, %dma_start3A_14, %dma_start3A_15] : memref<32x25x400xi32, #tpu.memory_space<hbm>> -> memref<1x25x400xi32, #tpu.memory_space<hbm>>
      %dma_start3A_17 = tpu.memref_squeeze %dma_start3A_16 : memref<1x25x400xi32, #tpu.memory_space<hbm>> -> memref<25x400xi32, #tpu.memory_space<hbm>>
      tpu.enqueue_dma source(%dma_start3A_17 : memref<25x400xi32, #tpu.memory_space<hbm>>) target(%arg10 : memref<25x400xi32, #tpu.memory_space<vmem>>) target_semaphore(%run_scoped3A : memref<!tpu.dma_semaphore, #tpu.memory_space<semaphore_mem>>)
      %dma_wait3A = arith.constant 0 : i32
      %dma_wait3A_18 = arith.constant 0 : i32
      %dma_wait3A_19 = tpu.memref_slice %arg2[%add3A, %dma_wait3A, %dma_wait3A_18] : memref<32x25x400xi32, #tpu.memory_space<hbm>> -> memref<1x25x400xi32, #tpu.memory_space<hbm>>
      %dma_wait3A_20 = tpu.memref_squeeze %dma_wait3A_19 : memref<1x25x400xi32, #tpu.memory_space<hbm>> -> memref<25x400xi32, #tpu.memory_space<hbm>>
      %dma_wait3A_21 = arith.constant 0 : i32
      %dma_wait3A_22 = arith.constant 0 : i32
      %dma_wait3A_23 = tpu.memref_slice %arg2[%add3A, %dma_wait3A_21, %dma_wait3A_22] : memref<32x25x400xi32, #tpu.memory_space<hbm>> -> memref<1x25x400xi32, #tpu.memory_space<hbm>>
      %dma_wait3A_24 = tpu.memref_squeeze %dma_wait3A_23 : memref<1x25x400xi32, #tpu.memory_space<hbm>> -> memref<25x400xi32, #tpu.memory_space<hbm>>
      tpu.wait_dma2 semaphore(%run_scoped3A : memref<!tpu.dma_semaphore, #tpu.memory_space<semaphore_mem>>) src(%dma_wait3A_24 : memref<25x400xi32, #tpu.memory_space<hbm>>) dst(%arg10 : memref<25x400xi32, #tpu.memory_space<vmem>>)
      tpu.yield
    }) : () -> ()
    "tpu.region"() ({
      %run_scoped3A = tpu.sem_alloc : memref<!tpu.dma_semaphore, #tpu.memory_space<semaphore_mem>>
      %dma_start3A = arith.constant 0 : i32
      %dma_start3A_11 = arith.constant 0 : i32
      %dma_start3A_12 = tpu.memref_slice %arg3[%add3A, %dma_start3A, %dma_start3A_11] : memref<32x25x400xi32, #tpu.memory_space<hbm>> -> memref<1x25x400xi32, #tpu.memory_space<hbm>>
      %dma_start3A_13 = tpu.memref_squeeze %dma_start3A_12 : memref<1x25x400xi32, #tpu.memory_space<hbm>> -> memref<25x400xi32, #tpu.memory_space<hbm>>
      %dma_start3A_14 = arith.constant 0 : i32
      %dma_start3A_15 = arith.constant 0 : i32
      %dma_start3A_16 = tpu.memref_slice %arg3[%add3A, %dma_start3A_14, %dma_start3A_15] : memref<32x25x400xi32, #tpu.memory_space<hbm>> -> memref<1x25x400xi32, #tpu.memory_space<hbm>>
      %dma_start3A_17 = tpu.memref_squeeze %dma_start3A_16 : memref<1x25x400xi32, #tpu.memory_space<hbm>> -> memref<25x400xi32, #tpu.memory_space<hbm>>
      tpu.enqueue_dma source(%dma_start3A_17 : memref<25x400xi32, #tpu.memory_space<hbm>>) target(%arg11 : memref<25x400xi32, #tpu.memory_space<vmem>>) target_semaphore(%run_scoped3A : memref<!tpu.dma_semaphore, #tpu.memory_space<semaphore_mem>>)
      %dma_wait3A = arith.constant 0 : i32
      %dma_wait3A_18 = arith.constant 0 : i32
      %dma_wait3A_19 = tpu.memref_slice %arg3[%add3A, %dma_wait3A, %dma_wait3A_18] : memref<32x25x400xi32, #tpu.memory_space<hbm>> -> memref<1x25x400xi32, #tpu.memory_space<hbm>>
      %dma_wait3A_20 = tpu.memref_squeeze %dma_wait3A_19 : memref<1x25x400xi32, #tpu.memory_space<hbm>> -> memref<25x400xi32, #tpu.memory_space<hbm>>
      %dma_wait3A_21 = arith.constant 0 : i32
      %dma_wait3A_22 = arith.constant 0 : i32
      %dma_wait3A_23 = tpu.memref_slice %arg3[%add3A, %dma_wait3A_21, %dma_wait3A_22] : memref<32x25x400xi32, #tpu.memory_space<hbm>> -> memref<1x25x400xi32, #tpu.memory_space<hbm>>
      %dma_wait3A_24 = tpu.memref_squeeze %dma_wait3A_23 : memref<1x25x400xi32, #tpu.memory_space<hbm>> -> memref<25x400xi32, #tpu.memory_space<hbm>>
      tpu.wait_dma2 semaphore(%run_scoped3A : memref<!tpu.dma_semaphore, #tpu.memory_space<semaphore_mem>>) src(%dma_wait3A_24 : memref<25x400xi32, #tpu.memory_space<hbm>>) dst(%arg11 : memref<25x400xi32, #tpu.memory_space<vmem>>)
      tpu.yield
    }) : () -> ()
    "tpu.region"() ({
      %run_scoped3A = tpu.sem_alloc : memref<!tpu.dma_semaphore, #tpu.memory_space<semaphore_mem>>
      %dma_start3A = arith.constant 0 : i32
      %dma_start3A_11 = arith.constant 0 : i32
      %dma_start3A_12 = tpu.memref_slice %arg7[%dma_start3A, %dma_start3A_11] : memref<10240x8xf32, #tpu.memory_space<hbm>> -> memref<400x8xf32, #tpu.memory_space<hbm>>
      %dma_start3A_13 = arith.constant 0 : i32
      %dma_start3A_14 = arith.constant 0 : i32
      %dma_start3A_15 = tpu.memref_slice %arg7[%dma_start3A_13, %dma_start3A_14] : memref<10240x8xf32, #tpu.memory_space<hbm>> -> memref<400x8xf32, #tpu.memory_space<hbm>>
      tpu.enqueue_dma source(%dma_start3A_15 : memref<400x8xf32, #tpu.memory_space<hbm>>) target(%arg14 : memref<400x8xf32, #tpu.memory_space<vmem>>) target_semaphore(%run_scoped3A : memref<!tpu.dma_semaphore, #tpu.memory_space<semaphore_mem>>)
      %dma_wait3A = arith.constant 0 : i32
      %dma_wait3A_16 = arith.constant 0 : i32
      %dma_wait3A_17 = tpu.memref_slice %arg7[%dma_wait3A, %dma_wait3A_16] : memref<10240x8xf32, #tpu.memory_space<hbm>> -> memref<400x8xf32, #tpu.memory_space<hbm>>
      %dma_wait3A_18 = arith.constant 0 : i32
      %dma_wait3A_19 = arith.constant 0 : i32
      %dma_wait3A_20 = tpu.memref_slice %arg7[%dma_wait3A_18, %dma_wait3A_19] : memref<10240x8xf32, #tpu.memory_space<hbm>> -> memref<400x8xf32, #tpu.memory_space<hbm>>
      tpu.wait_dma2 semaphore(%run_scoped3A : memref<!tpu.dma_semaphore, #tpu.memory_space<semaphore_mem>>) src(%dma_wait3A_20 : memref<400x8xf32, #tpu.memory_space<hbm>>) dst(%arg14 : memref<400x8xf32, #tpu.memory_space<vmem>>)
      tpu.yield
    }) : () -> ()
    "tpu.region"() ({
      %run_scoped3A = tpu.sem_alloc : memref<!tpu.dma_semaphore, #tpu.memory_space<semaphore_mem>>
      %dma_start3A = arith.constant 0 : i32
      %dma_start3A_11 = tpu.memref_slice %arg17[%mul3A_4, %dma_start3A] : memref<10240x64xf32, #tpu.memory_space<vmem_shared>> -> memref<640x64xf32, #tpu.memory_space<vmem_shared>>
      %dma_start3A_12 = arith.constant 0 : i32
      %dma_start3A_13 = tpu.memref_slice %arg6[%mul3A_4, %dma_start3A_12] : memref<10240x64xf32, #tpu.memory_space<hbm>> -> memref<640x64xf32, #tpu.memory_space<hbm>>
      tpu.enqueue_dma source(%dma_start3A_13 : memref<640x64xf32, #tpu.memory_space<hbm>>) target(%dma_start3A_11 : memref<640x64xf32, #tpu.memory_space<vmem_shared>>) target_semaphore(%run_scoped3A : memref<!tpu.dma_semaphore, #tpu.memory_space<semaphore_mem>>)
      %dma_wait3A = arith.constant 0 : i32
      %dma_wait3A_14 = tpu.memref_slice %arg17[%mul3A_4, %dma_wait3A] : memref<10240x64xf32, #tpu.memory_space<vmem_shared>> -> memref<640x64xf32, #tpu.memory_space<vmem_shared>>
      %dma_wait3A_15 = arith.constant 0 : i32
      %dma_wait3A_16 = tpu.memref_slice %arg6[%mul3A_4, %dma_wait3A_15] : memref<10240x64xf32, #tpu.memory_space<hbm>> -> memref<640x64xf32, #tpu.memory_space<hbm>>
      tpu.wait_dma2 semaphore(%run_scoped3A : memref<!tpu.dma_semaphore, #tpu.memory_space<semaphore_mem>>) src(%dma_wait3A_16 : memref<640x64xf32, #tpu.memory_space<hbm>>) dst(%dma_wait3A_14 : memref<640x64xf32, #tpu.memory_space<vmem_shared>>)
      tpu.yield
    }) : () -> ()
    "tpu.region"() ({
      %run_scoped3A = tpu.sem_alloc : memref<!tpu.dma_semaphore, #tpu.memory_space<semaphore_mem>>
      %dma_start3A = arith.constant 0 : i32
      %dma_start3A_11 = tpu.memref_slice %arg18[%mul3A_4, %dma_start3A] : memref<10240x8xf32, #tpu.memory_space<vmem_shared>> -> memref<640x8xf32, #tpu.memory_space<vmem_shared>>
      %dma_start3A_12 = arith.constant 0 : i32
      %dma_start3A_13 = tpu.memref_slice %arg7[%mul3A_4, %dma_start3A_12] : memref<10240x8xf32, #tpu.memory_space<hbm>> -> memref<640x8xf32, #tpu.memory_space<hbm>>
      tpu.enqueue_dma source(%dma_start3A_13 : memref<640x8xf32, #tpu.memory_space<hbm>>) target(%dma_start3A_11 : memref<640x8xf32, #tpu.memory_space<vmem_shared>>) target_semaphore(%run_scoped3A : memref<!tpu.dma_semaphore, #tpu.memory_space<semaphore_mem>>)
      %dma_wait3A = arith.constant 0 : i32
      %dma_wait3A_14 = tpu.memref_slice %arg18[%mul3A_4, %dma_wait3A] : memref<10240x8xf32, #tpu.memory_space<vmem_shared>> -> memref<640x8xf32, #tpu.memory_space<vmem_shared>>
      %dma_wait3A_15 = arith.constant 0 : i32
      %dma_wait3A_16 = tpu.memref_slice %arg7[%mul3A_4, %dma_wait3A_15] : memref<10240x8xf32, #tpu.memory_space<hbm>> -> memref<640x8xf32, #tpu.memory_space<hbm>>
      tpu.wait_dma2 semaphore(%run_scoped3A : memref<!tpu.dma_semaphore, #tpu.memory_space<semaphore_mem>>) src(%dma_wait3A_16 : memref<640x8xf32, #tpu.memory_space<hbm>>) dst(%dma_wait3A_14 : memref<640x8xf32, #tpu.memory_space<vmem_shared>>)
      tpu.yield
    }) : () -> ()
    %barrier3A = arith.constant 0 : index
    tpu.barrier barrier_id(%barrier3A)
    %scan3A = arith.constant 0 : i32
    %scan3A_5 = arith.constant 0 : i32
    %scan3A_6 = arith.constant 25 : i32
    %scan3A_7 = arith.addi %scan3A_5, %scan3A_6 : i32
    %scan3A_8 = arith.constant 1 : i32
    scf.for %scan3A_11 = %scan3A_5 to %scan3A_7 step %scan3A_8  : i32 {
      %dma_start3A = arith.constant 0 : i32
      %dma_start3A_12 = tpu.memref_slice %arg10[%scan3A_11, %dma_start3A] : memref<25x400xi32, #tpu.memory_space<vmem>> -> memref<1x400xi32, #tpu.memory_space<vmem>>
      %dma_start3A_13 = tpu.memref_squeeze %dma_start3A_12 : memref<1x400xi32, #tpu.memory_space<vmem>> -> memref<400xi32, #tpu.memory_space<vmem>>
      %dma_start3A_14 = arith.constant 0 : i32
      %dma_start3A_15 = arith.constant 0 : i32
      %dma_start3A_16 = tpu.memref_slice %arg5[%dma_start3A_14, %dma_start3A_15] : memref<10240x64xf32, #tpu.memory_space<hbm>> -> memref<10240x64xf32, #tpu.memory_space<hbm>>
      tpu.enqueue_indirect_dma source(%dma_start3A_16 : memref<10240x64xf32, #tpu.memory_space<hbm>>) target(%arg15 : memref<400x64xf32, #tpu.memory_space<vmem>>) offsets(%dma_start3A_13 : memref<400xi32, #tpu.memory_space<vmem>>) semaphore(%arg19 : memref<!tpu.dma_semaphore, #tpu.memory_space<semaphore_mem>>)
      %dma_start3A_17 = arith.constant 0 : i32
      %dma_start3A_18 = tpu.memref_slice %arg10[%scan3A_11, %dma_start3A_17] : memref<25x400xi32, #tpu.memory_space<vmem>> -> memref<1x400xi32, #tpu.memory_space<vmem>>
      %dma_start3A_19 = tpu.memref_squeeze %dma_start3A_18 : memref<1x400xi32, #tpu.memory_space<vmem>> -> memref<400xi32, #tpu.memory_space<vmem>>
      %dma_start3A_20 = arith.constant 0 : i32
      %dma_start3A_21 = arith.constant 0 : i32
      %dma_start3A_22 = tpu.memref_slice %arg4[%dma_start3A_20, %dma_start3A_21] : memref<10240x16xf32, #tpu.memory_space<hbm>> -> memref<10240x16xf32, #tpu.memory_space<hbm>>
      tpu.enqueue_indirect_dma source(%dma_start3A_22 : memref<10240x16xf32, #tpu.memory_space<hbm>>) target(%arg12 : memref<400x16xf32, #tpu.memory_space<vmem>>) offsets(%dma_start3A_19 : memref<400xi32, #tpu.memory_space<vmem>>) semaphore(%arg20 : memref<!tpu.dma_semaphore, #tpu.memory_space<semaphore_mem>>)
      %dma_start3A_23 = arith.constant 0 : i32
      %dma_start3A_24 = tpu.memref_slice %arg11[%scan3A_11, %dma_start3A_23] : memref<25x400xi32, #tpu.memory_space<vmem>> -> memref<1x400xi32, #tpu.memory_space<vmem>>
      %dma_start3A_25 = tpu.memref_squeeze %dma_start3A_24 : memref<1x400xi32, #tpu.memory_space<vmem>> -> memref<400xi32, #tpu.memory_space<vmem>>
      %dma_start3A_26 = arith.constant 0 : i32
      %dma_start3A_27 = arith.constant 0 : i32
      %dma_start3A_28 = tpu.memref_slice %arg4[%dma_start3A_26, %dma_start3A_27] : memref<10240x16xf32, #tpu.memory_space<hbm>> -> memref<10240x16xf32, #tpu.memory_space<hbm>>
      tpu.enqueue_indirect_dma source(%dma_start3A_28 : memref<10240x16xf32, #tpu.memory_space<hbm>>) target(%arg13 : memref<400x16xf32, #tpu.memory_space<vmem>>) offsets(%dma_start3A_25 : memref<400xi32, #tpu.memory_space<vmem>>) semaphore(%arg20 : memref<!tpu.dma_semaphore, #tpu.memory_space<semaphore_mem>>)
      %dma_wait3A = arith.constant 0 : i32
      %dma_wait3A_29 = tpu.memref_slice %arg10[%scan3A_11, %dma_wait3A] : memref<25x400xi32, #tpu.memory_space<vmem>> -> memref<1x400xi32, #tpu.memory_space<vmem>>
      %dma_wait3A_30 = tpu.memref_squeeze %dma_wait3A_29 : memref<1x400xi32, #tpu.memory_space<vmem>> -> memref<400xi32, #tpu.memory_space<vmem>>
      %dma_wait3A_31 = arith.constant 0 : i32
      %dma_wait3A_32 = arith.constant 0 : i32
      %dma_wait3A_33 = tpu.memref_slice %arg4[%dma_wait3A_31, %dma_wait3A_32] : memref<10240x16xf32, #tpu.memory_space<hbm>> -> memref<10240x16xf32, #tpu.memory_space<hbm>>
      tpu.wait_indirect_dma semaphore(%arg20 : memref<!tpu.dma_semaphore, #tpu.memory_space<semaphore_mem>>) src(%dma_wait3A_33 : memref<10240x16xf32, #tpu.memory_space<hbm>>) dst(%arg12 : memref<400x16xf32, #tpu.memory_space<vmem>>)
      %dma_wait3A_34 = arith.constant 0 : i32
      %dma_wait3A_35 = tpu.memref_slice %arg11[%scan3A_11, %dma_wait3A_34] : memref<25x400xi32, #tpu.memory_space<vmem>> -> memref<1x400xi32, #tpu.memory_space<vmem>>
      %dma_wait3A_36 = tpu.memref_squeeze %dma_wait3A_35 : memref<1x400xi32, #tpu.memory_space<vmem>> -> memref<400xi32, #tpu.memory_space<vmem>>
      %dma_wait3A_37 = arith.constant 0 : i32
      %dma_wait3A_38 = arith.constant 0 : i32
      %dma_wait3A_39 = tpu.memref_slice %arg4[%dma_wait3A_37, %dma_wait3A_38] : memref<10240x16xf32, #tpu.memory_space<hbm>> -> memref<10240x16xf32, #tpu.memory_space<hbm>>
      tpu.wait_indirect_dma semaphore(%arg20 : memref<!tpu.dma_semaphore, #tpu.memory_space<semaphore_mem>>) src(%dma_wait3A_39 : memref<10240x16xf32, #tpu.memory_space<hbm>>) dst(%arg13 : memref<400x16xf32, #tpu.memory_space<vmem>>)
      %scan3A_40 = arith.constant 0 : i32
      %scan3A_41 = arith.constant 0 : i32
      %scan3A_42 = arith.constant 25 : i32
      %scan3A_43 = arith.addi %scan3A_41, %scan3A_42 : i32
      %scan3A_44 = arith.constant 1 : i32
      scf.for %scan3A_58 = %scan3A_41 to %scan3A_43 step %scan3A_44  : i32 {
        %mul3A_59 = arith.constant 16 : i32
        %mul3A_60 = arith.muli %scan3A_58, %mul3A_59 : i32
        %add3A_61 = vector.broadcast %mul3A_60 : i32 to vector<16xi32>
        %add3A_62 = arith.addi %iota3A, %add3A_61 : vector<16xi32>
        %broadcast_in_dim3A = arith.constant 0 : i32
        %broadcast_in_dim3A_63 = vector.broadcast %broadcast_in_dim3A : i32 to vector<16xi32>
        %gather3A = tpu.vector_load_idx %arg12[%add3A_62, %broadcast_in_dim3A_63] : memref<400x16xf32, #tpu.memory_space<vmem>>[vector<16xi32>, vector<16xi32>], vector<16xf32>,
        %add3A_64 = arith.constant 8 : i32
        %add3A_65 = vector.broadcast %add3A_64 : i32 to vector<16xi32>
        %add3A_66 = arith.addi %broadcast_in_dim3A_63, %add3A_65 : vector<16xi32>
        %gather3A_67 = tpu.vector_load_idx %arg13[%add3A_62, %add3A_66] : memref<400x16xf32, #tpu.memory_space<vmem>>[vector<16xi32>, vector<16xi32>], vector<16xf32>,
        %add3A_68 = arith.addf %gather3A, %gather3A_67 : vector<16xf32>
        %gt3A = arith.constant 0.000000e+00 : f32
        %gt3A_69 = vector.broadcast %gt3A : f32 to vector<16xf32>
        %gt3A_70 = arith.cmpf ogt, %add3A_68, %gt3A_69 : vector<16xf32>
        %mul3A_71 = arith.constant 2.000000e-01 : f32
        %mul3A_72 = vector.broadcast %mul3A_71 : f32 to vector<16xf32>
        %mul3A_73 = arith.mulf %mul3A_72, %add3A_68 : vector<16xf32>
        %select_n3A = arith.select %gt3A_70, %add3A_68, %mul3A_73 : vector<16xi1>, vector<16xf32>
        %exp3A = math.exp %select_n3A : vector<16xf32>
        tpu.vector_store_idx %arg14[%add3A_62, %broadcast_in_dim3A_63], %exp3A : memref<400x8xf32, #tpu.memory_space<vmem>>[vector<16xi32>, vector<16xi32>], vector<16xf32>,
      }
      %scan3A_45 = arith.constant 25 : i32
      %dma_wait3A_46 = arith.constant 0 : i32
      %dma_wait3A_47 = tpu.memref_slice %arg10[%scan3A_11, %dma_wait3A_46] : memref<25x400xi32, #tpu.memory_space<vmem>> -> memref<1x400xi32, #tpu.memory_space<vmem>>
      %dma_wait3A_48 = tpu.memref_squeeze %dma_wait3A_47 : memref<1x400xi32, #tpu.memory_space<vmem>> -> memref<400xi32, #tpu.memory_space<vmem>>
      %dma_wait3A_49 = arith.constant 0 : i32
      %dma_wait3A_50 = arith.constant 0 : i32
      %dma_wait3A_51 = tpu.memref_slice %arg5[%dma_wait3A_49, %dma_wait3A_50] : memref<10240x64xf32, #tpu.memory_space<hbm>> -> memref<10240x64xf32, #tpu.memory_space<hbm>>
      tpu.wait_indirect_dma semaphore(%arg19 : memref<!tpu.dma_semaphore, #tpu.memory_space<semaphore_mem>>) src(%dma_wait3A_51 : memref<10240x64xf32, #tpu.memory_space<hbm>>) dst(%arg15 : memref<400x64xf32, #tpu.memory_space<vmem>>)
      %scan3A_52 = arith.constant 0 : i32
      %scan3A_53 = arith.constant 0 : i32
      %scan3A_54 = arith.constant 100 : i32
      %scan3A_55 = arith.addi %scan3A_53, %scan3A_54 : i32
      %scan3A_56 = arith.constant 1 : i32
      scf.for %scan3A_58 = %scan3A_53 to %scan3A_55 step %scan3A_56  : i32 {
        %mul3A_59 = arith.constant 4 : i32
        %mul3A_60 = arith.muli %scan3A_58, %mul3A_59 : i32
        %add3A_61 = arith.constant 0 : i32
        %add3A_62 = arith.addi %mul3A_60, %add3A_61 : i32
        %broadcast_in_dim3A = vector.broadcast %add3A_62 : i32 to vector<16xi32>
        %broadcast_in_dim3A_63 = arith.constant 0 : i32
        %broadcast_in_dim3A_64 = vector.broadcast %broadcast_in_dim3A_63 : i32 to vector<16xi32>
        %gather3A = tpu.vector_load_idx %arg14[%broadcast_in_dim3A, %broadcast_in_dim3A_64] : memref<400x8xf32, #tpu.memory_space<vmem>>[vector<16xi32>, vector<16xi32>], vector<16xf32>,
        %get3A = arith.index_cast %add3A_62 : i32 to index
        %get3A_65 = arith.constant 0 : index
        %get3A_66 = tpu.vector_load %arg15[%get3A, %get3A_65] {strides = array<i32>} : memref<400x64xf32, #tpu.memory_space<vmem>>, vector<16xf32>,
        %mul3A_67 = arith.mulf %get3A_66, %gather3A : vector<16xf32>
        %swap3A = arith.index_cast %add3A_62 : i32 to index
        %swap3A_68 = arith.constant 0 : index
        %swap3A_69 = tpu.vector_load %arg15[%swap3A, %swap3A_68] {strides = array<i32>} : memref<400x64xf32, #tpu.memory_space<vmem>>, vector<16xf32>,
        tpu.vector_store %arg15[%swap3A, %swap3A_68], %mul3A_67 {strides = array<i32>} : memref<400x64xf32, #tpu.memory_space<vmem>>, vector<16xf32>,
        %get3A_70 = arith.index_cast %add3A_62 : i32 to index
        %get3A_71 = arith.constant 16 : index
        %get3A_72 = tpu.vector_load %arg15[%get3A_70, %get3A_71] {strides = array<i32>} : memref<400x64xf32, #tpu.memory_space<vmem>>, vector<16xf32>,
        %mul3A_73 = arith.mulf %get3A_72, %gather3A : vector<16xf32>
        %swap3A_74 = arith.index_cast %add3A_62 : i32 to index
        %swap3A_75 = arith.constant 16 : index
        %swap3A_76 = tpu.vector_load %arg15[%swap3A_74, %swap3A_75] {strides = array<i32>} : memref<400x64xf32, #tpu.memory_space<vmem>>, vector<16xf32>,
        tpu.vector_store %arg15[%swap3A_74, %swap3A_75], %mul3A_73 {strides = array<i32>} : memref<400x64xf32, #tpu.memory_space<vmem>>, vector<16xf32>,
        %get3A_77 = arith.index_cast %add3A_62 : i32 to index
        %get3A_78 = arith.constant 32 : index
        %get3A_79 = tpu.vector_load %arg15[%get3A_77, %get3A_78] {strides = array<i32>} : memref<400x64xf32, #tpu.memory_space<vmem>>, vector<16xf32>,
        %mul3A_80 = arith.mulf %get3A_79, %gather3A : vector<16xf32>
        %swap3A_81 = arith.index_cast %add3A_62 : i32 to index
        %swap3A_82 = arith.constant 32 : index
        %swap3A_83 = tpu.vector_load %arg15[%swap3A_81, %swap3A_82] {strides = array<i32>} : memref<400x64xf32, #tpu.memory_space<vmem>>, vector<16xf32>,
        tpu.vector_store %arg15[%swap3A_81, %swap3A_82], %mul3A_80 {strides = array<i32>} : memref<400x64xf32, #tpu.memory_space<vmem>>, vector<16xf32>,
        %get3A_84 = arith.index_cast %add3A_62 : i32 to index
        %get3A_85 = arith.constant 48 : index
        %get3A_86 = tpu.vector_load %arg15[%get3A_84, %get3A_85] {strides = array<i32>} : memref<400x64xf32, #tpu.memory_space<vmem>>, vector<16xf32>,
        %mul3A_87 = arith.mulf %get3A_86, %gather3A : vector<16xf32>
        %swap3A_88 = arith.index_cast %add3A_62 : i32 to index
        %swap3A_89 = arith.constant 48 : index
        %swap3A_90 = tpu.vector_load %arg15[%swap3A_88, %swap3A_89] {strides = array<i32>} : memref<400x64xf32, #tpu.memory_space<vmem>>, vector<16xf32>,
        tpu.vector_store %arg15[%swap3A_88, %swap3A_89], %mul3A_87 {strides = array<i32>} : memref<400x64xf32, #tpu.memory_space<vmem>>, vector<16xf32>,
        %mul3A_91 = arith.constant 4 : i32
        %mul3A_92 = arith.muli %scan3A_58, %mul3A_91 : i32
        %add3A_93 = arith.constant 1 : i32
        %add3A_94 = arith.addi %mul3A_92, %add3A_93 : i32
        %broadcast_in_dim3A_95 = vector.broadcast %add3A_94 : i32 to vector<16xi32>
        %broadcast_in_dim3A_96 = arith.constant 0 : i32
        %broadcast_in_dim3A_97 = vector.broadcast %broadcast_in_dim3A_96 : i32 to vector<16xi32>
        %gather3A_98 = tpu.vector_load_idx %arg14[%broadcast_in_dim3A_95, %broadcast_in_dim3A_97] : memref<400x8xf32, #tpu.memory_space<vmem>>[vector<16xi32>, vector<16xi32>], vector<16xf32>,
        %get3A_99 = arith.index_cast %add3A_94 : i32 to index
        %get3A_100 = arith.constant 0 : index
        %get3A_101 = tpu.vector_load %arg15[%get3A_99, %get3A_100] {strides = array<i32>} : memref<400x64xf32, #tpu.memory_space<vmem>>, vector<16xf32>,
        %mul3A_102 = arith.mulf %get3A_101, %gather3A_98 : vector<16xf32>
        %swap3A_103 = arith.index_cast %add3A_94 : i32 to index
        %swap3A_104 = arith.constant 0 : index
        %swap3A_105 = tpu.vector_load %arg15[%swap3A_103, %swap3A_104] {strides = array<i32>} : memref<400x64xf32, #tpu.memory_space<vmem>>, vector<16xf32>,
        tpu.vector_store %arg15[%swap3A_103, %swap3A_104], %mul3A_102 {strides = array<i32>} : memref<400x64xf32, #tpu.memory_space<vmem>>, vector<16xf32>,
        %get3A_106 = arith.index_cast %add3A_94 : i32 to index
        %get3A_107 = arith.constant 16 : index
        %get3A_108 = tpu.vector_load %arg15[%get3A_106, %get3A_107] {strides = array<i32>} : memref<400x64xf32, #tpu.memory_space<vmem>>, vector<16xf32>,
        %mul3A_109 = arith.mulf %get3A_108, %gather3A_98 : vector<16xf32>
        %swap3A_110 = arith.index_cast %add3A_94 : i32 to index
        %swap3A_111 = arith.constant 16 : index
        %swap3A_112 = tpu.vector_load %arg15[%swap3A_110, %swap3A_111] {strides = array<i32>} : memref<400x64xf32, #tpu.memory_space<vmem>>, vector<16xf32>,
        tpu.vector_store %arg15[%swap3A_110, %swap3A_111], %mul3A_109 {strides = array<i32>} : memref<400x64xf32, #tpu.memory_space<vmem>>, vector<16xf32>,
        %get3A_113 = arith.index_cast %add3A_94 : i32 to index
        %get3A_114 = arith.constant 32 : index
        %get3A_115 = tpu.vector_load %arg15[%get3A_113, %get3A_114] {strides = array<i32>} : memref<400x64xf32, #tpu.memory_space<vmem>>, vector<16xf32>,
        %mul3A_116 = arith.mulf %get3A_115, %gather3A_98 : vector<16xf32>
        %swap3A_117 = arith.index_cast %add3A_94 : i32 to index
        %swap3A_118 = arith.constant 32 : index
        %swap3A_119 = tpu.vector_load %arg15[%swap3A_117, %swap3A_118] {strides = array<i32>} : memref<400x64xf32, #tpu.memory_space<vmem>>, vector<16xf32>,
        tpu.vector_store %arg15[%swap3A_117, %swap3A_118], %mul3A_116 {strides = array<i32>} : memref<400x64xf32, #tpu.memory_space<vmem>>, vector<16xf32>,
        %get3A_120 = arith.index_cast %add3A_94 : i32 to index
        %get3A_121 = arith.constant 48 : index
        %get3A_122 = tpu.vector_load %arg15[%get3A_120, %get3A_121] {strides = array<i32>} : memref<400x64xf32, #tpu.memory_space<vmem>>, vector<16xf32>,
        %mul3A_123 = arith.mulf %get3A_122, %gather3A_98 : vector<16xf32>
        %swap3A_124 = arith.index_cast %add3A_94 : i32 to index
        %swap3A_125 = arith.constant 48 : index
        %swap3A_126 = tpu.vector_load %arg15[%swap3A_124, %swap3A_125] {strides = array<i32>} : memref<400x64xf32, #tpu.memory_space<vmem>>, vector<16xf32>,
        tpu.vector_store %arg15[%swap3A_124, %swap3A_125], %mul3A_123 {strides = array<i32>} : memref<400x64xf32, #tpu.memory_space<vmem>>, vector<16xf32>,
        %mul3A_127 = arith.constant 4 : i32
        %mul3A_128 = arith.muli %scan3A_58, %mul3A_127 : i32
        %add3A_129 = arith.constant 2 : i32
        %add3A_130 = arith.addi %mul3A_128, %add3A_129 : i32
        %broadcast_in_dim3A_131 = vector.broadcast %add3A_130 : i32 to vector<16xi32>
        %broadcast_in_dim3A_132 = arith.constant 0 : i32
        %broadcast_in_dim3A_133 = vector.broadcast %broadcast_in_dim3A_132 : i32 to vector<16xi32>
        %gather3A_134 = tpu.vector_load_idx %arg14[%broadcast_in_dim3A_131, %broadcast_in_dim3A_133] : memref<400x8xf32, #tpu.memory_space<vmem>>[vector<16xi32>, vector<16xi32>], vector<16xf32>,
        %get3A_135 = arith.index_cast %add3A_130 : i32 to index
        %get3A_136 = arith.constant 0 : index
        %get3A_137 = tpu.vector_load %arg15[%get3A_135, %get3A_136] {strides = array<i32>} : memref<400x64xf32, #tpu.memory_space<vmem>>, vector<16xf32>,
        %mul3A_138 = arith.mulf %get3A_137, %gather3A_134 : vector<16xf32>
        %swap3A_139 = arith.index_cast %add3A_130 : i32 to index
        %swap3A_140 = arith.constant 0 : index
        %swap3A_141 = tpu.vector_load %arg15[%swap3A_139, %swap3A_140] {strides = array<i32>} : memref<400x64xf32, #tpu.memory_space<vmem>>, vector<16xf32>,
        tpu.vector_store %arg15[%swap3A_139, %swap3A_140], %mul3A_138 {strides = array<i32>} : memref<400x64xf32, #tpu.memory_space<vmem>>, vector<16xf32>,
        %get3A_142 = arith.index_cast %add3A_130 : i32 to index
        %get3A_143 = arith.constant 16 : index
        %get3A_144 = tpu.vector_load %arg15[%get3A_142, %get3A_143] {strides = array<i32>} : memref<400x64xf32, #tpu.memory_space<vmem>>, vector<16xf32>,
        %mul3A_145 = arith.mulf %get3A_144, %gather3A_134 : vector<16xf32>
        %swap3A_146 = arith.index_cast %add3A_130 : i32 to index
        %swap3A_147 = arith.constant 16 : index
        %swap3A_148 = tpu.vector_load %arg15[%swap3A_146, %swap3A_147] {strides = array<i32>} : memref<400x64xf32, #tpu.memory_space<vmem>>, vector<16xf32>,
        tpu.vector_store %arg15[%swap3A_146, %swap3A_147], %mul3A_145 {strides = array<i32>} : memref<400x64xf32, #tpu.memory_space<vmem>>, vector<16xf32>,
        %get3A_149 = arith.index_cast %add3A_130 : i32 to index
        %get3A_150 = arith.constant 32 : index
        %get3A_151 = tpu.vector_load %arg15[%get3A_149, %get3A_150] {strides = array<i32>} : memref<400x64xf32, #tpu.memory_space<vmem>>, vector<16xf32>,
        %mul3A_152 = arith.mulf %get3A_151, %gather3A_134 : vector<16xf32>
        %swap3A_153 = arith.index_cast %add3A_130 : i32 to index
        %swap3A_154 = arith.constant 32 : index
        %swap3A_155 = tpu.vector_load %arg15[%swap3A_153, %swap3A_154] {strides = array<i32>} : memref<400x64xf32, #tpu.memory_space<vmem>>, vector<16xf32>,
        tpu.vector_store %arg15[%swap3A_153, %swap3A_154], %mul3A_152 {strides = array<i32>} : memref<400x64xf32, #tpu.memory_space<vmem>>, vector<16xf32>,
        %get3A_156 = arith.index_cast %add3A_130 : i32 to index
        %get3A_157 = arith.constant 48 : index
        %get3A_158 = tpu.vector_load %arg15[%get3A_156, %get3A_157] {strides = array<i32>} : memref<400x64xf32, #tpu.memory_space<vmem>>, vector<16xf32>,
        %mul3A_159 = arith.mulf %get3A_158, %gather3A_134 : vector<16xf32>
        %swap3A_160 = arith.index_cast %add3A_130 : i32 to index
        %swap3A_161 = arith.constant 48 : index
        %swap3A_162 = tpu.vector_load %arg15[%swap3A_160, %swap3A_161] {strides = array<i32>} : memref<400x64xf32, #tpu.memory_space<vmem>>, vector<16xf32>,
        tpu.vector_store %arg15[%swap3A_160, %swap3A_161], %mul3A_159 {strides = array<i32>} : memref<400x64xf32, #tpu.memory_space<vmem>>, vector<16xf32>,
        %mul3A_163 = arith.constant 4 : i32
        %mul3A_164 = arith.muli %scan3A_58, %mul3A_163 : i32
        %add3A_165 = arith.constant 3 : i32
        %add3A_166 = arith.addi %mul3A_164, %add3A_165 : i32
        %broadcast_in_dim3A_167 = vector.broadcast %add3A_166 : i32 to vector<16xi32>
        %broadcast_in_dim3A_168 = arith.constant 0 : i32
        %broadcast_in_dim3A_169 = vector.broadcast %broadcast_in_dim3A_168 : i32 to vector<16xi32>
        %gather3A_170 = tpu.vector_load_idx %arg14[%broadcast_in_dim3A_167, %broadcast_in_dim3A_169] : memref<400x8xf32, #tpu.memory_space<vmem>>[vector<16xi32>, vector<16xi32>], vector<16xf32>,
        %get3A_171 = arith.index_cast %add3A_166 : i32 to index
        %get3A_172 = arith.constant 0 : index
        %get3A_173 = tpu.vector_load %arg15[%get3A_171, %get3A_172] {strides = array<i32>} : memref<400x64xf32, #tpu.memory_space<vmem>>, vector<16xf32>,
        %mul3A_174 = arith.mulf %get3A_173, %gather3A_170 : vector<16xf32>
        %swap3A_175 = arith.index_cast %add3A_166 : i32 to index
        %swap3A_176 = arith.constant 0 : index
        %swap3A_177 = tpu.vector_load %arg15[%swap3A_175, %swap3A_176] {strides = array<i32>} : memref<400x64xf32, #tpu.memory_space<vmem>>, vector<16xf32>,
        tpu.vector_store %arg15[%swap3A_175, %swap3A_176], %mul3A_174 {strides = array<i32>} : memref<400x64xf32, #tpu.memory_space<vmem>>, vector<16xf32>,
        %get3A_178 = arith.index_cast %add3A_166 : i32 to index
        %get3A_179 = arith.constant 16 : index
        %get3A_180 = tpu.vector_load %arg15[%get3A_178, %get3A_179] {strides = array<i32>} : memref<400x64xf32, #tpu.memory_space<vmem>>, vector<16xf32>,
        %mul3A_181 = arith.mulf %get3A_180, %gather3A_170 : vector<16xf32>
        %swap3A_182 = arith.index_cast %add3A_166 : i32 to index
        %swap3A_183 = arith.constant 16 : index
        %swap3A_184 = tpu.vector_load %arg15[%swap3A_182, %swap3A_183] {strides = array<i32>} : memref<400x64xf32, #tpu.memory_space<vmem>>, vector<16xf32>,
        tpu.vector_store %arg15[%swap3A_182, %swap3A_183], %mul3A_181 {strides = array<i32>} : memref<400x64xf32, #tpu.memory_space<vmem>>, vector<16xf32>,
        %get3A_185 = arith.index_cast %add3A_166 : i32 to index
        %get3A_186 = arith.constant 32 : index
        %get3A_187 = tpu.vector_load %arg15[%get3A_185, %get3A_186] {strides = array<i32>} : memref<400x64xf32, #tpu.memory_space<vmem>>, vector<16xf32>,
        %mul3A_188 = arith.mulf %get3A_187, %gather3A_170 : vector<16xf32>
        %swap3A_189 = arith.index_cast %add3A_166 : i32 to index
        %swap3A_190 = arith.constant 32 : index
        %swap3A_191 = tpu.vector_load %arg15[%swap3A_189, %swap3A_190] {strides = array<i32>} : memref<400x64xf32, #tpu.memory_space<vmem>>, vector<16xf32>,
        tpu.vector_store %arg15[%swap3A_189, %swap3A_190], %mul3A_188 {strides = array<i32>} : memref<400x64xf32, #tpu.memory_space<vmem>>, vector<16xf32>,
        %get3A_192 = arith.index_cast %add3A_166 : i32 to index
        %get3A_193 = arith.constant 48 : index
        %get3A_194 = tpu.vector_load %arg15[%get3A_192, %get3A_193] {strides = array<i32>} : memref<400x64xf32, #tpu.memory_space<vmem>>, vector<16xf32>,
        %mul3A_195 = arith.mulf %get3A_194, %gather3A_170 : vector<16xf32>
        %swap3A_196 = arith.index_cast %add3A_166 : i32 to index
        %swap3A_197 = arith.constant 48 : index
        %swap3A_198 = tpu.vector_load %arg15[%swap3A_196, %swap3A_197] {strides = array<i32>} : memref<400x64xf32, #tpu.memory_space<vmem>>, vector<16xf32>,
        tpu.vector_store %arg15[%swap3A_196, %swap3A_197], %mul3A_195 {strides = array<i32>} : memref<400x64xf32, #tpu.memory_space<vmem>>, vector<16xf32>,
      }
      %scan3A_57 = arith.constant 100 : i32
      "tpu.region"() ({
        %run_scoped3A = tpu.sem_alloc : memref<!tpu.dma_semaphore, #tpu.memory_space<semaphore_mem>>
        %dma_start3A_58 = arith.constant 0 : i32
        %dma_start3A_59 = tpu.memref_slice %arg11[%scan3A_11, %dma_start3A_58] : memref<25x400xi32, #tpu.memory_space<vmem>> -> memref<1x400xi32, #tpu.memory_space<vmem>>
        %dma_start3A_60 = tpu.memref_squeeze %dma_start3A_59 : memref<1x400xi32, #tpu.memory_space<vmem>> -> memref<400xi32, #tpu.memory_space<vmem>>
        %dma_start3A_61 = arith.constant 0 : i32
        %dma_start3A_62 = arith.constant 0 : i32
        %dma_start3A_63 = tpu.memref_slice %arg17[%dma_start3A_61, %dma_start3A_62] : memref<10240x64xf32, #tpu.memory_space<vmem_shared>> -> memref<10240x64xf32, #tpu.memory_space<vmem_shared>>
        tpu.enqueue_indirect_dma source(%arg15 : memref<400x64xf32, #tpu.memory_space<vmem>>) target(%dma_start3A_63 : memref<10240x64xf32, #tpu.memory_space<vmem_shared>>) offsets(%dma_start3A_60 : memref<400xi32, #tpu.memory_space<vmem>>) semaphore(%run_scoped3A : memref<!tpu.dma_semaphore, #tpu.memory_space<semaphore_mem>>) {add = true}
        %dma_wait3A_64 = arith.constant 0 : i32
        %dma_wait3A_65 = tpu.memref_slice %arg11[%scan3A_11, %dma_wait3A_64] : memref<25x400xi32, #tpu.memory_space<vmem>> -> memref<1x400xi32, #tpu.memory_space<vmem>>
        %dma_wait3A_66 = tpu.memref_squeeze %dma_wait3A_65 : memref<1x400xi32, #tpu.memory_space<vmem>> -> memref<400xi32, #tpu.memory_space<vmem>>
        %dma_wait3A_67 = arith.constant 0 : i32
        %dma_wait3A_68 = arith.constant 0 : i32
        %dma_wait3A_69 = tpu.memref_slice %arg17[%dma_wait3A_67, %dma_wait3A_68] : memref<10240x64xf32, #tpu.memory_space<vmem_shared>> -> memref<10240x64xf32, #tpu.memory_space<vmem_shared>>
        tpu.wait_indirect_dma semaphore(%run_scoped3A : memref<!tpu.dma_semaphore, #tpu.memory_space<semaphore_mem>>) src(%arg15 : memref<400x64xf32, #tpu.memory_space<vmem>>) dst(%dma_wait3A_69 : memref<10240x64xf32, #tpu.memory_space<vmem_shared>>)
        tpu.yield
      }) : () -> ()
      "tpu.region"() ({
        %run_scoped3A = tpu.sem_alloc : memref<!tpu.dma_semaphore, #tpu.memory_space<semaphore_mem>>
        %dma_start3A_58 = arith.constant 0 : i32
        %dma_start3A_59 = tpu.memref_slice %arg11[%scan3A_11, %dma_start3A_58] : memref<25x400xi32, #tpu.memory_space<vmem>> -> memref<1x400xi32, #tpu.memory_space<vmem>>
        %dma_start3A_60 = tpu.memref_squeeze %dma_start3A_59 : memref<1x400xi32, #tpu.memory_space<vmem>> -> memref<400xi32, #tpu.memory_space<vmem>>
        %dma_start3A_61 = arith.constant 0 : i32
        %dma_start3A_62 = arith.constant 0 : i32
        %dma_start3A_63 = tpu.memref_slice %arg18[%dma_start3A_61, %dma_start3A_62] : memref<10240x8xf32, #tpu.memory_space<vmem_shared>> -> memref<10240x8xf32, #tpu.memory_space<vmem_shared>>
        tpu.enqueue_indirect_dma source(%arg14 : memref<400x8xf32, #tpu.memory_space<vmem>>) target(%dma_start3A_63 : memref<10240x8xf32, #tpu.memory_space<vmem_shared>>) offsets(%dma_start3A_60 : memref<400xi32, #tpu.memory_space<vmem>>) semaphore(%run_scoped3A : memref<!tpu.dma_semaphore, #tpu.memory_space<semaphore_mem>>) {add = true}
        %dma_wait3A_64 = arith.constant 0 : i32
        %dma_wait3A_65 = tpu.memref_slice %arg11[%scan3A_11, %dma_wait3A_64] : memref<25x400xi32, #tpu.memory_space<vmem>> -> memref<1x400xi32, #tpu.memory_space<vmem>>
        %dma_wait3A_66 = tpu.memref_squeeze %dma_wait3A_65 : memref<1x400xi32, #tpu.memory_space<vmem>> -> memref<400xi32, #tpu.memory_space<vmem>>
        %dma_wait3A_67 = arith.constant 0 : i32
        %dma_wait3A_68 = arith.constant 0 : i32
        %dma_wait3A_69 = tpu.memref_slice %arg18[%dma_wait3A_67, %dma_wait3A_68] : memref<10240x8xf32, #tpu.memory_space<vmem_shared>> -> memref<10240x8xf32, #tpu.memory_space<vmem_shared>>
        tpu.wait_indirect_dma semaphore(%run_scoped3A : memref<!tpu.dma_semaphore, #tpu.memory_space<semaphore_mem>>) src(%arg14 : memref<400x8xf32, #tpu.memory_space<vmem>>) dst(%dma_wait3A_69 : memref<10240x8xf32, #tpu.memory_space<vmem_shared>>)
        tpu.yield
      }) : () -> ()
    }
    %scan3A_9 = arith.constant 25 : i32
    %barrier3A_10 = arith.constant 0 : index
    tpu.barrier barrier_id(%barrier3A_10)
    "tpu.region"() ({
      %run_scoped3A = tpu.sem_alloc : memref<!tpu.dma_semaphore, #tpu.memory_space<semaphore_mem>>
      %dma_start3A = arith.constant 0 : i32
      %dma_start3A_11 = tpu.memref_slice %arg8[%arg0, %mul3A_4, %dma_start3A] : memref<2x10240x64xf32, #tpu.memory_space<hbm>> -> memref<1x640x64xf32, #tpu.memory_space<hbm>>
      %dma_start3A_12 = tpu.memref_squeeze %dma_start3A_11 : memref<1x640x64xf32, #tpu.memory_space<hbm>> -> memref<640x64xf32, #tpu.memory_space<hbm>>
      %dma_start3A_13 = arith.constant 0 : i32
      %dma_start3A_14 = tpu.memref_slice %arg17[%mul3A_4, %dma_start3A_13] : memref<10240x64xf32, #tpu.memory_space<vmem_shared>> -> memref<640x64xf32, #tpu.memory_space<vmem_shared>>
      tpu.enqueue_dma source(%dma_start3A_14 : memref<640x64xf32, #tpu.memory_space<vmem_shared>>) target(%dma_start3A_12 : memref<640x64xf32, #tpu.memory_space<hbm>>) target_semaphore(%run_scoped3A : memref<!tpu.dma_semaphore, #tpu.memory_space<semaphore_mem>>)
      %dma_wait3A = arith.constant 0 : i32
      %dma_wait3A_15 = tpu.memref_slice %arg8[%arg0, %mul3A_4, %dma_wait3A] : memref<2x10240x64xf32, #tpu.memory_space<hbm>> -> memref<1x640x64xf32, #tpu.memory_space<hbm>>
      %dma_wait3A_16 = tpu.memref_squeeze %dma_wait3A_15 : memref<1x640x64xf32, #tpu.memory_space<hbm>> -> memref<640x64xf32, #tpu.memory_space<hbm>>
      %dma_wait3A_17 = arith.constant 0 : i32
      %dma_wait3A_18 = tpu.memref_slice %arg17[%mul3A_4, %dma_wait3A_17] : memref<10240x64xf32, #tpu.memory_space<vmem_shared>> -> memref<640x64xf32, #tpu.memory_space<vmem_shared>>
      tpu.wait_dma2 semaphore(%run_scoped3A : memref<!tpu.dma_semaphore, #tpu.memory_space<semaphore_mem>>) src(%dma_wait3A_18 : memref<640x64xf32, #tpu.memory_space<vmem_shared>>) dst(%dma_wait3A_16 : memref<640x64xf32, #tpu.memory_space<hbm>>)
      tpu.yield
    }) : () -> ()
    "tpu.region"() ({
      %run_scoped3A = tpu.sem_alloc : memref<!tpu.dma_semaphore, #tpu.memory_space<semaphore_mem>>
      %dma_start3A = arith.constant 0 : i32
      %dma_start3A_11 = tpu.memref_slice %arg9[%arg0, %mul3A_4, %dma_start3A] : memref<2x10240x8xf32, #tpu.memory_space<hbm>> -> memref<1x640x8xf32, #tpu.memory_space<hbm>>
      %dma_start3A_12 = tpu.memref_squeeze %dma_start3A_11 : memref<1x640x8xf32, #tpu.memory_space<hbm>> -> memref<640x8xf32, #tpu.memory_space<hbm>>
      %dma_start3A_13 = arith.constant 0 : i32
      %dma_start3A_14 = tpu.memref_slice %arg18[%mul3A_4, %dma_start3A_13] : memref<10240x8xf32, #tpu.memory_space<vmem_shared>> -> memref<640x8xf32, #tpu.memory_space<vmem_shared>>
      tpu.enqueue_dma source(%dma_start3A_14 : memref<640x8xf32, #tpu.memory_space<vmem_shared>>) target(%dma_start3A_12 : memref<640x8xf32, #tpu.memory_space<hbm>>) target_semaphore(%run_scoped3A : memref<!tpu.dma_semaphore, #tpu.memory_space<semaphore_mem>>)
      %dma_wait3A = arith.constant 0 : i32
      %dma_wait3A_15 = tpu.memref_slice %arg9[%arg0, %mul3A_4, %dma_wait3A] : memref<2x10240x8xf32, #tpu.memory_space<hbm>> -> memref<1x640x8xf32, #tpu.memory_space<hbm>>
      %dma_wait3A_16 = tpu.memref_squeeze %dma_wait3A_15 : memref<1x640x8xf32, #tpu.memory_space<hbm>> -> memref<640x8xf32, #tpu.memory_space<hbm>>
      %dma_wait3A_17 = arith.constant 0 : i32
      %dma_wait3A_18 = tpu.memref_slice %arg18[%mul3A_4, %dma_wait3A_17] : memref<10240x8xf32, #tpu.memory_space<vmem_shared>> -> memref<640x8xf32, #tpu.memory_space<vmem_shared>>
      tpu.wait_dma2 semaphore(%run_scoped3A : memref<!tpu.dma_semaphore, #tpu.memory_space<semaphore_mem>>) src(%dma_wait3A_18 : memref<640x8xf32, #tpu.memory_space<vmem_shared>>) dst(%dma_wait3A_16 : memref<640x8xf32, #tpu.memory_space<hbm>>)
      tpu.yield
    }) : () -> ()
    return
  }
}

#map = affine_map<(d0, d1) -> (0, 0, 0)>
#map1 = affine_map<(d0, d1) -> (0, 0)>
module attributes {stable_mosaic.version = 14 : i64} {
  func.func @_sc1a_body(%arg0: i32, %arg1: i32, %arg2: memref<32x25x400xi32, #tpu.memory_space<hbm>>, %arg3: memref<32x25x400xi32, #tpu.memory_space<hbm>>, %arg4: memref<10000x16xf32, #tpu.memory_space<hbm>>, %arg5: memref<10240x8xf32, #tpu.memory_space<hbm>>, %arg6: memref<320000x8xf32, #tpu.memory_space<hbm>>, %arg7: memref<2x10240x8xf32, #tpu.memory_space<hbm>>, %arg8: memref<25x400xi32, #tpu.memory_space<vmem>>, %arg9: memref<25x400xi32, #tpu.memory_space<vmem>>, %arg10: memref<400x16xf32, #tpu.memory_space<vmem>>, %arg11: memref<400x16xf32, #tpu.memory_space<vmem>>, %arg12: memref<400x8xf32, #tpu.memory_space<vmem>>, %arg13: memref<10240x8xf32, #tpu.memory_space<vmem_shared>>, %arg14: memref<!tpu.dma_semaphore, #tpu.memory_space<semaphore_mem>>) attributes {dimension_semantics = [#tpu.dimension_semantics<core_parallel>, #tpu.dimension_semantics<subcore_parallel>], iteration_bounds = array<i64: 2, 16>, scalar_prefetch = 0 : i64, scratch_operands = 7 : i64, tpu.core_type = #tpu.core_type<sc_vector_subcore>, window_params = [{transform_indices = #map}, {transform_indices = #map}, {transform_indices = #map1}, {transform_indices = #map1}, {transform_indices = #map1}, {transform_indices = #map}]} {
    %mul3A = arith.constant 16 : i32
    %mul3A_0 = arith.muli %arg0, %mul3A : i32
    %add3A = arith.addi %mul3A_0, %arg1 : i32
    %mul3A_1 = arith.constant 10000 : i32
    %mul3A_2 = arith.muli %add3A, %mul3A_1 : i32
    %mul3A_3 = arith.constant 640 : i32
    %mul3A_4 = arith.muli %arg1, %mul3A_3 : i32
    %iota3A = tpu.iota {dimensions = array<i32: 0>} : vector<16xi32>
    "tpu.region"() ({
      %run_scoped3A = tpu.sem_alloc : memref<!tpu.dma_semaphore, #tpu.memory_space<semaphore_mem>>
      %dma_start3A = arith.constant 0 : i32
      %dma_start3A_11 = arith.constant 0 : i32
      %dma_start3A_12 = tpu.memref_slice %arg2[%add3A, %dma_start3A, %dma_start3A_11] : memref<32x25x400xi32, #tpu.memory_space<hbm>> -> memref<1x25x400xi32, #tpu.memory_space<hbm>>
      %dma_start3A_13 = tpu.memref_squeeze %dma_start3A_12 : memref<1x25x400xi32, #tpu.memory_space<hbm>> -> memref<25x400xi32, #tpu.memory_space<hbm>>
      %dma_start3A_14 = arith.constant 0 : i32
      %dma_start3A_15 = arith.constant 0 : i32
      %dma_start3A_16 = tpu.memref_slice %arg2[%add3A, %dma_start3A_14, %dma_start3A_15] : memref<32x25x400xi32, #tpu.memory_space<hbm>> -> memref<1x25x400xi32, #tpu.memory_space<hbm>>
      %dma_start3A_17 = tpu.memref_squeeze %dma_start3A_16 : memref<1x25x400xi32, #tpu.memory_space<hbm>> -> memref<25x400xi32, #tpu.memory_space<hbm>>
      tpu.enqueue_dma source(%dma_start3A_17 : memref<25x400xi32, #tpu.memory_space<hbm>>) target(%arg8 : memref<25x400xi32, #tpu.memory_space<vmem>>) target_semaphore(%run_scoped3A : memref<!tpu.dma_semaphore, #tpu.memory_space<semaphore_mem>>)
      %dma_wait3A = arith.constant 0 : i32
      %dma_wait3A_18 = arith.constant 0 : i32
      %dma_wait3A_19 = tpu.memref_slice %arg2[%add3A, %dma_wait3A, %dma_wait3A_18] : memref<32x25x400xi32, #tpu.memory_space<hbm>> -> memref<1x25x400xi32, #tpu.memory_space<hbm>>
      %dma_wait3A_20 = tpu.memref_squeeze %dma_wait3A_19 : memref<1x25x400xi32, #tpu.memory_space<hbm>> -> memref<25x400xi32, #tpu.memory_space<hbm>>
      %dma_wait3A_21 = arith.constant 0 : i32
      %dma_wait3A_22 = arith.constant 0 : i32
      %dma_wait3A_23 = tpu.memref_slice %arg2[%add3A, %dma_wait3A_21, %dma_wait3A_22] : memref<32x25x400xi32, #tpu.memory_space<hbm>> -> memref<1x25x400xi32, #tpu.memory_space<hbm>>
      %dma_wait3A_24 = tpu.memref_squeeze %dma_wait3A_23 : memref<1x25x400xi32, #tpu.memory_space<hbm>> -> memref<25x400xi32, #tpu.memory_space<hbm>>
      tpu.wait_dma2 semaphore(%run_scoped3A : memref<!tpu.dma_semaphore, #tpu.memory_space<semaphore_mem>>) src(%dma_wait3A_24 : memref<25x400xi32, #tpu.memory_space<hbm>>) dst(%arg8 : memref<25x400xi32, #tpu.memory_space<vmem>>)
      tpu.yield
    }) : () -> ()
    "tpu.region"() ({
      %run_scoped3A = tpu.sem_alloc : memref<!tpu.dma_semaphore, #tpu.memory_space<semaphore_mem>>
      %dma_start3A = arith.constant 0 : i32
      %dma_start3A_11 = arith.constant 0 : i32
      %dma_start3A_12 = tpu.memref_slice %arg3[%add3A, %dma_start3A, %dma_start3A_11] : memref<32x25x400xi32, #tpu.memory_space<hbm>> -> memref<1x25x400xi32, #tpu.memory_space<hbm>>
      %dma_start3A_13 = tpu.memref_squeeze %dma_start3A_12 : memref<1x25x400xi32, #tpu.memory_space<hbm>> -> memref<25x400xi32, #tpu.memory_space<hbm>>
      %dma_start3A_14 = arith.constant 0 : i32
      %dma_start3A_15 = arith.constant 0 : i32
      %dma_start3A_16 = tpu.memref_slice %arg3[%add3A, %dma_start3A_14, %dma_start3A_15] : memref<32x25x400xi32, #tpu.memory_space<hbm>> -> memref<1x25x400xi32, #tpu.memory_space<hbm>>
      %dma_start3A_17 = tpu.memref_squeeze %dma_start3A_16 : memref<1x25x400xi32, #tpu.memory_space<hbm>> -> memref<25x400xi32, #tpu.memory_space<hbm>>
      tpu.enqueue_dma source(%dma_start3A_17 : memref<25x400xi32, #tpu.memory_space<hbm>>) target(%arg9 : memref<25x400xi32, #tpu.memory_space<vmem>>) target_semaphore(%run_scoped3A : memref<!tpu.dma_semaphore, #tpu.memory_space<semaphore_mem>>)
      %dma_wait3A = arith.constant 0 : i32
      %dma_wait3A_18 = arith.constant 0 : i32
      %dma_wait3A_19 = tpu.memref_slice %arg3[%add3A, %dma_wait3A, %dma_wait3A_18] : memref<32x25x400xi32, #tpu.memory_space<hbm>> -> memref<1x25x400xi32, #tpu.memory_space<hbm>>
      %dma_wait3A_20 = tpu.memref_squeeze %dma_wait3A_19 : memref<1x25x400xi32, #tpu.memory_space<hbm>> -> memref<25x400xi32, #tpu.memory_space<hbm>>
      %dma_wait3A_21 = arith.constant 0 : i32
      %dma_wait3A_22 = arith.constant 0 : i32
      %dma_wait3A_23 = tpu.memref_slice %arg3[%add3A, %dma_wait3A_21, %dma_wait3A_22] : memref<32x25x400xi32, #tpu.memory_space<hbm>> -> memref<1x25x400xi32, #tpu.memory_space<hbm>>
      %dma_wait3A_24 = tpu.memref_squeeze %dma_wait3A_23 : memref<1x25x400xi32, #tpu.memory_space<hbm>> -> memref<25x400xi32, #tpu.memory_space<hbm>>
      tpu.wait_dma2 semaphore(%run_scoped3A : memref<!tpu.dma_semaphore, #tpu.memory_space<semaphore_mem>>) src(%dma_wait3A_24 : memref<25x400xi32, #tpu.memory_space<hbm>>) dst(%arg9 : memref<25x400xi32, #tpu.memory_space<vmem>>)
      tpu.yield
    }) : () -> ()
    "tpu.region"() ({
      %run_scoped3A = tpu.sem_alloc : memref<!tpu.dma_semaphore, #tpu.memory_space<semaphore_mem>>
      %dma_start3A = arith.constant 0 : i32
      %dma_start3A_11 = tpu.memref_slice %arg13[%mul3A_4, %dma_start3A] : memref<10240x8xf32, #tpu.memory_space<vmem_shared>> -> memref<640x8xf32, #tpu.memory_space<vmem_shared>>
      %dma_start3A_12 = arith.constant 0 : i32
      %dma_start3A_13 = tpu.memref_slice %arg5[%mul3A_4, %dma_start3A_12] : memref<10240x8xf32, #tpu.memory_space<hbm>> -> memref<640x8xf32, #tpu.memory_space<hbm>>
      tpu.enqueue_dma source(%dma_start3A_13 : memref<640x8xf32, #tpu.memory_space<hbm>>) target(%dma_start3A_11 : memref<640x8xf32, #tpu.memory_space<vmem_shared>>) target_semaphore(%run_scoped3A : memref<!tpu.dma_semaphore, #tpu.memory_space<semaphore_mem>>)
      %dma_wait3A = arith.constant 0 : i32
      %dma_wait3A_14 = tpu.memref_slice %arg13[%mul3A_4, %dma_wait3A] : memref<10240x8xf32, #tpu.memory_space<vmem_shared>> -> memref<640x8xf32, #tpu.memory_space<vmem_shared>>
      %dma_wait3A_15 = arith.constant 0 : i32
      %dma_wait3A_16 = tpu.memref_slice %arg5[%mul3A_4, %dma_wait3A_15] : memref<10240x8xf32, #tpu.memory_space<hbm>> -> memref<640x8xf32, #tpu.memory_space<hbm>>
      tpu.wait_dma2 semaphore(%run_scoped3A : memref<!tpu.dma_semaphore, #tpu.memory_space<semaphore_mem>>) src(%dma_wait3A_16 : memref<640x8xf32, #tpu.memory_space<hbm>>) dst(%dma_wait3A_14 : memref<640x8xf32, #tpu.memory_space<vmem_shared>>)
      tpu.yield
    }) : () -> ()
    %barrier3A = arith.constant 0 : index
    tpu.barrier barrier_id(%barrier3A)
    %scan3A = arith.constant 0 : i32
    %scan3A_5 = arith.constant 0 : i32
    %scan3A_6 = arith.constant 25 : i32
    %scan3A_7 = arith.addi %scan3A_5, %scan3A_6 : i32
    %scan3A_8 = arith.constant 1 : i32
    scf.for %scan3A_11 = %scan3A_5 to %scan3A_7 step %scan3A_8  : i32 {
      %mul3A_12 = arith.constant 400 : i32
      %mul3A_13 = arith.muli %scan3A_11, %mul3A_12 : i32
      %add3A_14 = arith.addi %mul3A_2, %mul3A_13 : i32
      %dma_start3A = arith.constant 0 : i32
      %dma_start3A_15 = tpu.memref_slice %arg8[%scan3A_11, %dma_start3A] : memref<25x400xi32, #tpu.memory_space<vmem>> -> memref<1x400xi32, #tpu.memory_space<vmem>>
      %dma_start3A_16 = tpu.memref_squeeze %dma_start3A_15 : memref<1x400xi32, #tpu.memory_space<vmem>> -> memref<400xi32, #tpu.memory_space<vmem>>
      %dma_start3A_17 = arith.constant 0 : i32
      %dma_start3A_18 = arith.constant 0 : i32
      %dma_start3A_19 = tpu.memref_slice %arg4[%dma_start3A_17, %dma_start3A_18] : memref<10000x16xf32, #tpu.memory_space<hbm>> -> memref<10000x16xf32, #tpu.memory_space<hbm>>
      tpu.enqueue_indirect_dma source(%dma_start3A_19 : memref<10000x16xf32, #tpu.memory_space<hbm>>) target(%arg10 : memref<400x16xf32, #tpu.memory_space<vmem>>) offsets(%dma_start3A_16 : memref<400xi32, #tpu.memory_space<vmem>>) semaphore(%arg14 : memref<!tpu.dma_semaphore, #tpu.memory_space<semaphore_mem>>)
      %dma_start3A_20 = arith.constant 0 : i32
      %dma_start3A_21 = tpu.memref_slice %arg9[%scan3A_11, %dma_start3A_20] : memref<25x400xi32, #tpu.memory_space<vmem>> -> memref<1x400xi32, #tpu.memory_space<vmem>>
      %dma_start3A_22 = tpu.memref_squeeze %dma_start3A_21 : memref<1x400xi32, #tpu.memory_space<vmem>> -> memref<400xi32, #tpu.memory_space<vmem>>
      %dma_start3A_23 = arith.constant 0 : i32
      %dma_start3A_24 = arith.constant 0 : i32
      %dma_start3A_25 = tpu.memref_slice %arg4[%dma_start3A_23, %dma_start3A_24] : memref<10000x16xf32, #tpu.memory_space<hbm>> -> memref<10000x16xf32, #tpu.memory_space<hbm>>
      tpu.enqueue_indirect_dma source(%dma_start3A_25 : memref<10000x16xf32, #tpu.memory_space<hbm>>) target(%arg11 : memref<400x16xf32, #tpu.memory_space<vmem>>) offsets(%dma_start3A_22 : memref<400xi32, #tpu.memory_space<vmem>>) semaphore(%arg14 : memref<!tpu.dma_semaphore, #tpu.memory_space<semaphore_mem>>)
      %dma_wait3A = arith.constant 0 : i32
      %dma_wait3A_26 = tpu.memref_slice %arg8[%scan3A_11, %dma_wait3A] : memref<25x400xi32, #tpu.memory_space<vmem>> -> memref<1x400xi32, #tpu.memory_space<vmem>>
      %dma_wait3A_27 = tpu.memref_squeeze %dma_wait3A_26 : memref<1x400xi32, #tpu.memory_space<vmem>> -> memref<400xi32, #tpu.memory_space<vmem>>
      %dma_wait3A_28 = arith.constant 0 : i32
      %dma_wait3A_29 = arith.constant 0 : i32
      %dma_wait3A_30 = tpu.memref_slice %arg4[%dma_wait3A_28, %dma_wait3A_29] : memref<10000x16xf32, #tpu.memory_space<hbm>> -> memref<10000x16xf32, #tpu.memory_space<hbm>>
      tpu.wait_indirect_dma semaphore(%arg14 : memref<!tpu.dma_semaphore, #tpu.memory_space<semaphore_mem>>) src(%dma_wait3A_30 : memref<10000x16xf32, #tpu.memory_space<hbm>>) dst(%arg10 : memref<400x16xf32, #tpu.memory_space<vmem>>)
      %dma_wait3A_31 = arith.constant 0 : i32
      %dma_wait3A_32 = tpu.memref_slice %arg9[%scan3A_11, %dma_wait3A_31] : memref<25x400xi32, #tpu.memory_space<vmem>> -> memref<1x400xi32, #tpu.memory_space<vmem>>
      %dma_wait3A_33 = tpu.memref_squeeze %dma_wait3A_32 : memref<1x400xi32, #tpu.memory_space<vmem>> -> memref<400xi32, #tpu.memory_space<vmem>>
      %dma_wait3A_34 = arith.constant 0 : i32
      %dma_wait3A_35 = arith.constant 0 : i32
      %dma_wait3A_36 = tpu.memref_slice %arg4[%dma_wait3A_34, %dma_wait3A_35] : memref<10000x16xf32, #tpu.memory_space<hbm>> -> memref<10000x16xf32, #tpu.memory_space<hbm>>
      tpu.wait_indirect_dma semaphore(%arg14 : memref<!tpu.dma_semaphore, #tpu.memory_space<semaphore_mem>>) src(%dma_wait3A_36 : memref<10000x16xf32, #tpu.memory_space<hbm>>) dst(%arg11 : memref<400x16xf32, #tpu.memory_space<vmem>>)
      %scan3A_37 = arith.constant 0 : i32
      %scan3A_38 = arith.constant 0 : i32
      %scan3A_39 = arith.constant 25 : i32
      %scan3A_40 = arith.addi %scan3A_38, %scan3A_39 : i32
      %scan3A_41 = arith.constant 1 : i32
      scf.for %scan3A_43 = %scan3A_38 to %scan3A_40 step %scan3A_41  : i32 {
        %mul3A_44 = arith.constant 16 : i32
        %mul3A_45 = arith.muli %scan3A_43, %mul3A_44 : i32
        %add3A_46 = vector.broadcast %mul3A_45 : i32 to vector<16xi32>
        %add3A_47 = arith.addi %iota3A, %add3A_46 : vector<16xi32>
        %broadcast_in_dim3A = arith.constant 0 : i32
        %broadcast_in_dim3A_48 = vector.broadcast %broadcast_in_dim3A : i32 to vector<16xi32>
        %gather3A = tpu.vector_load_idx %arg10[%add3A_47, %broadcast_in_dim3A_48] : memref<400x16xf32, #tpu.memory_space<vmem>>[vector<16xi32>, vector<16xi32>], vector<16xf32>,
        %add3A_49 = arith.constant 8 : i32
        %add3A_50 = vector.broadcast %add3A_49 : i32 to vector<16xi32>
        %add3A_51 = arith.addi %broadcast_in_dim3A_48, %add3A_50 : vector<16xi32>
        %gather3A_52 = tpu.vector_load_idx %arg11[%add3A_47, %add3A_51] : memref<400x16xf32, #tpu.memory_space<vmem>>[vector<16xi32>, vector<16xi32>], vector<16xf32>,
        %add3A_53 = arith.addf %gather3A, %gather3A_52 : vector<16xf32>
        %gt3A = arith.constant 0.000000e+00 : f32
        %gt3A_54 = vector.broadcast %gt3A : f32 to vector<16xf32>
        %gt3A_55 = arith.cmpf ogt, %add3A_53, %gt3A_54 : vector<16xf32>
        %mul3A_56 = arith.constant 2.000000e-01 : f32
        %mul3A_57 = vector.broadcast %mul3A_56 : f32 to vector<16xf32>
        %mul3A_58 = arith.mulf %mul3A_57, %add3A_53 : vector<16xf32>
        %select_n3A = arith.select %gt3A_55, %add3A_53, %mul3A_58 : vector<16xi1>, vector<16xf32>
        %exp3A = math.exp %select_n3A : vector<16xf32>
        tpu.vector_store_idx %arg12[%add3A_47, %broadcast_in_dim3A_48], %exp3A : memref<400x8xf32, #tpu.memory_space<vmem>>[vector<16xi32>, vector<16xi32>], vector<16xf32>,
        %broadcast_in_dim3A_59 = arith.constant 1 : i32
        %broadcast_in_dim3A_60 = vector.broadcast %broadcast_in_dim3A_59 : i32 to vector<16xi32>
        %gather3A_61 = tpu.vector_load_idx %arg10[%add3A_47, %broadcast_in_dim3A_60] : memref<400x16xf32, #tpu.memory_space<vmem>>[vector<16xi32>, vector<16xi32>], vector<16xf32>,
        %add3A_62 = arith.constant 8 : i32
        %add3A_63 = vector.broadcast %add3A_62 : i32 to vector<16xi32>
        %add3A_64 = arith.addi %broadcast_in_dim3A_60, %add3A_63 : vector<16xi32>
        %gather3A_65 = tpu.vector_load_idx %arg11[%add3A_47, %add3A_64] : memref<400x16xf32, #tpu.memory_space<vmem>>[vector<16xi32>, vector<16xi32>], vector<16xf32>,
        %add3A_66 = arith.addf %gather3A_61, %gather3A_65 : vector<16xf32>
        %gt3A_67 = arith.constant 0.000000e+00 : f32
        %gt3A_68 = vector.broadcast %gt3A_67 : f32 to vector<16xf32>
        %gt3A_69 = arith.cmpf ogt, %add3A_66, %gt3A_68 : vector<16xf32>
        %mul3A_70 = arith.constant 2.000000e-01 : f32
        %mul3A_71 = vector.broadcast %mul3A_70 : f32 to vector<16xf32>
        %mul3A_72 = arith.mulf %mul3A_71, %add3A_66 : vector<16xf32>
        %select_n3A_73 = arith.select %gt3A_69, %add3A_66, %mul3A_72 : vector<16xi1>, vector<16xf32>
        %exp3A_74 = math.exp %select_n3A_73 : vector<16xf32>
        tpu.vector_store_idx %arg12[%add3A_47, %broadcast_in_dim3A_60], %exp3A_74 : memref<400x8xf32, #tpu.memory_space<vmem>>[vector<16xi32>, vector<16xi32>], vector<16xf32>,
        %broadcast_in_dim3A_75 = arith.constant 2 : i32
        %broadcast_in_dim3A_76 = vector.broadcast %broadcast_in_dim3A_75 : i32 to vector<16xi32>
        %gather3A_77 = tpu.vector_load_idx %arg10[%add3A_47, %broadcast_in_dim3A_76] : memref<400x16xf32, #tpu.memory_space<vmem>>[vector<16xi32>, vector<16xi32>], vector<16xf32>,
        %add3A_78 = arith.constant 8 : i32
        %add3A_79 = vector.broadcast %add3A_78 : i32 to vector<16xi32>
        %add3A_80 = arith.addi %broadcast_in_dim3A_76, %add3A_79 : vector<16xi32>
        %gather3A_81 = tpu.vector_load_idx %arg11[%add3A_47, %add3A_80] : memref<400x16xf32, #tpu.memory_space<vmem>>[vector<16xi32>, vector<16xi32>], vector<16xf32>,
        %add3A_82 = arith.addf %gather3A_77, %gather3A_81 : vector<16xf32>
        %gt3A_83 = arith.constant 0.000000e+00 : f32
        %gt3A_84 = vector.broadcast %gt3A_83 : f32 to vector<16xf32>
        %gt3A_85 = arith.cmpf ogt, %add3A_82, %gt3A_84 : vector<16xf32>
        %mul3A_86 = arith.constant 2.000000e-01 : f32
        %mul3A_87 = vector.broadcast %mul3A_86 : f32 to vector<16xf32>
        %mul3A_88 = arith.mulf %mul3A_87, %add3A_82 : vector<16xf32>
        %select_n3A_89 = arith.select %gt3A_85, %add3A_82, %mul3A_88 : vector<16xi1>, vector<16xf32>
        %exp3A_90 = math.exp %select_n3A_89 : vector<16xf32>
        tpu.vector_store_idx %arg12[%add3A_47, %broadcast_in_dim3A_76], %exp3A_90 : memref<400x8xf32, #tpu.memory_space<vmem>>[vector<16xi32>, vector<16xi32>], vector<16xf32>,
        %broadcast_in_dim3A_91 = arith.constant 3 : i32
        %broadcast_in_dim3A_92 = vector.broadcast %broadcast_in_dim3A_91 : i32 to vector<16xi32>
        %gather3A_93 = tpu.vector_load_idx %arg10[%add3A_47, %broadcast_in_dim3A_92] : memref<400x16xf32, #tpu.memory_space<vmem>>[vector<16xi32>, vector<16xi32>], vector<16xf32>,
        %add3A_94 = arith.constant 8 : i32
        %add3A_95 = vector.broadcast %add3A_94 : i32 to vector<16xi32>
        %add3A_96 = arith.addi %broadcast_in_dim3A_92, %add3A_95 : vector<16xi32>
        %gather3A_97 = tpu.vector_load_idx %arg11[%add3A_47, %add3A_96] : memref<400x16xf32, #tpu.memory_space<vmem>>[vector<16xi32>, vector<16xi32>], vector<16xf32>,
        %add3A_98 = arith.addf %gather3A_93, %gather3A_97 : vector<16xf32>
        %gt3A_99 = arith.constant 0.000000e+00 : f32
        %gt3A_100 = vector.broadcast %gt3A_99 : f32 to vector<16xf32>
        %gt3A_101 = arith.cmpf ogt, %add3A_98, %gt3A_100 : vector<16xf32>
        %mul3A_102 = arith.constant 2.000000e-01 : f32
        %mul3A_103 = vector.broadcast %mul3A_102 : f32 to vector<16xf32>
        %mul3A_104 = arith.mulf %mul3A_103, %add3A_98 : vector<16xf32>
        %select_n3A_105 = arith.select %gt3A_101, %add3A_98, %mul3A_104 : vector<16xi1>, vector<16xf32>
        %exp3A_106 = math.exp %select_n3A_105 : vector<16xf32>
        tpu.vector_store_idx %arg12[%add3A_47, %broadcast_in_dim3A_92], %exp3A_106 : memref<400x8xf32, #tpu.memory_space<vmem>>[vector<16xi32>, vector<16xi32>], vector<16xf32>,
        %broadcast_in_dim3A_107 = arith.constant 4 : i32
        %broadcast_in_dim3A_108 = vector.broadcast %broadcast_in_dim3A_107 : i32 to vector<16xi32>
        %gather3A_109 = tpu.vector_load_idx %arg10[%add3A_47, %broadcast_in_dim3A_108] : memref<400x16xf32, #tpu.memory_space<vmem>>[vector<16xi32>, vector<16xi32>], vector<16xf32>,
        %add3A_110 = arith.constant 8 : i32
        %add3A_111 = vector.broadcast %add3A_110 : i32 to vector<16xi32>
        %add3A_112 = arith.addi %broadcast_in_dim3A_108, %add3A_111 : vector<16xi32>
        %gather3A_113 = tpu.vector_load_idx %arg11[%add3A_47, %add3A_112] : memref<400x16xf32, #tpu.memory_space<vmem>>[vector<16xi32>, vector<16xi32>], vector<16xf32>,
        %add3A_114 = arith.addf %gather3A_109, %gather3A_113 : vector<16xf32>
        %gt3A_115 = arith.constant 0.000000e+00 : f32
        %gt3A_116 = vector.broadcast %gt3A_115 : f32 to vector<16xf32>
        %gt3A_117 = arith.cmpf ogt, %add3A_114, %gt3A_116 : vector<16xf32>
        %mul3A_118 = arith.constant 2.000000e-01 : f32
        %mul3A_119 = vector.broadcast %mul3A_118 : f32 to vector<16xf32>
        %mul3A_120 = arith.mulf %mul3A_119, %add3A_114 : vector<16xf32>
        %select_n3A_121 = arith.select %gt3A_117, %add3A_114, %mul3A_120 : vector<16xi1>, vector<16xf32>
        %exp3A_122 = math.exp %select_n3A_121 : vector<16xf32>
        tpu.vector_store_idx %arg12[%add3A_47, %broadcast_in_dim3A_108], %exp3A_122 : memref<400x8xf32, #tpu.memory_space<vmem>>[vector<16xi32>, vector<16xi32>], vector<16xf32>,
        %broadcast_in_dim3A_123 = arith.constant 5 : i32
        %broadcast_in_dim3A_124 = vector.broadcast %broadcast_in_dim3A_123 : i32 to vector<16xi32>
        %gather3A_125 = tpu.vector_load_idx %arg10[%add3A_47, %broadcast_in_dim3A_124] : memref<400x16xf32, #tpu.memory_space<vmem>>[vector<16xi32>, vector<16xi32>], vector<16xf32>,
        %add3A_126 = arith.constant 8 : i32
        %add3A_127 = vector.broadcast %add3A_126 : i32 to vector<16xi32>
        %add3A_128 = arith.addi %broadcast_in_dim3A_124, %add3A_127 : vector<16xi32>
        %gather3A_129 = tpu.vector_load_idx %arg11[%add3A_47, %add3A_128] : memref<400x16xf32, #tpu.memory_space<vmem>>[vector<16xi32>, vector<16xi32>], vector<16xf32>,
        %add3A_130 = arith.addf %gather3A_125, %gather3A_129 : vector<16xf32>
        %gt3A_131 = arith.constant 0.000000e+00 : f32
        %gt3A_132 = vector.broadcast %gt3A_131 : f32 to vector<16xf32>
        %gt3A_133 = arith.cmpf ogt, %add3A_130, %gt3A_132 : vector<16xf32>
        %mul3A_134 = arith.constant 2.000000e-01 : f32
        %mul3A_135 = vector.broadcast %mul3A_134 : f32 to vector<16xf32>
        %mul3A_136 = arith.mulf %mul3A_135, %add3A_130 : vector<16xf32>
        %select_n3A_137 = arith.select %gt3A_133, %add3A_130, %mul3A_136 : vector<16xi1>, vector<16xf32>
        %exp3A_138 = math.exp %select_n3A_137 : vector<16xf32>
        tpu.vector_store_idx %arg12[%add3A_47, %broadcast_in_dim3A_124], %exp3A_138 : memref<400x8xf32, #tpu.memory_space<vmem>>[vector<16xi32>, vector<16xi32>], vector<16xf32>,
        %broadcast_in_dim3A_139 = arith.constant 6 : i32
        %broadcast_in_dim3A_140 = vector.broadcast %broadcast_in_dim3A_139 : i32 to vector<16xi32>
        %gather3A_141 = tpu.vector_load_idx %arg10[%add3A_47, %broadcast_in_dim3A_140] : memref<400x16xf32, #tpu.memory_space<vmem>>[vector<16xi32>, vector<16xi32>], vector<16xf32>,
        %add3A_142 = arith.constant 8 : i32
        %add3A_143 = vector.broadcast %add3A_142 : i32 to vector<16xi32>
        %add3A_144 = arith.addi %broadcast_in_dim3A_140, %add3A_143 : vector<16xi32>
        %gather3A_145 = tpu.vector_load_idx %arg11[%add3A_47, %add3A_144] : memref<400x16xf32, #tpu.memory_space<vmem>>[vector<16xi32>, vector<16xi32>], vector<16xf32>,
        %add3A_146 = arith.addf %gather3A_141, %gather3A_145 : vector<16xf32>
        %gt3A_147 = arith.constant 0.000000e+00 : f32
        %gt3A_148 = vector.broadcast %gt3A_147 : f32 to vector<16xf32>
        %gt3A_149 = arith.cmpf ogt, %add3A_146, %gt3A_148 : vector<16xf32>
        %mul3A_150 = arith.constant 2.000000e-01 : f32
        %mul3A_151 = vector.broadcast %mul3A_150 : f32 to vector<16xf32>
        %mul3A_152 = arith.mulf %mul3A_151, %add3A_146 : vector<16xf32>
        %select_n3A_153 = arith.select %gt3A_149, %add3A_146, %mul3A_152 : vector<16xi1>, vector<16xf32>
        %exp3A_154 = math.exp %select_n3A_153 : vector<16xf32>
        tpu.vector_store_idx %arg12[%add3A_47, %broadcast_in_dim3A_140], %exp3A_154 : memref<400x8xf32, #tpu.memory_space<vmem>>[vector<16xi32>, vector<16xi32>], vector<16xf32>,
        %broadcast_in_dim3A_155 = arith.constant 7 : i32
        %broadcast_in_dim3A_156 = vector.broadcast %broadcast_in_dim3A_155 : i32 to vector<16xi32>
        %gather3A_157 = tpu.vector_load_idx %arg10[%add3A_47, %broadcast_in_dim3A_156] : memref<400x16xf32, #tpu.memory_space<vmem>>[vector<16xi32>, vector<16xi32>], vector<16xf32>,
        %add3A_158 = arith.constant 8 : i32
        %add3A_159 = vector.broadcast %add3A_158 : i32 to vector<16xi32>
        %add3A_160 = arith.addi %broadcast_in_dim3A_156, %add3A_159 : vector<16xi32>
        %gather3A_161 = tpu.vector_load_idx %arg11[%add3A_47, %add3A_160] : memref<400x16xf32, #tpu.memory_space<vmem>>[vector<16xi32>, vector<16xi32>], vector<16xf32>,
        %add3A_162 = arith.addf %gather3A_157, %gather3A_161 : vector<16xf32>
        %gt3A_163 = arith.constant 0.000000e+00 : f32
        %gt3A_164 = vector.broadcast %gt3A_163 : f32 to vector<16xf32>
        %gt3A_165 = arith.cmpf ogt, %add3A_162, %gt3A_164 : vector<16xf32>
        %mul3A_166 = arith.constant 2.000000e-01 : f32
        %mul3A_167 = vector.broadcast %mul3A_166 : f32 to vector<16xf32>
        %mul3A_168 = arith.mulf %mul3A_167, %add3A_162 : vector<16xf32>
        %select_n3A_169 = arith.select %gt3A_165, %add3A_162, %mul3A_168 : vector<16xi1>, vector<16xf32>
        %exp3A_170 = math.exp %select_n3A_169 : vector<16xf32>
        tpu.vector_store_idx %arg12[%add3A_47, %broadcast_in_dim3A_156], %exp3A_170 : memref<400x8xf32, #tpu.memory_space<vmem>>[vector<16xi32>, vector<16xi32>], vector<16xf32>,
      }
      %scan3A_42 = arith.constant 25 : i32
      "tpu.region"() ({
        %run_scoped3A = tpu.sem_alloc : memref<!tpu.dma_semaphore, #tpu.memory_space<semaphore_mem>>
        %dma_start3A_43 = arith.constant 0 : i32
        %dma_start3A_44 = tpu.memref_slice %arg6[%add3A_14, %dma_start3A_43] : memref<320000x8xf32, #tpu.memory_space<hbm>> -> memref<400x8xf32, #tpu.memory_space<hbm>>
        %dma_start3A_45 = arith.constant 0 : i32
        %dma_start3A_46 = tpu.memref_slice %arg6[%add3A_14, %dma_start3A_45] : memref<320000x8xf32, #tpu.memory_space<hbm>> -> memref<400x8xf32, #tpu.memory_space<hbm>>
        tpu.enqueue_dma source(%arg12 : memref<400x8xf32, #tpu.memory_space<vmem>>) target(%dma_start3A_46 : memref<400x8xf32, #tpu.memory_space<hbm>>) target_semaphore(%run_scoped3A : memref<!tpu.dma_semaphore, #tpu.memory_space<semaphore_mem>>)
        %dma_wait3A_47 = arith.constant 0 : i32
        %dma_wait3A_48 = tpu.memref_slice %arg6[%add3A_14, %dma_wait3A_47] : memref<320000x8xf32, #tpu.memory_space<hbm>> -> memref<400x8xf32, #tpu.memory_space<hbm>>
        %dma_wait3A_49 = arith.constant 0 : i32
        %dma_wait3A_50 = tpu.memref_slice %arg6[%add3A_14, %dma_wait3A_49] : memref<320000x8xf32, #tpu.memory_space<hbm>> -> memref<400x8xf32, #tpu.memory_space<hbm>>
        tpu.wait_dma2 semaphore(%run_scoped3A : memref<!tpu.dma_semaphore, #tpu.memory_space<semaphore_mem>>) src(%arg12 : memref<400x8xf32, #tpu.memory_space<vmem>>) dst(%dma_wait3A_50 : memref<400x8xf32, #tpu.memory_space<hbm>>)
        tpu.yield
      }) : () -> ()
      "tpu.region"() ({
        %run_scoped3A = tpu.sem_alloc : memref<!tpu.dma_semaphore, #tpu.memory_space<semaphore_mem>>
        %dma_start3A_43 = arith.constant 0 : i32
        %dma_start3A_44 = tpu.memref_slice %arg9[%scan3A_11, %dma_start3A_43] : memref<25x400xi32, #tpu.memory_space<vmem>> -> memref<1x400xi32, #tpu.memory_space<vmem>>
        %dma_start3A_45 = tpu.memref_squeeze %dma_start3A_44 : memref<1x400xi32, #tpu.memory_space<vmem>> -> memref<400xi32, #tpu.memory_space<vmem>>
        %dma_start3A_46 = arith.constant 0 : i32
        %dma_start3A_47 = arith.constant 0 : i32
        %dma_start3A_48 = tpu.memref_slice %arg13[%dma_start3A_46, %dma_start3A_47] : memref<10240x8xf32, #tpu.memory_space<vmem_shared>> -> memref<10240x8xf32, #tpu.memory_space<vmem_shared>>
        tpu.enqueue_indirect_dma source(%arg12 : memref<400x8xf32, #tpu.memory_space<vmem>>) target(%dma_start3A_48 : memref<10240x8xf32, #tpu.memory_space<vmem_shared>>) offsets(%dma_start3A_45 : memref<400xi32, #tpu.memory_space<vmem>>) semaphore(%run_scoped3A : memref<!tpu.dma_semaphore, #tpu.memory_space<semaphore_mem>>) {add = true}
        %dma_wait3A_49 = arith.constant 0 : i32
        %dma_wait3A_50 = tpu.memref_slice %arg9[%scan3A_11, %dma_wait3A_49] : memref<25x400xi32, #tpu.memory_space<vmem>> -> memref<1x400xi32, #tpu.memory_space<vmem>>
        %dma_wait3A_51 = tpu.memref_squeeze %dma_wait3A_50 : memref<1x400xi32, #tpu.memory_space<vmem>> -> memref<400xi32, #tpu.memory_space<vmem>>
        %dma_wait3A_52 = arith.constant 0 : i32
        %dma_wait3A_53 = arith.constant 0 : i32
        %dma_wait3A_54 = tpu.memref_slice %arg13[%dma_wait3A_52, %dma_wait3A_53] : memref<10240x8xf32, #tpu.memory_space<vmem_shared>> -> memref<10240x8xf32, #tpu.memory_space<vmem_shared>>
        tpu.wait_indirect_dma semaphore(%run_scoped3A : memref<!tpu.dma_semaphore, #tpu.memory_space<semaphore_mem>>) src(%arg12 : memref<400x8xf32, #tpu.memory_space<vmem>>) dst(%dma_wait3A_54 : memref<10240x8xf32, #tpu.memory_space<vmem_shared>>)
        tpu.yield
      }) : () -> ()
    }
    %scan3A_9 = arith.constant 25 : i32
    %barrier3A_10 = arith.constant 0 : index
    tpu.barrier barrier_id(%barrier3A_10)
    "tpu.region"() ({
      %run_scoped3A = tpu.sem_alloc : memref<!tpu.dma_semaphore, #tpu.memory_space<semaphore_mem>>
      %dma_start3A = arith.constant 0 : i32
      %dma_start3A_11 = tpu.memref_slice %arg7[%arg0, %mul3A_4, %dma_start3A] : memref<2x10240x8xf32, #tpu.memory_space<hbm>> -> memref<1x640x8xf32, #tpu.memory_space<hbm>>
      %dma_start3A_12 = tpu.memref_squeeze %dma_start3A_11 : memref<1x640x8xf32, #tpu.memory_space<hbm>> -> memref<640x8xf32, #tpu.memory_space<hbm>>
      %dma_start3A_13 = arith.constant 0 : i32
      %dma_start3A_14 = tpu.memref_slice %arg13[%mul3A_4, %dma_start3A_13] : memref<10240x8xf32, #tpu.memory_space<vmem_shared>> -> memref<640x8xf32, #tpu.memory_space<vmem_shared>>
      tpu.enqueue_dma source(%dma_start3A_14 : memref<640x8xf32, #tpu.memory_space<vmem_shared>>) target(%dma_start3A_12 : memref<640x8xf32, #tpu.memory_space<hbm>>) target_semaphore(%run_scoped3A : memref<!tpu.dma_semaphore, #tpu.memory_space<semaphore_mem>>)
      %dma_wait3A = arith.constant 0 : i32
      %dma_wait3A_15 = tpu.memref_slice %arg7[%arg0, %mul3A_4, %dma_wait3A] : memref<2x10240x8xf32, #tpu.memory_space<hbm>> -> memref<1x640x8xf32, #tpu.memory_space<hbm>>
      %dma_wait3A_16 = tpu.memref_squeeze %dma_wait3A_15 : memref<1x640x8xf32, #tpu.memory_space<hbm>> -> memref<640x8xf32, #tpu.memory_space<hbm>>
      %dma_wait3A_17 = arith.constant 0 : i32
      %dma_wait3A_18 = tpu.memref_slice %arg13[%mul3A_4, %dma_wait3A_17] : memref<10240x8xf32, #tpu.memory_space<vmem_shared>> -> memref<640x8xf32, #tpu.memory_space<vmem_shared>>
      tpu.wait_dma2 semaphore(%run_scoped3A : memref<!tpu.dma_semaphore, #tpu.memory_space<semaphore_mem>>) src(%dma_wait3A_18 : memref<640x8xf32, #tpu.memory_space<vmem_shared>>) dst(%dma_wait3A_16 : memref<640x8xf32, #tpu.memory_space<hbm>>)
      tpu.yield
    }) : () -> ()
    return
  }
}

#map = affine_map<(d0, d1) -> (0, 0, 0, 0)>
#map1 = affine_map<(d0, d1) -> (0, 0)>
#map2 = affine_map<(d0, d1) -> (0, 0, 0)>
module attributes {stable_mosaic.version = 14 : i64} {
  func.func @_sc1b_body(%arg0: i32, %arg1: i32, %arg2: memref<16x2x25x400xi32, #tpu.memory_space<hbm>>, %arg3: memref<16x2x25x400xi32, #tpu.memory_space<hbm>>, %arg4: memref<320000x8xf32, #tpu.memory_space<hbm>>, %arg5: memref<80000x64xf32, #tpu.memory_space<hbm>>, %arg6: memref<10240x64xf32, #tpu.memory_space<hbm>>, %arg7: memref<10240x8xf32, #tpu.memory_space<hbm>>, %arg8: memref<8x10240x64xf32, #tpu.memory_space<hbm>>, %arg9: memref<25x400xi32, #tpu.memory_space<vmem>>, %arg10: memref<25x400xi32, #tpu.memory_space<vmem>>, %arg11: memref<400x64xf32, #tpu.memory_space<vmem>>, %arg12: memref<400x64xf32, #tpu.memory_space<vmem>>, %arg13: memref<400x8xf32, #tpu.memory_space<vmem>>, %arg14: memref<400x8xf32, #tpu.memory_space<vmem>>, %arg15: memref<10240x64xf32, #tpu.memory_space<vmem_shared>>, %arg16: memref<!tpu.dma_semaphore, #tpu.memory_space<semaphore_mem>>, %arg17: memref<!tpu.dma_semaphore, #tpu.memory_space<semaphore_mem>>, %arg18: memref<!tpu.dma_semaphore, #tpu.memory_space<semaphore_mem>>, %arg19: memref<!tpu.dma_semaphore, #tpu.memory_space<semaphore_mem>>) attributes {dimension_semantics = [#tpu.dimension_semantics<core_parallel>, #tpu.dimension_semantics<subcore_parallel>], iteration_bounds = array<i64: 2, 16>, scalar_prefetch = 0 : i64, scratch_operands = 11 : i64, tpu.core_type = #tpu.core_type<sc_vector_subcore>, window_params = [{transform_indices = #map}, {transform_indices = #map}, {transform_indices = #map1}, {transform_indices = #map1}, {transform_indices = #map1}, {transform_indices = #map1}, {transform_indices = #map2}]} {
    %mul3A = arith.constant 640 : i32
    %mul3A_0 = arith.muli %arg1, %mul3A : i32
    %scan3A = arith.constant 0 : i32
    %scan3A_1 = arith.constant 0 : i32
    %scan3A_2 = arith.constant 4 : i32
    %scan3A_3 = arith.addi %scan3A_1, %scan3A_2 : i32
    %scan3A_4 = arith.constant 1 : i32
    scf.for %scan3A_6 = %scan3A_1 to %scan3A_3 step %scan3A_4  : i32 {
      %mul3A_7 = arith.constant 4 : i32
      %mul3A_8 = arith.muli %mul3A_7, %arg0 : i32
      %add3A = arith.addi %mul3A_8, %scan3A_6 : i32
      %barrier3A = arith.constant 0 : index
      tpu.barrier barrier_id(%barrier3A)
      "tpu.region"() ({
        %run_scoped3A = tpu.sem_alloc : memref<!tpu.dma_semaphore, #tpu.memory_space<semaphore_mem>>
        %dma_start3A = arith.constant 0 : i32
        %dma_start3A_16 = tpu.memref_slice %arg15[%mul3A_0, %dma_start3A] : memref<10240x64xf32, #tpu.memory_space<vmem_shared>> -> memref<640x64xf32, #tpu.memory_space<vmem_shared>>
        %dma_start3A_17 = arith.constant 0 : i32
        %dma_start3A_18 = tpu.memref_slice %arg6[%mul3A_0, %dma_start3A_17] : memref<10240x64xf32, #tpu.memory_space<hbm>> -> memref<640x64xf32, #tpu.memory_space<hbm>>
        tpu.enqueue_dma source(%dma_start3A_18 : memref<640x64xf32, #tpu.memory_space<hbm>>) target(%dma_start3A_16 : memref<640x64xf32, #tpu.memory_space<vmem_shared>>) target_semaphore(%run_scoped3A : memref<!tpu.dma_semaphore, #tpu.memory_space<semaphore_mem>>)
        %dma_wait3A = arith.constant 0 : i32
        %dma_wait3A_19 = tpu.memref_slice %arg15[%mul3A_0, %dma_wait3A] : memref<10240x64xf32, #tpu.memory_space<vmem_shared>> -> memref<640x64xf32, #tpu.memory_space<vmem_shared>>
        %dma_wait3A_20 = arith.constant 0 : i32
        %dma_wait3A_21 = tpu.memref_slice %arg6[%mul3A_0, %dma_wait3A_20] : memref<10240x64xf32, #tpu.memory_space<hbm>> -> memref<640x64xf32, #tpu.memory_space<hbm>>
        tpu.wait_dma2 semaphore(%run_scoped3A : memref<!tpu.dma_semaphore, #tpu.memory_space<semaphore_mem>>) src(%dma_wait3A_21 : memref<640x64xf32, #tpu.memory_space<hbm>>) dst(%dma_wait3A_19 : memref<640x64xf32, #tpu.memory_space<vmem_shared>>)
        tpu.yield
      }) : () -> ()
      %barrier3A_9 = arith.constant 0 : index
      tpu.barrier barrier_id(%barrier3A_9)
      %scan3A_10 = arith.constant 0 : i32
      %scan3A_11 = arith.constant 2 : i32
      %scan3A_12 = arith.addi %scan3A_10, %scan3A_11 : i32
      %scan3A_13 = arith.constant 1 : i32
      scf.for %scan3A_16 = %scan3A_10 to %scan3A_12 step %scan3A_13  : i32 {
        %mul3A_17 = arith.constant 2 : i32
        %mul3A_18 = arith.muli %arg1, %mul3A_17 : i32
        %add3A_19 = arith.addi %mul3A_18, %scan3A_16 : i32
        %mul3A_20 = arith.constant 10000 : i32
        %mul3A_21 = arith.muli %add3A_19, %mul3A_20 : i32
        "tpu.region"() ({
          %run_scoped3A_149 = tpu.sem_alloc : memref<!tpu.dma_semaphore, #tpu.memory_space<semaphore_mem>>
          %dma_start3A_150 = arith.constant 0 : i32
          %dma_start3A_151 = arith.constant 0 : i32
          %dma_start3A_152 = tpu.memref_slice %arg2[%arg1, %scan3A_16, %dma_start3A_150, %dma_start3A_151] : memref<16x2x25x400xi32, #tpu.memory_space<hbm>> -> memref<1x1x25x400xi32, #tpu.memory_space<hbm>>
          %dma_start3A_153 = tpu.memref_squeeze %dma_start3A_152 : memref<1x1x25x400xi32, #tpu.memory_space<hbm>> -> memref<25x400xi32, #tpu.memory_space<hbm>>
          %dma_start3A_154 = arith.constant 0 : i32
          %dma_start3A_155 = arith.constant 0 : i32
          %dma_start3A_156 = tpu.memref_slice %arg2[%arg1, %scan3A_16, %dma_start3A_154, %dma_start3A_155] : memref<16x2x25x400xi32, #tpu.memory_space<hbm>> -> memref<1x1x25x400xi32, #tpu.memory_space<hbm>>
          %dma_start3A_157 = tpu.memref_squeeze %dma_start3A_156 : memref<1x1x25x400xi32, #tpu.memory_space<hbm>> -> memref<25x400xi32, #tpu.memory_space<hbm>>
          tpu.enqueue_dma source(%dma_start3A_157 : memref<25x400xi32, #tpu.memory_space<hbm>>) target(%arg9 : memref<25x400xi32, #tpu.memory_space<vmem>>) target_semaphore(%run_scoped3A_149 : memref<!tpu.dma_semaphore, #tpu.memory_space<semaphore_mem>>)
          %dma_wait3A_158 = arith.constant 0 : i32
          %dma_wait3A_159 = arith.constant 0 : i32
          %dma_wait3A_160 = tpu.memref_slice %arg2[%arg1, %scan3A_16, %dma_wait3A_158, %dma_wait3A_159] : memref<16x2x25x400xi32, #tpu.memory_space<hbm>> -> memref<1x1x25x400xi32, #tpu.memory_space<hbm>>
          %dma_wait3A_161 = tpu.memref_squeeze %dma_wait3A_160 : memref<1x1x25x400xi32, #tpu.memory_space<hbm>> -> memref<25x400xi32, #tpu.memory_space<hbm>>
          %dma_wait3A_162 = arith.constant 0 : i32
          %dma_wait3A_163 = arith.constant 0 : i32
          %dma_wait3A_164 = tpu.memref_slice %arg2[%arg1, %scan3A_16, %dma_wait3A_162, %dma_wait3A_163] : memref<16x2x25x400xi32, #tpu.memory_space<hbm>> -> memref<1x1x25x400xi32, #tpu.memory_space<hbm>>
          %dma_wait3A_165 = tpu.memref_squeeze %dma_wait3A_164 : memref<1x1x25x400xi32, #tpu.memory_space<hbm>> -> memref<25x400xi32, #tpu.memory_space<hbm>>
          tpu.wait_dma2 semaphore(%run_scoped3A_149 : memref<!tpu.dma_semaphore, #tpu.memory_space<semaphore_mem>>) src(%dma_wait3A_165 : memref<25x400xi32, #tpu.memory_space<hbm>>) dst(%arg9 : memref<25x400xi32, #tpu.memory_space<vmem>>)
          tpu.yield
        }) : () -> ()
        "tpu.region"() ({
          %run_scoped3A_149 = tpu.sem_alloc : memref<!tpu.dma_semaphore, #tpu.memory_space<semaphore_mem>>
          %dma_start3A_150 = arith.constant 0 : i32
          %dma_start3A_151 = arith.constant 0 : i32
          %dma_start3A_152 = tpu.memref_slice %arg3[%arg1, %scan3A_16, %dma_start3A_150, %dma_start3A_151] : memref<16x2x25x400xi32, #tpu.memory_space<hbm>> -> memref<1x1x25x400xi32, #tpu.memory_space<hbm>>
          %dma_start3A_153 = tpu.memref_squeeze %dma_start3A_152 : memref<1x1x25x400xi32, #tpu.memory_space<hbm>> -> memref<25x400xi32, #tpu.memory_space<hbm>>
          %dma_start3A_154 = arith.constant 0 : i32
          %dma_start3A_155 = arith.constant 0 : i32
          %dma_start3A_156 = tpu.memref_slice %arg3[%arg1, %scan3A_16, %dma_start3A_154, %dma_start3A_155] : memref<16x2x25x400xi32, #tpu.memory_space<hbm>> -> memref<1x1x25x400xi32, #tpu.memory_space<hbm>>
          %dma_start3A_157 = tpu.memref_squeeze %dma_start3A_156 : memref<1x1x25x400xi32, #tpu.memory_space<hbm>> -> memref<25x400xi32, #tpu.memory_space<hbm>>
          tpu.enqueue_dma source(%dma_start3A_157 : memref<25x400xi32, #tpu.memory_space<hbm>>) target(%arg10 : memref<25x400xi32, #tpu.memory_space<vmem>>) target_semaphore(%run_scoped3A_149 : memref<!tpu.dma_semaphore, #tpu.memory_space<semaphore_mem>>)
          %dma_wait3A_158 = arith.constant 0 : i32
          %dma_wait3A_159 = arith.constant 0 : i32
          %dma_wait3A_160 = tpu.memref_slice %arg3[%arg1, %scan3A_16, %dma_wait3A_158, %dma_wait3A_159] : memref<16x2x25x400xi32, #tpu.memory_space<hbm>> -> memref<1x1x25x400xi32, #tpu.memory_space<hbm>>
          %dma_wait3A_161 = tpu.memref_squeeze %dma_wait3A_160 : memref<1x1x25x400xi32, #tpu.memory_space<hbm>> -> memref<25x400xi32, #tpu.memory_space<hbm>>
          %dma_wait3A_162 = arith.constant 0 : i32
          %dma_wait3A_163 = arith.constant 0 : i32
          %dma_wait3A_164 = tpu.memref_slice %arg3[%arg1, %scan3A_16, %dma_wait3A_162, %dma_wait3A_163] : memref<16x2x25x400xi32, #tpu.memory_space<hbm>> -> memref<1x1x25x400xi32, #tpu.memory_space<hbm>>
          %dma_wait3A_165 = tpu.memref_squeeze %dma_wait3A_164 : memref<1x1x25x400xi32, #tpu.memory_space<hbm>> -> memref<25x400xi32, #tpu.memory_space<hbm>>
          tpu.wait_dma2 semaphore(%run_scoped3A_149 : memref<!tpu.dma_semaphore, #tpu.memory_space<semaphore_mem>>) src(%dma_wait3A_165 : memref<25x400xi32, #tpu.memory_space<hbm>>) dst(%arg10 : memref<25x400xi32, #tpu.memory_space<vmem>>)
          tpu.yield
        }) : () -> ()
        %scan3A_22 = arith.constant 0 : i32
        %scan3A_23 = arith.constant 625 : i32
        %scan3A_24 = arith.addi %scan3A_22, %scan3A_23 : i32
        %scan3A_25 = arith.constant 1 : i32
        scf.for %scan3A_149 = %scan3A_22 to %scan3A_24 step %scan3A_25  : i32 {
          %jit3A = arith.constant 25 : i32
          %div3A = arith.divsi %scan3A_149, %jit3A : i32
          %sign3A = arith.constant 0 : i32
          %sign3A_150 = arith.cmpi sgt, %scan3A_149, %sign3A : i32
          %sign3A_151 = arith.extui %sign3A_150 : i1 to i32
          %sign3A_152 = arith.constant 0 : i32
          %sign3A_153 = arith.cmpi slt, %scan3A_149, %sign3A_152 : i32
          %sign3A_154 = arith.extui %sign3A_153 : i1 to i32
          %sign3A_155 = arith.subi %sign3A_151, %sign3A_154 : i32
          %sign3A_156 = arith.constant 0 : i32
          %sign3A_157 = arith.cmpi sgt, %jit3A, %sign3A_156 : i32
          %sign3A_158 = arith.extui %sign3A_157 : i1 to i32
          %sign3A_159 = arith.constant 0 : i32
          %sign3A_160 = arith.cmpi slt, %jit3A, %sign3A_159 : i32
          %sign3A_161 = arith.extui %sign3A_160 : i1 to i32
          %sign3A_162 = arith.subi %sign3A_158, %sign3A_161 : i32
          %ne3A = arith.cmpi ne, %sign3A_155, %sign3A_162 : i32
          %rem3A = arith.remsi %scan3A_149, %jit3A : i32
          %ne3A_163 = arith.constant 0 : i32
          %ne3A_164 = arith.cmpi ne, %rem3A, %ne3A_163 : i32
          %and3A = arith.andi %ne3A, %ne3A_164 : i1
          %sub3A = arith.constant 1 : i32
          %sub3A_165 = arith.subi %div3A, %sub3A : i32
          %select_n3A = arith.select %and3A, %sub3A_165, %div3A : i32
          %jit3A_166 = arith.constant 25 : i32
          %eq3A = arith.constant 0 : i32
          %eq3A_167 = arith.cmpi eq, %jit3A_166, %eq3A : i32
          %jit3A_168 = arith.constant 1 : i32
          %select_n3A_169 = arith.select %eq3A_167, %jit3A_168, %jit3A_166 : i32
          %rem3A_170 = arith.remsi %scan3A_149, %select_n3A_169 : i32
          %ne3A_171 = arith.constant 0 : i32
          %ne3A_172 = arith.cmpi ne, %rem3A_170, %ne3A_171 : i32
          %lt3A = arith.constant 0 : i32
          %lt3A_173 = arith.cmpi slt, %rem3A_170, %lt3A : i32
          %lt3A_174 = arith.constant 0 : i32
          %lt3A_175 = arith.cmpi slt, %select_n3A_169, %lt3A_174 : i32
          %ne3A_176 = arith.xori %lt3A_173, %lt3A_175 : i1
          %and3A_177 = arith.andi %ne3A_176, %ne3A_172 : i1
          %add3A_178 = arith.addi %rem3A_170, %select_n3A_169 : i32
          %select_n3A_179 = arith.select %and3A_177, %add3A_178, %rem3A_170 : i32
          %mul3A_180 = arith.constant 16 : i32
          %mul3A_181 = arith.muli %select_n3A_179, %mul3A_180 : i32
          %get3A = arith.index_cast %select_n3A : i32 to index
          %get3A_182 = arith.index_cast %mul3A_181 : i32 to index
          %get3A_183 = tpu.vector_load %arg9[%get3A, %get3A_182] {strides = array<i32>} : memref<25x400xi32, #tpu.memory_space<vmem>>, vector<16xi32>,
          %mul3A_184 = arith.constant 10000 : i32
          %mul3A_185 = arith.muli %add3A, %mul3A_184 : i32
          %add3A_186 = vector.broadcast %mul3A_185 : i32 to vector<16xi32>
          %add3A_187 = arith.addi %get3A_183, %add3A_186 : vector<16xi32>
          %swap3A = arith.index_cast %select_n3A : i32 to index
          %swap3A_188 = arith.index_cast %mul3A_181 : i32 to index
          %swap3A_189 = tpu.vector_load %arg9[%swap3A, %swap3A_188] {strides = array<i32>} : memref<25x400xi32, #tpu.memory_space<vmem>>, vector<16xi32>,
          tpu.vector_store %arg9[%swap3A, %swap3A_188], %add3A_187 {strides = array<i32>} : memref<25x400xi32, #tpu.memory_space<vmem>>, vector<16xi32>,
        }
        %scan3A_26 = arith.constant 625 : i32
        %dma_start3A = arith.constant 0 : i32
        %dma_start3A_27 = arith.constant 0 : i32
        %dma_start3A_28 = tpu.memref_slice %arg9[%dma_start3A, %dma_start3A_27] : memref<25x400xi32, #tpu.memory_space<vmem>> -> memref<1x400xi32, #tpu.memory_space<vmem>>
        %dma_start3A_29 = tpu.memref_squeeze %dma_start3A_28 : memref<1x400xi32, #tpu.memory_space<vmem>> -> memref<400xi32, #tpu.memory_space<vmem>>
        %dma_start3A_30 = arith.constant 0 : i32
        %dma_start3A_31 = arith.constant 0 : i32
        %dma_start3A_32 = tpu.memref_slice %arg5[%dma_start3A_30, %dma_start3A_31] : memref<80000x64xf32, #tpu.memory_space<hbm>> -> memref<80000x64xf32, #tpu.memory_space<hbm>>
        tpu.enqueue_indirect_dma source(%dma_start3A_32 : memref<80000x64xf32, #tpu.memory_space<hbm>>) target(%arg11 : memref<400x64xf32, #tpu.memory_space<vmem>>) offsets(%dma_start3A_29 : memref<400xi32, #tpu.memory_space<vmem>>) semaphore(%arg16 : memref<!tpu.dma_semaphore, #tpu.memory_space<semaphore_mem>>)
        %add3A_33 = arith.constant 0 : i32
        %add3A_34 = arith.addi %mul3A_21, %add3A_33 : i32
        %dma_start3A_35 = arith.constant 0 : i32
        %dma_start3A_36 = tpu.memref_slice %arg4[%add3A_34, %dma_start3A_35] : memref<320000x8xf32, #tpu.memory_space<hbm>> -> memref<400x8xf32, #tpu.memory_space<hbm>>
        %dma_start3A_37 = arith.constant 0 : i32
        %dma_start3A_38 = tpu.memref_slice %arg4[%add3A_34, %dma_start3A_37] : memref<320000x8xf32, #tpu.memory_space<hbm>> -> memref<400x8xf32, #tpu.memory_space<hbm>>
        tpu.enqueue_dma source(%dma_start3A_38 : memref<400x8xf32, #tpu.memory_space<hbm>>) target(%arg13 : memref<400x8xf32, #tpu.memory_space<vmem>>) target_semaphore(%arg16 : memref<!tpu.dma_semaphore, #tpu.memory_space<semaphore_mem>>)
        %dma_wait3A = arith.constant 0 : i32
        %dma_wait3A_39 = arith.constant 0 : i32
        %dma_wait3A_40 = tpu.memref_slice %arg6[%dma_wait3A, %dma_wait3A_39] : memref<10240x64xf32, #tpu.memory_space<hbm>> -> memref<400x64xf32, #tpu.memory_space<hbm>>
        %dma_wait3A_41 = arith.constant 0 : i32
        %dma_wait3A_42 = arith.constant 0 : i32
        %dma_wait3A_43 = tpu.memref_slice %arg6[%dma_wait3A_41, %dma_wait3A_42] : memref<10240x64xf32, #tpu.memory_space<hbm>> -> memref<400x64xf32, #tpu.memory_space<hbm>>
        tpu.wait_dma2 semaphore(%arg16 : memref<!tpu.dma_semaphore, #tpu.memory_space<semaphore_mem>>) src(%dma_wait3A_43 : memref<400x64xf32, #tpu.memory_space<hbm>>) dst(%arg11 : memref<400x64xf32, #tpu.memory_space<vmem>>)
        %dma_wait3A_44 = arith.constant 0 : i32
        %dma_wait3A_45 = arith.constant 0 : i32
        %dma_wait3A_46 = tpu.memref_slice %arg7[%dma_wait3A_44, %dma_wait3A_45] : memref<10240x8xf32, #tpu.memory_space<hbm>> -> memref<400x8xf32, #tpu.memory_space<hbm>>
        %dma_wait3A_47 = arith.constant 0 : i32
        %dma_wait3A_48 = arith.constant 0 : i32
        %dma_wait3A_49 = tpu.memref_slice %arg7[%dma_wait3A_47, %dma_wait3A_48] : memref<10240x8xf32, #tpu.memory_space<hbm>> -> memref<400x8xf32, #tpu.memory_space<hbm>>
        tpu.wait_dma2 semaphore(%arg16 : memref<!tpu.dma_semaphore, #tpu.memory_space<semaphore_mem>>) src(%dma_wait3A_49 : memref<400x8xf32, #tpu.memory_space<hbm>>) dst(%arg13 : memref<400x8xf32, #tpu.memory_space<vmem>>)
        %dma_start3A_50 = arith.constant 1 : i32
        %dma_start3A_51 = arith.constant 0 : i32
        %dma_start3A_52 = tpu.memref_slice %arg9[%dma_start3A_50, %dma_start3A_51] : memref<25x400xi32, #tpu.memory_space<vmem>> -> memref<1x400xi32, #tpu.memory_space<vmem>>
        %dma_start3A_53 = tpu.memref_squeeze %dma_start3A_52 : memref<1x400xi32, #tpu.memory_space<vmem>> -> memref<400xi32, #tpu.memory_space<vmem>>
        %dma_start3A_54 = arith.constant 0 : i32
        %dma_start3A_55 = arith.constant 0 : i32
        %dma_start3A_56 = tpu.memref_slice %arg5[%dma_start3A_54, %dma_start3A_55] : memref<80000x64xf32, #tpu.memory_space<hbm>> -> memref<80000x64xf32, #tpu.memory_space<hbm>>
        tpu.enqueue_indirect_dma source(%dma_start3A_56 : memref<80000x64xf32, #tpu.memory_space<hbm>>) target(%arg12 : memref<400x64xf32, #tpu.memory_space<vmem>>) offsets(%dma_start3A_53 : memref<400xi32, #tpu.memory_space<vmem>>) semaphore(%arg17 : memref<!tpu.dma_semaphore, #tpu.memory_space<semaphore_mem>>)
        %add3A_57 = arith.constant 400 : i32
        %add3A_58 = arith.addi %mul3A_21, %add3A_57 : i32
        %dma_start3A_59 = arith.constant 0 : i32
        %dma_start3A_60 = tpu.memref_slice %arg4[%add3A_58, %dma_start3A_59] : memref<320000x8xf32, #tpu.memory_space<hbm>> -> memref<400x8xf32, #tpu.memory_space<hbm>>
        %dma_start3A_61 = arith.constant 0 : i32
        %dma_start3A_62 = tpu.memref_slice %arg4[%add3A_58, %dma_start3A_61] : memref<320000x8xf32, #tpu.memory_space<hbm>> -> memref<400x8xf32, #tpu.memory_space<hbm>>
        tpu.enqueue_dma source(%dma_start3A_62 : memref<400x8xf32, #tpu.memory_space<hbm>>) target(%arg14 : memref<400x8xf32, #tpu.memory_space<vmem>>) target_semaphore(%arg17 : memref<!tpu.dma_semaphore, #tpu.memory_space<semaphore_mem>>)
        %scan3A_63 = arith.constant 0 : i32
        %scan3A_64 = arith.constant 0 : i32
        %scan3A_65 = arith.constant 100 : i32
        %scan3A_66 = arith.addi %scan3A_64, %scan3A_65 : i32
        %scan3A_67 = arith.constant 1 : i32
        scf.for %scan3A_149 = %scan3A_64 to %scan3A_66 step %scan3A_67  : i32 {
          %mul3A_150 = arith.constant 4 : i32
          %mul3A_151 = arith.muli %scan3A_149, %mul3A_150 : i32
          %add3A_152 = arith.constant 0 : i32
          %add3A_153 = arith.addi %mul3A_151, %add3A_152 : i32
          %broadcast_in_dim3A = vector.broadcast %add3A_153 : i32 to vector<16xi32>
          %broadcast_in_dim3A_154 = vector.broadcast %add3A : i32 to vector<16xi32>
          %gather3A = tpu.vector_load_idx %arg13[%broadcast_in_dim3A, %broadcast_in_dim3A_154] : memref<400x8xf32, #tpu.memory_space<vmem>>[vector<16xi32>, vector<16xi32>], vector<16xf32>,
          %get3A = arith.index_cast %add3A_153 : i32 to index
          %get3A_155 = arith.constant 0 : index
          %get3A_156 = tpu.vector_load %arg11[%get3A, %get3A_155] {strides = array<i32>} : memref<400x64xf32, #tpu.memory_space<vmem>>, vector<16xf32>,
          %mul3A_157 = arith.mulf %get3A_156, %gather3A : vector<16xf32>
          %swap3A = arith.index_cast %add3A_153 : i32 to index
          %swap3A_158 = arith.constant 0 : index
          %swap3A_159 = tpu.vector_load %arg11[%swap3A, %swap3A_158] {strides = array<i32>} : memref<400x64xf32, #tpu.memory_space<vmem>>, vector<16xf32>,
          tpu.vector_store %arg11[%swap3A, %swap3A_158], %mul3A_157 {strides = array<i32>} : memref<400x64xf32, #tpu.memory_space<vmem>>, vector<16xf32>,
          %get3A_160 = arith.index_cast %add3A_153 : i32 to index
          %get3A_161 = arith.constant 16 : index
          %get3A_162 = tpu.vector_load %arg11[%get3A_160, %get3A_161] {strides = array<i32>} : memref<400x64xf32, #tpu.memory_space<vmem>>, vector<16xf32>,
          %mul3A_163 = arith.mulf %get3A_162, %gather3A : vector<16xf32>
          %swap3A_164 = arith.index_cast %add3A_153 : i32 to index
          %swap3A_165 = arith.constant 16 : index
          %swap3A_166 = tpu.vector_load %arg11[%swap3A_164, %swap3A_165] {strides = array<i32>} : memref<400x64xf32, #tpu.memory_space<vmem>>, vector<16xf32>,
          tpu.vector_store %arg11[%swap3A_164, %swap3A_165], %mul3A_163 {strides = array<i32>} : memref<400x64xf32, #tpu.memory_space<vmem>>, vector<16xf32>,
          %get3A_167 = arith.index_cast %add3A_153 : i32 to index
          %get3A_168 = arith.constant 32 : index
          %get3A_169 = tpu.vector_load %arg11[%get3A_167, %get3A_168] {strides = array<i32>} : memref<400x64xf32, #tpu.memory_space<vmem>>, vector<16xf32>,
          %mul3A_170 = arith.mulf %get3A_169, %gather3A : vector<16xf32>
          %swap3A_171 = arith.index_cast %add3A_153 : i32 to index
          %swap3A_172 = arith.constant 32 : index
          %swap3A_173 = tpu.vector_load %arg11[%swap3A_171, %swap3A_172] {strides = array<i32>} : memref<400x64xf32, #tpu.memory_space<vmem>>, vector<16xf32>,
          tpu.vector_store %arg11[%swap3A_171, %swap3A_172], %mul3A_170 {strides = array<i32>} : memref<400x64xf32, #tpu.memory_space<vmem>>, vector<16xf32>,
          %get3A_174 = arith.index_cast %add3A_153 : i32 to index
          %get3A_175 = arith.constant 48 : index
          %get3A_176 = tpu.vector_load %arg11[%get3A_174, %get3A_175] {strides = array<i32>} : memref<400x64xf32, #tpu.memory_space<vmem>>, vector<16xf32>,
          %mul3A_177 = arith.mulf %get3A_176, %gather3A : vector<16xf32>
          %swap3A_178 = arith.index_cast %add3A_153 : i32 to index
          %swap3A_179 = arith.constant 48 : index
          %swap3A_180 = tpu.vector_load %arg11[%swap3A_178, %swap3A_179] {strides = array<i32>} : memref<400x64xf32, #tpu.memory_space<vmem>>, vector<16xf32>,
          tpu.vector_store %arg11[%swap3A_178, %swap3A_179], %mul3A_177 {strides = array<i32>} : memref<400x64xf32, #tpu.memory_space<vmem>>, vector<16xf32>,
          %mul3A_181 = arith.constant 4 : i32
          %mul3A_182 = arith.muli %scan3A_149, %mul3A_181 : i32
          %add3A_183 = arith.constant 1 : i32
          %add3A_184 = arith.addi %mul3A_182, %add3A_183 : i32
          %broadcast_in_dim3A_185 = vector.broadcast %add3A_184 : i32 to vector<16xi32>
          %broadcast_in_dim3A_186 = vector.broadcast %add3A : i32 to vector<16xi32>
          %gather3A_187 = tpu.vector_load_idx %arg13[%broadcast_in_dim3A_185, %broadcast_in_dim3A_186] : memref<400x8xf32, #tpu.memory_space<vmem>>[vector<16xi32>, vector<16xi32>], vector<16xf32>,
          %get3A_188 = arith.index_cast %add3A_184 : i32 to index
          %get3A_189 = arith.constant 0 : index
          %get3A_190 = tpu.vector_load %arg11[%get3A_188, %get3A_189] {strides = array<i32>} : memref<400x64xf32, #tpu.memory_space<vmem>>, vector<16xf32>,
          %mul3A_191 = arith.mulf %get3A_190, %gather3A_187 : vector<16xf32>
          %swap3A_192 = arith.index_cast %add3A_184 : i32 to index
          %swap3A_193 = arith.constant 0 : index
          %swap3A_194 = tpu.vector_load %arg11[%swap3A_192, %swap3A_193] {strides = array<i32>} : memref<400x64xf32, #tpu.memory_space<vmem>>, vector<16xf32>,
          tpu.vector_store %arg11[%swap3A_192, %swap3A_193], %mul3A_191 {strides = array<i32>} : memref<400x64xf32, #tpu.memory_space<vmem>>, vector<16xf32>,
          %get3A_195 = arith.index_cast %add3A_184 : i32 to index
          %get3A_196 = arith.constant 16 : index
          %get3A_197 = tpu.vector_load %arg11[%get3A_195, %get3A_196] {strides = array<i32>} : memref<400x64xf32, #tpu.memory_space<vmem>>, vector<16xf32>,
          %mul3A_198 = arith.mulf %get3A_197, %gather3A_187 : vector<16xf32>
          %swap3A_199 = arith.index_cast %add3A_184 : i32 to index
          %swap3A_200 = arith.constant 16 : index
          %swap3A_201 = tpu.vector_load %arg11[%swap3A_199, %swap3A_200] {strides = array<i32>} : memref<400x64xf32, #tpu.memory_space<vmem>>, vector<16xf32>,
          tpu.vector_store %arg11[%swap3A_199, %swap3A_200], %mul3A_198 {strides = array<i32>} : memref<400x64xf32, #tpu.memory_space<vmem>>, vector<16xf32>,
          %get3A_202 = arith.index_cast %add3A_184 : i32 to index
          %get3A_203 = arith.constant 32 : index
          %get3A_204 = tpu.vector_load %arg11[%get3A_202, %get3A_203] {strides = array<i32>} : memref<400x64xf32, #tpu.memory_space<vmem>>, vector<16xf32>,
          %mul3A_205 = arith.mulf %get3A_204, %gather3A_187 : vector<16xf32>
          %swap3A_206 = arith.index_cast %add3A_184 : i32 to index
          %swap3A_207 = arith.constant 32 : index
          %swap3A_208 = tpu.vector_load %arg11[%swap3A_206, %swap3A_207] {strides = array<i32>} : memref<400x64xf32, #tpu.memory_space<vmem>>, vector<16xf32>,
          tpu.vector_store %arg11[%swap3A_206, %swap3A_207], %mul3A_205 {strides = array<i32>} : memref<400x64xf32, #tpu.memory_space<vmem>>, vector<16xf32>,
          %get3A_209 = arith.index_cast %add3A_184 : i32 to index
          %get3A_210 = arith.constant 48 : index
          %get3A_211 = tpu.vector_load %arg11[%get3A_209, %get3A_210] {strides = array<i32>} : memref<400x64xf32, #tpu.memory_space<vmem>>, vector<16xf32>,
          %mul3A_212 = arith.mulf %get3A_211, %gather3A_187 : vector<16xf32>
          %swap3A_213 = arith.index_cast %add3A_184 : i32 to index
          %swap3A_214 = arith.constant 48 : index
          %swap3A_215 = tpu.vector_load %arg11[%swap3A_213, %swap3A_214] {strides = array<i32>} : memref<400x64xf32, #tpu.memory_space<vmem>>, vector<16xf32>,
          tpu.vector_store %arg11[%swap3A_213, %swap3A_214], %mul3A_212 {strides = array<i32>} : memref<400x64xf32, #tpu.memory_space<vmem>>, vector<16xf32>,
          %mul3A_216 = arith.constant 4 : i32
          %mul3A_217 = arith.muli %scan3A_149, %mul3A_216 : i32
          %add3A_218 = arith.constant 2 : i32
          %add3A_219 = arith.addi %mul3A_217, %add3A_218 : i32
          %broadcast_in_dim3A_220 = vector.broadcast %add3A_219 : i32 to vector<16xi32>
          %broadcast_in_dim3A_221 = vector.broadcast %add3A : i32 to vector<16xi32>
          %gather3A_222 = tpu.vector_load_idx %arg13[%broadcast_in_dim3A_220, %broadcast_in_dim3A_221] : memref<400x8xf32, #tpu.memory_space<vmem>>[vector<16xi32>, vector<16xi32>], vector<16xf32>,
          %get3A_223 = arith.index_cast %add3A_219 : i32 to index
          %get3A_224 = arith.constant 0 : index
          %get3A_225 = tpu.vector_load %arg11[%get3A_223, %get3A_224] {strides = array<i32>} : memref<400x64xf32, #tpu.memory_space<vmem>>, vector<16xf32>,
          %mul3A_226 = arith.mulf %get3A_225, %gather3A_222 : vector<16xf32>
          %swap3A_227 = arith.index_cast %add3A_219 : i32 to index
          %swap3A_228 = arith.constant 0 : index
          %swap3A_229 = tpu.vector_load %arg11[%swap3A_227, %swap3A_228] {strides = array<i32>} : memref<400x64xf32, #tpu.memory_space<vmem>>, vector<16xf32>,
          tpu.vector_store %arg11[%swap3A_227, %swap3A_228], %mul3A_226 {strides = array<i32>} : memref<400x64xf32, #tpu.memory_space<vmem>>, vector<16xf32>,
          %get3A_230 = arith.index_cast %add3A_219 : i32 to index
          %get3A_231 = arith.constant 16 : index
          %get3A_232 = tpu.vector_load %arg11[%get3A_230, %get3A_231] {strides = array<i32>} : memref<400x64xf32, #tpu.memory_space<vmem>>, vector<16xf32>,
          %mul3A_233 = arith.mulf %get3A_232, %gather3A_222 : vector<16xf32>
          %swap3A_234 = arith.index_cast %add3A_219 : i32 to index
          %swap3A_235 = arith.constant 16 : index
          %swap3A_236 = tpu.vector_load %arg11[%swap3A_234, %swap3A_235] {strides = array<i32>} : memref<400x64xf32, #tpu.memory_space<vmem>>, vector<16xf32>,
          tpu.vector_store %arg11[%swap3A_234, %swap3A_235], %mul3A_233 {strides = array<i32>} : memref<400x64xf32, #tpu.memory_space<vmem>>, vector<16xf32>,
          %get3A_237 = arith.index_cast %add3A_219 : i32 to index
          %get3A_238 = arith.constant 32 : index
          %get3A_239 = tpu.vector_load %arg11[%get3A_237, %get3A_238] {strides = array<i32>} : memref<400x64xf32, #tpu.memory_space<vmem>>, vector<16xf32>,
          %mul3A_240 = arith.mulf %get3A_239, %gather3A_222 : vector<16xf32>
          %swap3A_241 = arith.index_cast %add3A_219 : i32 to index
          %swap3A_242 = arith.constant 32 : index
          %swap3A_243 = tpu.vector_load %arg11[%swap3A_241, %swap3A_242] {strides = array<i32>} : memref<400x64xf32, #tpu.memory_space<vmem>>, vector<16xf32>,
          tpu.vector_store %arg11[%swap3A_241, %swap3A_242], %mul3A_240 {strides = array<i32>} : memref<400x64xf32, #tpu.memory_space<vmem>>, vector<16xf32>,
          %get3A_244 = arith.index_cast %add3A_219 : i32 to index
          %get3A_245 = arith.constant 48 : index
          %get3A_246 = tpu.vector_load %arg11[%get3A_244, %get3A_245] {strides = array<i32>} : memref<400x64xf32, #tpu.memory_space<vmem>>, vector<16xf32>,
          %mul3A_247 = arith.mulf %get3A_246, %gather3A_222 : vector<16xf32>
          %swap3A_248 = arith.index_cast %add3A_219 : i32 to index
          %swap3A_249 = arith.constant 48 : index
          %swap3A_250 = tpu.vector_load %arg11[%swap3A_248, %swap3A_249] {strides = array<i32>} : memref<400x64xf32, #tpu.memory_space<vmem>>, vector<16xf32>,
          tpu.vector_store %arg11[%swap3A_248, %swap3A_249], %mul3A_247 {strides = array<i32>} : memref<400x64xf32, #tpu.memory_space<vmem>>, vector<16xf32>,
          %mul3A_251 = arith.constant 4 : i32
          %mul3A_252 = arith.muli %scan3A_149, %mul3A_251 : i32
          %add3A_253 = arith.constant 3 : i32
          %add3A_254 = arith.addi %mul3A_252, %add3A_253 : i32
          %broadcast_in_dim3A_255 = vector.broadcast %add3A_254 : i32 to vector<16xi32>
          %broadcast_in_dim3A_256 = vector.broadcast %add3A : i32 to vector<16xi32>
          %gather3A_257 = tpu.vector_load_idx %arg13[%broadcast_in_dim3A_255, %broadcast_in_dim3A_256] : memref<400x8xf32, #tpu.memory_space<vmem>>[vector<16xi32>, vector<16xi32>], vector<16xf32>,
          %get3A_258 = arith.index_cast %add3A_254 : i32 to index
          %get3A_259 = arith.constant 0 : index
          %get3A_260 = tpu.vector_load %arg11[%get3A_258, %get3A_259] {strides = array<i32>} : memref<400x64xf32, #tpu.memory_space<vmem>>, vector<16xf32>,
          %mul3A_261 = arith.mulf %get3A_260, %gather3A_257 : vector<16xf32>
          %swap3A_262 = arith.index_cast %add3A_254 : i32 to index
          %swap3A_263 = arith.constant 0 : index
          %swap3A_264 = tpu.vector_load %arg11[%swap3A_262, %swap3A_263] {strides = array<i32>} : memref<400x64xf32, #tpu.memory_space<vmem>>, vector<16xf32>,
          tpu.vector_store %arg11[%swap3A_262, %swap3A_263], %mul3A_261 {strides = array<i32>} : memref<400x64xf32, #tpu.memory_space<vmem>>, vector<16xf32>,
          %get3A_265 = arith.index_cast %add3A_254 : i32 to index
          %get3A_266 = arith.constant 16 : index
          %get3A_267 = tpu.vector_load %arg11[%get3A_265, %get3A_266] {strides = array<i32>} : memref<400x64xf32, #tpu.memory_space<vmem>>, vector<16xf32>,
          %mul3A_268 = arith.mulf %get3A_267, %gather3A_257 : vector<16xf32>
          %swap3A_269 = arith.index_cast %add3A_254 : i32 to index
          %swap3A_270 = arith.constant 16 : index
          %swap3A_271 = tpu.vector_load %arg11[%swap3A_269, %swap3A_270] {strides = array<i32>} : memref<400x64xf32, #tpu.memory_space<vmem>>, vector<16xf32>,
          tpu.vector_store %arg11[%swap3A_269, %swap3A_270], %mul3A_268 {strides = array<i32>} : memref<400x64xf32, #tpu.memory_space<vmem>>, vector<16xf32>,
          %get3A_272 = arith.index_cast %add3A_254 : i32 to index
          %get3A_273 = arith.constant 32 : index
          %get3A_274 = tpu.vector_load %arg11[%get3A_272, %get3A_273] {strides = array<i32>} : memref<400x64xf32, #tpu.memory_space<vmem>>, vector<16xf32>,
          %mul3A_275 = arith.mulf %get3A_274, %gather3A_257 : vector<16xf32>
          %swap3A_276 = arith.index_cast %add3A_254 : i32 to index
          %swap3A_277 = arith.constant 32 : index
          %swap3A_278 = tpu.vector_load %arg11[%swap3A_276, %swap3A_277] {strides = array<i32>} : memref<400x64xf32, #tpu.memory_space<vmem>>, vector<16xf32>,
          tpu.vector_store %arg11[%swap3A_276, %swap3A_277], %mul3A_275 {strides = array<i32>} : memref<400x64xf32, #tpu.memory_space<vmem>>, vector<16xf32>,
          %get3A_279 = arith.index_cast %add3A_254 : i32 to index
          %get3A_280 = arith.constant 48 : index
          %get3A_281 = tpu.vector_load %arg11[%get3A_279, %get3A_280] {strides = array<i32>} : memref<400x64xf32, #tpu.memory_space<vmem>>, vector<16xf32>,
          %mul3A_282 = arith.mulf %get3A_281, %gather3A_257 : vector<16xf32>
          %swap3A_283 = arith.index_cast %add3A_254 : i32 to index
          %swap3A_284 = arith.constant 48 : index
          %swap3A_285 = tpu.vector_load %arg11[%swap3A_283, %swap3A_284] {strides = array<i32>} : memref<400x64xf32, #tpu.memory_space<vmem>>, vector<16xf32>,
          tpu.vector_store %arg11[%swap3A_283, %swap3A_284], %mul3A_282 {strides = array<i32>} : memref<400x64xf32, #tpu.memory_space<vmem>>, vector<16xf32>,
        }
        %scan3A_68 = arith.constant 100 : i32
        %dma_start3A_69 = arith.constant 0 : i32
        %dma_start3A_70 = arith.constant 0 : i32
        %dma_start3A_71 = tpu.memref_slice %arg10[%dma_start3A_69, %dma_start3A_70] : memref<25x400xi32, #tpu.memory_space<vmem>> -> memref<1x400xi32, #tpu.memory_space<vmem>>
        %dma_start3A_72 = tpu.memref_squeeze %dma_start3A_71 : memref<1x400xi32, #tpu.memory_space<vmem>> -> memref<400xi32, #tpu.memory_space<vmem>>
        %dma_start3A_73 = arith.constant 0 : i32
        %dma_start3A_74 = arith.constant 0 : i32
        %dma_start3A_75 = tpu.memref_slice %arg15[%dma_start3A_73, %dma_start3A_74] : memref<10240x64xf32, #tpu.memory_space<vmem_shared>> -> memref<10240x64xf32, #tpu.memory_space<vmem_shared>>
        tpu.enqueue_indirect_dma source(%arg11 : memref<400x64xf32, #tpu.memory_space<vmem>>) target(%dma_start3A_75 : memref<10240x64xf32, #tpu.memory_space<vmem_shared>>) offsets(%dma_start3A_72 : memref<400xi32, #tpu.memory_space<vmem>>) semaphore(%arg18 : memref<!tpu.dma_semaphore, #tpu.memory_space<semaphore_mem>>) {add = true}
        %dma_wait3A_76 = arith.constant 0 : i32
        %dma_wait3A_77 = arith.constant 0 : i32
        %dma_wait3A_78 = tpu.memref_slice %arg6[%dma_wait3A_76, %dma_wait3A_77] : memref<10240x64xf32, #tpu.memory_space<hbm>> -> memref<400x64xf32, #tpu.memory_space<hbm>>
        %dma_wait3A_79 = arith.constant 0 : i32
        %dma_wait3A_80 = arith.constant 0 : i32
        %dma_wait3A_81 = tpu.memref_slice %arg6[%dma_wait3A_79, %dma_wait3A_80] : memref<10240x64xf32, #tpu.memory_space<hbm>> -> memref<400x64xf32, #tpu.memory_space<hbm>>
        tpu.wait_dma2 semaphore(%arg17 : memref<!tpu.dma_semaphore, #tpu.memory_space<semaphore_mem>>) src(%dma_wait3A_81 : memref<400x64xf32, #tpu.memory_space<hbm>>) dst(%arg12 : memref<400x64xf32, #tpu.memory_space<vmem>>)
        %dma_wait3A_82 = arith.constant 0 : i32
        %dma_wait3A_83 = arith.constant 0 : i32
        %dma_wait3A_84 = tpu.memref_slice %arg7[%dma_wait3A_82, %dma_wait3A_83] : memref<10240x8xf32, #tpu.memory_space<hbm>> -> memref<400x8xf32, #tpu.memory_space<hbm>>
        %dma_wait3A_85 = arith.constant 0 : i32
        %dma_wait3A_86 = arith.constant 0 : i32
        %dma_wait3A_87 = tpu.memref_slice %arg7[%dma_wait3A_85, %dma_wait3A_86] : memref<10240x8xf32, #tpu.memory_space<hbm>> -> memref<400x8xf32, #tpu.memory_space<hbm>>
        tpu.wait_dma2 semaphore(%arg17 : memref<!tpu.dma_semaphore, #tpu.memory_space<semaphore_mem>>) src(%dma_wait3A_87 : memref<400x8xf32, #tpu.memory_space<hbm>>) dst(%arg14 : memref<400x8xf32, #tpu.memory_space<vmem>>)
        %dma_wait3A_88 = arith.constant 0 : i32
        %dma_wait3A_89 = arith.constant 0 : i32
        %dma_wait3A_90 = tpu.memref_slice %arg6[%dma_wait3A_88, %dma_wait3A_89] : memref<10240x64xf32, #tpu.memory_space<hbm>> -> memref<400x64xf32, #tpu.memory_space<hbm>>
        %dma_wait3A_91 = arith.constant 0 : i32
        %dma_wait3A_92 = arith.constant 0 : i32
        %dma_wait3A_93 = tpu.memref_slice %arg6[%dma_wait3A_91, %dma_wait3A_92] : memref<10240x64xf32, #tpu.memory_space<hbm>> -> memref<400x64xf32, #tpu.memory_space<hbm>>
        tpu.wait_dma2 semaphore(%arg18 : memref<!tpu.dma_semaphore, #tpu.memory_space<semaphore_mem>>) src(%dma_wait3A_93 : memref<400x64xf32, #tpu.memory_space<hbm>>) dst(%arg11 : memref<400x64xf32, #tpu.memory_space<vmem>>)
        %dma_start3A_94 = arith.constant 2 : i32
        %dma_start3A_95 = arith.constant 0 : i32
        %dma_start3A_96 = tpu.memref_slice %arg9[%dma_start3A_94, %dma_start3A_95] : memref<25x400xi32, #tpu.memory_space<vmem>> -> memref<1x400xi32, #tpu.memory_space<vmem>>
        %dma_start3A_97 = tpu.memref_squeeze %dma_start3A_96 : memref<1x400xi32, #tpu.memory_space<vmem>> -> memref<400xi32, #tpu.memory_space<vmem>>
        %dma_start3A_98 = arith.constant 0 : i32
        %dma_start3A_99 = arith.constant 0 : i32
        %dma_start3A_100 = tpu.memref_slice %arg5[%dma_start3A_98, %dma_start3A_99] : memref<80000x64xf32, #tpu.memory_space<hbm>> -> memref<80000x64xf32, #tpu.memory_space<hbm>>
        tpu.enqueue_indirect_dma source(%dma_start3A_100 : memref<80000x64xf32, #tpu.memory_space<hbm>>) target(%arg11 : memref<400x64xf32, #tpu.memory_space<vmem>>) offsets(%dma_start3A_97 : memref<400xi32, #tpu.memory_space<vmem>>) semaphore(%arg16 : memref<!tpu.dma_semaphore, #tpu.memory_space<semaphore_mem>>)
        %add3A_101 = arith.constant 800 : i32
        %add3A_102 = arith.addi %mul3A_21, %add3A_101 : i32
        %dma_start3A_103 = arith.constant 0 : i32
        %dma_start3A_104 = tpu.memref_slice %arg4[%add3A_102, %dma_start3A_103] : memref<320000x8xf32, #tpu.memory_space<hbm>> -> memref<400x8xf32, #tpu.memory_space<hbm>>
        %dma_start3A_105 = arith.constant 0 : i32
        %dma_start3A_106 = tpu.memref_slice %arg4[%add3A_102, %dma_start3A_105] : memref<320000x8xf32, #tpu.memory_space<hbm>> -> memref<400x8xf32, #tpu.memory_space<hbm>>
        tpu.enqueue_dma source(%dma_start3A_106 : memref<400x8xf32, #tpu.memory_space<hbm>>) target(%arg13 : memref<400x8xf32, #tpu.memory_space<vmem>>) target_semaphore(%arg16 : memref<!tpu.dma_semaphore, #tpu.memory_space<semaphore_mem>>)
        %scan3A_107 = arith.constant 0 : i32
        %scan3A_108 = arith.constant 0 : i32
        %scan3A_109 = arith.constant 100 : i32
        %scan3A_110 = arith.addi %scan3A_108, %scan3A_109 : i32
        %scan3A_111 = arith.constant 1 : i32
        scf.for %scan3A_149 = %scan3A_108 to %scan3A_110 step %scan3A_111  : i32 {
          %mul3A_150 = arith.constant 4 : i32
          %mul3A_151 = arith.muli %scan3A_149, %mul3A_150 : i32
          %add3A_152 = arith.constant 0 : i32
          %add3A_153 = arith.addi %mul3A_151, %add3A_152 : i32
          %broadcast_in_dim3A = vector.broadcast %add3A_153 : i32 to vector<16xi32>
          %broadcast_in_dim3A_154 = vector.broadcast %add3A : i32 to vector<16xi32>
          %gather3A = tpu.vector_load_idx %arg14[%broadcast_in_dim3A, %broadcast_in_dim3A_154] : memref<400x8xf32, #tpu.memory_space<vmem>>[vector<16xi32>, vector<16xi32>], vector<16xf32>,
          %get3A = arith.index_cast %add3A_153 : i32 to index
          %get3A_155 = arith.constant 0 : index
          %get3A_156 = tpu.vector_load %arg12[%get3A, %get3A_155] {strides = array<i32>} : memref<400x64xf32, #tpu.memory_space<vmem>>, vector<16xf32>,
          %mul3A_157 = arith.mulf %get3A_156, %gather3A : vector<16xf32>
          %swap3A = arith.index_cast %add3A_153 : i32 to index
          %swap3A_158 = arith.constant 0 : index
          %swap3A_159 = tpu.vector_load %arg12[%swap3A, %swap3A_158] {strides = array<i32>} : memref<400x64xf32, #tpu.memory_space<vmem>>, vector<16xf32>,
          tpu.vector_store %arg12[%swap3A, %swap3A_158], %mul3A_157 {strides = array<i32>} : memref<400x64xf32, #tpu.memory_space<vmem>>, vector<16xf32>,
          %get3A_160 = arith.index_cast %add3A_153 : i32 to index
          %get3A_161 = arith.constant 16 : index
          %get3A_162 = tpu.vector_load %arg12[%get3A_160, %get3A_161] {strides = array<i32>} : memref<400x64xf32, #tpu.memory_space<vmem>>, vector<16xf32>,
          %mul3A_163 = arith.mulf %get3A_162, %gather3A : vector<16xf32>
          %swap3A_164 = arith.index_cast %add3A_153 : i32 to index
          %swap3A_165 = arith.constant 16 : index
          %swap3A_166 = tpu.vector_load %arg12[%swap3A_164, %swap3A_165] {strides = array<i32>} : memref<400x64xf32, #tpu.memory_space<vmem>>, vector<16xf32>,
          tpu.vector_store %arg12[%swap3A_164, %swap3A_165], %mul3A_163 {strides = array<i32>} : memref<400x64xf32, #tpu.memory_space<vmem>>, vector<16xf32>,
          %get3A_167 = arith.index_cast %add3A_153 : i32 to index
          %get3A_168 = arith.constant 32 : index
          %get3A_169 = tpu.vector_load %arg12[%get3A_167, %get3A_168] {strides = array<i32>} : memref<400x64xf32, #tpu.memory_space<vmem>>, vector<16xf32>,
          %mul3A_170 = arith.mulf %get3A_169, %gather3A : vector<16xf32>
          %swap3A_171 = arith.index_cast %add3A_153 : i32 to index
          %swap3A_172 = arith.constant 32 : index
          %swap3A_173 = tpu.vector_load %arg12[%swap3A_171, %swap3A_172] {strides = array<i32>} : memref<400x64xf32, #tpu.memory_space<vmem>>, vector<16xf32>,
          tpu.vector_store %arg12[%swap3A_171, %swap3A_172], %mul3A_170 {strides = array<i32>} : memref<400x64xf32, #tpu.memory_space<vmem>>, vector<16xf32>,
          %get3A_174 = arith.index_cast %add3A_153 : i32 to index
          %get3A_175 = arith.constant 48 : index
          %get3A_176 = tpu.vector_load %arg12[%get3A_174, %get3A_175] {strides = array<i32>} : memref<400x64xf32, #tpu.memory_space<vmem>>, vector<16xf32>,
          %mul3A_177 = arith.mulf %get3A_176, %gather3A : vector<16xf32>
          %swap3A_178 = arith.index_cast %add3A_153 : i32 to index
          %swap3A_179 = arith.constant 48 : index
          %swap3A_180 = tpu.vector_load %arg12[%swap3A_178, %swap3A_179] {strides = array<i32>} : memref<400x64xf32, #tpu.memory_space<vmem>>, vector<16xf32>,
          tpu.vector_store %arg12[%swap3A_178, %swap3A_179], %mul3A_177 {strides = array<i32>} : memref<400x64xf32, #tpu.memory_space<vmem>>, vector<16xf32>,
          %mul3A_181 = arith.constant 4 : i32
          %mul3A_182 = arith.muli %scan3A_149, %mul3A_181 : i32
          %add3A_183 = arith.constant 1 : i32
          %add3A_184 = arith.addi %mul3A_182, %add3A_183 : i32
          %broadcast_in_dim3A_185 = vector.broadcast %add3A_184 : i32 to vector<16xi32>
          %broadcast_in_dim3A_186 = vector.broadcast %add3A : i32 to vector<16xi32>
          %gather3A_187 = tpu.vector_load_idx %arg14[%broadcast_in_dim3A_185, %broadcast_in_dim3A_186] : memref<400x8xf32, #tpu.memory_space<vmem>>[vector<16xi32>, vector<16xi32>], vector<16xf32>,
          %get3A_188 = arith.index_cast %add3A_184 : i32 to index
          %get3A_189 = arith.constant 0 : index
          %get3A_190 = tpu.vector_load %arg12[%get3A_188, %get3A_189] {strides = array<i32>} : memref<400x64xf32, #tpu.memory_space<vmem>>, vector<16xf32>,
          %mul3A_191 = arith.mulf %get3A_190, %gather3A_187 : vector<16xf32>
          %swap3A_192 = arith.index_cast %add3A_184 : i32 to index
          %swap3A_193 = arith.constant 0 : index
          %swap3A_194 = tpu.vector_load %arg12[%swap3A_192, %swap3A_193] {strides = array<i32>} : memref<400x64xf32, #tpu.memory_space<vmem>>, vector<16xf32>,
          tpu.vector_store %arg12[%swap3A_192, %swap3A_193], %mul3A_191 {strides = array<i32>} : memref<400x64xf32, #tpu.memory_space<vmem>>, vector<16xf32>,
          %get3A_195 = arith.index_cast %add3A_184 : i32 to index
          %get3A_196 = arith.constant 16 : index
          %get3A_197 = tpu.vector_load %arg12[%get3A_195, %get3A_196] {strides = array<i32>} : memref<400x64xf32, #tpu.memory_space<vmem>>, vector<16xf32>,
          %mul3A_198 = arith.mulf %get3A_197, %gather3A_187 : vector<16xf32>
          %swap3A_199 = arith.index_cast %add3A_184 : i32 to index
          %swap3A_200 = arith.constant 16 : index
          %swap3A_201 = tpu.vector_load %arg12[%swap3A_199, %swap3A_200] {strides = array<i32>} : memref<400x64xf32, #tpu.memory_space<vmem>>, vector<16xf32>,
          tpu.vector_store %arg12[%swap3A_199, %swap3A_200], %mul3A_198 {strides = array<i32>} : memref<400x64xf32, #tpu.memory_space<vmem>>, vector<16xf32>,
          %get3A_202 = arith.index_cast %add3A_184 : i32 to index
          %get3A_203 = arith.constant 32 : index
          %get3A_204 = tpu.vector_load %arg12[%get3A_202, %get3A_203] {strides = array<i32>} : memref<400x64xf32, #tpu.memory_space<vmem>>, vector<16xf32>,
          %mul3A_205 = arith.mulf %get3A_204, %gather3A_187 : vector<16xf32>
          %swap3A_206 = arith.index_cast %add3A_184 : i32 to index
          %swap3A_207 = arith.constant 32 : index
          %swap3A_208 = tpu.vector_load %arg12[%swap3A_206, %swap3A_207] {strides = array<i32>} : memref<400x64xf32, #tpu.memory_space<vmem>>, vector<16xf32>,
          tpu.vector_store %arg12[%swap3A_206, %swap3A_207], %mul3A_205 {strides = array<i32>} : memref<400x64xf32, #tpu.memory_space<vmem>>, vector<16xf32>,
          %get3A_209 = arith.index_cast %add3A_184 : i32 to index
          %get3A_210 = arith.constant 48 : index
          %get3A_211 = tpu.vector_load %arg12[%get3A_209, %get3A_210] {strides = array<i32>} : memref<400x64xf32, #tpu.memory_space<vmem>>, vector<16xf32>,
          %mul3A_212 = arith.mulf %get3A_211, %gather3A_187 : vector<16xf32>
          %swap3A_213 = arith.index_cast %add3A_184 : i32 to index
          %swap3A_214 = arith.constant 48 : index
          %swap3A_215 = tpu.vector_load %arg12[%swap3A_213, %swap3A_214] {strides = array<i32>} : memref<400x64xf32, #tpu.memory_space<vmem>>, vector<16xf32>,
          tpu.vector_store %arg12[%swap3A_213, %swap3A_214], %mul3A_212 {strides = array<i32>} : memref<400x64xf32, #tpu.memory_space<vmem>>, vector<16xf32>,
          %mul3A_216 = arith.constant 4 : i32
          %mul3A_217 = arith.muli %scan3A_149, %mul3A_216 : i32
          %add3A_218 = arith.constant 2 : i32
          %add3A_219 = arith.addi %mul3A_217, %add3A_218 : i32
          %broadcast_in_dim3A_220 = vector.broadcast %add3A_219 : i32 to vector<16xi32>
          %broadcast_in_dim3A_221 = vector.broadcast %add3A : i32 to vector<16xi32>
          %gather3A_222 = tpu.vector_load_idx %arg14[%broadcast_in_dim3A_220, %broadcast_in_dim3A_221] : memref<400x8xf32, #tpu.memory_space<vmem>>[vector<16xi32>, vector<16xi32>], vector<16xf32>,
          %get3A_223 = arith.index_cast %add3A_219 : i32 to index
          %get3A_224 = arith.constant 0 : index
          %get3A_225 = tpu.vector_load %arg12[%get3A_223, %get3A_224] {strides = array<i32>} : memref<400x64xf32, #tpu.memory_space<vmem>>, vector<16xf32>,
          %mul3A_226 = arith.mulf %get3A_225, %gather3A_222 : vector<16xf32>
          %swap3A_227 = arith.index_cast %add3A_219 : i32 to index
          %swap3A_228 = arith.constant 0 : index
          %swap3A_229 = tpu.vector_load %arg12[%swap3A_227, %swap3A_228] {strides = array<i32>} : memref<400x64xf32, #tpu.memory_space<vmem>>, vector<16xf32>,
          tpu.vector_store %arg12[%swap3A_227, %swap3A_228], %mul3A_226 {strides = array<i32>} : memref<400x64xf32, #tpu.memory_space<vmem>>, vector<16xf32>,
          %get3A_230 = arith.index_cast %add3A_219 : i32 to index
          %get3A_231 = arith.constant 16 : index
          %get3A_232 = tpu.vector_load %arg12[%get3A_230, %get3A_231] {strides = array<i32>} : memref<400x64xf32, #tpu.memory_space<vmem>>, vector<16xf32>,
          %mul3A_233 = arith.mulf %get3A_232, %gather3A_222 : vector<16xf32>
          %swap3A_234 = arith.index_cast %add3A_219 : i32 to index
          %swap3A_235 = arith.constant 16 : index
          %swap3A_236 = tpu.vector_load %arg12[%swap3A_234, %swap3A_235] {strides = array<i32>} : memref<400x64xf32, #tpu.memory_space<vmem>>, vector<16xf32>,
          tpu.vector_store %arg12[%swap3A_234, %swap3A_235], %mul3A_233 {strides = array<i32>} : memref<400x64xf32, #tpu.memory_space<vmem>>, vector<16xf32>,
          %get3A_237 = arith.index_cast %add3A_219 : i32 to index
          %get3A_238 = arith.constant 32 : index
          %get3A_239 = tpu.vector_load %arg12[%get3A_237, %get3A_238] {strides = array<i32>} : memref<400x64xf32, #tpu.memory_space<vmem>>, vector<16xf32>,
          %mul3A_240 = arith.mulf %get3A_239, %gather3A_222 : vector<16xf32>
          %swap3A_241 = arith.index_cast %add3A_219 : i32 to index
          %swap3A_242 = arith.constant 32 : index
          %swap3A_243 = tpu.vector_load %arg12[%swap3A_241, %swap3A_242] {strides = array<i32>} : memref<400x64xf32, #tpu.memory_space<vmem>>, vector<16xf32>,
          tpu.vector_store %arg12[%swap3A_241, %swap3A_242], %mul3A_240 {strides = array<i32>} : memref<400x64xf32, #tpu.memory_space<vmem>>, vector<16xf32>,
          %get3A_244 = arith.index_cast %add3A_219 : i32 to index
          %get3A_245 = arith.constant 48 : index
          %get3A_246 = tpu.vector_load %arg12[%get3A_244, %get3A_245] {strides = array<i32>} : memref<400x64xf32, #tpu.memory_space<vmem>>, vector<16xf32>,
          %mul3A_247 = arith.mulf %get3A_246, %gather3A_222 : vector<16xf32>
          %swap3A_248 = arith.index_cast %add3A_219 : i32 to index
          %swap3A_249 = arith.constant 48 : index
          %swap3A_250 = tpu.vector_load %arg12[%swap3A_248, %swap3A_249] {strides = array<i32>} : memref<400x64xf32, #tpu.memory_space<vmem>>, vector<16xf32>,
          tpu.vector_store %arg12[%swap3A_248, %swap3A_249], %mul3A_247 {strides = array<i32>} : memref<400x64xf32, #tpu.memory_space<vmem>>, vector<16xf32>,
          %mul3A_251 = arith.constant 4 : i32
          %mul3A_252 = arith.muli %scan3A_149, %mul3A_251 : i32
          %add3A_253 = arith.constant 3 : i32
          %add3A_254 = arith.addi %mul3A_252, %add3A_253 : i32
          %broadcast_in_dim3A_255 = vector.broadcast %add3A_254 : i32 to vector<16xi32>
          %broadcast_in_dim3A_256 = vector.broadcast %add3A : i32 to vector<16xi32>
          %gather3A_257 = tpu.vector_load_idx %arg14[%broadcast_in_dim3A_255, %broadcast_in_dim3A_256] : memref<400x8xf32, #tpu.memory_space<vmem>>[vector<16xi32>, vector<16xi32>], vector<16xf32>,
          %get3A_258 = arith.index_cast %add3A_254 : i32 to index
          %get3A_259 = arith.constant 0 : index
          %get3A_260 = tpu.vector_load %arg12[%get3A_258, %get3A_259] {strides = array<i32>} : memref<400x64xf32, #tpu.memory_space<vmem>>, vector<16xf32>,
          %mul3A_261 = arith.mulf %get3A_260, %gather3A_257 : vector<16xf32>
          %swap3A_262 = arith.index_cast %add3A_254 : i32 to index
          %swap3A_263 = arith.constant 0 : index
          %swap3A_264 = tpu.vector_load %arg12[%swap3A_262, %swap3A_263] {strides = array<i32>} : memref<400x64xf32, #tpu.memory_space<vmem>>, vector<16xf32>,
          tpu.vector_store %arg12[%swap3A_262, %swap3A_263], %mul3A_261 {strides = array<i32>} : memref<400x64xf32, #tpu.memory_space<vmem>>, vector<16xf32>,
          %get3A_265 = arith.index_cast %add3A_254 : i32 to index
          %get3A_266 = arith.constant 16 : index
          %get3A_267 = tpu.vector_load %arg12[%get3A_265, %get3A_266] {strides = array<i32>} : memref<400x64xf32, #tpu.memory_space<vmem>>, vector<16xf32>,
          %mul3A_268 = arith.mulf %get3A_267, %gather3A_257 : vector<16xf32>
          %swap3A_269 = arith.index_cast %add3A_254 : i32 to index
          %swap3A_270 = arith.constant 16 : index
          %swap3A_271 = tpu.vector_load %arg12[%swap3A_269, %swap3A_270] {strides = array<i32>} : memref<400x64xf32, #tpu.memory_space<vmem>>, vector<16xf32>,
          tpu.vector_store %arg12[%swap3A_269, %swap3A_270], %mul3A_268 {strides = array<i32>} : memref<400x64xf32, #tpu.memory_space<vmem>>, vector<16xf32>,
          %get3A_272 = arith.index_cast %add3A_254 : i32 to index
          %get3A_273 = arith.constant 32 : index
          %get3A_274 = tpu.vector_load %arg12[%get3A_272, %get3A_273] {strides = array<i32>} : memref<400x64xf32, #tpu.memory_space<vmem>>, vector<16xf32>,
          %mul3A_275 = arith.mulf %get3A_274, %gather3A_257 : vector<16xf32>
          %swap3A_276 = arith.index_cast %add3A_254 : i32 to index
          %swap3A_277 = arith.constant 32 : index
          %swap3A_278 = tpu.vector_load %arg12[%swap3A_276, %swap3A_277] {strides = array<i32>} : memref<400x64xf32, #tpu.memory_space<vmem>>, vector<16xf32>,
          tpu.vector_store %arg12[%swap3A_276, %swap3A_277], %mul3A_275 {strides = array<i32>} : memref<400x64xf32, #tpu.memory_space<vmem>>, vector<16xf32>,
          %get3A_279 = arith.index_cast %add3A_254 : i32 to index
          %get3A_280 = arith.constant 48 : index
          %get3A_281 = tpu.vector_load %arg12[%get3A_279, %get3A_280] {strides = array<i32>} : memref<400x64xf32, #tpu.memory_space<vmem>>, vector<16xf32>,
          %mul3A_282 = arith.mulf %get3A_281, %gather3A_257 : vector<16xf32>
          %swap3A_283 = arith.index_cast %add3A_254 : i32 to index
          %swap3A_284 = arith.constant 48 : index
          %swap3A_285 = tpu.vector_load %arg12[%swap3A_283, %swap3A_284] {strides = array<i32>} : memref<400x64xf32, #tpu.memory_space<vmem>>, vector<16xf32>,
          tpu.vector_store %arg12[%swap3A_283, %swap3A_284], %mul3A_282 {strides = array<i32>} : memref<400x64xf32, #tpu.memory_space<vmem>>, vector<16xf32>,
        }
        %scan3A_112 = arith.constant 100 : i32
        %dma_start3A_113 = arith.constant 1 : i32
        %dma_start3A_114 = arith.constant 0 : i32
        %dma_start3A_115 = tpu.memref_slice %arg10[%dma_start3A_113, %dma_start3A_114] : memref<25x400xi32, #tpu.memory_space<vmem>> -> memref<1x400xi32, #tpu.memory_space<vmem>>
        %dma_start3A_116 = tpu.memref_squeeze %dma_start3A_115 : memref<1x400xi32, #tpu.memory_space<vmem>> -> memref<400xi32, #tpu.memory_space<vmem>>
        %dma_start3A_117 = arith.constant 0 : i32
        %dma_start3A_118 = arith.constant 0 : i32
        %dma_start3A_119 = tpu.memref_slice %arg15[%dma_start3A_117, %dma_start3A_118] : memref<10240x64xf32, #tpu.memory_space<vmem_shared>> -> memref<10240x64xf32, #tpu.memory_space<vmem_shared>>
        tpu.enqueue_indirect_dma source(%arg12 : memref<400x64xf32, #tpu.memory_space<vmem>>) target(%dma_start3A_119 : memref<10240x64xf32, #tpu.memory_space<vmem_shared>>) offsets(%dma_start3A_116 : memref<400xi32, #tpu.memory_space<vmem>>) semaphore(%arg19 : memref<!tpu.dma_semaphore, #tpu.memory_space<semaphore_mem>>) {add = true}
        %scan3A_120 = arith.constant 0 : i32
        %scan3A_121 = arith.constant 11 : i32
        %scan3A_122 = arith.addi %scan3A_120, %scan3A_121 : i32
        %scan3A_123 = arith.constant 1 : i32
        scf.for %scan3A_149 = %scan3A_120 to %scan3A_122 step %scan3A_123  : i32 {
          %mul3A_150 = arith.constant 2 : i32
          %mul3A_151 = arith.muli %mul3A_150, %scan3A_149 : i32
          %add3A_152 = arith.constant 2 : i32
          %add3A_153 = arith.addi %mul3A_151, %add3A_152 : i32
          %dma_wait3A_154 = arith.constant 0 : i32
          %dma_wait3A_155 = arith.constant 0 : i32
          %dma_wait3A_156 = tpu.memref_slice %arg6[%dma_wait3A_154, %dma_wait3A_155] : memref<10240x64xf32, #tpu.memory_space<hbm>> -> memref<400x64xf32, #tpu.memory_space<hbm>>
          %dma_wait3A_157 = arith.constant 0 : i32
          %dma_wait3A_158 = arith.constant 0 : i32
          %dma_wait3A_159 = tpu.memref_slice %arg6[%dma_wait3A_157, %dma_wait3A_158] : memref<10240x64xf32, #tpu.memory_space<hbm>> -> memref<400x64xf32, #tpu.memory_space<hbm>>
          tpu.wait_dma2 semaphore(%arg16 : memref<!tpu.dma_semaphore, #tpu.memory_space<semaphore_mem>>) src(%dma_wait3A_159 : memref<400x64xf32, #tpu.memory_space<hbm>>) dst(%arg11 : memref<400x64xf32, #tpu.memory_space<vmem>>)
          %dma_wait3A_160 = arith.constant 0 : i32
          %dma_wait3A_161 = arith.constant 0 : i32
          %dma_wait3A_162 = tpu.memref_slice %arg7[%dma_wait3A_160, %dma_wait3A_161] : memref<10240x8xf32, #tpu.memory_space<hbm>> -> memref<400x8xf32, #tpu.memory_space<hbm>>
          %dma_wait3A_163 = arith.constant 0 : i32
          %dma_wait3A_164 = arith.constant 0 : i32
          %dma_wait3A_165 = tpu.memref_slice %arg7[%dma_wait3A_163, %dma_wait3A_164] : memref<10240x8xf32, #tpu.memory_space<hbm>> -> memref<400x8xf32, #tpu.memory_space<hbm>>
          tpu.wait_dma2 semaphore(%arg16 : memref<!tpu.dma_semaphore, #tpu.memory_space<semaphore_mem>>) src(%dma_wait3A_165 : memref<400x8xf32, #tpu.memory_space<hbm>>) dst(%arg13 : memref<400x8xf32, #tpu.memory_space<vmem>>)
          %dma_wait3A_166 = arith.constant 0 : i32
          %dma_wait3A_167 = arith.constant 0 : i32
          %dma_wait3A_168 = tpu.memref_slice %arg6[%dma_wait3A_166, %dma_wait3A_167] : memref<10240x64xf32, #tpu.memory_space<hbm>> -> memref<400x64xf32, #tpu.memory_space<hbm>>
          %dma_wait3A_169 = arith.constant 0 : i32
          %dma_wait3A_170 = arith.constant 0 : i32
          %dma_wait3A_171 = tpu.memref_slice %arg6[%dma_wait3A_169, %dma_wait3A_170] : memref<10240x64xf32, #tpu.memory_space<hbm>> -> memref<400x64xf32, #tpu.memory_space<hbm>>
          tpu.wait_dma2 semaphore(%arg19 : memref<!tpu.dma_semaphore, #tpu.memory_space<semaphore_mem>>) src(%dma_wait3A_171 : memref<400x64xf32, #tpu.memory_space<hbm>>) dst(%arg12 : memref<400x64xf32, #tpu.memory_space<vmem>>)
          %add3A_172 = arith.constant 1 : i32
          %add3A_173 = arith.addi %add3A_153, %add3A_172 : i32
          %dma_start3A_174 = arith.constant 0 : i32
          %dma_start3A_175 = tpu.memref_slice %arg9[%add3A_173, %dma_start3A_174] : memref<25x400xi32, #tpu.memory_space<vmem>> -> memref<1x400xi32, #tpu.memory_space<vmem>>
          %dma_start3A_176 = tpu.memref_squeeze %dma_start3A_175 : memref<1x400xi32, #tpu.memory_space<vmem>> -> memref<400xi32, #tpu.memory_space<vmem>>
          %dma_start3A_177 = arith.constant 0 : i32
          %dma_start3A_178 = arith.constant 0 : i32
          %dma_start3A_179 = tpu.memref_slice %arg5[%dma_start3A_177, %dma_start3A_178] : memref<80000x64xf32, #tpu.memory_space<hbm>> -> memref<80000x64xf32, #tpu.memory_space<hbm>>
          tpu.enqueue_indirect_dma source(%dma_start3A_179 : memref<80000x64xf32, #tpu.memory_space<hbm>>) target(%arg12 : memref<400x64xf32, #tpu.memory_space<vmem>>) offsets(%dma_start3A_176 : memref<400xi32, #tpu.memory_space<vmem>>) semaphore(%arg17 : memref<!tpu.dma_semaphore, #tpu.memory_space<semaphore_mem>>)
          %mul3A_180 = arith.constant 400 : i32
          %mul3A_181 = arith.muli %add3A_173, %mul3A_180 : i32
          %add3A_182 = arith.addi %mul3A_21, %mul3A_181 : i32
          %dma_start3A_183 = arith.constant 0 : i32
          %dma_start3A_184 = tpu.memref_slice %arg4[%add3A_182, %dma_start3A_183] : memref<320000x8xf32, #tpu.memory_space<hbm>> -> memref<400x8xf32, #tpu.memory_space<hbm>>
          %dma_start3A_185 = arith.constant 0 : i32
          %dma_start3A_186 = tpu.memref_slice %arg4[%add3A_182, %dma_start3A_185] : memref<320000x8xf32, #tpu.memory_space<hbm>> -> memref<400x8xf32, #tpu.memory_space<hbm>>
          tpu.enqueue_dma source(%dma_start3A_186 : memref<400x8xf32, #tpu.memory_space<hbm>>) target(%arg14 : memref<400x8xf32, #tpu.memory_space<vmem>>) target_semaphore(%arg17 : memref<!tpu.dma_semaphore, #tpu.memory_space<semaphore_mem>>)
          %scan3A_187 = arith.constant 0 : i32
          %scan3A_188 = arith.constant 0 : i32
          %scan3A_189 = arith.constant 100 : i32
          %scan3A_190 = arith.addi %scan3A_188, %scan3A_189 : i32
          %scan3A_191 = arith.constant 1 : i32
          scf.for %scan3A_246 = %scan3A_188 to %scan3A_190 step %scan3A_191  : i32 {
            %mul3A_247 = arith.constant 4 : i32
            %mul3A_248 = arith.muli %scan3A_246, %mul3A_247 : i32
            %add3A_249 = arith.constant 0 : i32
            %add3A_250 = arith.addi %mul3A_248, %add3A_249 : i32
            %broadcast_in_dim3A = vector.broadcast %add3A_250 : i32 to vector<16xi32>
            %broadcast_in_dim3A_251 = vector.broadcast %add3A : i32 to vector<16xi32>
            %gather3A = tpu.vector_load_idx %arg13[%broadcast_in_dim3A, %broadcast_in_dim3A_251] : memref<400x8xf32, #tpu.memory_space<vmem>>[vector<16xi32>, vector<16xi32>], vector<16xf32>,
            %get3A = arith.index_cast %add3A_250 : i32 to index
            %get3A_252 = arith.constant 0 : index
            %get3A_253 = tpu.vector_load %arg11[%get3A, %get3A_252] {strides = array<i32>} : memref<400x64xf32, #tpu.memory_space<vmem>>, vector<16xf32>,
            %mul3A_254 = arith.mulf %get3A_253, %gather3A : vector<16xf32>
            %swap3A = arith.index_cast %add3A_250 : i32 to index
            %swap3A_255 = arith.constant 0 : index
            %swap3A_256 = tpu.vector_load %arg11[%swap3A, %swap3A_255] {strides = array<i32>} : memref<400x64xf32, #tpu.memory_space<vmem>>, vector<16xf32>,
            tpu.vector_store %arg11[%swap3A, %swap3A_255], %mul3A_254 {strides = array<i32>} : memref<400x64xf32, #tpu.memory_space<vmem>>, vector<16xf32>,
            %get3A_257 = arith.index_cast %add3A_250 : i32 to index
            %get3A_258 = arith.constant 16 : index
            %get3A_259 = tpu.vector_load %arg11[%get3A_257, %get3A_258] {strides = array<i32>} : memref<400x64xf32, #tpu.memory_space<vmem>>, vector<16xf32>,
            %mul3A_260 = arith.mulf %get3A_259, %gather3A : vector<16xf32>
            %swap3A_261 = arith.index_cast %add3A_250 : i32 to index
            %swap3A_262 = arith.constant 16 : index
            %swap3A_263 = tpu.vector_load %arg11[%swap3A_261, %swap3A_262] {strides = array<i32>} : memref<400x64xf32, #tpu.memory_space<vmem>>, vector<16xf32>,
            tpu.vector_store %arg11[%swap3A_261, %swap3A_262], %mul3A_260 {strides = array<i32>} : memref<400x64xf32, #tpu.memory_space<vmem>>, vector<16xf32>,
            %get3A_264 = arith.index_cast %add3A_250 : i32 to index
            %get3A_265 = arith.constant 32 : index
            %get3A_266 = tpu.vector_load %arg11[%get3A_264, %get3A_265] {strides = array<i32>} : memref<400x64xf32, #tpu.memory_space<vmem>>, vector<16xf32>,
            %mul3A_267 = arith.mulf %get3A_266, %gather3A : vector<16xf32>
            %swap3A_268 = arith.index_cast %add3A_250 : i32 to index
            %swap3A_269 = arith.constant 32 : index
            %swap3A_270 = tpu.vector_load %arg11[%swap3A_268, %swap3A_269] {strides = array<i32>} : memref<400x64xf32, #tpu.memory_space<vmem>>, vector<16xf32>,
            tpu.vector_store %arg11[%swap3A_268, %swap3A_269], %mul3A_267 {strides = array<i32>} : memref<400x64xf32, #tpu.memory_space<vmem>>, vector<16xf32>,
            %get3A_271 = arith.index_cast %add3A_250 : i32 to index
            %get3A_272 = arith.constant 48 : index
            %get3A_273 = tpu.vector_load %arg11[%get3A_271, %get3A_272] {strides = array<i32>} : memref<400x64xf32, #tpu.memory_space<vmem>>, vector<16xf32>,
            %mul3A_274 = arith.mulf %get3A_273, %gather3A : vector<16xf32>
            %swap3A_275 = arith.index_cast %add3A_250 : i32 to index
            %swap3A_276 = arith.constant 48 : index
            %swap3A_277 = tpu.vector_load %arg11[%swap3A_275, %swap3A_276] {strides = array<i32>} : memref<400x64xf32, #tpu.memory_space<vmem>>, vector<16xf32>,
            tpu.vector_store %arg11[%swap3A_275, %swap3A_276], %mul3A_274 {strides = array<i32>} : memref<400x64xf32, #tpu.memory_space<vmem>>, vector<16xf32>,
            %mul3A_278 = arith.constant 4 : i32
            %mul3A_279 = arith.muli %scan3A_246, %mul3A_278 : i32
            %add3A_280 = arith.constant 1 : i32
            %add3A_281 = arith.addi %mul3A_279, %add3A_280 : i32
            %broadcast_in_dim3A_282 = vector.broadcast %add3A_281 : i32 to vector<16xi32>
            %broadcast_in_dim3A_283 = vector.broadcast %add3A : i32 to vector<16xi32>
            %gather3A_284 = tpu.vector_load_idx %arg13[%broadcast_in_dim3A_282, %broadcast_in_dim3A_283] : memref<400x8xf32, #tpu.memory_space<vmem>>[vector<16xi32>, vector<16xi32>], vector<16xf32>,
            %get3A_285 = arith.index_cast %add3A_281 : i32 to index
            %get3A_286 = arith.constant 0 : index
            %get3A_287 = tpu.vector_load %arg11[%get3A_285, %get3A_286] {strides = array<i32>} : memref<400x64xf32, #tpu.memory_space<vmem>>, vector<16xf32>,
            %mul3A_288 = arith.mulf %get3A_287, %gather3A_284 : vector<16xf32>
            %swap3A_289 = arith.index_cast %add3A_281 : i32 to index
            %swap3A_290 = arith.constant 0 : index
            %swap3A_291 = tpu.vector_load %arg11[%swap3A_289, %swap3A_290] {strides = array<i32>} : memref<400x64xf32, #tpu.memory_space<vmem>>, vector<16xf32>,
            tpu.vector_store %arg11[%swap3A_289, %swap3A_290], %mul3A_288 {strides = array<i32>} : memref<400x64xf32, #tpu.memory_space<vmem>>, vector<16xf32>,
            %get3A_292 = arith.index_cast %add3A_281 : i32 to index
            %get3A_293 = arith.constant 16 : index
            %get3A_294 = tpu.vector_load %arg11[%get3A_292, %get3A_293] {strides = array<i32>} : memref<400x64xf32, #tpu.memory_space<vmem>>, vector<16xf32>,
            %mul3A_295 = arith.mulf %get3A_294, %gather3A_284 : vector<16xf32>
            %swap3A_296 = arith.index_cast %add3A_281 : i32 to index
            %swap3A_297 = arith.constant 16 : index
            %swap3A_298 = tpu.vector_load %arg11[%swap3A_296, %swap3A_297] {strides = array<i32>} : memref<400x64xf32, #tpu.memory_space<vmem>>, vector<16xf32>,
            tpu.vector_store %arg11[%swap3A_296, %swap3A_297], %mul3A_295 {strides = array<i32>} : memref<400x64xf32, #tpu.memory_space<vmem>>, vector<16xf32>,
            %get3A_299 = arith.index_cast %add3A_281 : i32 to index
            %get3A_300 = arith.constant 32 : index
            %get3A_301 = tpu.vector_load %arg11[%get3A_299, %get3A_300] {strides = array<i32>} : memref<400x64xf32, #tpu.memory_space<vmem>>, vector<16xf32>,
            %mul3A_302 = arith.mulf %get3A_301, %gather3A_284 : vector<16xf32>
            %swap3A_303 = arith.index_cast %add3A_281 : i32 to index
            %swap3A_304 = arith.constant 32 : index
            %swap3A_305 = tpu.vector_load %arg11[%swap3A_303, %swap3A_304] {strides = array<i32>} : memref<400x64xf32, #tpu.memory_space<vmem>>, vector<16xf32>,
            tpu.vector_store %arg11[%swap3A_303, %swap3A_304], %mul3A_302 {strides = array<i32>} : memref<400x64xf32, #tpu.memory_space<vmem>>, vector<16xf32>,
            %get3A_306 = arith.index_cast %add3A_281 : i32 to index
            %get3A_307 = arith.constant 48 : index
            %get3A_308 = tpu.vector_load %arg11[%get3A_306, %get3A_307] {strides = array<i32>} : memref<400x64xf32, #tpu.memory_space<vmem>>, vector<16xf32>,
            %mul3A_309 = arith.mulf %get3A_308, %gather3A_284 : vector<16xf32>
            %swap3A_310 = arith.index_cast %add3A_281 : i32 to index
            %swap3A_311 = arith.constant 48 : index
            %swap3A_312 = tpu.vector_load %arg11[%swap3A_310, %swap3A_311] {strides = array<i32>} : memref<400x64xf32, #tpu.memory_space<vmem>>, vector<16xf32>,
            tpu.vector_store %arg11[%swap3A_310, %swap3A_311], %mul3A_309 {strides = array<i32>} : memref<400x64xf32, #tpu.memory_space<vmem>>, vector<16xf32>,
            %mul3A_313 = arith.constant 4 : i32
            %mul3A_314 = arith.muli %scan3A_246, %mul3A_313 : i32
            %add3A_315 = arith.constant 2 : i32
            %add3A_316 = arith.addi %mul3A_314, %add3A_315 : i32
            %broadcast_in_dim3A_317 = vector.broadcast %add3A_316 : i32 to vector<16xi32>
            %broadcast_in_dim3A_318 = vector.broadcast %add3A : i32 to vector<16xi32>
            %gather3A_319 = tpu.vector_load_idx %arg13[%broadcast_in_dim3A_317, %broadcast_in_dim3A_318] : memref<400x8xf32, #tpu.memory_space<vmem>>[vector<16xi32>, vector<16xi32>], vector<16xf32>,
            %get3A_320 = arith.index_cast %add3A_316 : i32 to index
            %get3A_321 = arith.constant 0 : index
            %get3A_322 = tpu.vector_load %arg11[%get3A_320, %get3A_321] {strides = array<i32>} : memref<400x64xf32, #tpu.memory_space<vmem>>, vector<16xf32>,
            %mul3A_323 = arith.mulf %get3A_322, %gather3A_319 : vector<16xf32>
            %swap3A_324 = arith.index_cast %add3A_316 : i32 to index
            %swap3A_325 = arith.constant 0 : index
            %swap3A_326 = tpu.vector_load %arg11[%swap3A_324, %swap3A_325] {strides = array<i32>} : memref<400x64xf32, #tpu.memory_space<vmem>>, vector<16xf32>,
            tpu.vector_store %arg11[%swap3A_324, %swap3A_325], %mul3A_323 {strides = array<i32>} : memref<400x64xf32, #tpu.memory_space<vmem>>, vector<16xf32>,
            %get3A_327 = arith.index_cast %add3A_316 : i32 to index
            %get3A_328 = arith.constant 16 : index
            %get3A_329 = tpu.vector_load %arg11[%get3A_327, %get3A_328] {strides = array<i32>} : memref<400x64xf32, #tpu.memory_space<vmem>>, vector<16xf32>,
            %mul3A_330 = arith.mulf %get3A_329, %gather3A_319 : vector<16xf32>
            %swap3A_331 = arith.index_cast %add3A_316 : i32 to index
            %swap3A_332 = arith.constant 16 : index
            %swap3A_333 = tpu.vector_load %arg11[%swap3A_331, %swap3A_332] {strides = array<i32>} : memref<400x64xf32, #tpu.memory_space<vmem>>, vector<16xf32>,
            tpu.vector_store %arg11[%swap3A_331, %swap3A_332], %mul3A_330 {strides = array<i32>} : memref<400x64xf32, #tpu.memory_space<vmem>>, vector<16xf32>,
            %get3A_334 = arith.index_cast %add3A_316 : i32 to index
            %get3A_335 = arith.constant 32 : index
            %get3A_336 = tpu.vector_load %arg11[%get3A_334, %get3A_335] {strides = array<i32>} : memref<400x64xf32, #tpu.memory_space<vmem>>, vector<16xf32>,
            %mul3A_337 = arith.mulf %get3A_336, %gather3A_319 : vector<16xf32>
            %swap3A_338 = arith.index_cast %add3A_316 : i32 to index
            %swap3A_339 = arith.constant 32 : index
            %swap3A_340 = tpu.vector_load %arg11[%swap3A_338, %swap3A_339] {strides = array<i32>} : memref<400x64xf32, #tpu.memory_space<vmem>>, vector<16xf32>,
            tpu.vector_store %arg11[%swap3A_338, %swap3A_339], %mul3A_337 {strides = array<i32>} : memref<400x64xf32, #tpu.memory_space<vmem>>, vector<16xf32>,
            %get3A_341 = arith.index_cast %add3A_316 : i32 to index
            %get3A_342 = arith.constant 48 : index
            %get3A_343 = tpu.vector_load %arg11[%get3A_341, %get3A_342] {strides = array<i32>} : memref<400x64xf32, #tpu.memory_space<vmem>>, vector<16xf32>,
            %mul3A_344 = arith.mulf %get3A_343, %gather3A_319 : vector<16xf32>
            %swap3A_345 = arith.index_cast %add3A_316 : i32 to index
            %swap3A_346 = arith.constant 48 : index
            %swap3A_347 = tpu.vector_load %arg11[%swap3A_345, %swap3A_346] {strides = array<i32>} : memref<400x64xf32, #tpu.memory_space<vmem>>, vector<16xf32>,
            tpu.vector_store %arg11[%swap3A_345, %swap3A_346], %mul3A_344 {strides = array<i32>} : memref<400x64xf32, #tpu.memory_space<vmem>>, vector<16xf32>,
            %mul3A_348 = arith.constant 4 : i32
            %mul3A_349 = arith.muli %scan3A_246, %mul3A_348 : i32
            %add3A_350 = arith.constant 3 : i32
            %add3A_351 = arith.addi %mul3A_349, %add3A_350 : i32
            %broadcast_in_dim3A_352 = vector.broadcast %add3A_351 : i32 to vector<16xi32>
            %broadcast_in_dim3A_353 = vector.broadcast %add3A : i32 to vector<16xi32>
            %gather3A_354 = tpu.vector_load_idx %arg13[%broadcast_in_dim3A_352, %broadcast_in_dim3A_353] : memref<400x8xf32, #tpu.memory_space<vmem>>[vector<16xi32>, vector<16xi32>], vector<16xf32>,
            %get3A_355 = arith.index_cast %add3A_351 : i32 to index
            %get3A_356 = arith.constant 0 : index
            %get3A_357 = tpu.vector_load %arg11[%get3A_355, %get3A_356] {strides = array<i32>} : memref<400x64xf32, #tpu.memory_space<vmem>>, vector<16xf32>,
            %mul3A_358 = arith.mulf %get3A_357, %gather3A_354 : vector<16xf32>
            %swap3A_359 = arith.index_cast %add3A_351 : i32 to index
            %swap3A_360 = arith.constant 0 : index
            %swap3A_361 = tpu.vector_load %arg11[%swap3A_359, %swap3A_360] {strides = array<i32>} : memref<400x64xf32, #tpu.memory_space<vmem>>, vector<16xf32>,
            tpu.vector_store %arg11[%swap3A_359, %swap3A_360], %mul3A_358 {strides = array<i32>} : memref<400x64xf32, #tpu.memory_space<vmem>>, vector<16xf32>,
            %get3A_362 = arith.index_cast %add3A_351 : i32 to index
            %get3A_363 = arith.constant 16 : index
            %get3A_364 = tpu.vector_load %arg11[%get3A_362, %get3A_363] {strides = array<i32>} : memref<400x64xf32, #tpu.memory_space<vmem>>, vector<16xf32>,
            %mul3A_365 = arith.mulf %get3A_364, %gather3A_354 : vector<16xf32>
            %swap3A_366 = arith.index_cast %add3A_351 : i32 to index
            %swap3A_367 = arith.constant 16 : index
            %swap3A_368 = tpu.vector_load %arg11[%swap3A_366, %swap3A_367] {strides = array<i32>} : memref<400x64xf32, #tpu.memory_space<vmem>>, vector<16xf32>,
            tpu.vector_store %arg11[%swap3A_366, %swap3A_367], %mul3A_365 {strides = array<i32>} : memref<400x64xf32, #tpu.memory_space<vmem>>, vector<16xf32>,
            %get3A_369 = arith.index_cast %add3A_351 : i32 to index
            %get3A_370 = arith.constant 32 : index
            %get3A_371 = tpu.vector_load %arg11[%get3A_369, %get3A_370] {strides = array<i32>} : memref<400x64xf32, #tpu.memory_space<vmem>>, vector<16xf32>,
            %mul3A_372 = arith.mulf %get3A_371, %gather3A_354 : vector<16xf32>
            %swap3A_373 = arith.index_cast %add3A_351 : i32 to index
            %swap3A_374 = arith.constant 32 : index
            %swap3A_375 = tpu.vector_load %arg11[%swap3A_373, %swap3A_374] {strides = array<i32>} : memref<400x64xf32, #tpu.memory_space<vmem>>, vector<16xf32>,
            tpu.vector_store %arg11[%swap3A_373, %swap3A_374], %mul3A_372 {strides = array<i32>} : memref<400x64xf32, #tpu.memory_space<vmem>>, vector<16xf32>,
            %get3A_376 = arith.index_cast %add3A_351 : i32 to index
            %get3A_377 = arith.constant 48 : index
            %get3A_378 = tpu.vector_load %arg11[%get3A_376, %get3A_377] {strides = array<i32>} : memref<400x64xf32, #tpu.memory_space<vmem>>, vector<16xf32>,
            %mul3A_379 = arith.mulf %get3A_378, %gather3A_354 : vector<16xf32>
            %swap3A_380 = arith.index_cast %add3A_351 : i32 to index
            %swap3A_381 = arith.constant 48 : index
            %swap3A_382 = tpu.vector_load %arg11[%swap3A_380, %swap3A_381] {strides = array<i32>} : memref<400x64xf32, #tpu.memory_space<vmem>>, vector<16xf32>,
            tpu.vector_store %arg11[%swap3A_380, %swap3A_381], %mul3A_379 {strides = array<i32>} : memref<400x64xf32, #tpu.memory_space<vmem>>, vector<16xf32>,
          }
          %scan3A_192 = arith.constant 100 : i32
          %dma_start3A_193 = arith.constant 0 : i32
          %dma_start3A_194 = tpu.memref_slice %arg10[%add3A_153, %dma_start3A_193] : memref<25x400xi32, #tpu.memory_space<vmem>> -> memref<1x400xi32, #tpu.memory_space<vmem>>
          %dma_start3A_195 = tpu.memref_squeeze %dma_start3A_194 : memref<1x400xi32, #tpu.memory_space<vmem>> -> memref<400xi32, #tpu.memory_space<vmem>>
          %dma_start3A_196 = arith.constant 0 : i32
          %dma_start3A_197 = arith.constant 0 : i32
          %dma_start3A_198 = tpu.memref_slice %arg15[%dma_start3A_196, %dma_start3A_197] : memref<10240x64xf32, #tpu.memory_space<vmem_shared>> -> memref<10240x64xf32, #tpu.memory_space<vmem_shared>>
          tpu.enqueue_indirect_dma source(%arg11 : memref<400x64xf32, #tpu.memory_space<vmem>>) target(%dma_start3A_198 : memref<10240x64xf32, #tpu.memory_space<vmem_shared>>) offsets(%dma_start3A_195 : memref<400xi32, #tpu.memory_space<vmem>>) semaphore(%arg18 : memref<!tpu.dma_semaphore, #tpu.memory_space<semaphore_mem>>) {add = true}
          %dma_wait3A_199 = arith.constant 0 : i32
          %dma_wait3A_200 = arith.constant 0 : i32
          %dma_wait3A_201 = tpu.memref_slice %arg6[%dma_wait3A_199, %dma_wait3A_200] : memref<10240x64xf32, #tpu.memory_space<hbm>> -> memref<400x64xf32, #tpu.memory_space<hbm>>
          %dma_wait3A_202 = arith.constant 0 : i32
          %dma_wait3A_203 = arith.constant 0 : i32
          %dma_wait3A_204 = tpu.memref_slice %arg6[%dma_wait3A_202, %dma_wait3A_203] : memref<10240x64xf32, #tpu.memory_space<hbm>> -> memref<400x64xf32, #tpu.memory_space<hbm>>
          tpu.wait_dma2 semaphore(%arg17 : memref<!tpu.dma_semaphore, #tpu.memory_space<semaphore_mem>>) src(%dma_wait3A_204 : memref<400x64xf32, #tpu.memory_space<hbm>>) dst(%arg12 : memref<400x64xf32, #tpu.memory_space<vmem>>)
          %dma_wait3A_205 = arith.constant 0 : i32
          %dma_wait3A_206 = arith.constant 0 : i32
          %dma_wait3A_207 = tpu.memref_slice %arg7[%dma_wait3A_205, %dma_wait3A_206] : memref<10240x8xf32, #tpu.memory_space<hbm>> -> memref<400x8xf32, #tpu.memory_space<hbm>>
          %dma_wait3A_208 = arith.constant 0 : i32
          %dma_wait3A_209 = arith.constant 0 : i32
          %dma_wait3A_210 = tpu.memref_slice %arg7[%dma_wait3A_208, %dma_wait3A_209] : memref<10240x8xf32, #tpu.memory_space<hbm>> -> memref<400x8xf32, #tpu.memory_space<hbm>>
          tpu.wait_dma2 semaphore(%arg17 : memref<!tpu.dma_semaphore, #tpu.memory_space<semaphore_mem>>) src(%dma_wait3A_210 : memref<400x8xf32, #tpu.memory_space<hbm>>) dst(%arg14 : memref<400x8xf32, #tpu.memory_space<vmem>>)
          %dma_wait3A_211 = arith.constant 0 : i32
          %dma_wait3A_212 = arith.constant 0 : i32
          %dma_wait3A_213 = tpu.memref_slice %arg6[%dma_wait3A_211, %dma_wait3A_212] : memref<10240x64xf32, #tpu.memory_space<hbm>> -> memref<400x64xf32, #tpu.memory_space<hbm>>
          %dma_wait3A_214 = arith.constant 0 : i32
          %dma_wait3A_215 = arith.constant 0 : i32
          %dma_wait3A_216 = tpu.memref_slice %arg6[%dma_wait3A_214, %dma_wait3A_215] : memref<10240x64xf32, #tpu.memory_space<hbm>> -> memref<400x64xf32, #tpu.memory_space<hbm>>
          tpu.wait_dma2 semaphore(%arg18 : memref<!tpu.dma_semaphore, #tpu.memory_space<semaphore_mem>>) src(%dma_wait3A_216 : memref<400x64xf32, #tpu.memory_space<hbm>>) dst(%arg11 : memref<400x64xf32, #tpu.memory_space<vmem>>)
          %add3A_217 = arith.constant 2 : i32
          %add3A_218 = arith.addi %add3A_153, %add3A_217 : i32
          %dma_start3A_219 = arith.constant 0 : i32
          %dma_start3A_220 = tpu.memref_slice %arg9[%add3A_218, %dma_start3A_219] : memref<25x400xi32, #tpu.memory_space<vmem>> -> memref<1x400xi32, #tpu.memory_space<vmem>>
          %dma_start3A_221 = tpu.memref_squeeze %dma_start3A_220 : memref<1x400xi32, #tpu.memory_space<vmem>> -> memref<400xi32, #tpu.memory_space<vmem>>
          %dma_start3A_222 = arith.constant 0 : i32
          %dma_start3A_223 = arith.constant 0 : i32
          %dma_start3A_224 = tpu.memref_slice %arg5[%dma_start3A_222, %dma_start3A_223] : memref<80000x64xf32, #tpu.memory_space<hbm>> -> memref<80000x64xf32, #tpu.memory_space<hbm>>
          tpu.enqueue_indirect_dma source(%dma_start3A_224 : memref<80000x64xf32, #tpu.memory_space<hbm>>) target(%arg11 : memref<400x64xf32, #tpu.memory_space<vmem>>) offsets(%dma_start3A_221 : memref<400xi32, #tpu.memory_space<vmem>>) semaphore(%arg16 : memref<!tpu.dma_semaphore, #tpu.memory_space<semaphore_mem>>)
          %mul3A_225 = arith.constant 400 : i32
          %mul3A_226 = arith.muli %add3A_218, %mul3A_225 : i32
          %add3A_227 = arith.addi %mul3A_21, %mul3A_226 : i32
          %dma_start3A_228 = arith.constant 0 : i32
          %dma_start3A_229 = tpu.memref_slice %arg4[%add3A_227, %dma_start3A_228] : memref<320000x8xf32, #tpu.memory_space<hbm>> -> memref<400x8xf32, #tpu.memory_space<hbm>>
          %dma_start3A_230 = arith.constant 0 : i32
          %dma_start3A_231 = tpu.memref_slice %arg4[%add3A_227, %dma_start3A_230] : memref<320000x8xf32, #tpu.memory_space<hbm>> -> memref<400x8xf32, #tpu.memory_space<hbm>>
          tpu.enqueue_dma source(%dma_start3A_231 : memref<400x8xf32, #tpu.memory_space<hbm>>) target(%arg13 : memref<400x8xf32, #tpu.memory_space<vmem>>) target_semaphore(%arg16 : memref<!tpu.dma_semaphore, #tpu.memory_space<semaphore_mem>>)
          %scan3A_232 = arith.constant 0 : i32
          %scan3A_233 = arith.constant 0 : i32
          %scan3A_234 = arith.constant 100 : i32
          %scan3A_235 = arith.addi %scan3A_233, %scan3A_234 : i32
          %scan3A_236 = arith.constant 1 : i32
          scf.for %scan3A_246 = %scan3A_233 to %scan3A_235 step %scan3A_236  : i32 {
            %mul3A_247 = arith.constant 4 : i32
            %mul3A_248 = arith.muli %scan3A_246, %mul3A_247 : i32
            %add3A_249 = arith.constant 0 : i32
            %add3A_250 = arith.addi %mul3A_248, %add3A_249 : i32
            %broadcast_in_dim3A = vector.broadcast %add3A_250 : i32 to vector<16xi32>
            %broadcast_in_dim3A_251 = vector.broadcast %add3A : i32 to vector<16xi32>
            %gather3A = tpu.vector_load_idx %arg14[%broadcast_in_dim3A, %broadcast_in_dim3A_251] : memref<400x8xf32, #tpu.memory_space<vmem>>[vector<16xi32>, vector<16xi32>], vector<16xf32>,
            %get3A = arith.index_cast %add3A_250 : i32 to index
            %get3A_252 = arith.constant 0 : index
            %get3A_253 = tpu.vector_load %arg12[%get3A, %get3A_252] {strides = array<i32>} : memref<400x64xf32, #tpu.memory_space<vmem>>, vector<16xf32>,
            %mul3A_254 = arith.mulf %get3A_253, %gather3A : vector<16xf32>
            %swap3A = arith.index_cast %add3A_250 : i32 to index
            %swap3A_255 = arith.constant 0 : index
            %swap3A_256 = tpu.vector_load %arg12[%swap3A, %swap3A_255] {strides = array<i32>} : memref<400x64xf32, #tpu.memory_space<vmem>>, vector<16xf32>,
            tpu.vector_store %arg12[%swap3A, %swap3A_255], %mul3A_254 {strides = array<i32>} : memref<400x64xf32, #tpu.memory_space<vmem>>, vector<16xf32>,
            %get3A_257 = arith.index_cast %add3A_250 : i32 to index
            %get3A_258 = arith.constant 16 : index
            %get3A_259 = tpu.vector_load %arg12[%get3A_257, %get3A_258] {strides = array<i32>} : memref<400x64xf32, #tpu.memory_space<vmem>>, vector<16xf32>,
            %mul3A_260 = arith.mulf %get3A_259, %gather3A : vector<16xf32>
            %swap3A_261 = arith.index_cast %add3A_250 : i32 to index
            %swap3A_262 = arith.constant 16 : index
            %swap3A_263 = tpu.vector_load %arg12[%swap3A_261, %swap3A_262] {strides = array<i32>} : memref<400x64xf32, #tpu.memory_space<vmem>>, vector<16xf32>,
            tpu.vector_store %arg12[%swap3A_261, %swap3A_262], %mul3A_260 {strides = array<i32>} : memref<400x64xf32, #tpu.memory_space<vmem>>, vector<16xf32>,
            %get3A_264 = arith.index_cast %add3A_250 : i32 to index
            %get3A_265 = arith.constant 32 : index
            %get3A_266 = tpu.vector_load %arg12[%get3A_264, %get3A_265] {strides = array<i32>} : memref<400x64xf32, #tpu.memory_space<vmem>>, vector<16xf32>,
            %mul3A_267 = arith.mulf %get3A_266, %gather3A : vector<16xf32>
            %swap3A_268 = arith.index_cast %add3A_250 : i32 to index
            %swap3A_269 = arith.constant 32 : index
            %swap3A_270 = tpu.vector_load %arg12[%swap3A_268, %swap3A_269] {strides = array<i32>} : memref<400x64xf32, #tpu.memory_space<vmem>>, vector<16xf32>,
            tpu.vector_store %arg12[%swap3A_268, %swap3A_269], %mul3A_267 {strides = array<i32>} : memref<400x64xf32, #tpu.memory_space<vmem>>, vector<16xf32>,
            %get3A_271 = arith.index_cast %add3A_250 : i32 to index
            %get3A_272 = arith.constant 48 : index
            %get3A_273 = tpu.vector_load %arg12[%get3A_271, %get3A_272] {strides = array<i32>} : memref<400x64xf32, #tpu.memory_space<vmem>>, vector<16xf32>,
            %mul3A_274 = arith.mulf %get3A_273, %gather3A : vector<16xf32>
            %swap3A_275 = arith.index_cast %add3A_250 : i32 to index
            %swap3A_276 = arith.constant 48 : index
            %swap3A_277 = tpu.vector_load %arg12[%swap3A_275, %swap3A_276] {strides = array<i32>} : memref<400x64xf32, #tpu.memory_space<vmem>>, vector<16xf32>,
            tpu.vector_store %arg12[%swap3A_275, %swap3A_276], %mul3A_274 {strides = array<i32>} : memref<400x64xf32, #tpu.memory_space<vmem>>, vector<16xf32>,
            %mul3A_278 = arith.constant 4 : i32
            %mul3A_279 = arith.muli %scan3A_246, %mul3A_278 : i32
            %add3A_280 = arith.constant 1 : i32
            %add3A_281 = arith.addi %mul3A_279, %add3A_280 : i32
            %broadcast_in_dim3A_282 = vector.broadcast %add3A_281 : i32 to vector<16xi32>
            %broadcast_in_dim3A_283 = vector.broadcast %add3A : i32 to vector<16xi32>
            %gather3A_284 = tpu.vector_load_idx %arg14[%broadcast_in_dim3A_282, %broadcast_in_dim3A_283] : memref<400x8xf32, #tpu.memory_space<vmem>>[vector<16xi32>, vector<16xi32>], vector<16xf32>,
            %get3A_285 = arith.index_cast %add3A_281 : i32 to index
            %get3A_286 = arith.constant 0 : index
            %get3A_287 = tpu.vector_load %arg12[%get3A_285, %get3A_286] {strides = array<i32>} : memref<400x64xf32, #tpu.memory_space<vmem>>, vector<16xf32>,
            %mul3A_288 = arith.mulf %get3A_287, %gather3A_284 : vector<16xf32>
            %swap3A_289 = arith.index_cast %add3A_281 : i32 to index
            %swap3A_290 = arith.constant 0 : index
            %swap3A_291 = tpu.vector_load %arg12[%swap3A_289, %swap3A_290] {strides = array<i32>} : memref<400x64xf32, #tpu.memory_space<vmem>>, vector<16xf32>,
            tpu.vector_store %arg12[%swap3A_289, %swap3A_290], %mul3A_288 {strides = array<i32>} : memref<400x64xf32, #tpu.memory_space<vmem>>, vector<16xf32>,
            %get3A_292 = arith.index_cast %add3A_281 : i32 to index
            %get3A_293 = arith.constant 16 : index
            %get3A_294 = tpu.vector_load %arg12[%get3A_292, %get3A_293] {strides = array<i32>} : memref<400x64xf32, #tpu.memory_space<vmem>>, vector<16xf32>,
            %mul3A_295 = arith.mulf %get3A_294, %gather3A_284 : vector<16xf32>
            %swap3A_296 = arith.index_cast %add3A_281 : i32 to index
            %swap3A_297 = arith.constant 16 : index
            %swap3A_298 = tpu.vector_load %arg12[%swap3A_296, %swap3A_297] {strides = array<i32>} : memref<400x64xf32, #tpu.memory_space<vmem>>, vector<16xf32>,
            tpu.vector_store %arg12[%swap3A_296, %swap3A_297], %mul3A_295 {strides = array<i32>} : memref<400x64xf32, #tpu.memory_space<vmem>>, vector<16xf32>,
            %get3A_299 = arith.index_cast %add3A_281 : i32 to index
            %get3A_300 = arith.constant 32 : index
            %get3A_301 = tpu.vector_load %arg12[%get3A_299, %get3A_300] {strides = array<i32>} : memref<400x64xf32, #tpu.memory_space<vmem>>, vector<16xf32>,
            %mul3A_302 = arith.mulf %get3A_301, %gather3A_284 : vector<16xf32>
            %swap3A_303 = arith.index_cast %add3A_281 : i32 to index
            %swap3A_304 = arith.constant 32 : index
            %swap3A_305 = tpu.vector_load %arg12[%swap3A_303, %swap3A_304] {strides = array<i32>} : memref<400x64xf32, #tpu.memory_space<vmem>>, vector<16xf32>,
            tpu.vector_store %arg12[%swap3A_303, %swap3A_304], %mul3A_302 {strides = array<i32>} : memref<400x64xf32, #tpu.memory_space<vmem>>, vector<16xf32>,
            %get3A_306 = arith.index_cast %add3A_281 : i32 to index
            %get3A_307 = arith.constant 48 : index
            %get3A_308 = tpu.vector_load %arg12[%get3A_306, %get3A_307] {strides = array<i32>} : memref<400x64xf32, #tpu.memory_space<vmem>>, vector<16xf32>,
            %mul3A_309 = arith.mulf %get3A_308, %gather3A_284 : vector<16xf32>
            %swap3A_310 = arith.index_cast %add3A_281 : i32 to index
            %swap3A_311 = arith.constant 48 : index
            %swap3A_312 = tpu.vector_load %arg12[%swap3A_310, %swap3A_311] {strides = array<i32>} : memref<400x64xf32, #tpu.memory_space<vmem>>, vector<16xf32>,
            tpu.vector_store %arg12[%swap3A_310, %swap3A_311], %mul3A_309 {strides = array<i32>} : memref<400x64xf32, #tpu.memory_space<vmem>>, vector<16xf32>,
            %mul3A_313 = arith.constant 4 : i32
            %mul3A_314 = arith.muli %scan3A_246, %mul3A_313 : i32
            %add3A_315 = arith.constant 2 : i32
            %add3A_316 = arith.addi %mul3A_314, %add3A_315 : i32
            %broadcast_in_dim3A_317 = vector.broadcast %add3A_316 : i32 to vector<16xi32>
            %broadcast_in_dim3A_318 = vector.broadcast %add3A : i32 to vector<16xi32>
            %gather3A_319 = tpu.vector_load_idx %arg14[%broadcast_in_dim3A_317, %broadcast_in_dim3A_318] : memref<400x8xf32, #tpu.memory_space<vmem>>[vector<16xi32>, vector<16xi32>], vector<16xf32>,
            %get3A_320 = arith.index_cast %add3A_316 : i32 to index
            %get3A_321 = arith.constant 0 : index
            %get3A_322 = tpu.vector_load %arg12[%get3A_320, %get3A_321] {strides = array<i32>} : memref<400x64xf32, #tpu.memory_space<vmem>>, vector<16xf32>,
            %mul3A_323 = arith.mulf %get3A_322, %gather3A_319 : vector<16xf32>
            %swap3A_324 = arith.index_cast %add3A_316 : i32 to index
            %swap3A_325 = arith.constant 0 : index
            %swap3A_326 = tpu.vector_load %arg12[%swap3A_324, %swap3A_325] {strides = array<i32>} : memref<400x64xf32, #tpu.memory_space<vmem>>, vector<16xf32>,
            tpu.vector_store %arg12[%swap3A_324, %swap3A_325], %mul3A_323 {strides = array<i32>} : memref<400x64xf32, #tpu.memory_space<vmem>>, vector<16xf32>,
            %get3A_327 = arith.index_cast %add3A_316 : i32 to index
            %get3A_328 = arith.constant 16 : index
            %get3A_329 = tpu.vector_load %arg12[%get3A_327, %get3A_328] {strides = array<i32>} : memref<400x64xf32, #tpu.memory_space<vmem>>, vector<16xf32>,
            %mul3A_330 = arith.mulf %get3A_329, %gather3A_319 : vector<16xf32>
            %swap3A_331 = arith.index_cast %add3A_316 : i32 to index
            %swap3A_332 = arith.constant 16 : index
            %swap3A_333 = tpu.vector_load %arg12[%swap3A_331, %swap3A_332] {strides = array<i32>} : memref<400x64xf32, #tpu.memory_space<vmem>>, vector<16xf32>,
            tpu.vector_store %arg12[%swap3A_331, %swap3A_332], %mul3A_330 {strides = array<i32>} : memref<400x64xf32, #tpu.memory_space<vmem>>, vector<16xf32>,
            %get3A_334 = arith.index_cast %add3A_316 : i32 to index
            %get3A_335 = arith.constant 32 : index
            %get3A_336 = tpu.vector_load %arg12[%get3A_334, %get3A_335] {strides = array<i32>} : memref<400x64xf32, #tpu.memory_space<vmem>>, vector<16xf32>,
            %mul3A_337 = arith.mulf %get3A_336, %gather3A_319 : vector<16xf32>
            %swap3A_338 = arith.index_cast %add3A_316 : i32 to index
            %swap3A_339 = arith.constant 32 : index
            %swap3A_340 = tpu.vector_load %arg12[%swap3A_338, %swap3A_339] {strides = array<i32>} : memref<400x64xf32, #tpu.memory_space<vmem>>, vector<16xf32>,
            tpu.vector_store %arg12[%swap3A_338, %swap3A_339], %mul3A_337 {strides = array<i32>} : memref<400x64xf32, #tpu.memory_space<vmem>>, vector<16xf32>,
            %get3A_341 = arith.index_cast %add3A_316 : i32 to index
            %get3A_342 = arith.constant 48 : index
            %get3A_343 = tpu.vector_load %arg12[%get3A_341, %get3A_342] {strides = array<i32>} : memref<400x64xf32, #tpu.memory_space<vmem>>, vector<16xf32>,
            %mul3A_344 = arith.mulf %get3A_343, %gather3A_319 : vector<16xf32>
            %swap3A_345 = arith.index_cast %add3A_316 : i32 to index
            %swap3A_346 = arith.constant 48 : index
            %swap3A_347 = tpu.vector_load %arg12[%swap3A_345, %swap3A_346] {strides = array<i32>} : memref<400x64xf32, #tpu.memory_space<vmem>>, vector<16xf32>,
            tpu.vector_store %arg12[%swap3A_345, %swap3A_346], %mul3A_344 {strides = array<i32>} : memref<400x64xf32, #tpu.memory_space<vmem>>, vector<16xf32>,
            %mul3A_348 = arith.constant 4 : i32
            %mul3A_349 = arith.muli %scan3A_246, %mul3A_348 : i32
            %add3A_350 = arith.constant 3 : i32
            %add3A_351 = arith.addi %mul3A_349, %add3A_350 : i32
            %broadcast_in_dim3A_352 = vector.broadcast %add3A_351 : i32 to vector<16xi32>
            %broadcast_in_dim3A_353 = vector.broadcast %add3A : i32 to vector<16xi32>
            %gather3A_354 = tpu.vector_load_idx %arg14[%broadcast_in_dim3A_352, %broadcast_in_dim3A_353] : memref<400x8xf32, #tpu.memory_space<vmem>>[vector<16xi32>, vector<16xi32>], vector<16xf32>,
            %get3A_355 = arith.index_cast %add3A_351 : i32 to index
            %get3A_356 = arith.constant 0 : index
            %get3A_357 = tpu.vector_load %arg12[%get3A_355, %get3A_356] {strides = array<i32>} : memref<400x64xf32, #tpu.memory_space<vmem>>, vector<16xf32>,
            %mul3A_358 = arith.mulf %get3A_357, %gather3A_354 : vector<16xf32>
            %swap3A_359 = arith.index_cast %add3A_351 : i32 to index
            %swap3A_360 = arith.constant 0 : index
            %swap3A_361 = tpu.vector_load %arg12[%swap3A_359, %swap3A_360] {strides = array<i32>} : memref<400x64xf32, #tpu.memory_space<vmem>>, vector<16xf32>,
            tpu.vector_store %arg12[%swap3A_359, %swap3A_360], %mul3A_358 {strides = array<i32>} : memref<400x64xf32, #tpu.memory_space<vmem>>, vector<16xf32>,
            %get3A_362 = arith.index_cast %add3A_351 : i32 to index
            %get3A_363 = arith.constant 16 : index
            %get3A_364 = tpu.vector_load %arg12[%get3A_362, %get3A_363] {strides = array<i32>} : memref<400x64xf32, #tpu.memory_space<vmem>>, vector<16xf32>,
            %mul3A_365 = arith.mulf %get3A_364, %gather3A_354 : vector<16xf32>
            %swap3A_366 = arith.index_cast %add3A_351 : i32 to index
            %swap3A_367 = arith.constant 16 : index
            %swap3A_368 = tpu.vector_load %arg12[%swap3A_366, %swap3A_367] {strides = array<i32>} : memref<400x64xf32, #tpu.memory_space<vmem>>, vector<16xf32>,
            tpu.vector_store %arg12[%swap3A_366, %swap3A_367], %mul3A_365 {strides = array<i32>} : memref<400x64xf32, #tpu.memory_space<vmem>>, vector<16xf32>,
            %get3A_369 = arith.index_cast %add3A_351 : i32 to index
            %get3A_370 = arith.constant 32 : index
            %get3A_371 = tpu.vector_load %arg12[%get3A_369, %get3A_370] {strides = array<i32>} : memref<400x64xf32, #tpu.memory_space<vmem>>, vector<16xf32>,
            %mul3A_372 = arith.mulf %get3A_371, %gather3A_354 : vector<16xf32>
            %swap3A_373 = arith.index_cast %add3A_351 : i32 to index
            %swap3A_374 = arith.constant 32 : index
            %swap3A_375 = tpu.vector_load %arg12[%swap3A_373, %swap3A_374] {strides = array<i32>} : memref<400x64xf32, #tpu.memory_space<vmem>>, vector<16xf32>,
            tpu.vector_store %arg12[%swap3A_373, %swap3A_374], %mul3A_372 {strides = array<i32>} : memref<400x64xf32, #tpu.memory_space<vmem>>, vector<16xf32>,
            %get3A_376 = arith.index_cast %add3A_351 : i32 to index
            %get3A_377 = arith.constant 48 : index
            %get3A_378 = tpu.vector_load %arg12[%get3A_376, %get3A_377] {strides = array<i32>} : memref<400x64xf32, #tpu.memory_space<vmem>>, vector<16xf32>,
            %mul3A_379 = arith.mulf %get3A_378, %gather3A_354 : vector<16xf32>
            %swap3A_380 = arith.index_cast %add3A_351 : i32 to index
            %swap3A_381 = arith.constant 48 : index
            %swap3A_382 = tpu.vector_load %arg12[%swap3A_380, %swap3A_381] {strides = array<i32>} : memref<400x64xf32, #tpu.memory_space<vmem>>, vector<16xf32>,
            tpu.vector_store %arg12[%swap3A_380, %swap3A_381], %mul3A_379 {strides = array<i32>} : memref<400x64xf32, #tpu.memory_space<vmem>>, vector<16xf32>,
          }
          %scan3A_237 = arith.constant 100 : i32
          %add3A_238 = arith.constant 1 : i32
          %add3A_239 = arith.addi %add3A_153, %add3A_238 : i32
          %dma_start3A_240 = arith.constant 0 : i32
          %dma_start3A_241 = tpu.memref_slice %arg10[%add3A_239, %dma_start3A_240] : memref<25x400xi32, #tpu.memory_space<vmem>> -> memref<1x400xi32, #tpu.memory_space<vmem>>
          %dma_start3A_242 = tpu.memref_squeeze %dma_start3A_241 : memref<1x400xi32, #tpu.memory_space<vmem>> -> memref<400xi32, #tpu.memory_space<vmem>>
          %dma_start3A_243 = arith.constant 0 : i32
          %dma_start3A_244 = arith.constant 0 : i32
          %dma_start3A_245 = tpu.memref_slice %arg15[%dma_start3A_243, %dma_start3A_244] : memref<10240x64xf32, #tpu.memory_space<vmem_shared>> -> memref<10240x64xf32, #tpu.memory_space<vmem_shared>>
          tpu.enqueue_indirect_dma source(%arg12 : memref<400x64xf32, #tpu.memory_space<vmem>>) target(%dma_start3A_245 : memref<10240x64xf32, #tpu.memory_space<vmem_shared>>) offsets(%dma_start3A_242 : memref<400xi32, #tpu.memory_space<vmem>>) semaphore(%arg19 : memref<!tpu.dma_semaphore, #tpu.memory_space<semaphore_mem>>) {add = true}
        }
        %scan3A_124 = arith.constant 11 : i32
        %dma_wait3A_125 = arith.constant 0 : i32
        %dma_wait3A_126 = arith.constant 0 : i32
        %dma_wait3A_127 = tpu.memref_slice %arg6[%dma_wait3A_125, %dma_wait3A_126] : memref<10240x64xf32, #tpu.memory_space<hbm>> -> memref<400x64xf32, #tpu.memory_space<hbm>>
        %dma_wait3A_128 = arith.constant 0 : i32
        %dma_wait3A_129 = arith.constant 0 : i32
        %dma_wait3A_130 = tpu.memref_slice %arg6[%dma_wait3A_128, %dma_wait3A_129] : memref<10240x64xf32, #tpu.memory_space<hbm>> -> memref<400x64xf32, #tpu.memory_space<hbm>>
        tpu.wait_dma2 semaphore(%arg16 : memref<!tpu.dma_semaphore, #tpu.memory_space<semaphore_mem>>) src(%dma_wait3A_130 : memref<400x64xf32, #tpu.memory_space<hbm>>) dst(%arg11 : memref<400x64xf32, #tpu.memory_space<vmem>>)
        %dma_wait3A_131 = arith.constant 0 : i32
        %dma_wait3A_132 = arith.constant 0 : i32
        %dma_wait3A_133 = tpu.memref_slice %arg7[%dma_wait3A_131, %dma_wait3A_132] : memref<10240x8xf32, #tpu.memory_space<hbm>> -> memref<400x8xf32, #tpu.memory_space<hbm>>
        %dma_wait3A_134 = arith.constant 0 : i32
        %dma_wait3A_135 = arith.constant 0 : i32
        %dma_wait3A_136 = tpu.memref_slice %arg7[%dma_wait3A_134, %dma_wait3A_135] : memref<10240x8xf32, #tpu.memory_space<hbm>> -> memref<400x8xf32, #tpu.memory_space<hbm>>
        tpu.wait_dma2 semaphore(%arg16 : memref<!tpu.dma_semaphore, #tpu.memory_space<semaphore_mem>>) src(%dma_wait3A_136 : memref<400x8xf32, #tpu.memory_space<hbm>>) dst(%arg13 : memref<400x8xf32, #tpu.memory_space<vmem>>)
        %dma_wait3A_137 = arith.constant 0 : i32
        %dma_wait3A_138 = arith.constant 0 : i32
        %dma_wait3A_139 = tpu.memref_slice %arg6[%dma_wait3A_137, %dma_wait3A_138] : memref<10240x64xf32, #tpu.memory_space<hbm>> -> memref<400x64xf32, #tpu.memory_space<hbm>>
        %dma_wait3A_140 = arith.constant 0 : i32
        %dma_wait3A_141 = arith.constant 0 : i32
        %dma_wait3A_142 = tpu.memref_slice %arg6[%dma_wait3A_140, %dma_wait3A_141] : memref<10240x64xf32, #tpu.memory_space<hbm>> -> memref<400x64xf32, #tpu.memory_space<hbm>>
        tpu.wait_dma2 semaphore(%arg19 : memref<!tpu.dma_semaphore, #tpu.memory_space<semaphore_mem>>) src(%dma_wait3A_142 : memref<400x64xf32, #tpu.memory_space<hbm>>) dst(%arg12 : memref<400x64xf32, #tpu.memory_space<vmem>>)
        %scan3A_143 = arith.constant 0 : i32
        %scan3A_144 = arith.constant 0 : i32
        %scan3A_145 = arith.constant 100 : i32
        %scan3A_146 = arith.addi %scan3A_144, %scan3A_145 : i32
        %scan3A_147 = arith.constant 1 : i32
        scf.for %scan3A_149 = %scan3A_144 to %scan3A_146 step %scan3A_147  : i32 {
          %mul3A_150 = arith.constant 4 : i32
          %mul3A_151 = arith.muli %scan3A_149, %mul3A_150 : i32
          %add3A_152 = arith.constant 0 : i32
          %add3A_153 = arith.addi %mul3A_151, %add3A_152 : i32
          %broadcast_in_dim3A = vector.broadcast %add3A_153 : i32 to vector<16xi32>
          %broadcast_in_dim3A_154 = vector.broadcast %add3A : i32 to vector<16xi32>
          %gather3A = tpu.vector_load_idx %arg13[%broadcast_in_dim3A, %broadcast_in_dim3A_154] : memref<400x8xf32, #tpu.memory_space<vmem>>[vector<16xi32>, vector<16xi32>], vector<16xf32>,
          %get3A = arith.index_cast %add3A_153 : i32 to index
          %get3A_155 = arith.constant 0 : index
          %get3A_156 = tpu.vector_load %arg11[%get3A, %get3A_155] {strides = array<i32>} : memref<400x64xf32, #tpu.memory_space<vmem>>, vector<16xf32>,
          %mul3A_157 = arith.mulf %get3A_156, %gather3A : vector<16xf32>
          %swap3A = arith.index_cast %add3A_153 : i32 to index
          %swap3A_158 = arith.constant 0 : index
          %swap3A_159 = tpu.vector_load %arg11[%swap3A, %swap3A_158] {strides = array<i32>} : memref<400x64xf32, #tpu.memory_space<vmem>>, vector<16xf32>,
          tpu.vector_store %arg11[%swap3A, %swap3A_158], %mul3A_157 {strides = array<i32>} : memref<400x64xf32, #tpu.memory_space<vmem>>, vector<16xf32>,
          %get3A_160 = arith.index_cast %add3A_153 : i32 to index
          %get3A_161 = arith.constant 16 : index
          %get3A_162 = tpu.vector_load %arg11[%get3A_160, %get3A_161] {strides = array<i32>} : memref<400x64xf32, #tpu.memory_space<vmem>>, vector<16xf32>,
          %mul3A_163 = arith.mulf %get3A_162, %gather3A : vector<16xf32>
          %swap3A_164 = arith.index_cast %add3A_153 : i32 to index
          %swap3A_165 = arith.constant 16 : index
          %swap3A_166 = tpu.vector_load %arg11[%swap3A_164, %swap3A_165] {strides = array<i32>} : memref<400x64xf32, #tpu.memory_space<vmem>>, vector<16xf32>,
          tpu.vector_store %arg11[%swap3A_164, %swap3A_165], %mul3A_163 {strides = array<i32>} : memref<400x64xf32, #tpu.memory_space<vmem>>, vector<16xf32>,
          %get3A_167 = arith.index_cast %add3A_153 : i32 to index
          %get3A_168 = arith.constant 32 : index
          %get3A_169 = tpu.vector_load %arg11[%get3A_167, %get3A_168] {strides = array<i32>} : memref<400x64xf32, #tpu.memory_space<vmem>>, vector<16xf32>,
          %mul3A_170 = arith.mulf %get3A_169, %gather3A : vector<16xf32>
          %swap3A_171 = arith.index_cast %add3A_153 : i32 to index
          %swap3A_172 = arith.constant 32 : index
          %swap3A_173 = tpu.vector_load %arg11[%swap3A_171, %swap3A_172] {strides = array<i32>} : memref<400x64xf32, #tpu.memory_space<vmem>>, vector<16xf32>,
          tpu.vector_store %arg11[%swap3A_171, %swap3A_172], %mul3A_170 {strides = array<i32>} : memref<400x64xf32, #tpu.memory_space<vmem>>, vector<16xf32>,
          %get3A_174 = arith.index_cast %add3A_153 : i32 to index
          %get3A_175 = arith.constant 48 : index
          %get3A_176 = tpu.vector_load %arg11[%get3A_174, %get3A_175] {strides = array<i32>} : memref<400x64xf32, #tpu.memory_space<vmem>>, vector<16xf32>,
          %mul3A_177 = arith.mulf %get3A_176, %gather3A : vector<16xf32>
          %swap3A_178 = arith.index_cast %add3A_153 : i32 to index
          %swap3A_179 = arith.constant 48 : index
          %swap3A_180 = tpu.vector_load %arg11[%swap3A_178, %swap3A_179] {strides = array<i32>} : memref<400x64xf32, #tpu.memory_space<vmem>>, vector<16xf32>,
          tpu.vector_store %arg11[%swap3A_178, %swap3A_179], %mul3A_177 {strides = array<i32>} : memref<400x64xf32, #tpu.memory_space<vmem>>, vector<16xf32>,
          %mul3A_181 = arith.constant 4 : i32
          %mul3A_182 = arith.muli %scan3A_149, %mul3A_181 : i32
          %add3A_183 = arith.constant 1 : i32
          %add3A_184 = arith.addi %mul3A_182, %add3A_183 : i32
          %broadcast_in_dim3A_185 = vector.broadcast %add3A_184 : i32 to vector<16xi32>
          %broadcast_in_dim3A_186 = vector.broadcast %add3A : i32 to vector<16xi32>
          %gather3A_187 = tpu.vector_load_idx %arg13[%broadcast_in_dim3A_185, %broadcast_in_dim3A_186] : memref<400x8xf32, #tpu.memory_space<vmem>>[vector<16xi32>, vector<16xi32>], vector<16xf32>,
          %get3A_188 = arith.index_cast %add3A_184 : i32 to index
          %get3A_189 = arith.constant 0 : index
          %get3A_190 = tpu.vector_load %arg11[%get3A_188, %get3A_189] {strides = array<i32>} : memref<400x64xf32, #tpu.memory_space<vmem>>, vector<16xf32>,
          %mul3A_191 = arith.mulf %get3A_190, %gather3A_187 : vector<16xf32>
          %swap3A_192 = arith.index_cast %add3A_184 : i32 to index
          %swap3A_193 = arith.constant 0 : index
          %swap3A_194 = tpu.vector_load %arg11[%swap3A_192, %swap3A_193] {strides = array<i32>} : memref<400x64xf32, #tpu.memory_space<vmem>>, vector<16xf32>,
          tpu.vector_store %arg11[%swap3A_192, %swap3A_193], %mul3A_191 {strides = array<i32>} : memref<400x64xf32, #tpu.memory_space<vmem>>, vector<16xf32>,
          %get3A_195 = arith.index_cast %add3A_184 : i32 to index
          %get3A_196 = arith.constant 16 : index
          %get3A_197 = tpu.vector_load %arg11[%get3A_195, %get3A_196] {strides = array<i32>} : memref<400x64xf32, #tpu.memory_space<vmem>>, vector<16xf32>,
          %mul3A_198 = arith.mulf %get3A_197, %gather3A_187 : vector<16xf32>
          %swap3A_199 = arith.index_cast %add3A_184 : i32 to index
          %swap3A_200 = arith.constant 16 : index
          %swap3A_201 = tpu.vector_load %arg11[%swap3A_199, %swap3A_200] {strides = array<i32>} : memref<400x64xf32, #tpu.memory_space<vmem>>, vector<16xf32>,
          tpu.vector_store %arg11[%swap3A_199, %swap3A_200], %mul3A_198 {strides = array<i32>} : memref<400x64xf32, #tpu.memory_space<vmem>>, vector<16xf32>,
          %get3A_202 = arith.index_cast %add3A_184 : i32 to index
          %get3A_203 = arith.constant 32 : index
          %get3A_204 = tpu.vector_load %arg11[%get3A_202, %get3A_203] {strides = array<i32>} : memref<400x64xf32, #tpu.memory_space<vmem>>, vector<16xf32>,
          %mul3A_205 = arith.mulf %get3A_204, %gather3A_187 : vector<16xf32>
          %swap3A_206 = arith.index_cast %add3A_184 : i32 to index
          %swap3A_207 = arith.constant 32 : index
          %swap3A_208 = tpu.vector_load %arg11[%swap3A_206, %swap3A_207] {strides = array<i32>} : memref<400x64xf32, #tpu.memory_space<vmem>>, vector<16xf32>,
          tpu.vector_store %arg11[%swap3A_206, %swap3A_207], %mul3A_205 {strides = array<i32>} : memref<400x64xf32, #tpu.memory_space<vmem>>, vector<16xf32>,
          %get3A_209 = arith.index_cast %add3A_184 : i32 to index
          %get3A_210 = arith.constant 48 : index
          %get3A_211 = tpu.vector_load %arg11[%get3A_209, %get3A_210] {strides = array<i32>} : memref<400x64xf32, #tpu.memory_space<vmem>>, vector<16xf32>,
          %mul3A_212 = arith.mulf %get3A_211, %gather3A_187 : vector<16xf32>
          %swap3A_213 = arith.index_cast %add3A_184 : i32 to index
          %swap3A_214 = arith.constant 48 : index
          %swap3A_215 = tpu.vector_load %arg11[%swap3A_213, %swap3A_214] {strides = array<i32>} : memref<400x64xf32, #tpu.memory_space<vmem>>, vector<16xf32>,
          tpu.vector_store %arg11[%swap3A_213, %swap3A_214], %mul3A_212 {strides = array<i32>} : memref<400x64xf32, #tpu.memory_space<vmem>>, vector<16xf32>,
          %mul3A_216 = arith.constant 4 : i32
          %mul3A_217 = arith.muli %scan3A_149, %mul3A_216 : i32
          %add3A_218 = arith.constant 2 : i32
          %add3A_219 = arith.addi %mul3A_217, %add3A_218 : i32
          %broadcast_in_dim3A_220 = vector.broadcast %add3A_219 : i32 to vector<16xi32>
          %broadcast_in_dim3A_221 = vector.broadcast %add3A : i32 to vector<16xi32>
          %gather3A_222 = tpu.vector_load_idx %arg13[%broadcast_in_dim3A_220, %broadcast_in_dim3A_221] : memref<400x8xf32, #tpu.memory_space<vmem>>[vector<16xi32>, vector<16xi32>], vector<16xf32>,
          %get3A_223 = arith.index_cast %add3A_219 : i32 to index
          %get3A_224 = arith.constant 0 : index
          %get3A_225 = tpu.vector_load %arg11[%get3A_223, %get3A_224] {strides = array<i32>} : memref<400x64xf32, #tpu.memory_space<vmem>>, vector<16xf32>,
          %mul3A_226 = arith.mulf %get3A_225, %gather3A_222 : vector<16xf32>
          %swap3A_227 = arith.index_cast %add3A_219 : i32 to index
          %swap3A_228 = arith.constant 0 : index
          %swap3A_229 = tpu.vector_load %arg11[%swap3A_227, %swap3A_228] {strides = array<i32>} : memref<400x64xf32, #tpu.memory_space<vmem>>, vector<16xf32>,
          tpu.vector_store %arg11[%swap3A_227, %swap3A_228], %mul3A_226 {strides = array<i32>} : memref<400x64xf32, #tpu.memory_space<vmem>>, vector<16xf32>,
          %get3A_230 = arith.index_cast %add3A_219 : i32 to index
          %get3A_231 = arith.constant 16 : index
          %get3A_232 = tpu.vector_load %arg11[%get3A_230, %get3A_231] {strides = array<i32>} : memref<400x64xf32, #tpu.memory_space<vmem>>, vector<16xf32>,
          %mul3A_233 = arith.mulf %get3A_232, %gather3A_222 : vector<16xf32>
          %swap3A_234 = arith.index_cast %add3A_219 : i32 to index
          %swap3A_235 = arith.constant 16 : index
          %swap3A_236 = tpu.vector_load %arg11[%swap3A_234, %swap3A_235] {strides = array<i32>} : memref<400x64xf32, #tpu.memory_space<vmem>>, vector<16xf32>,
          tpu.vector_store %arg11[%swap3A_234, %swap3A_235], %mul3A_233 {strides = array<i32>} : memref<400x64xf32, #tpu.memory_space<vmem>>, vector<16xf32>,
          %get3A_237 = arith.index_cast %add3A_219 : i32 to index
          %get3A_238 = arith.constant 32 : index
          %get3A_239 = tpu.vector_load %arg11[%get3A_237, %get3A_238] {strides = array<i32>} : memref<400x64xf32, #tpu.memory_space<vmem>>, vector<16xf32>,
          %mul3A_240 = arith.mulf %get3A_239, %gather3A_222 : vector<16xf32>
          %swap3A_241 = arith.index_cast %add3A_219 : i32 to index
          %swap3A_242 = arith.constant 32 : index
          %swap3A_243 = tpu.vector_load %arg11[%swap3A_241, %swap3A_242] {strides = array<i32>} : memref<400x64xf32, #tpu.memory_space<vmem>>, vector<16xf32>,
          tpu.vector_store %arg11[%swap3A_241, %swap3A_242], %mul3A_240 {strides = array<i32>} : memref<400x64xf32, #tpu.memory_space<vmem>>, vector<16xf32>,
          %get3A_244 = arith.index_cast %add3A_219 : i32 to index
          %get3A_245 = arith.constant 48 : index
          %get3A_246 = tpu.vector_load %arg11[%get3A_244, %get3A_245] {strides = array<i32>} : memref<400x64xf32, #tpu.memory_space<vmem>>, vector<16xf32>,
          %mul3A_247 = arith.mulf %get3A_246, %gather3A_222 : vector<16xf32>
          %swap3A_248 = arith.index_cast %add3A_219 : i32 to index
          %swap3A_249 = arith.constant 48 : index
          %swap3A_250 = tpu.vector_load %arg11[%swap3A_248, %swap3A_249] {strides = array<i32>} : memref<400x64xf32, #tpu.memory_space<vmem>>, vector<16xf32>,
          tpu.vector_store %arg11[%swap3A_248, %swap3A_249], %mul3A_247 {strides = array<i32>} : memref<400x64xf32, #tpu.memory_space<vmem>>, vector<16xf32>,
          %mul3A_251 = arith.constant 4 : i32
          %mul3A_252 = arith.muli %scan3A_149, %mul3A_251 : i32
          %add3A_253 = arith.constant 3 : i32
          %add3A_254 = arith.addi %mul3A_252, %add3A_253 : i32
          %broadcast_in_dim3A_255 = vector.broadcast %add3A_254 : i32 to vector<16xi32>
          %broadcast_in_dim3A_256 = vector.broadcast %add3A : i32 to vector<16xi32>
          %gather3A_257 = tpu.vector_load_idx %arg13[%broadcast_in_dim3A_255, %broadcast_in_dim3A_256] : memref<400x8xf32, #tpu.memory_space<vmem>>[vector<16xi32>, vector<16xi32>], vector<16xf32>,
          %get3A_258 = arith.index_cast %add3A_254 : i32 to index
          %get3A_259 = arith.constant 0 : index
          %get3A_260 = tpu.vector_load %arg11[%get3A_258, %get3A_259] {strides = array<i32>} : memref<400x64xf32, #tpu.memory_space<vmem>>, vector<16xf32>,
          %mul3A_261 = arith.mulf %get3A_260, %gather3A_257 : vector<16xf32>
          %swap3A_262 = arith.index_cast %add3A_254 : i32 to index
          %swap3A_263 = arith.constant 0 : index
          %swap3A_264 = tpu.vector_load %arg11[%swap3A_262, %swap3A_263] {strides = array<i32>} : memref<400x64xf32, #tpu.memory_space<vmem>>, vector<16xf32>,
          tpu.vector_store %arg11[%swap3A_262, %swap3A_263], %mul3A_261 {strides = array<i32>} : memref<400x64xf32, #tpu.memory_space<vmem>>, vector<16xf32>,
          %get3A_265 = arith.index_cast %add3A_254 : i32 to index
          %get3A_266 = arith.constant 16 : index
          %get3A_267 = tpu.vector_load %arg11[%get3A_265, %get3A_266] {strides = array<i32>} : memref<400x64xf32, #tpu.memory_space<vmem>>, vector<16xf32>,
          %mul3A_268 = arith.mulf %get3A_267, %gather3A_257 : vector<16xf32>
          %swap3A_269 = arith.index_cast %add3A_254 : i32 to index
          %swap3A_270 = arith.constant 16 : index
          %swap3A_271 = tpu.vector_load %arg11[%swap3A_269, %swap3A_270] {strides = array<i32>} : memref<400x64xf32, #tpu.memory_space<vmem>>, vector<16xf32>,
          tpu.vector_store %arg11[%swap3A_269, %swap3A_270], %mul3A_268 {strides = array<i32>} : memref<400x64xf32, #tpu.memory_space<vmem>>, vector<16xf32>,
          %get3A_272 = arith.index_cast %add3A_254 : i32 to index
          %get3A_273 = arith.constant 32 : index
          %get3A_274 = tpu.vector_load %arg11[%get3A_272, %get3A_273] {strides = array<i32>} : memref<400x64xf32, #tpu.memory_space<vmem>>, vector<16xf32>,
          %mul3A_275 = arith.mulf %get3A_274, %gather3A_257 : vector<16xf32>
          %swap3A_276 = arith.index_cast %add3A_254 : i32 to index
          %swap3A_277 = arith.constant 32 : index
          %swap3A_278 = tpu.vector_load %arg11[%swap3A_276, %swap3A_277] {strides = array<i32>} : memref<400x64xf32, #tpu.memory_space<vmem>>, vector<16xf32>,
          tpu.vector_store %arg11[%swap3A_276, %swap3A_277], %mul3A_275 {strides = array<i32>} : memref<400x64xf32, #tpu.memory_space<vmem>>, vector<16xf32>,
          %get3A_279 = arith.index_cast %add3A_254 : i32 to index
          %get3A_280 = arith.constant 48 : index
          %get3A_281 = tpu.vector_load %arg11[%get3A_279, %get3A_280] {strides = array<i32>} : memref<400x64xf32, #tpu.memory_space<vmem>>, vector<16xf32>,
          %mul3A_282 = arith.mulf %get3A_281, %gather3A_257 : vector<16xf32>
          %swap3A_283 = arith.index_cast %add3A_254 : i32 to index
          %swap3A_284 = arith.constant 48 : index
          %swap3A_285 = tpu.vector_load %arg11[%swap3A_283, %swap3A_284] {strides = array<i32>} : memref<400x64xf32, #tpu.memory_space<vmem>>, vector<16xf32>,
          tpu.vector_store %arg11[%swap3A_283, %swap3A_284], %mul3A_282 {strides = array<i32>} : memref<400x64xf32, #tpu.memory_space<vmem>>, vector<16xf32>,
        }
        %scan3A_148 = arith.constant 100 : i32
        %run_scoped3A = arith.constant 24 : i32
        "tpu.region"() ({
          %run_scoped3A_149 = tpu.sem_alloc : memref<!tpu.dma_semaphore, #tpu.memory_space<semaphore_mem>>
          %dma_start3A_150 = arith.constant 0 : i32
          %dma_start3A_151 = tpu.memref_slice %arg10[%run_scoped3A, %dma_start3A_150] : memref<25x400xi32, #tpu.memory_space<vmem>> -> memref<1x400xi32, #tpu.memory_space<vmem>>
          %dma_start3A_152 = tpu.memref_squeeze %dma_start3A_151 : memref<1x400xi32, #tpu.memory_space<vmem>> -> memref<400xi32, #tpu.memory_space<vmem>>
          %dma_start3A_153 = arith.constant 0 : i32
          %dma_start3A_154 = arith.constant 0 : i32
          %dma_start3A_155 = tpu.memref_slice %arg15[%dma_start3A_153, %dma_start3A_154] : memref<10240x64xf32, #tpu.memory_space<vmem_shared>> -> memref<10240x64xf32, #tpu.memory_space<vmem_shared>>
          tpu.enqueue_indirect_dma source(%arg11 : memref<400x64xf32, #tpu.memory_space<vmem>>) target(%dma_start3A_155 : memref<10240x64xf32, #tpu.memory_space<vmem_shared>>) offsets(%dma_start3A_152 : memref<400xi32, #tpu.memory_space<vmem>>) semaphore(%run_scoped3A_149 : memref<!tpu.dma_semaphore, #tpu.memory_space<semaphore_mem>>) {add = true}
          %dma_wait3A_156 = arith.constant 0 : i32
          %dma_wait3A_157 = tpu.memref_slice %arg10[%run_scoped3A, %dma_wait3A_156] : memref<25x400xi32, #tpu.memory_space<vmem>> -> memref<1x400xi32, #tpu.memory_space<vmem>>
          %dma_wait3A_158 = tpu.memref_squeeze %dma_wait3A_157 : memref<1x400xi32, #tpu.memory_space<vmem>> -> memref<400xi32, #tpu.memory_space<vmem>>
          %dma_wait3A_159 = arith.constant 0 : i32
          %dma_wait3A_160 = arith.constant 0 : i32
          %dma_wait3A_161 = tpu.memref_slice %arg15[%dma_wait3A_159, %dma_wait3A_160] : memref<10240x64xf32, #tpu.memory_space<vmem_shared>> -> memref<10240x64xf32, #tpu.memory_space<vmem_shared>>
          tpu.wait_indirect_dma semaphore(%run_scoped3A_149 : memref<!tpu.dma_semaphore, #tpu.memory_space<semaphore_mem>>) src(%arg11 : memref<400x64xf32, #tpu.memory_space<vmem>>) dst(%dma_wait3A_161 : memref<10240x64xf32, #tpu.memory_space<vmem_shared>>)
          tpu.yield
        }) : () -> ()
      }
      %scan3A_14 = arith.constant 2 : i32
      %barrier3A_15 = arith.constant 0 : index
      tpu.barrier barrier_id(%barrier3A_15)
      "tpu.region"() ({
        %run_scoped3A = tpu.sem_alloc : memref<!tpu.dma_semaphore, #tpu.memory_space<semaphore_mem>>
        %dma_start3A = arith.constant 0 : i32
        %dma_start3A_16 = tpu.memref_slice %arg8[%add3A, %mul3A_0, %dma_start3A] : memref<8x10240x64xf32, #tpu.memory_space<hbm>> -> memref<1x640x64xf32, #tpu.memory_space<hbm>>
        %dma_start3A_17 = tpu.memref_squeeze %dma_start3A_16 : memref<1x640x64xf32, #tpu.memory_space<hbm>> -> memref<640x64xf32, #tpu.memory_space<hbm>>
        %dma_start3A_18 = arith.constant 0 : i32
        %dma_start3A_19 = tpu.memref_slice %arg15[%mul3A_0, %dma_start3A_18] : memref<10240x64xf32, #tpu.memory_space<vmem_shared>> -> memref<640x64xf32, #tpu.memory_space<vmem_shared>>
        tpu.enqueue_dma source(%dma_start3A_19 : memref<640x64xf32, #tpu.memory_space<vmem_shared>>) target(%dma_start3A_17 : memref<640x64xf32, #tpu.memory_space<hbm>>) target_semaphore(%run_scoped3A : memref<!tpu.dma_semaphore, #tpu.memory_space<semaphore_mem>>)
        %dma_wait3A = arith.constant 0 : i32
        %dma_wait3A_20 = tpu.memref_slice %arg8[%add3A, %mul3A_0, %dma_wait3A] : memref<8x10240x64xf32, #tpu.memory_space<hbm>> -> memref<1x640x64xf32, #tpu.memory_space<hbm>>
        %dma_wait3A_21 = tpu.memref_squeeze %dma_wait3A_20 : memref<1x640x64xf32, #tpu.memory_space<hbm>> -> memref<640x64xf32, #tpu.memory_space<hbm>>
        %dma_wait3A_22 = arith.constant 0 : i32
        %dma_wait3A_23 = tpu.memref_slice %arg15[%mul3A_0, %dma_wait3A_22] : memref<10240x64xf32, #tpu.memory_space<vmem_shared>> -> memref<640x64xf32, #tpu.memory_space<vmem_shared>>
        tpu.wait_dma2 semaphore(%run_scoped3A : memref<!tpu.dma_semaphore, #tpu.memory_space<semaphore_mem>>) src(%dma_wait3A_23 : memref<640x64xf32, #tpu.memory_space<vmem_shared>>) dst(%dma_wait3A_21 : memref<640x64xf32, #tpu.memory_space<hbm>>)
        tpu.yield
      }) : () -> ()
    }
    %scan3A_5 = arith.constant 4 : i32
    return
  }
}

module attributes {stable_mosaic.version = 14 : i64} {
  func.func @_t1_body(%arg0: i32, %arg1: memref<1000x128xf32, #tpu.memory_space<vmem>>, %arg2: memref<128x512xf32, #tpu.memory_space<vmem>>, %arg3: memref<512x16xf32, #tpu.memory_space<vmem>>, %arg4: memref<1000x512xf32, #tpu.memory_space<vmem>>, %arg5: memref<1000x16xf32, #tpu.memory_space<vmem>>) attributes {dimension_semantics = [#tpu.dimension_semantics<arbitrary>], iteration_bounds = array<i64: 10>, scalar_prefetch = 0 : i64, scratch_operands = 0 : i64, tpu.core_type = #tpu.core_type<tc>, window_params = [{transform_indices = @transform_0, window_bounds = array<i64: 1000, 128>}, {pipeline_mode = #tpu.pipeline_mode<synchronous>, transform_indices = @transform_1, window_bounds = array<i64: 128, 512>}, {pipeline_mode = #tpu.pipeline_mode<synchronous>, transform_indices = @transform_2, window_bounds = array<i64: 512, 16>}, {transform_indices = @transform_3, window_bounds = array<i64: 1000, 512>}, {transform_indices = @transform_4, window_bounds = array<i64: 1000, 16>}]} {
    %get3A = arith.constant 0 : index
    %get3A_0 = arith.constant 0 : index
    %get3A_1 = vector.load %arg1[%get3A, %get3A_0] : memref<1000x128xf32, #tpu.memory_space<vmem>>, vector<1000x128xf32>
    %get3A_2 = arith.constant 0 : index
    %get3A_3 = arith.constant 0 : index
    %get3A_4 = vector.load %arg2[%get3A_2, %get3A_3] : memref<128x512xf32, #tpu.memory_space<vmem>>, vector<128x512xf32>
    %dot_general3A = arith.constant dense<0.000000e+00> : vector<1000x512xf32>
    %dot_general3A_5 = tpu.matmul %get3A_1, %get3A_4, %dot_general3A {dimension_numbers = #tpu.dot_dimension_numbers<[1], [0], [0], [1], [0, 0, 1, 1], [], []>, transpose_lhs_hint = false} : vector<1000x128xf32>, vector<128x512xf32>, vector<1000x512xf32> -> vector<1000x512xf32>
    %swap3A = arith.constant 0 : index
    %swap3A_6 = arith.constant 0 : index
    %swap3A_7 = vector.load %arg4[%swap3A, %swap3A_6] : memref<1000x512xf32, #tpu.memory_space<vmem>>, vector<1000x512xf32>
    tpu.vector_store %arg4[%swap3A, %swap3A_6], %dot_general3A_5 {strides = array<i32>} : memref<1000x512xf32, #tpu.memory_space<vmem>>, vector<1000x512xf32>,
    %get3A_8 = arith.constant 0 : index
    %get3A_9 = arith.constant 0 : index
    %get3A_10 = vector.load %arg3[%get3A_8, %get3A_9] : memref<512x16xf32, #tpu.memory_space<vmem>>, vector<512x16xf32>
    %dot_general3A_11 = arith.constant dense<0.000000e+00> : vector<1000x16xf32>
    %dot_general3A_12 = tpu.matmul %dot_general3A_5, %get3A_10, %dot_general3A_11 {dimension_numbers = #tpu.dot_dimension_numbers<[1], [0], [0], [1], [0, 0, 1, 1], [], []>, transpose_lhs_hint = false} : vector<1000x512xf32>, vector<512x16xf32>, vector<1000x16xf32> -> vector<1000x16xf32>
    %swap3A_13 = arith.constant 0 : index
    %swap3A_14 = arith.constant 0 : index
    %swap3A_15 = vector.load %arg5[%swap3A_13, %swap3A_14] : memref<1000x16xf32, #tpu.memory_space<vmem>>, vector<1000x16xf32>
    tpu.vector_store %arg5[%swap3A_13, %swap3A_14], %dot_general3A_12 {strides = array<i32>} : memref<1000x16xf32, #tpu.memory_space<vmem>>, vector<1000x16xf32>,
    return
  }
  func.func @transform_0(%arg0: i32) -> (i32, i32) {
    %c0_i32 = arith.constant 0 : i32
    %c0_i32_0 = arith.constant 0 : i32
    return %arg0, %c0_i32 : i32, i32
  }
  func.func @transform_1(%arg0: i32) -> (i32, i32) {
    %c0_i32 = arith.constant 0 : i32
    %c0_i32_0 = arith.constant 0 : i32
    %c0_i32_1 = arith.constant 0 : i32
    return %c0_i32, %c0_i32_0 : i32, i32
  }
  func.func @transform_2(%arg0: i32) -> (i32, i32) {
    %c0_i32 = arith.constant 0 : i32
    %c0_i32_0 = arith.constant 0 : i32
    %c0_i32_1 = arith.constant 0 : i32
    return %c0_i32, %c0_i32_0 : i32, i32
  }
  func.func @transform_3(%arg0: i32) -> (i32, i32) {
    %c0_i32 = arith.constant 0 : i32
    %c0_i32_0 = arith.constant 0 : i32
    return %arg0, %c0_i32 : i32, i32
  }
  func.func @transform_4(%arg0: i32) -> (i32, i32) {
    %c0_i32 = arith.constant 0 : i32
    %c0_i32_0 = arith.constant 0 : i32
    return %arg0, %c0_i32 : i32, i32
  }
}

module attributes {stable_mosaic.version = 14 : i64} {
  func.func @_t2_body(%arg0: i32, %arg1: memref<1024x512xf32, #tpu.memory_space<vmem>>, %arg2: memref<2x1024x8xf32, #tpu.memory_space<vmem>>, %arg3: memref<1x512xf32, #tpu.memory_space<vmem>>, %arg4: memref<512x64xf32, #tpu.memory_space<vmem>>, %arg5: memref<64x16xf32, #tpu.memory_space<vmem>>, %arg6: memref<8x512xf32, #tpu.memory_space<vmem>>, %arg7: memref<1024x64xf32, #tpu.memory_space<vmem>>, %arg8: memref<1024x16xf32, #tpu.memory_space<vmem>>) attributes {dimension_semantics = [#tpu.dimension_semantics<arbitrary>], iteration_bounds = array<i64: 10>, scalar_prefetch = 0 : i64, scratch_operands = 0 : i64, tpu.core_type = #tpu.core_type<tc>, window_params = [{transform_indices = @transform_0, window_bounds = array<i64: 1024, 512>}, {transform_indices = @transform_1, window_bounds = array<i64: 2, 1024, 8>}, {pipeline_mode = #tpu.pipeline_mode<synchronous>, transform_indices = @transform_2, window_bounds = array<i64: 1, 512>}, {pipeline_mode = #tpu.pipeline_mode<synchronous>, transform_indices = @transform_3, window_bounds = array<i64: 512, 64>}, {pipeline_mode = #tpu.pipeline_mode<synchronous>, transform_indices = @transform_4, window_bounds = array<i64: 64, 16>}, {pipeline_mode = #tpu.pipeline_mode<synchronous>, transform_indices = @transform_5, window_bounds = array<i64: 8, 512>}, {transform_indices = @transform_6, window_bounds = array<i64: 1024, 64>}, {transform_indices = @transform_7, window_bounds = array<i64: 1024, 16>}]} {
    %get3A = arith.constant 0 : index
    %get3A_0 = arith.constant 0 : index
    %get3A_1 = vector.load %arg1[%get3A, %get3A_0] : memref<1024x512xf32, #tpu.memory_space<vmem>>, vector<1024x512xf32>
    %get3A_2 = arith.constant 0 : index
    %get3A_3 = arith.constant 0 : index
    %get3A_4 = arith.constant 0 : index
    %get3A_5 = vector.load %arg2[%get3A_2, %get3A_3, %get3A_4] : memref<2x1024x8xf32, #tpu.memory_space<vmem>>, vector<1x1024x8xf32>
    %get3A_6 = vector.shape_cast %get3A_5 : vector<1x1024x8xf32> to vector<1024x8xf32>
    %get3A_7 = arith.constant 1 : index
    %get3A_8 = arith.constant 0 : index
    %get3A_9 = arith.constant 0 : index
    %get3A_10 = vector.load %arg2[%get3A_7, %get3A_8, %get3A_9] : memref<2x1024x8xf32, #tpu.memory_space<vmem>>, vector<1x1024x8xf32>
    %get3A_11 = vector.shape_cast %get3A_10 : vector<1x1024x8xf32> to vector<1024x8xf32>
    %add3A = arith.addf %get3A_6, %get3A_11 : vector<1024x8xf32>
    %get3A_12 = arith.constant 0 : index
    %get3A_13 = arith.constant 0 : index
    %get3A_14 = vector.load %arg6[%get3A_12, %get3A_13] : memref<8x512xf32, #tpu.memory_space<vmem>>, vector<8x512xf32>
    %dot_general3A = arith.constant dense<0.000000e+00> : vector<1024x512xf32>
    %dot_general3A_15 = tpu.matmul %add3A, %get3A_14, %dot_general3A {dimension_numbers = #tpu.dot_dimension_numbers<[1], [0], [0], [1], [0, 0, 1, 1], [], []>, transpose_lhs_hint = false} : vector<1024x8xf32>, vector<8x512xf32>, vector<1024x512xf32> -> vector<1024x512xf32>
    %add3A_16 = arith.constant 1.000000e-16 : f32
    %add3A_17 = vector.broadcast %add3A_16 : f32 to vector<1024x512xf32>
    %add3A_18 = arith.addf %dot_general3A_15, %add3A_17 : vector<1024x512xf32>
    %div3A = arith.divf %get3A_1, %add3A_18 : vector<1024x512xf32>
    %get3A_19 = arith.constant 0 : index
    %get3A_20 = arith.constant 0 : index
    %get3A_21 = vector.load %arg3[%get3A_19, %get3A_20] : memref<1x512xf32, #tpu.memory_space<vmem>>, vector<1x512xf32>
    %add3A_22 = vector.broadcast %get3A_21 : vector<1x512xf32> to vector<1024x512xf32>
    %add3A_23 = arith.addf %div3A, %add3A_22 : vector<1024x512xf32>
    %max3A = arith.constant 0.000000e+00 : f32
    %max3A_24 = vector.broadcast %max3A : f32 to vector<1024x512xf32>
    %max3A_25 = arith.maximumf %add3A_23, %max3A_24 : vector<1024x512xf32>
    %get3A_26 = arith.constant 0 : index
    %get3A_27 = arith.constant 0 : index
    %get3A_28 = vector.load %arg4[%get3A_26, %get3A_27] : memref<512x64xf32, #tpu.memory_space<vmem>>, vector<512x64xf32>
    %dot_general3A_29 = arith.constant dense<0.000000e+00> : vector<1024x64xf32>
    %dot_general3A_30 = tpu.matmul %max3A_25, %get3A_28, %dot_general3A_29 {dimension_numbers = #tpu.dot_dimension_numbers<[1], [0], [0], [1], [0, 0, 1, 1], [], []>, transpose_lhs_hint = false} : vector<1024x512xf32>, vector<512x64xf32>, vector<1024x64xf32> -> vector<1024x64xf32>
    %swap3A = arith.constant 0 : index
    %swap3A_31 = arith.constant 0 : index
    %swap3A_32 = vector.load %arg7[%swap3A, %swap3A_31] : memref<1024x64xf32, #tpu.memory_space<vmem>>, vector<1024x64xf32>
    tpu.vector_store %arg7[%swap3A, %swap3A_31], %dot_general3A_30 {strides = array<i32>} : memref<1024x64xf32, #tpu.memory_space<vmem>>, vector<1024x64xf32>,
    %get3A_33 = arith.constant 0 : index
    %get3A_34 = arith.constant 0 : index
    %get3A_35 = vector.load %arg5[%get3A_33, %get3A_34] : memref<64x16xf32, #tpu.memory_space<vmem>>, vector<64x16xf32>
    %dot_general3A_36 = arith.constant dense<0.000000e+00> : vector<1024x16xf32>
    %dot_general3A_37 = tpu.matmul %dot_general3A_30, %get3A_35, %dot_general3A_36 {dimension_numbers = #tpu.dot_dimension_numbers<[1], [0], [0], [1], [0, 0, 1, 1], [], []>, transpose_lhs_hint = false} : vector<1024x64xf32>, vector<64x16xf32>, vector<1024x16xf32> -> vector<1024x16xf32>
    %swap3A_38 = arith.constant 0 : index
    %swap3A_39 = arith.constant 0 : index
    %swap3A_40 = vector.load %arg8[%swap3A_38, %swap3A_39] : memref<1024x16xf32, #tpu.memory_space<vmem>>, vector<1024x16xf32>
    tpu.vector_store %arg8[%swap3A_38, %swap3A_39], %dot_general3A_37 {strides = array<i32>} : memref<1024x16xf32, #tpu.memory_space<vmem>>, vector<1024x16xf32>,
    return
  }
  func.func @transform_0(%arg0: i32) -> (i32, i32) {
    %c0_i32 = arith.constant 0 : i32
    %c0_i32_0 = arith.constant 0 : i32
    return %arg0, %c0_i32 : i32, i32
  }
  func.func @transform_1(%arg0: i32) -> (i32, i32, i32) {
    %c0_i32 = arith.constant 0 : i32
    %c0_i32_0 = arith.constant 0 : i32
    %c0_i32_1 = arith.constant 0 : i32
    return %c0_i32, %arg0, %c0_i32_0 : i32, i32, i32
  }
  func.func @transform_2(%arg0: i32) -> (i32, i32) {
    %c0_i32 = arith.constant 0 : i32
    %c0_i32_0 = arith.constant 0 : i32
    %c0_i32_1 = arith.constant 0 : i32
    return %c0_i32, %c0_i32_0 : i32, i32
  }
  func.func @transform_3(%arg0: i32) -> (i32, i32) {
    %c0_i32 = arith.constant 0 : i32
    %c0_i32_0 = arith.constant 0 : i32
    %c0_i32_1 = arith.constant 0 : i32
    return %c0_i32, %c0_i32_0 : i32, i32
  }
  func.func @transform_4(%arg0: i32) -> (i32, i32) {
    %c0_i32 = arith.constant 0 : i32
    %c0_i32_0 = arith.constant 0 : i32
    %c0_i32_1 = arith.constant 0 : i32
    return %c0_i32, %c0_i32_0 : i32, i32
  }
  func.func @transform_5(%arg0: i32) -> (i32, i32) {
    %c0_i32 = arith.constant 0 : i32
    %c0_i32_0 = arith.constant 0 : i32
    %c0_i32_1 = arith.constant 0 : i32
    return %c0_i32, %c0_i32_0 : i32, i32
  }
  func.func @transform_6(%arg0: i32) -> (i32, i32) {
    %c0_i32 = arith.constant 0 : i32
    %c0_i32_0 = arith.constant 0 : i32
    return %arg0, %c0_i32 : i32, i32
  }
  func.func @transform_7(%arg0: i32) -> (i32, i32) {
    %c0_i32 = arith.constant 0 : i32
    %c0_i32_0 = arith.constant 0 : i32
    return %arg0, %c0_i32 : i32, i32
  }
}

module attributes {stable_mosaic.version = 14 : i64} {
  func.func @_t3_body(%arg0: memref<2x10000x64xf32, #tpu.memory_space<vmem>>, %arg1: memref<2x10000x8xf32, #tpu.memory_space<vmem>>, %arg2: memref<1x10000xi32, #tpu.memory_space<vmem>>, %arg3: memref<1x64xf32, #tpu.memory_space<vmem>>, %arg4: memref<64x10xf32, #tpu.memory_space<vmem>>, %arg5: memref<1x10xf32, #tpu.memory_space<vmem>>, %arg6: memref<64x10xf32, #tpu.memory_space<vmem>>) attributes {dimension_semantics = [], scalar_prefetch = 0 : i64, scratch_operands = 0 : i64, tpu.core_type = #tpu.core_type<tc>} {
    %get3A = arith.constant 0 : index
    %get3A_0 = arith.constant 0 : index
    %get3A_1 = arith.constant 0 : index
    %get3A_2 = vector.load %arg0[%get3A, %get3A_0, %get3A_1] : memref<2x10000x64xf32, #tpu.memory_space<vmem>>, vector<1x10000x64xf32>
    %get3A_3 = vector.shape_cast %get3A_2 : vector<1x10000x64xf32> to vector<10000x64xf32>
    %get3A_4 = arith.constant 1 : index
    %get3A_5 = arith.constant 0 : index
    %get3A_6 = arith.constant 0 : index
    %get3A_7 = vector.load %arg0[%get3A_4, %get3A_5, %get3A_6] : memref<2x10000x64xf32, #tpu.memory_space<vmem>>, vector<1x10000x64xf32>
    %get3A_8 = vector.shape_cast %get3A_7 : vector<1x10000x64xf32> to vector<10000x64xf32>
    %add3A = arith.addf %get3A_3, %get3A_8 : vector<10000x64xf32>
    %get3A_9 = arith.constant 0 : index
    %get3A_10 = arith.constant 0 : index
    %get3A_11 = arith.constant 0 : index
    %get3A_12 = vector.load %arg1[%get3A_9, %get3A_10, %get3A_11] : memref<2x10000x8xf32, #tpu.memory_space<vmem>>, vector<1x10000x8xf32>
    %get3A_13 = vector.shape_cast %get3A_12 : vector<1x10000x8xf32> to vector<10000x8xf32>
    %get3A_14 = arith.constant 1 : index
    %get3A_15 = arith.constant 0 : index
    %get3A_16 = arith.constant 0 : index
    %get3A_17 = vector.load %arg1[%get3A_14, %get3A_15, %get3A_16] : memref<2x10000x8xf32, #tpu.memory_space<vmem>>, vector<1x10000x8xf32>
    %get3A_18 = vector.shape_cast %get3A_17 : vector<1x10000x8xf32> to vector<10000x8xf32>
    %add3A_19 = arith.addf %get3A_13, %get3A_18 : vector<10000x8xf32>
    %slice3A = vector.extract_strided_slice %add3A_19 {offsets = [0, 0], sizes = [10000, 1], strides = [1, 1]} : vector<10000x8xf32> to vector<10000x1xf32>
    %add3A_20 = arith.constant 1.000000e-16 : f32
    %add3A_21 = vector.broadcast %add3A_20 : f32 to vector<10000x1xf32>
    %add3A_22 = arith.addf %slice3A, %add3A_21 : vector<10000x1xf32>
    %div3A = vector.broadcast %add3A_22 : vector<10000x1xf32> to vector<10000x64xf32>
    %div3A_23 = arith.divf %add3A, %div3A : vector<10000x64xf32>
    %get3A_24 = arith.constant 0 : index
    %get3A_25 = arith.constant 0 : index
    %get3A_26 = vector.load %arg3[%get3A_24, %get3A_25] : memref<1x64xf32, #tpu.memory_space<vmem>>, vector<1x64xf32>
    %add3A_27 = vector.broadcast %get3A_26 : vector<1x64xf32> to vector<10000x64xf32>
    %add3A_28 = arith.addf %div3A_23, %add3A_27 : vector<10000x64xf32>
    %iota3A = tpu.iota {dimensions = array<i32: 0>} : vector<64x10000xi32>
    %get3A_29 = arith.constant 0 : index
    %get3A_30 = arith.constant 0 : index
    %get3A_31 = vector.load %arg2[%get3A_29, %get3A_30] : memref<1x10000xi32, #tpu.memory_space<vmem>>, vector<1x10000xi32>
    %eq3A = vector.broadcast %get3A_31 : vector<1x10000xi32> to vector<64x10000xi32>
    %eq3A_32 = arith.cmpi eq, %iota3A, %eq3A : vector<64x10000xi32>
    %convert_element_type3A = arith.extui %eq3A_32 : vector<64x10000xi1> to vector<64x10000xi32>
    %convert_element_type3A_33 = arith.sitofp %convert_element_type3A : vector<64x10000xi32> to vector<64x10000xf32>
    %dot_general3A = arith.constant dense<0.000000e+00> : vector<64x64xf32>
    %dot_general3A_34 = tpu.matmul %convert_element_type3A_33, %add3A_28, %dot_general3A {dimension_numbers = #tpu.dot_dimension_numbers<[1], [0], [0], [1], [0, 0, 1, 1], [], []>, transpose_lhs_hint = false} : vector<64x10000xf32>, vector<10000x64xf32>, vector<64x64xf32> -> vector<64x64xf32>
    %get3A_35 = arith.constant 0 : index
    %get3A_36 = arith.constant 0 : index
    %get3A_37 = vector.load %arg4[%get3A_35, %get3A_36] : memref<64x10xf32, #tpu.memory_space<vmem>>, vector<64x10xf32>
    %dot_general3A_38 = arith.constant dense<0.000000e+00> : vector<64x10xf32>
    %dot_general3A_39 = tpu.matmul %dot_general3A_34, %get3A_37, %dot_general3A_38 {dimension_numbers = #tpu.dot_dimension_numbers<[1], [0], [0], [1], [0, 0, 1, 1], [], []>, transpose_lhs_hint = false} : vector<64x64xf32>, vector<64x10xf32>, vector<64x10xf32> -> vector<64x10xf32>
    %get3A_40 = arith.constant 0 : index
    %get3A_41 = arith.constant 0 : index
    %get3A_42 = vector.load %arg5[%get3A_40, %get3A_41] : memref<1x10xf32, #tpu.memory_space<vmem>>, vector<1x10xf32>
    %add3A_43 = vector.broadcast %get3A_42 : vector<1x10xf32> to vector<64x10xf32>
    %add3A_44 = arith.addf %dot_general3A_39, %add3A_43 : vector<64x10xf32>
    %reduce_max3A = arith.constant dense<0xFF800000> : vector<64xf32>
    %reduce_max3A_45 = vector.multi_reduction <maximumf>, %add3A_44, %reduce_max3A [1] : vector<64x10xf32> to vector<64xf32>
    %broadcast_in_dim3A = vector.shape_cast %reduce_max3A_45 : vector<64xf32> to vector<64x1xf32>
    %sub3A = vector.broadcast %broadcast_in_dim3A : vector<64x1xf32> to vector<64x10xf32>
    %sub3A_46 = arith.subf %add3A_44, %sub3A : vector<64x10xf32>
    %exp3A = math.exp %sub3A_46 : vector<64x10xf32>
    %reduce_sum3A = arith.constant dense<0.000000e+00> : vector<64xf32>
    %reduce_sum3A_47 = vector.multi_reduction <add>, %exp3A, %reduce_sum3A [1] : vector<64x10xf32> to vector<64xf32>
    %broadcast_in_dim3A_48 = vector.shape_cast %reduce_sum3A_47 : vector<64xf32> to vector<64x1xf32>
    %log3A = math.log %broadcast_in_dim3A_48 : vector<64x1xf32>
    %sub3A_49 = vector.broadcast %log3A : vector<64x1xf32> to vector<64x10xf32>
    %sub3A_50 = arith.subf %sub3A_46, %sub3A_49 : vector<64x10xf32>
    %swap3A = arith.constant 0 : index
    %swap3A_51 = arith.constant 0 : index
    %swap3A_52 = vector.load %arg6[%swap3A, %swap3A_51] : memref<64x10xf32, #tpu.memory_space<vmem>>, vector<64x10xf32>
    tpu.vector_store %arg6[%swap3A, %swap3A_51], %sub3A_50 {strides = array<i32>} : memref<64x10xf32, #tpu.memory_space<vmem>>, vector<64x10xf32>,
    return
  }
}

</mosaic_0001>

<sc_bundles>
// kernel: kernel.11.cloned.1.call-start
scs
__scs_entry_jumppad:
0x0: {  	(pc) =	sbr.rel $0x88, $3  }
0x1: {  	(tag) =	ssettag $0x0;
	lr =	simm.s32 $0x1  }
0x2: {  	[smem:$0x3F94] =	sst lr;
	_ =	strace $0xD0000000  }
0x3: {  	_ = 	snop  }
0x4: {  	_ = 	snop  }
0x5: {  	_ = 	snop  }
0x6: {  	_ = 	snop  }
0x7: {  	_ = 	snop  }
__scs_overlays_trampoline_lowered:
0x8: {  	[smem:$0x3FA3] =	sst s0  }
0x9: {  	[smem:$0x3FA4] =	sst s1  }
0xa: {  	[smem:$0x3FA5] =	sst s2  }
0xb: {  	[smem:$0x3FA6] =	sst s3  }
0xc: {  	[smem:$0x3FA7] =	sst s4  }
0xd: {  	[smem:$0x3FA8] =	sst s5  }
0xe: {  	[smem:$0x3FA9] =	sst s6  }
0xf: {  	[smem:$0x3FAA] =	sst s7  }
0x10: {  	[smem:$0x3FAB] =	sst s8  }
0x11: {  	[smem:$0x3FAC] =	sst s9;
	s0 =	simm.s32 @!p0 $0x0  }
0x12: {  	s1 =	sld [smem:$0x3F92];
	s0 =	simm.s32 @p0 $0x1  }
0x13: {  	[smem:$0x3FAD] =	sst s0;
	s0 =	simm.s32 @!p1 $0x0  }
0x14: {  	s2 =	sld [smem:$0x3F91];
	s0 =	simm.s32 @p1 $0x1  }
0x15: {  	[smem:$0x3FAE] =	sst s0;
	s0 =	simm.s32 @!p2 $0x0  }
0x16: {  	s3 =	sld [smem:$0x3FDB];
	s0 =	simm.s32 @p2 $0x1  }
0x17: {  	s4 =	simm.s32 $0x1BF5;
	[smem:$0x3FB0] =	sst s0  }
0x18: {  	s0 =	sld [smem:$0x3F93];
	_ =	swait.ge [sflag:s4], $0x0  }
0x19: {  	s7 =	sld [smem:$0x3F94]  }
0x1a: {  	s8 =	sadd.s32 $0xFFFFE003, lr  }
0x1b: {  	s9 =	sadd.s32 $0xFFFFFEF7, lr;
	s5 =	simm.s32 $0xFFFFFFFF;
	p2 =	slt.u32 s8, $0xFFFFF086  }
0x1c: {  	p1 =	slt.u32 s9, $0xF7A;
	s5 =	simm.s32 @!p2 $0x0  }
0x1d: {  	s5 =	simm.s32 @p1 $0x1;
	p0 =	seq.s32 s7, s2  }
0x1e: {  	s7 =	smul.u32 @!p0 $0xF7A, s2;
	p2 =	seq.s32 @!p0 s5, $0x0  }
0x1f: {  	s9 =	smul.u32 $0xF7A, s1;
	s8 =	simm.s32 @!p0 $0x1BF5;
	p2 =	por !p2, p0  }
0x20: {  	[sflag:s8] =	ssyncset.s32 @!p0 $0xFFFFF086;
	s6 =	sadd.s32 @!p0 s3, s7;
	s7 =	simm.s32 @!p0 $0x108  }
0x21: {  	s3 =	sadd.s32 s3, s9;
	s6 =	sadd.s32 @!p0 $0x88, s6;
	s7 =	simm.s32 @p2 $0x1082  }
0x22: {  	[simem:s7], [sflag:s8] =	dma.local @!p0 [hbm:s6], $0xF7A  }
0x23: {  	s9 =	sor.u32 $0xD0000000, s2;
	s6 =	simm.s32 $0x108;
	_ =	swait.ge @!p0 [sflag:s8], $0x0  }
0x24: {  	s3 =	sadd.s32 $0x88, s3;
	s6 =	simm.s32 @!p1 $0x1082;
	[sflag:s4] =	ssyncset.s32 $0xFFFFF086  }
0x25: {  	[simem:s6], [sflag:s4] =	dma.local [hbm:s3], $0xF7A  }
0x26: {  	[smem:$0x3F94] =	sst s1;
	(tag) =	ssettag s2;
	_ =	strace s9  }
0x27: {  	s1 =	sld [smem:$0x3FA4]  }
0x28: {  	s2 =	sld [smem:$0x3FA5]  }
0x29: {  	s4 =	sld [smem:$0x3FA7]  }
0x2a: {  	p0 =	seq.s32 s5, $0x0;
	s5 =	sld [smem:$0x3FA8]  }
0x2b: {  	s6 =	sld [smem:$0x3FA9]  }
0x2c: {  	s7 =	sld [smem:$0x3FAA]  }
0x2d: {  	s3 =	simm.s32 $0x108;
	s8 =	sld [smem:$0x3FAB]  }
0x2e: {  	s3 =	simm.s32 @!p0 $0x1082;
	s9 =	sld [smem:$0x3FAC]  }
0x2f: {  	lr =	sadd.s32 s0, s3;
	s0 =	sld [smem:$0x3FA3]  }
0x30: {  	s3 =	sld [smem:$0x3FA6]  }
0x31: {  	[smem:$0x3FAF] =	sst s10  }
0x32: {  	s10 =	sld [smem:$0x3FAD];
	_ =	sdelay $0x3  }
0x33: {  	p0 =	seq.s32 s10, $0x1;
	s10 =	sld [smem:$0x3FAF];
	_ =	sdelay $0x3  }
0x34: {  	[smem:$0x3FAF] =	sst s10  }
0x35: {  	s10 =	sld [smem:$0x3FAE];
	_ =	sdelay $0x3  }
0x36: {  	p1 =	seq.s32 s10, $0x1;
	s10 =	sld [smem:$0x3FAF];
	_ =	sdelay $0x3  }
0x37: {  	[smem:$0x3FAF] =	sst s10  }
0x38: {  	s10 =	sld [smem:$0x3FB0]  }
0x39: {  	_ = 	snop;
	(pc) =	sbr.ind lr, $3  }
0x3a: {  	_ = 	snop  }
0x3b: {  	_ = 	snop  }
0x3c: {  	p2 =	seq.s32 s10, $0x1;
	s10 =	sld [smem:$0x3FAF]  }
0x3d: {  	_ =	shalt  }
0x3e: {  	_ =	shalt  }
0x3f: {  	_ =	shalt  }
0x40: {  	_ =	shalt  }
0x41: {  	_ =	shalt  }
0x42: {  	_ =	shalt  }
0x43: {  	_ =	shalt  }
0x44: {  	_ =	shalt  }
0x45: {  	_ =	shalt  }
0x46: {  	_ =	shalt  }
0x47: {  	_ =	shalt  }
0x48: {  	_ =	shalt  }
0x49: {  	_ =	shalt  }
0x4a: {  	_ =	shalt  }
0x4b: {  	_ =	shalt  }
0x4c: {  	_ =	shalt  }
0x4d: {  	_ =	shalt  }
0x4e: {  	_ =	shalt  }
0x4f: {  	_ =	shalt  }
0x50: {  	_ =	shalt  }
0x51: {  	_ =	shalt  }
0x52: {  	_ =	shalt  }
0x53: {  	_ =	shalt  }
0x54: {  	_ =	shalt  }
0x55: {  	_ =	shalt  }
0x56: {  	_ =	shalt  }
0x57: {  	_ =	shalt  }
0x58: {  	_ =	shalt  }
0x59: {  	_ =	shalt  }
0x5a: {  	_ =	shalt  }
0x5b: {  	_ =	shalt  }
0x5c: {  	_ =	shalt  }
0x5d: {  	_ =	shalt  }
0x5e: {  	_ =	shalt  }
0x5f: {  	_ =	shalt  }
0x60: {  	_ =	shalt  }
0x61: {  	_ =	shalt  }
0x62: {  	_ =	shalt  }
0x63: {  	_ =	shalt  }
0x64: {  	_ =	shalt  }
0x65: {  	_ =	shalt  }
0x66: {  	_ =	shalt  }
0x67: {  	_ =	shalt  }
0x68: {  	_ =	shalt  }
0x69: {  	_ =	shalt  }
0x6a: {  	_ =	shalt  }
0x6b: {  	_ =	shalt  }
0x6c: {  	_ =	shalt  }
0x6d: {  	_ =	shalt  }
0x6e: {  	_ =	shalt  }
0x6f: {  	_ =	shalt  }
0x70: {  	_ =	shalt  }
0x71: {  	_ =	shalt  }
0x72: {  	_ =	shalt  }
0x73: {  	_ =	shalt  }
0x74: {  	_ =	shalt  }
0x75: {  	_ =	shalt  }
0x76: {  	_ =	shalt  }
0x77: {  	_ =	shalt  }
0x78: {  	_ =	shalt  }
0x79: {  	_ =	shalt  }
0x7a: {  	_ =	shalt  }
0x7b: {  	_ =	shalt  }
0x7c: {  	_ =	shalt  }
0x7d: {  	_ =	shalt  }
0x7e: {  	_ =	shalt  }
0x7f: {  	_ =	shalt  }
0x80: {  	_ =	shalt  }
0x81: {  	_ =	shalt  }
0x82: {  	_ =	shalt  }
0x83: {  	_ =	shalt  }
0x84: {  	_ =	shalt  }
0x85: {  	_ =	shalt  }
0x86: {  	_ =	shalt  }
0x87: {  	_ =	shalt  }
.Lfunc_end0:
.L_simem_size_0:
called_computation.1_lowered:
.L_overlay_start_0:
0x88: {  	s2 =	sld [smem:$0x3FD9]  }
0x89: {  	s3 =	sld [smem:$0x3FFE];
	_ =	sdelay $0x1  }
0x8a: {  	s1 =	srdreg.scid  }
0x8b: {  	s0 =	sand.u32 $0x1, s1  }
0x8c: {  	s16 =	sshll.u32 s0, $0xA;
	s2 =	sadd.s32 s3, s2  }
0x8d: {  	s2 =	sadd.s32 s2, s16  }
0x8e: {  	[smem:$0x3FBB] =	sst s2  }
0x8f: {  	_ = 	snop  }
0x90: {  	(tm) =	ssettm $0x1  }
0x91: {  	s17 =	sld [smem:$0x3FFB];
	_ =	sdelay $0x3  }
0x92: {  	_ =	strace s17  }
0x93: {  	s2 =	sld [smem:$0x3FFC];
	_ =	sdelay $0x3  }
0x94: {  	_ =	strace s2  }
0x95: {  	s2 =	sld [smem:$0x3FFD];
	_ =	sdelay $0x3  }
0x96: {  	_ =	strace s2  }
0x97: {  	_ =	strace $0x8FFFFFFF  }
0x98: {  	s18 =	sld [smem:$0x3FDB];
	_ =	sdelay $0x1  }
0x99: {  	s19 =	simm.s32 $_scs_section_size  }
0x9a: {  	s4 =	simm.s32 $_size__tile_overlayer_lowered;
	s5 =	simm.s32 $_tile_overlayer_lowered  }
0x9b: {  	s22 =	simm.s32 $0x1BFF;
	s21 =	sshll.u32 s5, $0x1;
	s2 =	sadd.s32 s19, s18  }
0x9c: {  	s6 =	simm.s32 $0x0;
	s20 =	sshll.u32 s4, $0x1;
	s4 =	sadd.s32 s21, s2  }
0x9d: {  	[timem:s6], [sflag:s22] =	dma.local [hbm:s4], s20  }
0x9e: {  	_ =	swait.ge [sflag:s22], s20  }
0x9f: {  	s3 =	ssub.s32 $0x0, s20;
	[sflag:s22] =	ssyncset.done $0x0  }
0xa0: {  	[sflag:s22] =	ssyncadd.s32 s3;
	_ =	sdelay $0x1  }
0xa1: {  	s23 =	simm.s32 $0x1B8B  }
0xa2: {  	_ =	swait.ge [sflag:s23], $0x1  }
0xa3: {  	[sflag:s23] =	ssyncset.done $0x0  }
0xa4: {  	s25 =	simm.s32 $0x1B8E;
	s24 =	sld [smem:$0x3FFE];
	[sflag:s23] =	ssyncadd.s32 $0xFFFFFFFF  }
0xa5: {  	s26 =	simm.s32 $execute0_lowered;
	[smem:$0x3FD2] =	sst s25  }
0xa6: {  	s4 =	sshll.u32 s26, $0x1;
	_ =	strace $0x80000049;
	[dreg:$0x1] =	wrdreg $0xFFFFFFFF  }
0xa7: {  	s28 =	simm.s32 $_size_execute0_lowered;
	s2 =	sadd.s32 s2, s4;
	[dreg:$0x0] =	wrdreg $0x0  }
0xa8: {  	s4 =	sshll.u32 s28, $0x1;
	[dreg:$0x2] =	wrdreg s2  }
0xa9: {  	[dreg:$0x3] =	wrdreg s4  }
0xaa: {  	[dreg:$0x4] =	wrdreg $0xC0  }
0xab: {  	_ =	task [dreg:s6], $0x5FFFF  }
0xac: {  	[dreg:$0x1] =	wrdreg $0xFFFFFFFF  }
0xad: {  	[dreg:$0x0] =	wrdreg $0x60  }
0xae: {  	[dreg:$0x2] =	wrdreg s24  }
0xaf: {  	[dreg:$0x3] =	wrdreg $0x12F200  }
0xb0: {  	[dreg:$0x4] =	wrdreg $0x9  }
0xb1: {  	_ =	task.clear_ibuf [dreg:s6], $0x5FFFF;
	_ =	strace $0x90000049  }
0xb2: {  	s29 =	simm.s32 $0x9;
	_ =	strace $0x8000004B  }
0xb3: {  	_ =	swait.ge [sflag:s29], $0x1  }
0xb4: {  	[sflag:s29] =	ssyncadd.s32 $0xFFFFFFFF  }
0xb5: {  	_ =	strace $0x9000004B  }
0xb6: {  	_ =	sfence  }
0xb7: {  	s30 =	sld [smem:$0x0];
	_ =	sdelay $0x2  }
0xb8: {  	s31 =	sshll.u32 s1, $0xD;
	s1 =	sshrl.u32 s1, $0x2  }
0xb9: {  	s3 =	sand.u32 $0x4000, s31;
	s1 =	sadd.s32 s1, s30  }
0xba: {  	s0 =	sor.u32 s3, s0;
	s1 =	sshll.u32 s1, $0x11  }
0xbb: {  	s0 =	sor.u32 s1, s0  }
0xbc: {  	s0 =	sadd.s32 $0x8F2B, s0  }
0xbd: {  	[sflag:s0] =	ssyncadd.remote.s32 $0x1  }
0xbe: {  	_ =	sfence.sel $0xFFFF  }
0xbf: {  	[dreg:$0x0] =	wrdreg $0xFFFFFFFF;
	(pc) =	sbr.abs _section_cstart, $3  }
0xc0: {  	[dreg:$0x1] =	wrdreg $0xFFFFFFFF  }
0xc1: {  	_ =	task.clear_ibuf [dreg:s6], $0x2FFFF;
	_ =	strace $0x9FFFFFFF  }
0xc2: {  	(tm) =	ssettm $0x7FFFFFFF  }
0xc3: {  	_ =	shalt  }
tec
execute0_lowered:
.L_overlay_start_1:
0x0: {  	(tag) =	ssettag $0x1  }
0x1: {  	s0 =	rddreg [dreg:$0x0]  }
0x2: {  	s1 =	rddreg [dreg:$0x1];
	s3 =	simm.s32 $0x0  }
0x3: {  	s10 =	stileid.u32;
	s2 =	srdreg.scid;
	s17 =	simm.s32 $0x5  }
0x4: {  	s18 =	simm.s32 $0x2710;
	s19 =	simm.s32 $0x190;
	s20 =	simm.s32 $0x4E20  }
0x5: {  	s21 =	simm.s32 $0x11620;
	s22 =	simm.s32 $0x1;
	s23 =	simm.s32 $0xB220  }
0x6: {  	s24 =	simm.s32 $0x122A0;
	s25 =	simm.s32 $0x2;
	s29 =	simm.s32 $0x4  }
0x7: {  	s30 =	simm.s32 $0x4C90;
	s14 =	simm.s32 $0x0;
	[smem:$0x7FF] =	sst s3  }
0x8: {  	s4 =	sadd.s32 $0xADE00, s0;
	s11 =	smul.u32 $0xA000, s10;
	s2 =	sand.u32 $0x1, s2  }
0x9: {  	s6 =	sadd.s32 $0xA4000, s0;
	s9 =	ssub.s32 $0x2, s2;
	s2 =	sshll.u32 s2, $0x2  }
0xa: {  	s7 =	sadd.s32 $0xBF400, s0;
	_ =	strace $0x8000004A;
	[dreg:$0x5] =	wrdreg s2  }
0xb: {  	s8 =	sadd.s32 $0x2C00, s0;
	s5 =	sshrl.u32 s11, $0x3;
	[dreg:$0x3] =	wrdreg s11  }
0xc: {  	s28 =	sadd.s32 s11, s1;
	s5 =	sadd.s32 s5, s0;
	s0 =	sadd.s32 $0x121600, s0  }
0xd: {  	s26 =	sshrl.u32 s9, $0x1;
	s2 =	sshrl.u32 s28, $0x3;
	[dreg:$0x4] =	wrdreg s0  }
0xe: {  	s0 =	ssub.s32 s9, s26;
	s5 =	sadd.s32 $0x10D600, s5;
	[dreg:$0x9] =	wrdreg s2  }
0xf: {  	s31 =	sshll.u32 s10, $0x6;
	[dreg:$0x6] =	wrdreg s5;
	s0 =	smax.u32 s0, $0x1  }
0x10: {  	s12 =	sshll.u32 s10, $0x1;
	s5 =	sor.u32 $0x1C05, s31;
	[dreg:$0x7] =	wrdreg s0  }
0x11: {  	s13 =	smul.u32 $0x4E20, s10;
	s9 =	simm.s32 $0x0;
	[dreg:$0x8] =	wrdreg s5  }
.LBB2_1:
0x12: {  	[dreg:$0xa] =	wrdreg s9;
	s9 =	simm.s32 $0x0  }
.LBB2_2:
0x13: {  	[bflag:$0x0] =	sbarrier.arrive $0xFFFF  }
0x14: {  	s0 =	rddreg [dreg:$0x6]  }
0x15: {  	[spmem:s2], [sflag:s5] =	dma.local [hbm:s0], $0x1400  }
0x16: {  	_ =	swait.ge [sflag:s17], $0x1400  }
0x17: {  	s28 =	rddreg [dreg:$0x5]  }
0x18: {  	[sflag:s17] =	ssyncset.done $0x0;
	s0 =	sadd.s32 s28, s9  }
0x19: {  	[dreg:$0xb] =	wrdreg s9;
	[sflag:s17] =	ssyncadd.s32 $0xFFFFEC00;
	s31 =	smul.u32 $0x2710, s0  }
0x1a: {  	[bflag:$0x0] =	sbarrier.arrive $0xFFFF;
	v1 =	vmov s0  }
0x1b: {  	p1 =	por $0x1, $0x1;
	s5 =	simm.s32 $0x0;
	[dreg:$0xc] =	wrdreg s0;
	v1 =	vand.u32 $0x7, v1;
	v0 =	vmov s31  }
.LBB2_3:
0x1c: {  	s9 =	smul.u32 $0x2710, s5;
	_ =	sdelay $0x1  }
0x1d: {  	s16 =	smul.u32 $0x47AF, s14;
	s9 =	sadd.s32 s13, s9  }
0x1e: {  	s9 =	sshrl.u32 s9, $0x3  }
0x1f: {  	s26 =	sshrl.u32 s16, $0x10;
	s10 =	sadd.s32 s4, s9  }
0x20: {  	[tilespmem:s14], [sflag:$0x5] =	stream.linear.gather [hbm4b:s10+s14], $0x2710, $0x38;
	[tilespmem:$0x1CF20] =	vst v63  }
0x21: {  	s10 =	ssub.s32 $0x0, s26;
	_ =	swait.ge [sflag:s17], $0x2710  }
0x22: {  	s10 =	sand.u32 $0xFFFE, s10;
	[sflag:s17] =	ssyncset.done $0x0  }
0x23: {  	s9 =	sadd.s32 s6, s9;
	s11 =	sshrl.u32 s10, $0x1;
	[sflag:s17] =	ssyncadd.s32 $0xFFFFD8F0  }
0x24: {  	[tilespmem:s18], [sflag:$0x5] =	stream.linear.gather [hbm4b:s9+s14], $0x2710, $0x38;
	[tilespmem:$0x1CF20] =	vst v63  }
0x25: {  	s10 =	simm.s32 $0x1;
	s9 =	sadd.s32 s26, s11  }
0x26: {  	s28 =	smul.u32 $0x47AF, s10;
	s9 =	sand.u32 $0xFFF0, s9  }
0x27: {  	p0 =	por p1, p1;
	_ =	swait.ge [sflag:s17], $0x2710;
	s15 =	sshrl.u32 s9, $0x4  }
0x28: {  	s11 =	sshrl.u32 s28, $0x10;
	[sflag:s17] =	ssyncset.done $0x0;
	s16 =	smul.u32 $0x19, s15  }
0x29: {  	s9 =	simm.s32 $0x2;
	s31 =	ssub.s32 $0x1, s11;
	[sflag:s17] =	ssyncadd.s32 $0xFFFFD8F0  }
0x2a: {  	s31 =	sand.u32 $0xFFFE, s31;
	s15 =	smul.u32 $0x640, s15;
	s2 =	ssub.s32 $0x0, s16  }
0x2b: {  	s31 =	sshrl.u32 s31, $0x1;
	s16 =	smul.u32 $0x47AF, s9;
	s2 =	sand.u32 $0xFFFF, s2  }
0x2c: {  	s11 =	sadd.s32 s11, s31;
	s0 =	sshrl.u32 s15, $0x2;
	s2 =	sshll.u32 s2, $0x4  }
0x2d: {  	s15 =	simm.s32 $0x3;
	s31 =	sand.u32 $0xFFF0, s11;
	s11 =	sadd.s32 s2, s0  }
.LBB2_4:
0x2e: {  	p1 =	sne.s32 s15, $0x270;
	s0 =	sshrl.u32 s31, $0x4;
	v2 =	vld [tilespmem:s11+$0x0];
	s2 =	smov.u32 s10  }
0x2f: {  	s31 =	sshrl.u32 s16, $0x10;
	s10 =	smov.u32 s9;
	s16 =	smul.u32 $0x19, s0  }
.Ltmp0:
0x30: {  	s9 =	smov.u32 s15;
	s26 =	ssub.s32 s10, s31;
	(pc) =	sbr.rel @p1 .LBB2_4-.Ltmp0, $4  }
0x31: {  	s0 =	smul.u32 $0x640, s0;
	s26 =	sand.u32 $0xFFFE, s26;
	s2 =	ssub.s32 s2, s16  }
0x32: {  	s16 =	smul.u32 $0x47AF, s15;
	s26 =	sshrl.u32 s26, $0x1;
	s2 =	sand.u32 $0xFFFF, s2  }
0x33: {  	s0 =	sshrl.u32 s0, $0x2;
	s26 =	sadd.s32 s31, s26;
	s2 =	sshll.u32 s2, $0x4;
	v2 =	vadd.s32 v0, v2  }
0x34: {  	s15 =	sadd.s32 $0x1, s15;
	s31 =	sand.u32 $0xFFF0, s26;
	[tilespmem:s11+$0x0] =	vst v2;
	s11 =	sadd.s32 s2, s0  }
0x35: {  	s0 =	sshrl.u32 s31, $0x4;
	v2 =	vld [tilespmem:s11+$0x0]  }
0x36: {  	s2 =	sshrl.u32 s16, $0x10;
	s15 =	smul.u32 $0x19, s0  }
0x37: {  	s16 =	ssub.s32 s9, s2  }
0x38: {  	s0 =	smul.u32 $0x640, s0;
	s16 =	sand.u32 $0xFFFE, s16;
	s10 =	ssub.s32 s10, s15  }
0x39: {  	s16 =	sshrl.u32 s16, $0x1;
	s10 =	sand.u32 $0xFFFF, s10  }
0x3a: {  	s0 =	sshrl.u32 s0, $0x2;
	s2 =	sadd.s32 s2, s16;
	s10 =	sshll.u32 s10, $0x4;
	v2 =	vadd.s32 v0, v2  }
0x3b: {  	s2 =	sand.u32 $0xFFF0, s2;
	s0 =	sadd.s32 s10, s0;
	[tilespmem:s11+$0x0] =	vst v2  }
0x3c: {  	s2 =	sshrl.u32 s2, $0x4;
	v2 =	vld [tilespmem:s0+$0x0]  }
0x3d: {  	s26 =	smul.u32 $0x19, s2;
	_ =	sdelay $0x1  }
0x3e: {  	s2 =	smul.u32 $0x640, s2;
	s28 =	ssub.s32 s9, s26  }
0x3f: {  	s9 =	sand.u32 $0xFFFF, s28  }
0x40: {  	s2 =	sshrl.u32 s2, $0x2;
	s9 =	sshll.u32 s9, $0x4;
	v2 =	vadd.s32 v0, v2  }
0x41: {  	s2 =	sadd.s32 s9, s2;
	[tilespmem:s0+$0x0] =	vst v2  }
0x42: {  	v2 =	vld [tilespmem:s2+$0x0];
	_ =	sdelay $0x4  }
0x43: {  	s10 =	sor.u32 s12, s5;
	v2 =	vadd.s32 v0, v2  }
0x44: {  	s11 =	smul.u32 $0x2710, s10;
	[tilespmem:s2+$0x0] =	vst v2  }
0x45: {  	[tilespmem:s20], [sflag:$0x1] =	stream.indirect.gather [hbm4b:s8+s19], $0x40, s3, s19, $0xb8;
	[tilespmem:$0x1CF20] =	vst v63  }
0x46: {  	s31 =	sadd.s32 s7, s11  }
0x47: {  	[tilespmem:s21], [sflag:$0x1] =	stream.linear.gather [hbm4b:s31+s3], $0xC80, $0x38;
	[tilespmem:$0x1CF20] =	vst v63  }
0x48: {  	_ =	swait.ge [sflag:s22], $0x6400  }
0x49: {  	[sflag:s22] =	ssyncset.done $0x0  }
0x4a: {  	s15 =	simm.s32 $0x0;
	s0 =	smul.u32 $0x13880, s10;
	[sflag:s22] =	ssyncadd.s32 $0xFFFF9C00  }
0x4b: {  	v2 =	vor.u32 s15, v1;
	_ =	swait.ge [sflag:s22], $0xC80  }
0x4c: {  	s0 =	sshrl.u32 s0, $0x3;
	v2 =	vbroadcast v2, $0x0;
	[sflag:s22] =	ssyncset.done $0x0  }
0x4d: {  	s5 =	sadd.s32 s7, s0;
	[sflag:s22] =	ssyncadd.s32 $0xFFFFF380  }
0x4e: {  	[tilespmem:s23], [sflag:$0x2] =	stream.indirect.gather [hbm4b:s8+s19], $0x40, s19, s19, $0xb8;
	[tilespmem:$0x1CF20] =	vst v63  }
0x4f: {  	s9 =	simm.s32 $0x4EA0;
	s0 =	sadd.s32 $0x190, s5  }
0x50: {  	[tilespmem:s24], [sflag:$0x2] =	stream.linear.gather [hbm4b:s0+s3], $0xC80, $0x38;
	[tilespmem:$0x1CF20] =	vst v63  }
0x51: {  	v3 =	vld [tilespmem:s9+$0xFFFFFFB0]  }
0x52: {  	v2 =	vld.idx.msk [tilespmem:v2+s21+$0x0], $0xffff  }
0x53: {  	v4 =	vld [tilespmem:s9+$0xFFFFFF80]  }
0x54: {  	v5 =	vld [tilespmem:s9+$0xFFFFFF90]  }
0x55: {  	s16 =	simm.s32 $0x8;
	v6 =	vld [tilespmem:s9+$0xFFFFFFA0]  }
0x56: {  	v7 =	vor.u32 s16, v1  }
0x57: {  	v7 =	vbroadcast v7, $0x0;
	v3 =	vmul.f32 v3, v2  }
0x58: {  	v4 =	vmul.f32 v4, v2  }
0x59: {  	v5 =	vmul.f32 v5, v2;
	[tilespmem:s9+$0xFFFFFFB0] =	vst v3  }
0x5a: {  	v2 =	vmul.f32 v6, v2;
	[tilespmem:s9+$0xFFFFFF80] =	vst v4  }
0x5b: {  	[tilespmem:s9+$0xFFFFFF90] =	vst v5  }
0x5c: {  	[tilespmem:s9+$0xFFFFFFA0] =	vst v2;
	v3 =	vld [tilespmem:s9+$0xFFFFFFC0]  }
0x5d: {  	v2 =	vld.idx.msk [tilespmem:v7+s21+$0x0], $0xffff  }
0x5e: {  	v4 =	vld [tilespmem:s9+$0xFFFFFFD0]  }
0x5f: {  	v5 =	vld [tilespmem:s9+$0xFFFFFFF0]  }
0x60: {  	s26 =	simm.s32 $0x10;
	v61 =	vld [tilespmem:s9+$0xFFFFFFE0]  }
0x61: {  	v62 =	vor.u32 s26, v1  }
0x62: {  	v7 =	vbroadcast v62, $0x0;
	v3 =	vmul.f32 v3, v2  }
0x63: {  	v4 =	vmul.f32 v4, v2  }
0x64: {  	v5 =	vmul.f32 v5, v2;
	[tilespmem:s9+$0xFFFFFFC0] =	vst v3  }
0x65: {  	v2 =	vmul.f32 v61, v2;
	[tilespmem:s9+$0xFFFFFFD0] =	vst v4  }
0x66: {  	[tilespmem:s9+$0xFFFFFFF0] =	vst v5  }
0x67: {  	[tilespmem:s9+$0xFFFFFFE0] =	vst v2;
	v2 =	vld [tilespmem:s9+$0x0]  }
0x68: {  	v3 =	vld.idx.msk [tilespmem:v7+s21+$0x0], $0xffff;
	_ =	sdelay $0x2  }
0x69: {  	v4 =	vld [tilespmem:s9+$0x20]  }
0x6a: {  	v5 =	vld [tilespmem:s9+$0x30]  }
0x6b: {  	v2 =	vmul.f32 v2, v3  }
0x6c: {  	s28 =	simm.s32 $0x18;
	v63 =	vld [tilespmem:s9+$0x10]  }
0x6d: {  	[tilespmem:s9+$0x0] =	vst v2;
	v2 =	vor.u32 s28, v1  }
0x6e: {  	v4 =	vmul.f32 v4, v3;
	v2 =	vbroadcast v2, $0x0  }
0x6f: {  	v5 =	vmul.f32 v5, v3  }
0x70: {  	[tilespmem:s9+$0x20] =	vst v4  }
0x71: {  	s11 =	simm.s32 $0x4EA0;
	s10 =	simm.s32 $0x7;
	v3 =	vmul.f32 v63, v3;
	[tilespmem:s9+$0x30] =	vst v5  }
.LBB2_6:
0x72: {  	p1 =	sne.s32 s10, $0x18F  }
0x73: {  	[tilespmem:s9+$0x10] =	vst v3;
	v3 =	vld [tilespmem:s9+$0x40];
	s11 =	sadd.s32 $0x100, s11;
	s0 =	smov.u32 s10;
	s10 =	sadd.s32 $0x4, s10  }
0x74: {  	v2 =	vld.idx.msk [tilespmem:v2+s21+$0x0], $0xffff  }
0x75: {  	v4 =	vld [tilespmem:s9+$0x70]  }
0x76: {  	v5 =	vld [tilespmem:s9+$0x50]  }
0x77: {  	s0 =	sshll.u32 s0, $0x3;
	v6 =	vld [tilespmem:s9+$0x60]  }
0x78: {  	s2 =	sadd.s32 $0xFFFFFFE8, s0;
	s15 =	sadd.s32 $0xFFFFFFF0, s0;
	s16 =	sadd.s32 $0xFFFFFFF8, s0;
	v7 =	vor.u32 s0, v1  }
0x79: {  	v8 =	vor.u32 s2, v1;
	v9 =	vor.u32 s15, v1;
	v10 =	vor.u32 s16, v1  }
0x7a: {  	v8 =	vbroadcast v8, $0x0;
	v4 =	vmul.f32 v4, v2  }
0x7b: {  	v3 =	vmul.f32 v3, v2;
	v5 =	vmul.f32 v5, v2  }
0x7c: {  	v2 =	vmul.f32 v6, v2;
	[tilespmem:s9+$0x70] =	vst v4  }
0x7d: {  	[tilespmem:s9+$0x40] =	vst v3  }
0x7e: {  	v3 =	vld [tilespmem:s11+$0xFFFFFFA0];
	[tilespmem:s9+$0x50] =	vst v5  }
0x7f: {  	v4 =	vld [tilespmem:s11+$0xFFFFFFB0];
	[tilespmem:s9+$0x60] =	vst v2;
	s9 =	smov.u32 s11  }
0x80: {  	v2 =	vld.idx.msk [tilespmem:v8+s21+$0x0], $0xffff  }
0x81: {  	v5 =	vld [tilespmem:s11+$0xFFFFFF80]  }
0x82: {  	v6 =	vld [tilespmem:s11+$0xFFFFFF90];
	_ =	sdelay $0x2  }
0x83: {  	v8 =	vbroadcast v9, $0x0  }
0x84: {  	v4 =	vmul.f32 v4, v2;
	v5 =	vmul.f32 v5, v2  }
0x85: {  	v6 =	vmul.f32 v6, v2;
	v2 =	vmul.f32 v3, v2  }
0x86: {  	[tilespmem:s11+$0xFFFFFFB0] =	vst v4  }
0x87: {  	[tilespmem:s11+$0xFFFFFF80] =	vst v5  }
0x88: {  	[tilespmem:s11+$0xFFFFFF90] =	vst v6;
	v3 =	vld [tilespmem:s11+$0xFFFFFFF0]  }
0x89: {  	[tilespmem:s11+$0xFFFFFFA0] =	vst v2;
	v2 =	vld [tilespmem:s11+$0xFFFFFFD0]  }
0x8a: {  	v4 =	vld.idx.msk [tilespmem:v8+s21+$0x0], $0xffff  }
0x8b: {  	v5 =	vld [tilespmem:s11+$0xFFFFFFC0]  }
0x8c: {  	v6 =	vld [tilespmem:s11+$0xFFFFFFE0];
	_ =	sdelay $0x2  }
0x8d: {  	v8 =	vbroadcast v10, $0x0  }
0x8e: {  	v2 =	vmul.f32 v2, v4;
	v5 =	vmul.f32 v5, v4  }
0x8f: {  	v3 =	vmul.f32 v3, v4;
	v6 =	vmul.f32 v6, v4  }
0x90: {  	[tilespmem:s11+$0xFFFFFFC0] =	vst v5  }
0x91: {  	[tilespmem:s11+$0xFFFFFFD0] =	vst v2  }
0x92: {  	[tilespmem:s11+$0xFFFFFFF0] =	vst v3;
	v4 =	vld [tilespmem:s11+$0x30]  }
0x93: {  	[tilespmem:s11+$0xFFFFFFE0] =	vst v6;
	v3 =	vld [tilespmem:s11+$0x0]  }
0x94: {  	v5 =	vld.idx.msk [tilespmem:v8+s21+$0x0], $0xffff  }
0x95: {  	v6 =	vld [tilespmem:s11+$0x10]  }
0x96: {  	v8 =	vld [tilespmem:s11+$0x20];
	_ =	sdelay $0x2  }
0x97: {  	v2 =	vbroadcast v7, $0x0  }
.Ltmp1:
0x98: {  	v7 =	vmul.f32 v3, v5;
	v3 =	vmul.f32 v6, v5;
	(pc) =	sbr.rel @p1 .LBB2_6-.Ltmp1, $4  }
0x99: {  	v4 =	vmul.f32 v4, v5;
	v6 =	vmul.f32 v8, v5  }
0x9a: {  	[tilespmem:s11+$0x0] =	vst v7  }
0x9b: {  	[tilespmem:s11+$0x20] =	vst v6  }
0x9c: {  	[tilespmem:s11+$0x30] =	vst v4  }
0x9d: {  	_ =	sdelay $0x2  }
0x9e: {  	[tilespmem:s9+$0x10] =	vst v3;
	v3 =	vld [tilespmem:s9+$0x70]  }
0x9f: {  	v2 =	vld.idx.msk [tilespmem:v2+s21+$0x0], $0xffff  }
0xa0: {  	v4 =	vld [tilespmem:s9+$0x40]  }
0xa1: {  	v5 =	vld [tilespmem:s9+$0x50]  }
0xa2: {  	v6 =	vld [tilespmem:s9+$0x60];
	_ =	sdelay $0x1  }
0xa3: {  	v3 =	vmul.f32 v3, v2  }
0xa4: {  	v4 =	vmul.f32 v4, v2  }
0xa5: {  	v5 =	vmul.f32 v5, v2;
	[tilespmem:s9+$0x70] =	vst v3  }
0xa6: {  	v2 =	vmul.f32 v6, v2;
	[tilespmem:s9+$0x40] =	vst v4  }
0xa7: {  	[tilespmem:s9+$0x50] =	vst v5  }
0xa8: {  	[tilespmem:s9+$0x60] =	vst v2  }
0xa9: {  	[spmem:s1] =	stream.indirect.scatter.add.f32 [tilespmem:s20], [sflag:$0x3], $0x40, s18, s19, $0xb8;
	[tilespmem:$0x1CF20] =	vst v63  }
0xaa: {  	_ =	swait.ge [sflag:s25], $0x6400  }
0xab: {  	[sflag:s25] =	ssyncset.done $0x0  }
0xac: {  	[sflag:s25] =	ssyncadd.s32 $0xFFFF9C00  }
0xad: {  	_ =	swait.ge [sflag:s25], $0xC80  }
0xae: {  	[sflag:s25] =	ssyncset.done $0x0  }
0xaf: {  	s0 =	simm.s32 $0x3;
	s2 =	simm.s32 $0x0;
	[sflag:s25] =	ssyncadd.s32 $0xFFFFF380  }
0xb0: {  	v2 =	vor.u32 s2, v1;
	_ =	swait.ge [sflag:s0], $0x6400  }
0xb1: {  	v2 =	vbroadcast v2, $0x0;
	[sflag:s0] =	ssyncset.done $0x0  }
0xb2: {  	s11 =	simm.s32 $0x320;
	[sflag:s0] =	ssyncadd.s32 $0xFFFF9C00  }
0xb3: {  	[tilespmem:s20], [sflag:$0x1] =	stream.indirect.gather [hbm4b:s8+s19], $0x40, s11, s19, $0xb8;
	[tilespmem:$0x1CF20] =	vst v63  }
0xb4: {  	s15 =	sadd.s32 $0x320, s5;
	s5 =	simm.s32 $0xB2A0  }
0xb5: {  	[tilespmem:s21], [sflag:$0x1] =	stream.linear.gather [hbm4b:s15+s3], $0xC80, $0x38;
	[tilespmem:$0x1CF20] =	vst v63  }
0xb6: {  	v3 =	vld [tilespmem:s5+$0xFFFFFFB0]  }
0xb7: {  	v2 =	vld.idx.msk [tilespmem:v2+s24+$0x0], $0xffff  }
0xb8: {  	v4 =	vld [tilespmem:s5+$0xFFFFFF80]  }
0xb9: {  	v5 =	vld [tilespmem:s5+$0xFFFFFF90]  }
0xba: {  	s16 =	simm.s32 $0x8;
	v60 =	vld [tilespmem:s5+$0xFFFFFFA0]  }
0xbb: {  	v7 =	vor.u32 s16, v1  }
0xbc: {  	v7 =	vbroadcast v7, $0x0;
	v3 =	vmul.f32 v3, v2  }
0xbd: {  	v4 =	vmul.f32 v4, v2  }
0xbe: {  	v5 =	vmul.f32 v5, v2;
	[tilespmem:s5+$0xFFFFFFB0] =	vst v3  }
0xbf: {  	v2 =	vmul.f32 v60, v2;
	[tilespmem:s5+$0xFFFFFF80] =	vst v4  }
0xc0: {  	[tilespmem:s5+$0xFFFFFF90] =	vst v5  }
0xc1: {  	[tilespmem:s5+$0xFFFFFFA0] =	vst v2;
	v3 =	vld [tilespmem:s5+$0xFFFFFFC0]  }
0xc2: {  	v2 =	vld.idx.msk [tilespmem:v7+s24+$0x0], $0xffff  }
0xc3: {  	v4 =	vld [tilespmem:s5+$0xFFFFFFD0]  }
0xc4: {  	v5 =	vld [tilespmem:s5+$0xFFFFFFF0]  }
0xc5: {  	s26 =	simm.s32 $0x10;
	v61 =	vld [tilespmem:s5+$0xFFFFFFE0]  }
0xc6: {  	v62 =	vor.u32 s26, v1  }
0xc7: {  	v7 =	vbroadcast v62, $0x0;
	v3 =	vmul.f32 v3, v2  }
0xc8: {  	v4 =	vmul.f32 v4, v2  }
0xc9: {  	v5 =	vmul.f32 v5, v2;
	[tilespmem:s5+$0xFFFFFFC0] =	vst v3  }
0xca: {  	v2 =	vmul.f32 v61, v2;
	[tilespmem:s5+$0xFFFFFFD0] =	vst v4  }
0xcb: {  	[tilespmem:s5+$0xFFFFFFF0] =	vst v5  }
0xcc: {  	[tilespmem:s5+$0xFFFFFFE0] =	vst v2;
	v2 =	vld [tilespmem:s5+$0x0]  }
0xcd: {  	v3 =	vld.idx.msk [tilespmem:v7+s24+$0x0], $0xffff;
	_ =	sdelay $0x2  }
0xce: {  	v4 =	vld [tilespmem:s5+$0x20]  }
0xcf: {  	v5 =	vld [tilespmem:s5+$0x30]  }
0xd0: {  	v2 =	vmul.f32 v2, v3  }
0xd1: {  	s28 =	simm.s32 $0x18;
	v63 =	vld [tilespmem:s5+$0x10]  }
0xd2: {  	[tilespmem:s5+$0x0] =	vst v2;
	v2 =	vor.u32 s28, v1  }
0xd3: {  	v4 =	vmul.f32 v4, v3;
	v2 =	vbroadcast v2, $0x0  }
0xd4: {  	v5 =	vmul.f32 v5, v3  }
0xd5: {  	[tilespmem:s5+$0x20] =	vst v4  }
0xd6: {  	s10 =	simm.s32 $0xB2A0;
	s9 =	simm.s32 $0x7;
	v3 =	vmul.f32 v63, v3;
	[tilespmem:s5+$0x30] =	vst v5  }
.LBB2_8:
0xd7: {  	p1 =	sne.s32 s9, $0x18F  }
0xd8: {  	[tilespmem:s5+$0x10] =	vst v3;
	v3 =	vld [tilespmem:s5+$0x40];
	s10 =	sadd.s32 $0x100, s10;
	s0 =	smov.u32 s9;
	s9 =	sadd.s32 $0x4, s9  }
0xd9: {  	v2 =	vld.idx.msk [tilespmem:v2+s24+$0x0], $0xffff  }
0xda: {  	v4 =	vld [tilespmem:s5+$0x70]  }
0xdb: {  	v5 =	vld [tilespmem:s5+$0x50]  }
0xdc: {  	s0 =	sshll.u32 s0, $0x3;
	v6 =	vld [tilespmem:s5+$0x60]  }
0xdd: {  	s2 =	sadd.s32 $0xFFFFFFE8, s0;
	s11 =	sadd.s32 $0xFFFFFFF0, s0;
	s15 =	sadd.s32 $0xFFFFFFF8, s0;
	v7 =	vor.u32 s0, v1  }
0xde: {  	v8 =	vor.u32 s2, v1;
	v9 =	vor.u32 s11, v1;
	v10 =	vor.u32 s15, v1  }
0xdf: {  	v8 =	vbroadcast v8, $0x0;
	v4 =	vmul.f32 v4, v2  }
0xe0: {  	v3 =	vmul.f32 v3, v2;
	v5 =	vmul.f32 v5, v2  }
0xe1: {  	v2 =	vmul.f32 v6, v2;
	[tilespmem:s5+$0x70] =	vst v4  }
0xe2: {  	[tilespmem:s5+$0x40] =	vst v3  }
0xe3: {  	v3 =	vld [tilespmem:s10+$0xFFFFFFA0];
	[tilespmem:s5+$0x50] =	vst v5  }
0xe4: {  	v4 =	vld [tilespmem:s10+$0xFFFFFFB0];
	[tilespmem:s5+$0x60] =	vst v2;
	s5 =	smov.u32 s10  }
0xe5: {  	v2 =	vld.idx.msk [tilespmem:v8+s24+$0x0], $0xffff  }
0xe6: {  	v5 =	vld [tilespmem:s10+$0xFFFFFF80]  }
0xe7: {  	v6 =	vld [tilespmem:s10+$0xFFFFFF90];
	_ =	sdelay $0x2  }
0xe8: {  	v8 =	vbroadcast v9, $0x0  }
0xe9: {  	v4 =	vmul.f32 v4, v2;
	v5 =	vmul.f32 v5, v2  }
0xea: {  	v6 =	vmul.f32 v6, v2;
	v2 =	vmul.f32 v3, v2  }
0xeb: {  	[tilespmem:s10+$0xFFFFFFB0] =	vst v4  }
0xec: {  	[tilespmem:s10+$0xFFFFFF80] =	vst v5  }
0xed: {  	[tilespmem:s10+$0xFFFFFF90] =	vst v6;
	v3 =	vld [tilespmem:s10+$0xFFFFFFF0]  }
0xee: {  	[tilespmem:s10+$0xFFFFFFA0] =	vst v2;
	v2 =	vld [tilespmem:s10+$0xFFFFFFD0]  }
0xef: {  	v4 =	vld.idx.msk [tilespmem:v8+s24+$0x0], $0xffff  }
0xf0: {  	v5 =	vld [tilespmem:s10+$0xFFFFFFC0]  }
0xf1: {  	v6 =	vld [tilespmem:s10+$0xFFFFFFE0];
	_ =	sdelay $0x2  }
0xf2: {  	v8 =	vbroadcast v10, $0x0  }
0xf3: {  	v2 =	vmul.f32 v2, v4;
	v5 =	vmul.f32 v5, v4  }
0xf4: {  	v3 =	vmul.f32 v3, v4;
	v6 =	vmul.f32 v6, v4  }
0xf5: {  	[tilespmem:s10+$0xFFFFFFC0] =	vst v5  }
0xf6: {  	[tilespmem:s10+$0xFFFFFFD0] =	vst v2  }
0xf7: {  	[tilespmem:s10+$0xFFFFFFF0] =	vst v3;
	v4 =	vld [tilespmem:s10+$0x30]  }
0xf8: {  	[tilespmem:s10+$0xFFFFFFE0] =	vst v6;
	v3 =	vld [tilespmem:s10+$0x0]  }
0xf9: {  	v5 =	vld.idx.msk [tilespmem:v8+s24+$0x0], $0xffff  }
0xfa: {  	v6 =	vld [tilespmem:s10+$0x10]  }
0xfb: {  	v8 =	vld [tilespmem:s10+$0x20];
	_ =	sdelay $0x2  }
0xfc: {  	v2 =	vbroadcast v7, $0x0  }
.Ltmp2:
0xfd: {  	v7 =	vmul.f32 v3, v5;
	v3 =	vmul.f32 v6, v5;
	(pc) =	sbr.rel @p1 .LBB2_8-.Ltmp2, $4  }
0xfe: {  	v4 =	vmul.f32 v4, v5;
	v6 =	vmul.f32 v8, v5  }
0xff: {  	[tilespmem:s10+$0x0] =	vst v7  }
0x100: {  	[tilespmem:s10+$0x20] =	vst v6  }
0x101: {  	[tilespmem:s10+$0x30] =	vst v4  }
0x102: {  	_ =	sdelay $0x2  }
0x103: {  	[tilespmem:s5+$0x10] =	vst v3;
	v3 =	vld [tilespmem:s5+$0x70]  }
0x104: {  	v2 =	vld.idx.msk [tilespmem:v2+s24+$0x0], $0xffff  }
0x105: {  	v4 =	vld [tilespmem:s5+$0x40]  }
0x106: {  	v5 =	vld [tilespmem:s5+$0x50]  }
0x107: {  	v6 =	vld [tilespmem:s5+$0x60];
	_ =	sdelay $0x1  }
0x108: {  	v3 =	vmul.f32 v3, v2  }
0x109: {  	v4 =	vmul.f32 v4, v2  }
0x10a: {  	v5 =	vmul.f32 v5, v2;
	[tilespmem:s5+$0x70] =	vst v3  }
0x10b: {  	v2 =	vmul.f32 v6, v2;
	[tilespmem:s5+$0x40] =	vst v4  }
0x10c: {  	[tilespmem:s5+$0x50] =	vst v5  }
0x10d: {  	s0 =	simm.s32 $0x28A0;
	[tilespmem:s5+$0x60] =	vst v2;
	s5 =	simm.s32 $0x0  }
0x10e: {  	[spmem:s1] =	stream.indirect.scatter.add.f32 [tilespmem:s23], [sflag:$0x4], $0x40, s0, s19, $0xb8;
	[tilespmem:$0x1CF20] =	vst v63  }
.LBB2_10:
0x10f: {  	_ =	swait.ge [sflag:s22], $0x6400  }
0x110: {  	[sflag:s22] =	ssyncset.done $0x0  }
0x111: {  	[sflag:s22] =	ssyncadd.s32 $0xFFFF9C00  }
0x112: {  	_ =	swait.ge [sflag:s22], $0xC80  }
0x113: {  	[sflag:s22] =	ssyncset.done $0x0  }
0x114: {  	s0 =	simm.s32 $0x0;
	[sflag:s22] =	ssyncadd.s32 $0xFFFFF380  }
0x115: {  	s10 =	smul.u32 $0x320, s5;
	v2 =	vor.u32 s0, v1;
	_ =	swait.ge [sflag:s29], $0x6400  }
0x116: {  	v2 =	vbroadcast v2, $0x0;
	[sflag:s29] =	ssyncset.done $0x0  }
0x117: {  	s9 =	sadd.s32 $0x4B0, s10;
	[sflag:s29] =	ssyncadd.s32 $0xFFFF9C00  }
0x118: {  	[tilespmem:s23], [sflag:$0x2] =	stream.indirect.gather [hbm4b:s8+s19], $0x40, s9, s19, $0xb8;
	[tilespmem:$0x1CF20] =	vst v63  }
0x119: {  	s11 =	simm.s32 $0x4EA0;
	s15 =	sadd.s32 s9, s31  }
0x11a: {  	[tilespmem:s24], [sflag:$0x2] =	stream.linear.gather [hbm4b:s15+s3], $0xC80, $0x38;
	[tilespmem:$0x1CF20] =	vst v63  }
0x11b: {  	v3 =	vld [tilespmem:s11+$0xFFFFFFB0]  }
0x11c: {  	v2 =	vld.idx.msk [tilespmem:v2+s21+$0x0], $0xffff  }
0x11d: {  	v4 =	vld [tilespmem:s11+$0xFFFFFF80]  }
0x11e: {  	v5 =	vld [tilespmem:s11+$0xFFFFFF90]  }
0x11f: {  	s16 =	simm.s32 $0x8;
	v6 =	vld [tilespmem:s11+$0xFFFFFFA0]  }
0x120: {  	v7 =	vor.u32 s16, v1  }
0x121: {  	v7 =	vbroadcast v7, $0x0;
	v3 =	vmul.f32 v3, v2  }
0x122: {  	v4 =	vmul.f32 v4, v2  }
0x123: {  	v5 =	vmul.f32 v5, v2;
	[tilespmem:s11+$0xFFFFFFB0] =	vst v3  }
0x124: {  	v2 =	vmul.f32 v6, v2;
	[tilespmem:s11+$0xFFFFFF80] =	vst v4  }
0x125: {  	[tilespmem:s11+$0xFFFFFF90] =	vst v5  }
0x126: {  	[tilespmem:s11+$0xFFFFFFA0] =	vst v2;
	v3 =	vld [tilespmem:s11+$0xFFFFFFC0]  }
0x127: {  	v2 =	vld.idx.msk [tilespmem:v7+s21+$0x0], $0xffff  }
0x128: {  	v4 =	vld [tilespmem:s11+$0xFFFFFFD0]  }
0x129: {  	v5 =	vld [tilespmem:s11+$0xFFFFFFF0]  }
0x12a: {  	s26 =	simm.s32 $0x10;
	v61 =	vld [tilespmem:s11+$0xFFFFFFE0]  }
0x12b: {  	v62 =	vor.u32 s26, v1  }
0x12c: {  	v7 =	vbroadcast v62, $0x0;
	v3 =	vmul.f32 v3, v2  }
0x12d: {  	v4 =	vmul.f32 v4, v2  }
0x12e: {  	v5 =	vmul.f32 v5, v2;
	[tilespmem:s11+$0xFFFFFFC0] =	vst v3  }
0x12f: {  	v2 =	vmul.f32 v61, v2;
	[tilespmem:s11+$0xFFFFFFD0] =	vst v4  }
0x130: {  	[tilespmem:s11+$0xFFFFFFF0] =	vst v5  }
0x131: {  	[tilespmem:s11+$0xFFFFFFE0] =	vst v2;
	v2 =	vld [tilespmem:s11+$0x0]  }
0x132: {  	v3 =	vld.idx.msk [tilespmem:v7+s21+$0x0], $0xffff;
	_ =	sdelay $0x2  }
0x133: {  	v4 =	vld [tilespmem:s11+$0x20]  }
0x134: {  	v5 =	vld [tilespmem:s11+$0x30]  }
0x135: {  	v2 =	vmul.f32 v2, v3  }
0x136: {  	s28 =	simm.s32 $0x18;
	v63 =	vld [tilespmem:s11+$0x10]  }
0x137: {  	[tilespmem:s11+$0x0] =	vst v2;
	v2 =	vor.u32 s28, v1  }
0x138: {  	v4 =	vmul.f32 v4, v3;
	v2 =	vbroadcast v2, $0x0  }
0x139: {  	v5 =	vmul.f32 v5, v3  }
0x13a: {  	[tilespmem:s11+$0x20] =	vst v4  }
0x13b: {  	s16 =	simm.s32 $0x4EA0;
	s15 =	simm.s32 $0x7;
	v3 =	vmul.f32 v63, v3;
	[tilespmem:s11+$0x30] =	vst v5  }
.LBB2_11:
0x13c: {  	p1 =	sne.s32 s15, $0x18F  }
0x13d: {  	[tilespmem:s11+$0x10] =	vst v3;
	v3 =	vld [tilespmem:s11+$0x40];
	s16 =	sadd.s32 $0x100, s16;
	s0 =	smov.u32 s15;
	s15 =	sadd.s32 $0x4, s15  }
0x13e: {  	v2 =	vld.idx.msk [tilespmem:v2+s21+$0x0], $0xffff  }
0x13f: {  	v4 =	vld [tilespmem:s11+$0x70]  }
0x140: {  	v5 =	vld [tilespmem:s11+$0x50]  }
0x141: {  	s0 =	sshll.u32 s0, $0x3;
	v6 =	vld [tilespmem:s11+$0x60]  }
0x142: {  	s2 =	sadd.s32 $0xFFFFFFE8, s0;
	s26 =	sadd.s32 $0xFFFFFFF0, s0;
	s28 =	sadd.s32 $0xFFFFFFF8, s0;
	v7 =	vor.u32 s0, v1  }
0x143: {  	v8 =	vor.u32 s2, v1;
	v9 =	vor.u32 s26, v1;
	v10 =	vor.u32 s28, v1  }
0x144: {  	v8 =	vbroadcast v8, $0x0;
	v4 =	vmul.f32 v4, v2  }
0x145: {  	v3 =	vmul.f32 v3, v2;
	v5 =	vmul.f32 v5, v2  }
0x146: {  	v2 =	vmul.f32 v6, v2;
	[tilespmem:s11+$0x70] =	vst v4  }
0x147: {  	[tilespmem:s11+$0x40] =	vst v3  }
0x148: {  	v3 =	vld [tilespmem:s16+$0xFFFFFFA0];
	[tilespmem:s11+$0x50] =	vst v5  }
0x149: {  	v4 =	vld [tilespmem:s16+$0xFFFFFFB0];
	[tilespmem:s11+$0x60] =	vst v2;
	s11 =	smov.u32 s16  }
0x14a: {  	v2 =	vld.idx.msk [tilespmem:v8+s21+$0x0], $0xffff  }
0x14b: {  	v5 =	vld [tilespmem:s16+$0xFFFFFF80]  }
0x14c: {  	v6 =	vld [tilespmem:s16+$0xFFFFFF90];
	_ =	sdelay $0x2  }
0x14d: {  	v8 =	vbroadcast v9, $0x0  }
0x14e: {  	v4 =	vmul.f32 v4, v2;
	v5 =	vmul.f32 v5, v2  }
0x14f: {  	v6 =	vmul.f32 v6, v2;
	v2 =	vmul.f32 v3, v2  }
0x150: {  	[tilespmem:s16+$0xFFFFFFB0] =	vst v4  }
0x151: {  	[tilespmem:s16+$0xFFFFFF80] =	vst v5  }
0x152: {  	[tilespmem:s16+$0xFFFFFF90] =	vst v6;
	v3 =	vld [tilespmem:s16+$0xFFFFFFF0]  }
0x153: {  	[tilespmem:s16+$0xFFFFFFA0] =	vst v2;
	v2 =	vld [tilespmem:s16+$0xFFFFFFD0]  }
0x154: {  	v4 =	vld.idx.msk [tilespmem:v8+s21+$0x0], $0xffff  }
0x155: {  	v5 =	vld [tilespmem:s16+$0xFFFFFFC0]  }
0x156: {  	v6 =	vld [tilespmem:s16+$0xFFFFFFE0];
	_ =	sdelay $0x2  }
0x157: {  	v8 =	vbroadcast v10, $0x0  }
0x158: {  	v2 =	vmul.f32 v2, v4;
	v5 =	vmul.f32 v5, v4  }
0x159: {  	v3 =	vmul.f32 v3, v4;
	v6 =	vmul.f32 v6, v4  }
0x15a: {  	[tilespmem:s16+$0xFFFFFFC0] =	vst v5  }
0x15b: {  	[tilespmem:s16+$0xFFFFFFD0] =	vst v2  }
0x15c: {  	[tilespmem:s16+$0xFFFFFFF0] =	vst v3;
	v4 =	vld [tilespmem:s16+$0x30]  }
0x15d: {  	[tilespmem:s16+$0xFFFFFFE0] =	vst v6;
	v3 =	vld [tilespmem:s16+$0x0]  }
0x15e: {  	v5 =	vld.idx.msk [tilespmem:v8+s21+$0x0], $0xffff  }
0x15f: {  	v6 =	vld [tilespmem:s16+$0x10]  }
0x160: {  	v8 =	vld [tilespmem:s16+$0x20];
	_ =	sdelay $0x2  }
0x161: {  	v2 =	vbroadcast v7, $0x0  }
.Ltmp3:
0x162: {  	v7 =	vmul.f32 v3, v5;
	v3 =	vmul.f32 v6, v5;
	(pc) =	sbr.rel @p1 .LBB2_11-.Ltmp3, $4  }
0x163: {  	v4 =	vmul.f32 v4, v5;
	v6 =	vmul.f32 v8, v5  }
0x164: {  	[tilespmem:s16+$0x0] =	vst v7  }
0x165: {  	[tilespmem:s16+$0x20] =	vst v6  }
0x166: {  	[tilespmem:s16+$0x30] =	vst v4  }
0x167: {  	_ =	sdelay $0x2  }
0x168: {  	[tilespmem:s11+$0x10] =	vst v3;
	v3 =	vld [tilespmem:s11+$0x70]  }
0x169: {  	v2 =	vld.idx.msk [tilespmem:v2+s21+$0x0], $0xffff  }
0x16a: {  	v4 =	vld [tilespmem:s11+$0x40]  }
0x16b: {  	v5 =	vld [tilespmem:s11+$0x50]  }
0x16c: {  	v6 =	vld [tilespmem:s11+$0x60];
	_ =	sdelay $0x1  }
0x16d: {  	v3 =	vmul.f32 v3, v2  }
0x16e: {  	v4 =	vmul.f32 v4, v2  }
0x16f: {  	s0 =	smul.u32 $0xC80, s5;
	v5 =	vmul.f32 v5, v2;
	[tilespmem:s11+$0x70] =	vst v3  }
0x170: {  	v2 =	vmul.f32 v6, v2;
	[tilespmem:s11+$0x40] =	vst v4  }
0x171: {  	s0 =	sshra.s32 s0, $0x2;
	[tilespmem:s11+$0x50] =	vst v5  }
0x172: {  	s0 =	sadd.s32 $0x2A30, s0;
	[tilespmem:s11+$0x60] =	vst v2  }
0x173: {  	[spmem:s1] =	stream.indirect.scatter.add.f32 [tilespmem:s20], [sflag:$0x3], $0x40, s0, s19, $0xb8;
	[tilespmem:$0x1CF20] =	vst v63  }
0x174: {  	_ =	swait.ge [sflag:s25], $0x6400  }
0x175: {  	[sflag:s25] =	ssyncset.done $0x0  }
0x176: {  	[sflag:s25] =	ssyncadd.s32 $0xFFFF9C00  }
0x177: {  	_ =	swait.ge [sflag:s25], $0xC80  }
0x178: {  	[sflag:s25] =	ssyncset.done $0x0  }
0x179: {  	s2 =	simm.s32 $0x0;
	s11 =	simm.s32 $0x3;
	[sflag:s25] =	ssyncadd.s32 $0xFFFFF380  }
0x17a: {  	v2 =	vor.u32 s2, v1;
	_ =	swait.ge [sflag:s11], $0x6400  }
0x17b: {  	v2 =	vbroadcast v2, $0x0;
	[sflag:s11] =	ssyncset.done $0x0  }
0x17c: {  	s15 =	sadd.s32 $0x640, s10;
	[sflag:s11] =	ssyncadd.s32 $0xFFFF9C00  }
0x17d: {  	[tilespmem:s20], [sflag:$0x1] =	stream.indirect.gather [hbm4b:s8+s19], $0x40, s15, s19, $0xb8;
	[tilespmem:$0x1CF20] =	vst v63  }
0x17e: {  	s10 =	simm.s32 $0xB2A0;
	s0 =	sadd.s32 s15, s31  }
0x17f: {  	[tilespmem:s21], [sflag:$0x1] =	stream.linear.gather [hbm4b:s0+s3], $0xC80, $0x38;
	[tilespmem:$0x1CF20] =	vst v63  }
0x180: {  	v3 =	vld [tilespmem:s10+$0xFFFFFFB0]  }
0x181: {  	v2 =	vld.idx.msk [tilespmem:v2+s24+$0x0], $0xffff  }
0x182: {  	v4 =	vld [tilespmem:s10+$0xFFFFFF80]  }
0x183: {  	v5 =	vld [tilespmem:s10+$0xFFFFFF90]  }
0x184: {  	s16 =	simm.s32 $0x8;
	v60 =	vld [tilespmem:s10+$0xFFFFFFA0]  }
0x185: {  	v7 =	vor.u32 s16, v1  }
0x186: {  	v7 =	vbroadcast v7, $0x0;
	v3 =	vmul.f32 v3, v2  }
0x187: {  	v4 =	vmul.f32 v4, v2  }
0x188: {  	v5 =	vmul.f32 v5, v2;
	[tilespmem:s10+$0xFFFFFFB0] =	vst v3  }
0x189: {  	v2 =	vmul.f32 v60, v2;
	[tilespmem:s10+$0xFFFFFF80] =	vst v4  }
0x18a: {  	[tilespmem:s10+$0xFFFFFF90] =	vst v5  }
0x18b: {  	[tilespmem:s10+$0xFFFFFFA0] =	vst v2;
	v3 =	vld [tilespmem:s10+$0xFFFFFFC0]  }
0x18c: {  	v2 =	vld.idx.msk [tilespmem:v7+s24+$0x0], $0xffff  }
0x18d: {  	v4 =	vld [tilespmem:s10+$0xFFFFFFD0]  }
0x18e: {  	v5 =	vld [tilespmem:s10+$0xFFFFFFF0]  }
0x18f: {  	s26 =	simm.s32 $0x10;
	v61 =	vld [tilespmem:s10+$0xFFFFFFE0]  }
0x190: {  	v62 =	vor.u32 s26, v1  }
0x191: {  	v7 =	vbroadcast v62, $0x0;
	v3 =	vmul.f32 v3, v2  }
0x192: {  	v4 =	vmul.f32 v4, v2  }
0x193: {  	v5 =	vmul.f32 v5, v2;
	[tilespmem:s10+$0xFFFFFFC0] =	vst v3  }
0x194: {  	v2 =	vmul.f32 v61, v2;
	[tilespmem:s10+$0xFFFFFFD0] =	vst v4  }
0x195: {  	[tilespmem:s10+$0xFFFFFFF0] =	vst v5  }
0x196: {  	[tilespmem:s10+$0xFFFFFFE0] =	vst v2;
	v2 =	vld [tilespmem:s10+$0x0]  }
0x197: {  	v3 =	vld.idx.msk [tilespmem:v7+s24+$0x0], $0xffff;
	_ =	sdelay $0x2  }
0x198: {  	v4 =	vld [tilespmem:s10+$0x20]  }
0x199: {  	v5 =	vld [tilespmem:s10+$0x30]  }
0x19a: {  	v2 =	vmul.f32 v2, v3  }
0x19b: {  	s28 =	simm.s32 $0x18;
	v63 =	vld [tilespmem:s10+$0x10]  }
0x19c: {  	[tilespmem:s10+$0x0] =	vst v2;
	v2 =	vor.u32 s28, v1  }
0x19d: {  	v4 =	vmul.f32 v4, v3;
	v2 =	vbroadcast v2, $0x0  }
0x19e: {  	v5 =	vmul.f32 v5, v3  }
0x19f: {  	[tilespmem:s10+$0x20] =	vst v4  }
0x1a0: {  	s11 =	simm.s32 $0x7;
	s15 =	simm.s32 $0xB2A0;
	v3 =	vmul.f32 v63, v3;
	[tilespmem:s10+$0x30] =	vst v5  }
.LBB2_13:
0x1a1: {  	p1 =	sne.s32 s11, $0x18F  }
0x1a2: {  	[tilespmem:s10+$0x10] =	vst v3;
	v3 =	vld [tilespmem:s10+$0x40];
	s15 =	sadd.s32 $0x100, s15;
	s0 =	smov.u32 s11;
	s11 =	sadd.s32 $0x4, s11  }
0x1a3: {  	v2 =	vld.idx.msk [tilespmem:v2+s24+$0x0], $0xffff  }
0x1a4: {  	v4 =	vld [tilespmem:s10+$0x70]  }
0x1a5: {  	v5 =	vld [tilespmem:s10+$0x50]  }
0x1a6: {  	s0 =	sshll.u32 s0, $0x3;
	v6 =	vld [tilespmem:s10+$0x60]  }
0x1a7: {  	s2 =	sadd.s32 $0xFFFFFFE8, s0;
	s16 =	sadd.s32 $0xFFFFFFF0, s0;
	s26 =	sadd.s32 $0xFFFFFFF8, s0;
	v7 =	vor.u32 s0, v1  }
0x1a8: {  	v8 =	vor.u32 s2, v1;
	v9 =	vor.u32 s16, v1;
	v10 =	vor.u32 s26, v1  }
0x1a9: {  	v8 =	vbroadcast v8, $0x0;
	v4 =	vmul.f32 v4, v2  }
0x1aa: {  	v3 =	vmul.f32 v3, v2;
	v5 =	vmul.f32 v5, v2  }
0x1ab: {  	v2 =	vmul.f32 v6, v2;
	[tilespmem:s10+$0x70] =	vst v4  }
0x1ac: {  	[tilespmem:s10+$0x40] =	vst v3  }
0x1ad: {  	v3 =	vld [tilespmem:s15+$0xFFFFFFA0];
	[tilespmem:s10+$0x50] =	vst v5  }
0x1ae: {  	v4 =	vld [tilespmem:s15+$0xFFFFFFB0];
	[tilespmem:s10+$0x60] =	vst v2;
	s10 =	smov.u32 s15  }
0x1af: {  	v2 =	vld.idx.msk [tilespmem:v8+s24+$0x0], $0xffff  }
0x1b0: {  	v5 =	vld [tilespmem:s15+$0xFFFFFF80]  }
0x1b1: {  	v6 =	vld [tilespmem:s15+$0xFFFFFF90];
	_ =	sdelay $0x2  }
0x1b2: {  	v8 =	vbroadcast v9, $0x0  }
0x1b3: {  	v4 =	vmul.f32 v4, v2;
	v5 =	vmul.f32 v5, v2  }
0x1b4: {  	v6 =	vmul.f32 v6, v2;
	v2 =	vmul.f32 v3, v2  }
0x1b5: {  	[tilespmem:s15+$0xFFFFFFB0] =	vst v4  }
0x1b6: {  	[tilespmem:s15+$0xFFFFFF80] =	vst v5  }
0x1b7: {  	[tilespmem:s15+$0xFFFFFF90] =	vst v6;
	v3 =	vld [tilespmem:s15+$0xFFFFFFF0]  }
0x1b8: {  	[tilespmem:s15+$0xFFFFFFA0] =	vst v2;
	v2 =	vld [tilespmem:s15+$0xFFFFFFD0]  }
0x1b9: {  	v4 =	vld.idx.msk [tilespmem:v8+s24+$0x0], $0xffff  }
0x1ba: {  	v5 =	vld [tilespmem:s15+$0xFFFFFFC0]  }
0x1bb: {  	v6 =	vld [tilespmem:s15+$0xFFFFFFE0];
	_ =	sdelay $0x2  }
0x1bc: {  	v8 =	vbroadcast v10, $0x0  }
0x1bd: {  	v2 =	vmul.f32 v2, v4;
	v5 =	vmul.f32 v5, v4  }
0x1be: {  	v3 =	vmul.f32 v3, v4;
	v6 =	vmul.f32 v6, v4  }
0x1bf: {  	[tilespmem:s15+$0xFFFFFFC0] =	vst v5  }
0x1c0: {  	[tilespmem:s15+$0xFFFFFFD0] =	vst v2  }
0x1c1: {  	[tilespmem:s15+$0xFFFFFFF0] =	vst v3;
	v4 =	vld [tilespmem:s15+$0x30]  }
0x1c2: {  	[tilespmem:s15+$0xFFFFFFE0] =	vst v6;
	v3 =	vld [tilespmem:s15+$0x0]  }
0x1c3: {  	v5 =	vld.idx.msk [tilespmem:v8+s24+$0x0], $0xffff  }
0x1c4: {  	v6 =	vld [tilespmem:s15+$0x10]  }
0x1c5: {  	v8 =	vld [tilespmem:s15+$0x20];
	_ =	sdelay $0x2  }
0x1c6: {  	v2 =	vbroadcast v7, $0x0  }
.Ltmp4:
0x1c7: {  	v7 =	vmul.f32 v3, v5;
	v3 =	vmul.f32 v6, v5;
	(pc) =	sbr.rel @p1 .LBB2_13-.Ltmp4, $4  }
0x1c8: {  	v4 =	vmul.f32 v4, v5;
	v6 =	vmul.f32 v8, v5  }
0x1c9: {  	[tilespmem:s15+$0x0] =	vst v7  }
0x1ca: {  	[tilespmem:s15+$0x20] =	vst v6  }
0x1cb: {  	[tilespmem:s15+$0x30] =	vst v4  }
0x1cc: {  	_ =	sdelay $0x2  }
0x1cd: {  	[tilespmem:s10+$0x10] =	vst v3;
	v3 =	vld [tilespmem:s10+$0x70]  }
0x1ce: {  	v2 =	vld.idx.msk [tilespmem:v2+s24+$0x0], $0xffff  }
0x1cf: {  	v4 =	vld [tilespmem:s10+$0x40]  }
0x1d0: {  	v5 =	vld [tilespmem:s10+$0x50]  }
0x1d1: {  	v6 =	vld [tilespmem:s10+$0x60];
	_ =	sdelay $0x1  }
0x1d2: {  	s5 =	sadd.s32 $0x1, s5;
	v3 =	vmul.f32 v3, v2  }
0x1d3: {  	p1 =	sne.s32 s5, $0xB;
	v4 =	vmul.f32 v4, v2  }
.Ltmp5:
0x1d4: {  	v5 =	vmul.f32 v5, v2;
	[tilespmem:s10+$0x70] =	vst v3;
	(pc) =	sbr.rel @p1 .LBB2_10-.Ltmp5, $4  }
0x1d5: {  	v2 =	vmul.f32 v6, v2;
	[tilespmem:s10+$0x40] =	vst v4  }
0x1d6: {  	[tilespmem:s10+$0x50] =	vst v5  }
0x1d7: {  	s0 =	sadd.s32 $0x2710, s9;
	[tilespmem:s10+$0x60] =	vst v2  }
0x1d8: {  	[spmem:s1] =	stream.indirect.scatter.add.f32 [tilespmem:s23], [sflag:$0x4], $0x40, s0, s19, $0xb8;
	[tilespmem:$0x1CF20] =	vst v63  }
0x1d9: {  	_ =	swait.ge [sflag:s22], $0x6400  }
0x1da: {  	[sflag:s22] =	ssyncset.done $0x0  }
0x1db: {  	s0 =	simm.s32 $0x0;
	[sflag:s22] =	ssyncadd.s32 $0xFFFF9C00  }
0x1dc: {  	v2 =	vor.u32 s0, v1;
	_ =	swait.ge [sflag:s22], $0xC80  }
0x1dd: {  	v2 =	vbroadcast v2, $0x0;
	[sflag:s22] =	ssyncset.done $0x0  }
0x1de: {  	[sflag:s22] =	ssyncadd.s32 $0xFFFFF380  }
0x1df: {  	_ =	swait.ge [sflag:s29], $0x6400  }
0x1e0: {  	[sflag:s29] =	ssyncset.done $0x0  }
0x1e1: {  	s5 =	simm.s32 $0x4EA0;
	[sflag:s29] =	ssyncadd.s32 $0xFFFF9C00  }
0x1e2: {  	v3 =	vld [tilespmem:s5+$0xFFFFFFB0]  }
0x1e3: {  	v2 =	vld.idx.msk [tilespmem:v2+s21+$0x0], $0xffff  }
0x1e4: {  	v4 =	vld [tilespmem:s5+$0xFFFFFF80]  }
0x1e5: {  	v5 =	vld [tilespmem:s5+$0xFFFFFF90]  }
0x1e6: {  	s26 =	simm.s32 $0x8;
	v6 =	vld [tilespmem:s5+$0xFFFFFFA0]  }
0x1e7: {  	v7 =	vor.u32 s26, v1  }
0x1e8: {  	v7 =	vbroadcast v7, $0x0;
	v3 =	vmul.f32 v3, v2  }
0x1e9: {  	v4 =	vmul.f32 v4, v2  }
0x1ea: {  	v5 =	vmul.f32 v5, v2;
	[tilespmem:s5+$0xFFFFFFB0] =	vst v3  }
0x1eb: {  	v2 =	vmul.f32 v6, v2;
	[tilespmem:s5+$0xFFFFFF80] =	vst v4  }
0x1ec: {  	[tilespmem:s5+$0xFFFFFF90] =	vst v5  }
0x1ed: {  	[tilespmem:s5+$0xFFFFFFA0] =	vst v2;
	v3 =	vld [tilespmem:s5+$0xFFFFFFC0]  }
0x1ee: {  	v2 =	vld.idx.msk [tilespmem:v7+s21+$0x0], $0xffff  }
0x1ef: {  	v4 =	vld [tilespmem:s5+$0xFFFFFFD0]  }
0x1f0: {  	v5 =	vld [tilespmem:s5+$0xFFFFFFF0]  }
0x1f1: {  	s28 =	simm.s32 $0x10;
	v61 =	vld [tilespmem:s5+$0xFFFFFFE0]  }
0x1f2: {  	v62 =	vor.u32 s28, v1  }
0x1f3: {  	v7 =	vbroadcast v62, $0x0;
	v3 =	vmul.f32 v3, v2  }
0x1f4: {  	v4 =	vmul.f32 v4, v2  }
0x1f5: {  	v5 =	vmul.f32 v5, v2;
	[tilespmem:s5+$0xFFFFFFC0] =	vst v3  }
0x1f6: {  	v2 =	vmul.f32 v61, v2;
	[tilespmem:s5+$0xFFFFFFD0] =	vst v4  }
0x1f7: {  	[tilespmem:s5+$0xFFFFFFF0] =	vst v5  }
0x1f8: {  	[tilespmem:s5+$0xFFFFFFE0] =	vst v2;
	v2 =	vld [tilespmem:s5+$0x0]  }
0x1f9: {  	v3 =	vld.idx.msk [tilespmem:v7+s21+$0x0], $0xffff;
	_ =	sdelay $0x2  }
0x1fa: {  	v4 =	vld [tilespmem:s5+$0x20]  }
0x1fb: {  	v5 =	vld [tilespmem:s5+$0x30]  }
0x1fc: {  	v2 =	vmul.f32 v2, v3  }
0x1fd: {  	s31 =	simm.s32 $0x18;
	v63 =	vld [tilespmem:s5+$0x10]  }
0x1fe: {  	[tilespmem:s5+$0x0] =	vst v2;
	v2 =	vor.u32 s31, v1  }
0x1ff: {  	v4 =	vmul.f32 v4, v3;
	v2 =	vbroadcast v2, $0x0  }
0x200: {  	v5 =	vmul.f32 v5, v3  }
0x201: {  	[tilespmem:s5+$0x20] =	vst v4  }
0x202: {  	s9 =	simm.s32 $0x7;
	s10 =	simm.s32 $0x4EA0;
	v3 =	vmul.f32 v63, v3;
	[tilespmem:s5+$0x30] =	vst v5  }
.LBB2_16:
0x203: {  	p1 =	sne.s32 s9, $0x18F  }
0x204: {  	[tilespmem:s5+$0x10] =	vst v3;
	v3 =	vld [tilespmem:s5+$0x40];
	s10 =	sadd.s32 $0x100, s10;
	s0 =	smov.u32 s9;
	s9 =	sadd.s32 $0x4, s9  }
0x205: {  	v2 =	vld.idx.msk [tilespmem:v2+s21+$0x0], $0xffff  }
0x206: {  	v4 =	vld [tilespmem:s5+$0x70]  }
0x207: {  	v5 =	vld [tilespmem:s5+$0x50]  }
0x208: {  	s0 =	sshll.u32 s0, $0x3;
	v6 =	vld [tilespmem:s5+$0x60]  }
0x209: {  	s2 =	sadd.s32 $0xFFFFFFE8, s0;
	s11 =	sadd.s32 $0xFFFFFFF0, s0;
	s15 =	sadd.s32 $0xFFFFFFF8, s0;
	v7 =	vor.u32 s0, v1  }
0x20a: {  	v8 =	vor.u32 s2, v1;
	v9 =	vor.u32 s11, v1;
	v10 =	vor.u32 s15, v1  }
0x20b: {  	v8 =	vbroadcast v8, $0x0;
	v4 =	vmul.f32 v4, v2  }
0x20c: {  	v3 =	vmul.f32 v3, v2;
	v5 =	vmul.f32 v5, v2  }
0x20d: {  	v2 =	vmul.f32 v6, v2;
	[tilespmem:s5+$0x70] =	vst v4  }
0x20e: {  	[tilespmem:s5+$0x40] =	vst v3  }
0x20f: {  	v3 =	vld [tilespmem:s10+$0xFFFFFFA0];
	[tilespmem:s5+$0x50] =	vst v5  }
0x210: {  	v4 =	vld [tilespmem:s10+$0xFFFFFFB0];
	[tilespmem:s5+$0x60] =	vst v2;
	s5 =	smov.u32 s10  }
0x211: {  	v2 =	vld.idx.msk [tilespmem:v8+s21+$0x0], $0xffff  }
0x212: {  	v5 =	vld [tilespmem:s10+$0xFFFFFF80]  }
0x213: {  	v6 =	vld [tilespmem:s10+$0xFFFFFF90];
	_ =	sdelay $0x2  }
0x214: {  	v8 =	vbroadcast v9, $0x0  }
0x215: {  	v4 =	vmul.f32 v4, v2;
	v5 =	vmul.f32 v5, v2  }
0x216: {  	v6 =	vmul.f32 v6, v2;
	v2 =	vmul.f32 v3, v2  }
0x217: {  	[tilespmem:s10+$0xFFFFFFB0] =	vst v4  }
0x218: {  	[tilespmem:s10+$0xFFFFFF80] =	vst v5  }
0x219: {  	[tilespmem:s10+$0xFFFFFF90] =	vst v6;
	v3 =	vld [tilespmem:s10+$0xFFFFFFF0]  }
0x21a: {  	[tilespmem:s10+$0xFFFFFFA0] =	vst v2;
	v2 =	vld [tilespmem:s10+$0xFFFFFFD0]  }
0x21b: {  	v4 =	vld.idx.msk [tilespmem:v8+s21+$0x0], $0xffff  }
0x21c: {  	v5 =	vld [tilespmem:s10+$0xFFFFFFC0]  }
0x21d: {  	v6 =	vld [tilespmem:s10+$0xFFFFFFE0];
	_ =	sdelay $0x2  }
0x21e: {  	v8 =	vbroadcast v10, $0x0  }
0x21f: {  	v2 =	vmul.f32 v2, v4;
	v5 =	vmul.f32 v5, v4  }
0x220: {  	v3 =	vmul.f32 v3, v4;
	v6 =	vmul.f32 v6, v4  }
0x221: {  	[tilespmem:s10+$0xFFFFFFC0] =	vst v5  }
0x222: {  	[tilespmem:s10+$0xFFFFFFD0] =	vst v2  }
0x223: {  	[tilespmem:s10+$0xFFFFFFF0] =	vst v3;
	v4 =	vld [tilespmem:s10+$0x30]  }
0x224: {  	[tilespmem:s10+$0xFFFFFFE0] =	vst v6;
	v3 =	vld [tilespmem:s10+$0x0]  }
0x225: {  	v5 =	vld.idx.msk [tilespmem:v8+s21+$0x0], $0xffff  }
0x226: {  	v6 =	vld [tilespmem:s10+$0x10]  }
0x227: {  	v8 =	vld [tilespmem:s10+$0x20];
	_ =	sdelay $0x2  }
0x228: {  	v2 =	vbroadcast v7, $0x0  }
.Ltmp6:
0x229: {  	v7 =	vmul.f32 v3, v5;
	v3 =	vmul.f32 v6, v5;
	(pc) =	sbr.rel @p1 .LBB2_16-.Ltmp6, $4  }
0x22a: {  	v4 =	vmul.f32 v4, v5;
	v6 =	vmul.f32 v8, v5  }
0x22b: {  	[tilespmem:s10+$0x0] =	vst v7  }
0x22c: {  	[tilespmem:s10+$0x20] =	vst v6  }
0x22d: {  	[tilespmem:s10+$0x30] =	vst v4  }
0x22e: {  	_ =	sdelay $0x2  }
0x22f: {  	[tilespmem:s5+$0x10] =	vst v3;
	v3 =	vld [tilespmem:s5+$0x70]  }
0x230: {  	v2 =	vld.idx.msk [tilespmem:v2+s21+$0x0], $0xffff  }
0x231: {  	v4 =	vld [tilespmem:s5+$0x40]  }
0x232: {  	v5 =	vld [tilespmem:s5+$0x50]  }
0x233: {  	v6 =	vld [tilespmem:s5+$0x60];
	_ =	sdelay $0x1  }
0x234: {  	v3 =	vmul.f32 v3, v2  }
0x235: {  	v4 =	vmul.f32 v4, v2  }
0x236: {  	v5 =	vmul.f32 v5, v2;
	[tilespmem:s5+$0x70] =	vst v3  }
0x237: {  	v2 =	vmul.f32 v6, v2;
	[tilespmem:s5+$0x40] =	vst v4  }
0x238: {  	[tilespmem:s5+$0x50] =	vst v5  }
.Ltmp7:
0x239: {  	[tilespmem:s5+$0x60] =	vst v2;
	(pc) =	sbr.rel @p0 .LBB2_3-.Ltmp7, $4  }
0x23a: {  	[spmem:s1] =	stream.indirect.scatter.add.f32 [tilespmem:s20], [sflag:$0x5], $0x40, s30, s19, $0xb8;
	[tilespmem:$0x1CF20] =	vst v63  }
0x23b: {  	_ =	swait.ge [sflag:s17], $0x6400  }
0x23c: {  	[sflag:s17] =	ssyncset.done $0x0  }
0x23d: {  	p1 =	por $0x0, $0x0;
	s5 =	simm.s32 $0x1;
	[sflag:s17] =	ssyncadd.s32 $0xFFFF9C00  }
0x23e: {  	s0 =	rddreg [dreg:$0xc]  }
0x23f: {  	s0 =	smul.u32 $0xA0000, s0  }
0x240: {  	s2 =	rddreg [dreg:$0x3];
	[bflag:$0x0] =	sbarrier.arrive $0xFFFF  }
0x241: {  	s31 =	rddreg [dreg:$0x4];
	s0 =	sadd.s32 s2, s0  }
0x242: {  	s5 =	rddreg [dreg:$0x8];
	s0 =	sshrl.u32 s0, $0x3  }
0x243: {  	s2 =	rddreg [dreg:$0x9];
	s0 =	sadd.s32 s31, s0  }
0x244: {  	[hbm:s0], [sflag:s5] =	dma.local [spmem:s2], $0x1400  }
0x245: {  	_ =	swait.ge [sflag:s17], $0x1400  }
0x246: {  	s9 =	rddreg [dreg:$0xb]  }
0x247: {  	s9 =	sadd.s32 $0x1, s9  }
0x248: {  	p0 =	sne.s32 s9, $0x4  }
.Ltmp8:
0x249: {  	_ = 	snop;
	(pc) =	sbr.rel @p0 .LBB2_2-.Ltmp8, $3  }
0x24a: {  	_ =	sdelay $0x1  }
0x24b: {  	[sflag:s17] =	ssyncset.done $0x0  }
0x24c: {  	[sflag:s17] =	ssyncadd.s32 $0xFFFFEC00  }
0x24d: {  	s9 =	rddreg [dreg:$0xa]  }
0x24e: {  	s0 =	rddreg [dreg:$0x7];
	s9 =	sadd.s32 $0x1, s9  }
0x24f: {  	p0 =	sne.s32 s9, s0  }
.Ltmp9:
0x250: {  	_ = 	snop;
	(pc) =	sbr.rel @p0 .LBB2_1-.Ltmp9, $1  }
0x251: {  	_ =	sdelay $0x3  }
0x252: {  	_ =	sfence.sel $0x180000  }
0x253: {  	[bflag:$0x0] =	sbarrier.arrive $0xFFFF  }
0x254: {  	_ =	strace $0x9000004A  }
0x255: {  	s0 =	stileid.u32;
	[bflag:$0x2] =	sbarrier.arrive $0xFFFF  }
0x256: {  	p0 =	sne.s32 s0, $0x0;
	s0 =	rddreg [dreg:$0x2]  }
0x257: {  	s0 =	sadd.s32 @!p0 $0x100000, s0  }
0x258: {  	[sflag:s0] =	ssyncadd.tile.s32 @!p0 $0x1;
	_ =	shalt  }
.Lfunc_end2:
_tile_overlayer_lowered:
.L_overlay_start_2:
0x259: {  	(tag) =	ssettag $0x2  }
0x25a: {  	s0 =	rddreg [dreg:$0x0];
	s2 =	stileid.u32  }
0x25b: {  	s1 =	rddreg [dreg:$0x1];
	p0 =	sne.s32 s2, $0x0  }
0x25c: {  	s3 =	rddreg [dreg:$0x2];
	[bflag:$0x3] =	sbarrier.arrive $0xFFFF;
	s2 =	simm.s32 @!p0 $0x1C05  }
0x25d: {  	[timem:s3], [sflag:s2] =	dma.local @!p0 [hbm:s0], s1  }
0x25e: {  	s0 =	simm.s32 @!p0 $0x5  }
0x25f: {  	_ =	swait.ge @!p0 [sflag:s0], s1  }
0x260: {  	s1 =	ssub.s32 @!p0 $0x0, s1;
	[sflag:s0] =	ssyncset.done @!p0 $0x0  }
0x261: {  	[sflag:s0] =	ssyncadd.s32 @!p0 s1  }
0x262: {  	[bflag:$0x3] =	sbarrier.arrive $0xFFFF  }
0x263: {  	_ =	shalt  }

// kernel: kernel.14.cloned.1.call-start
scs
__scs_entry_jumppad:
0x0: {  	(pc) =	sbr.rel $0x88, $3  }
0x1: {  	(tag) =	ssettag $0x0;
	lr =	simm.s32 $0x1  }
0x2: {  	[smem:$0x3F94] =	sst lr;
	_ =	strace $0xD0000000  }
0x3: {  	_ = 	snop  }
0x4: {  	_ = 	snop  }
0x5: {  	_ = 	snop  }
0x6: {  	_ = 	snop  }
0x7: {  	_ = 	snop  }
__scs_overlays_trampoline_lowered:
0x8: {  	[smem:$0x3FA3] =	sst s0  }
0x9: {  	[smem:$0x3FA4] =	sst s1  }
0xa: {  	[smem:$0x3FA5] =	sst s2  }
0xb: {  	[smem:$0x3FA6] =	sst s3  }
0xc: {  	[smem:$0x3FA7] =	sst s4  }
0xd: {  	[smem:$0x3FA8] =	sst s5  }
0xe: {  	[smem:$0x3FA9] =	sst s6  }
0xf: {  	[smem:$0x3FAA] =	sst s7  }
0x10: {  	[smem:$0x3FAB] =	sst s8  }
0x11: {  	[smem:$0x3FAC] =	sst s9;
	s0 =	simm.s32 @!p0 $0x0  }
0x12: {  	s1 =	sld [smem:$0x3F92];
	s0 =	simm.s32 @p0 $0x1  }
0x13: {  	[smem:$0x3FAD] =	sst s0;
	s0 =	simm.s32 @!p1 $0x0  }
0x14: {  	s2 =	sld [smem:$0x3F91];
	s0 =	simm.s32 @p1 $0x1  }
0x15: {  	[smem:$0x3FAE] =	sst s0;
	s0 =	simm.s32 @!p2 $0x0  }
0x16: {  	s3 =	sld [smem:$0x3FDB];
	s0 =	simm.s32 @p2 $0x1  }
0x17: {  	s4 =	simm.s32 $0x1BF5;
	[smem:$0x3FB0] =	sst s0  }
0x18: {  	s0 =	sld [smem:$0x3F93];
	_ =	swait.ge [sflag:s4], $0x0  }
0x19: {  	s7 =	sld [smem:$0x3F94]  }
0x1a: {  	s8 =	sadd.s32 $0xFFFFE003, lr  }
0x1b: {  	s9 =	sadd.s32 $0xFFFFFEF7, lr;
	s5 =	simm.s32 $0xFFFFFFFF;
	p2 =	slt.u32 s8, $0xFFFFF086  }
0x1c: {  	p1 =	slt.u32 s9, $0xF7A;
	s5 =	simm.s32 @!p2 $0x0  }
0x1d: {  	s5 =	simm.s32 @p1 $0x1;
	p0 =	seq.s32 s7, s2  }
0x1e: {  	s7 =	smul.u32 @!p0 $0xF7A, s2;
	p2 =	seq.s32 @!p0 s5, $0x0  }
0x1f: {  	s9 =	smul.u32 $0xF7A, s1;
	s8 =	simm.s32 @!p0 $0x1BF5;
	p2 =	por !p2, p0  }
0x20: {  	[sflag:s8] =	ssyncset.s32 @!p0 $0xFFFFF086;
	s6 =	sadd.s32 @!p0 s3, s7;
	s7 =	simm.s32 @!p0 $0x108  }
0x21: {  	s3 =	sadd.s32 s3, s9;
	s6 =	sadd.s32 @!p0 $0x88, s6;
	s7 =	simm.s32 @p2 $0x1082  }
0x22: {  	[simem:s7], [sflag:s8] =	dma.local @!p0 [hbm:s6], $0xF7A  }
0x23: {  	s9 =	sor.u32 $0xD0000000, s2;
	s6 =	simm.s32 $0x108;
	_ =	swait.ge @!p0 [sflag:s8], $0x0  }
0x24: {  	s3 =	sadd.s32 $0x88, s3;
	s6 =	simm.s32 @!p1 $0x1082;
	[sflag:s4] =	ssyncset.s32 $0xFFFFF086  }
0x25: {  	[simem:s6], [sflag:s4] =	dma.local [hbm:s3], $0xF7A  }
0x26: {  	[smem:$0x3F94] =	sst s1;
	(tag) =	ssettag s2;
	_ =	strace s9  }
0x27: {  	s1 =	sld [smem:$0x3FA4]  }
0x28: {  	s2 =	sld [smem:$0x3FA5]  }
0x29: {  	s4 =	sld [smem:$0x3FA7]  }
0x2a: {  	p0 =	seq.s32 s5, $0x0;
	s5 =	sld [smem:$0x3FA8]  }
0x2b: {  	s6 =	sld [smem:$0x3FA9]  }
0x2c: {  	s7 =	sld [smem:$0x3FAA]  }
0x2d: {  	s3 =	simm.s32 $0x108;
	s8 =	sld [smem:$0x3FAB]  }
0x2e: {  	s3 =	simm.s32 @!p0 $0x1082;
	s9 =	sld [smem:$0x3FAC]  }
0x2f: {  	lr =	sadd.s32 s0, s3;
	s0 =	sld [smem:$0x3FA3]  }
0x30: {  	s3 =	sld [smem:$0x3FA6]  }
0x31: {  	[smem:$0x3FAF] =	sst s10  }
0x32: {  	s10 =	sld [smem:$0x3FAD];
	_ =	sdelay $0x3  }
0x33: {  	p0 =	seq.s32 s10, $0x1;
	s10 =	sld [smem:$0x3FAF];
	_ =	sdelay $0x3  }
0x34: {  	[smem:$0x3FAF] =	sst s10  }
0x35: {  	s10 =	sld [smem:$0x3FAE];
	_ =	sdelay $0x3  }
0x36: {  	p1 =	seq.s32 s10, $0x1;
	s10 =	sld [smem:$0x3FAF];
	_ =	sdelay $0x3  }
0x37: {  	[smem:$0x3FAF] =	sst s10  }
0x38: {  	s10 =	sld [smem:$0x3FB0]  }
0x39: {  	_ = 	snop;
	(pc) =	sbr.ind lr, $3  }
0x3a: {  	_ = 	snop  }
0x3b: {  	_ = 	snop  }
0x3c: {  	p2 =	seq.s32 s10, $0x1;
	s10 =	sld [smem:$0x3FAF]  }
0x3d: {  	_ =	shalt  }
0x3e: {  	_ =	shalt  }
0x3f: {  	_ =	shalt  }
0x40: {  	_ =	shalt  }
0x41: {  	_ =	shalt  }
0x42: {  	_ =	shalt  }
0x43: {  	_ =	shalt  }
0x44: {  	_ =	shalt  }
0x45: {  	_ =	shalt  }
0x46: {  	_ =	shalt  }
0x47: {  	_ =	shalt  }
0x48: {  	_ =	shalt  }
0x49: {  	_ =	shalt  }
0x4a: {  	_ =	shalt  }
0x4b: {  	_ =	shalt  }
0x4c: {  	_ =	shalt  }
0x4d: {  	_ =	shalt  }
0x4e: {  	_ =	shalt  }
0x4f: {  	_ =	shalt  }
0x50: {  	_ =	shalt  }
0x51: {  	_ =	shalt  }
0x52: {  	_ =	shalt  }
0x53: {  	_ =	shalt  }
0x54: {  	_ =	shalt  }
0x55: {  	_ =	shalt  }
0x56: {  	_ =	shalt  }
0x57: {  	_ =	shalt  }
0x58: {  	_ =	shalt  }
0x59: {  	_ =	shalt  }
0x5a: {  	_ =	shalt  }
0x5b: {  	_ =	shalt  }
0x5c: {  	_ =	shalt  }
0x5d: {  	_ =	shalt  }
0x5e: {  	_ =	shalt  }
0x5f: {  	_ =	shalt  }
0x60: {  	_ =	shalt  }
0x61: {  	_ =	shalt  }
0x62: {  	_ =	shalt  }
0x63: {  	_ =	shalt  }
0x64: {  	_ =	shalt  }
0x65: {  	_ =	shalt  }
0x66: {  	_ =	shalt  }
0x67: {  	_ =	shalt  }
0x68: {  	_ =	shalt  }
0x69: {  	_ =	shalt  }
0x6a: {  	_ =	shalt  }
0x6b: {  	_ =	shalt  }
0x6c: {  	_ =	shalt  }
0x6d: {  	_ =	shalt  }
0x6e: {  	_ =	shalt  }
0x6f: {  	_ =	shalt  }
0x70: {  	_ =	shalt  }
0x71: {  	_ =	shalt  }
0x72: {  	_ =	shalt  }
0x73: {  	_ =	shalt  }
0x74: {  	_ =	shalt  }
0x75: {  	_ =	shalt  }
0x76: {  	_ =	shalt  }
0x77: {  	_ =	shalt  }
0x78: {  	_ =	shalt  }
0x79: {  	_ =	shalt  }
0x7a: {  	_ =	shalt  }
0x7b: {  	_ =	shalt  }
0x7c: {  	_ =	shalt  }
0x7d: {  	_ =	shalt  }
0x7e: {  	_ =	shalt  }
0x7f: {  	_ =	shalt  }
0x80: {  	_ =	shalt  }
0x81: {  	_ =	shalt  }
0x82: {  	_ =	shalt  }
0x83: {  	_ =	shalt  }
0x84: {  	_ =	shalt  }
0x85: {  	_ =	shalt  }
0x86: {  	_ =	shalt  }
0x87: {  	_ =	shalt  }
.Lfunc_end0:
.L_simem_size_0:
called_computation.2_lowered:
.L_overlay_start_0:
0x88: {  	s2 =	sld [smem:$0x3FD9]  }
0x89: {  	s3 =	sld [smem:$0x3FFE];
	_ =	sdelay $0x1  }
0x8a: {  	s1 =	srdreg.scid  }
0x8b: {  	s0 =	sand.u32 $0x1, s1  }
0x8c: {  	s16 =	sshll.u32 s0, $0xA;
	s2 =	sadd.s32 s3, s2  }
0x8d: {  	s2 =	sadd.s32 s2, s16  }
0x8e: {  	[smem:$0x3FBB] =	sst s2  }
0x8f: {  	_ = 	snop  }
0x90: {  	(tm) =	ssettm $0x1  }
0x91: {  	s17 =	sld [smem:$0x3FFB];
	_ =	sdelay $0x3  }
0x92: {  	_ =	strace s17  }
0x93: {  	s2 =	sld [smem:$0x3FFC];
	_ =	sdelay $0x3  }
0x94: {  	_ =	strace s2  }
0x95: {  	s2 =	sld [smem:$0x3FFD];
	_ =	sdelay $0x3  }
0x96: {  	_ =	strace s2  }
0x97: {  	_ =	strace $0x8FFFFFFF  }
0x98: {  	s18 =	sld [smem:$0x3FDB];
	_ =	sdelay $0x1  }
0x99: {  	s19 =	simm.s32 $_scs_section_size  }
0x9a: {  	s4 =	simm.s32 $_size__tile_overlayer_lowered;
	s5 =	simm.s32 $_tile_overlayer_lowered  }
0x9b: {  	s22 =	simm.s32 $0x1BFF;
	s21 =	sshll.u32 s5, $0x1;
	s2 =	sadd.s32 s19, s18  }
0x9c: {  	s6 =	simm.s32 $0x0;
	s20 =	sshll.u32 s4, $0x1;
	s4 =	sadd.s32 s21, s2  }
0x9d: {  	[timem:s6], [sflag:s22] =	dma.local [hbm:s4], s20  }
0x9e: {  	_ =	swait.ge [sflag:s22], s20  }
0x9f: {  	s3 =	ssub.s32 $0x0, s20;
	[sflag:s22] =	ssyncset.done $0x0  }
0xa0: {  	[sflag:s22] =	ssyncadd.s32 s3;
	_ =	sdelay $0x1  }
0xa1: {  	s23 =	simm.s32 $0x1B8B  }
0xa2: {  	_ =	swait.ge [sflag:s23], $0x1  }
0xa3: {  	[sflag:s23] =	ssyncset.done $0x0  }
0xa4: {  	s25 =	simm.s32 $0x1B8E;
	s24 =	sld [smem:$0x3FFE];
	[sflag:s23] =	ssyncadd.s32 $0xFFFFFFFF  }
0xa5: {  	s26 =	simm.s32 $execute0_lowered;
	[smem:$0x3FD2] =	sst s25  }
0xa6: {  	s4 =	sshll.u32 s26, $0x1;
	_ =	strace $0x8000004C;
	[dreg:$0x1] =	wrdreg $0xFFFFFFFF  }
0xa7: {  	s28 =	simm.s32 $_size_execute0_lowered;
	s2 =	sadd.s32 s2, s4;
	[dreg:$0x0] =	wrdreg $0x0  }
0xa8: {  	s4 =	sshll.u32 s28, $0x1;
	[dreg:$0x2] =	wrdreg s2  }
0xa9: {  	[dreg:$0x3] =	wrdreg s4  }
0xaa: {  	[dreg:$0x4] =	wrdreg $0xC0  }
0xab: {  	_ =	task [dreg:s6], $0x5FFFF  }
0xac: {  	[dreg:$0x1] =	wrdreg $0xFFFFFFFF  }
0xad: {  	[dreg:$0x0] =	wrdreg $0x60  }
0xae: {  	[dreg:$0x2] =	wrdreg s24  }
0xaf: {  	[dreg:$0x3] =	wrdreg $0xF0A00  }
0xb0: {  	[dreg:$0x4] =	wrdreg $0x190A00  }
0xb1: {  	[dreg:$0x5] =	wrdreg $0x9  }
0xb2: {  	_ =	task.clear_ibuf [dreg:s6], $0x6FFFF;
	_ =	strace $0x9000004C  }
0xb3: {  	s29 =	simm.s32 $0x9;
	_ =	strace $0x8000004E  }
0xb4: {  	_ =	swait.ge [sflag:s29], $0x1  }
0xb5: {  	[sflag:s29] =	ssyncadd.s32 $0xFFFFFFFF  }
0xb6: {  	_ =	strace $0x9000004E  }
0xb7: {  	_ =	sfence  }
0xb8: {  	s30 =	sld [smem:$0x0];
	_ =	sdelay $0x2  }
0xb9: {  	s31 =	sshll.u32 s1, $0xD;
	s1 =	sshrl.u32 s1, $0x2  }
0xba: {  	s3 =	sand.u32 $0x4000, s31;
	s1 =	sadd.s32 s1, s30  }
0xbb: {  	s0 =	sor.u32 s3, s0;
	s1 =	sshll.u32 s1, $0x11  }
0xbc: {  	s0 =	sor.u32 s1, s0  }
0xbd: {  	s0 =	sadd.s32 $0x8F2B, s0  }
0xbe: {  	[sflag:s0] =	ssyncadd.remote.s32 $0x1  }
0xbf: {  	_ =	sfence.sel $0xFFFF  }
0xc0: {  	[dreg:$0x0] =	wrdreg $0xFFFFFFFF;
	(pc) =	sbr.abs _section_cstart, $3  }
0xc1: {  	[dreg:$0x1] =	wrdreg $0xFFFFFFFF  }
0xc2: {  	_ =	task.clear_ibuf [dreg:s6], $0x2FFFF;
	_ =	strace $0x9FFFFFFF  }
0xc3: {  	(tm) =	ssettm $0x7FFFFFFF  }
tec
execute0_lowered:
.L_overlay_start_1:
0x0: {  	(tag) =	ssettag $0x1  }
0x1: {  	s0 =	srdreg.scid;
	s1 =	rddreg [dreg:$0x0]  }
0x2: {  	s17 =	stileid.u32;
	s2 =	rddreg [dreg:$0x1]  }
0x3: {  	s21 =	simm.s32 $0x190;
	s22 =	simm.s32 $0x8CA0;
	s23 =	simm.s32 $0x4E20  }
0x4: {  	s24 =	simm.s32 $0x6720;
	s28 =	simm.s32 $0x0;
	s10 =	smul.u32 $0xA000, s17  }
0x5: {  	s0 =	sand.u32 $0x1, s0;
	s11 =	smul.u32 $0x1400, s17;
	s6 =	sadd.s32 $0xBA400, s1  }
0x6: {  	s25 =	sadd.s32 $0xB7C00, s1;
	s31 =	sshll.u32 s17, $0x6;
	s8 =	smul.u32 $0xA0000, s0  }
0x7: {  	s3 =	sshll.u32 s0, $0x4;
	s12 =	smul.u32 $0x14000, s0;
	s0 =	ssub.s32 $0x2, s0  }
0x8: {  	s18 =	sor.u32 $0x1C03, s31;
	s4 =	sor.u32 s17, s3;
	s3 =	rddreg [dreg:$0x2]  }
0x9: {  	s7 =	sshrl.u32 s10, $0x3;
	s14 =	sshrl.u32 s0, $0x1;
	s16 =	sadd.s32 s10, s2  }
0xa: {  	s17 =	simm.s32 $0x8020;
	s5 =	smul.u32 $0x4E2, s4;
	s4 =	simm.s32 $0x0  }
0xb: {  	s13 =	sadd.s32 s7, s1;
	s8 =	sadd.s32 s10, s8;
	s12 =	sadd.s32 s11, s12  }
0xc: {  	s0 =	ssub.s32 s0, s14;
	s20 =	sadd.s32 s11, s3;
	s11 =	sshrl.u32 s11, $0x3  }
0xd: {  	s10 =	smov.u32 s25;
	s19 =	sshrl.u32 s16, $0x3;
	[smem:$0x7FF] =	sst s4  }
0xe: {  	s8 =	sshrl.u32 s8, $0x3;
	s12 =	sshrl.u32 s12, $0x3;
	s30 =	sadd.s32 $0x10D600, s13  }
0xf: {  	s11 =	sadd.s32 s25, s11;
	s14 =	smax.u32 s0, $0x1;
	s20 =	sshrl.u32 s20, $0x3  }
0x10: {  	s25 =	simm.s32 $0x2;
	_ =	strace $0x8000004D;
	s9 =	sadd.s32 s5, s1  }
0x11: {  	s5 =	sadd.s32 $0xCE400, s1;
	s15 =	sadd.s32 s8, s1;
	s1 =	sadd.s32 s12, s1  }
0x12: {  	[dreg:$0x6] =	wrdreg s30;
	s26 =	sadd.s32 $0xADE00, s9;
	s29 =	sadd.s32 $0xA4000, s9  }
0x13: {  	s12 =	sadd.s32 $0xD3400, s15;
	s13 =	sadd.s32 $0xFB400, s1;
	[dreg:$0x4] =	wrdreg s26  }
0x14: {  	v0 =	vlaneseq.u32;
	s15 =	simm.s32 $0x3;
	[dreg:$0x5] =	wrdreg s29;
	s26 =	simm.s32 $0x1  }
.LBB2_1:
0x15: {  	s0 =	rddreg [dreg:$0x4]  }
0x16: {  	[tilespmem:s4], [sflag:$0x3] =	stream.linear.gather [hbm4b:s0+s4], $0x2710, $0x38;
	[tilespmem:$0x1A4A0] =	vst v63  }
0x17: {  	_ =	swait.ge [sflag:s15], $0x2710  }
0x18: {  	[sflag:s15] =	ssyncset.done $0x0  }
0x19: {  	s1 =	simm.s32 $0x2710;
	s30 =	rddreg [dreg:$0x5];
	[sflag:s15] =	ssyncadd.s32 $0xFFFFD8F0  }
0x1a: {  	[tilespmem:s1], [sflag:$0x3] =	stream.linear.gather [hbm4b:s30+s4], $0x2710, $0x38;
	[tilespmem:$0x1A4A0] =	vst v63  }
0x1b: {  	_ =	swait.ge [sflag:s15], $0x2710  }
0x1c: {  	[sflag:s15] =	ssyncset.done $0x0  }
0x1d: {  	[sflag:s15] =	ssyncadd.s32 $0xFFFFD8F0  }
0x1e: {  	[tilespmem:s17], [sflag:$0x3] =	stream.linear.gather [hbm4b:s10+s4], $0xC80, $0x38;
	[tilespmem:$0x1A4A0] =	vst v63  }
0x1f: {  	_ =	swait.ge [sflag:s15], $0xC80  }
0x20: {  	[sflag:s15] =	ssyncset.done $0x0  }
0x21: {  	s31 =	rddreg [dreg:$0x6];
	[sflag:s15] =	ssyncadd.s32 $0xFFFFF380  }
0x22: {  	[spmem:s19], [sflag:s18] =	dma.local [hbm:s31], $0x1400  }
0x23: {  	_ =	swait.ge [sflag:s15], $0x1400  }
0x24: {  	[sflag:s15] =	ssyncset.done $0x0  }
0x25: {  	[sflag:s15] =	ssyncadd.s32 $0xFFFFEC00  }
0x26: {  	[spmem:s20], [sflag:s18] =	dma.local [hbm:s11], $0x280  }
0x27: {  	_ =	swait.ge [sflag:s15], $0x280  }
0x28: {  	[sflag:s15] =	ssyncset.done $0x0  }
0x29: {  	[sflag:s15] =	ssyncadd.s32 $0xFFFFFD80  }
0x2a: {  	s29 =	simm.s32 $0x0;
	[bflag:$0x0] =	sbarrier.arrive $0xFFFF  }
.LBB2_2:
0x2b: {  	s0 =	smul.u32 $0x190, s29;
	_ =	sdelay $0x1  }
0x2c: {  	[tilespmem:s22], [sflag:$0x1] =	stream.indirect.gather [hbm4b:s6+s21], $0x40, s0, s21, $0xb8;
	[tilespmem:$0x1A4A0] =	vst v63  }
0x2d: {  	_ = 	snop  }
0x2e: {  	[tilespmem:s23], [sflag:$0x2] =	stream.indirect.gather [hbm4b:s5+s21], $0x10, s0, s21, $0xb8;
	[tilespmem:$0x1A4A0] =	vst v63  }
0x2f: {  	s16 =	simm.s32 $0x0;
	s30 =	sadd.s32 $0x2710, s0  }
0x30: {  	v3 =	vor.u32 s16, v0;
	[tilespmem:s24], [sflag:$0x2] =	stream.indirect.gather [hbm4b:s5+s21], $0x10, s30, s21, $0xb8;
	[tilespmem:$0x1A4A0] =	vst v63  }
0x31: {  	v1 =	vshll.u32 v3, $0x4;
	_ =	swait.ge [sflag:s25], $0x1900  }
0x32: {  	v2 =	vor.u32 $0x8, v1;
	[sflag:s25] =	ssyncset.done $0x0  }
0x33: {  	[sflag:s25] =	ssyncadd.s32 $0xFFFFE700  }
0x34: {  	_ =	swait.ge [sflag:s25], $0x1900  }
0x35: {  	[sflag:s25] =	ssyncset.done $0x0  }
0x36: {  	[sflag:s25] =	ssyncadd.s32 $0xFFFFE700  }
0x37: {  	v2 =	vld.idx.msk [tilespmem:v2+s24+$0x0], $0xffff  }
0x38: {  	v1 =	vld.idx.msk [tilespmem:v1+s23+$0x0], $0xffff;
	_ =	sdelay $0x4  }
0x39: {  	v1 =	vadd.f32 v2, v1;
	_ =	sdelay $0x1  }
0x3a: {  	v2 =	vmul.f32 $2.000000030e-01, v1  }
0x3b: {  	vm0 =	vgt.f32 v1, $0.0e+00  }
0x3c: {  	v1 =	vsel vm0, v1, v2  }
0x3d: {  	v2 =	vmul.f32 $1.442695020e+00, v1;
	_ =	sdelay $0x1  }
0x3e: {  	(erf) = vpow2.f32 v2;
	_ =	sdelay $0x2  }
0x3f: {  	s31 =	simm.s32 $0x10  }
0x40: {  	v1 =	vor.u32 s31, v0  }
0x41: {  	v3 =	vshll.u32 v3, $0x3;
	s0 =	simm.s32 $0x20;
	v2 =	vshll.u32 v1, $0x4  }
.LBB2_3:
0x42: {  	p0 =	sne.s32 s0, $0x180;
	v4 =	vor.u32 $0x8, v2;
	_ =	sdelay $0x2  }
0x43: {  	v5 =	vpop (erf)  }
0x44: {  	[tilespmem:v3+s17+$0x0] =	vst.idx.msk $0xffff, v5  }
0x45: {  	v3 =	vld.idx.msk [tilespmem:v4+s24+$0x0], $0xffff  }
0x46: {  	v2 =	vld.idx.msk [tilespmem:v2+s23+$0x0], $0xffff;
	_ =	sdelay $0x5  }
0x47: {  	v2 =	vadd.f32 v3, v2;
	_ =	sdelay $0x1  }
0x48: {  	v3 =	vmul.f32 $2.000000030e-01, v2  }
0x49: {  	vm0 =	vgt.f32 v2, $0.0e+00  }
0x4a: {  	v2 =	vsel vm0, v2, v3  }
0x4b: {  	v2 =	vmul.f32 $1.442695020e+00, v2;
	_ =	sdelay $0x1  }
0x4c: {  	(erf) = vpow2.f32 v2  }
.Ltmp0:
0x4d: {  	(pc) =	sbr.rel @p0 .LBB2_3-.Ltmp0, $3  }
0x4e: {  	_ =	sdelay $0x1  }
0x4f: {  	v4 =	vor.u32 s0, v0  }
0x50: {  	s0 =	sadd.s32 $0x10, s0;
	v3 =	vshll.u32 v1, $0x3;
	v1 =	vmov v4;
	v2 =	vshll.u32 v4, $0x4  }
0x51: {  	v4 =	vor.u32 $0x8, v2;
	_ =	sdelay $0x2  }
0x52: {  	v5 =	vpop (erf)  }
0x53: {  	[tilespmem:v3+s17+$0x0] =	vst.idx.msk $0xffff, v5  }
0x54: {  	v3 =	vld.idx.msk [tilespmem:v4+s24+$0x0], $0xffff  }
0x55: {  	v2 =	vld.idx.msk [tilespmem:v2+s23+$0x0], $0xffff;
	_ =	sdelay $0x4  }
0x56: {  	v2 =	vadd.f32 v3, v2;
	_ =	sdelay $0x1  }
0x57: {  	v3 =	vmul.f32 $2.000000030e-01, v2  }
0x58: {  	vm0 =	vgt.f32 v2, $0.0e+00  }
0x59: {  	v2 =	vsel vm0, v2, v3  }
0x5a: {  	v2 =	vmul.f32 $1.442695020e+00, v2;
	_ =	sdelay $0x1  }
0x5b: {  	(erf) = vpow2.f32 v2;
	_ =	sdelay $0x4  }
0x5c: {  	v1 =	vshll.u32 v1, $0x3;
	_ =	sdelay $0x3  }
0x5d: {  	s0 =	simm.s32 $0x0;
	v2 =	vpop (erf)  }
0x5e: {  	[tilespmem:v1+s17+$0x0] =	vst.idx.msk $0xffff, v2;
	v1 =	vmov s0  }
0x5f: {  	_ =	swait.ge [sflag:s26], $0x6400  }
0x60: {  	[sflag:s26] =	ssyncset.done $0x0  }
0x61: {  	s31 =	simm.s32 $0x8D20;
	[sflag:s26] =	ssyncadd.s32 $0xFFFF9C00  }
0x62: {  	v2 =	vld [tilespmem:s31+$0xFFFFFFB0]  }
0x63: {  	v1 =	vld.idx.msk [tilespmem:v1+s17+$0x0], $0xffff  }
0x64: {  	v3 =	vld [tilespmem:s31+$0xFFFFFF80]  }
0x65: {  	v4 =	vld [tilespmem:s31+$0xFFFFFF90]  }
0x66: {  	v5 =	vld [tilespmem:s31+$0xFFFFFFA0];
	_ =	sdelay $0x1  }
0x67: {  	s8 =	simm.s32 $0x8;
	v2 =	vmul.f32 v2, v1  }
0x68: {  	v6 =	vmov s8;
	v3 =	vmul.f32 v3, v1  }
0x69: {  	[tilespmem:s31+$0xFFFFFFB0] =	vst v2;
	v2 =	vmul.f32 v4, v1  }
0x6a: {  	v1 =	vmul.f32 v5, v1;
	[tilespmem:s31+$0xFFFFFF80] =	vst v3  }
0x6b: {  	[tilespmem:s31+$0xFFFFFF90] =	vst v2  }
0x6c: {  	[tilespmem:s31+$0xFFFFFFA0] =	vst v1;
	v2 =	vld [tilespmem:s31+$0xFFFFFFC0]  }
0x6d: {  	v1 =	vld.idx.msk [tilespmem:v6+s17+$0x0], $0xffff;
	_ =	sdelay $0x1  }
0x6e: {  	v3 =	vld [tilespmem:s31+$0xFFFFFFD0]  }
0x6f: {  	v4 =	vld [tilespmem:s31+$0xFFFFFFF0]  }
0x70: {  	v5 =	vld [tilespmem:s31+$0xFFFFFFE0]  }
0x71: {  	v2 =	vmul.f32 v2, v1  }
0x72: {  	s9 =	simm.s32 $0x10  }
0x73: {  	v3 =	vmul.f32 v3, v1;
	[tilespmem:s31+$0xFFFFFFC0] =	vst v2;
	v2 =	vmov s9  }
0x74: {  	v4 =	vmul.f32 v4, v1  }
0x75: {  	v1 =	vmul.f32 v5, v1;
	[tilespmem:s31+$0xFFFFFFD0] =	vst v3  }
0x76: {  	v5 =	vld [tilespmem:s31+$0x10];
	[tilespmem:s31+$0xFFFFFFF0] =	vst v4  }
0x77: {  	[tilespmem:s31+$0xFFFFFFE0] =	vst v1;
	v3 =	vld [tilespmem:s31+$0x30]  }
0x78: {  	v2 =	vld.idx.msk [tilespmem:v2+s17+$0x0], $0xffff  }
0x79: {  	v1 =	vld [tilespmem:s31+$0x0]  }
0x7a: {  	v4 =	vld [tilespmem:s31+$0x20];
	_ =	sdelay $0x2  }
0x7b: {  	v3 =	vmul.f32 v3, v2  }
0x7c: {  	s16 =	simm.s32 $0x18;
	v1 =	vmul.f32 v1, v2  }
0x7d: {  	v4 =	vmul.f32 v4, v2;
	[tilespmem:s31+$0x30] =	vst v3;
	v3 =	vmul.f32 v5, v2;
	v2 =	vmov s16  }
0x7e: {  	[tilespmem:s31+$0x0] =	vst v1  }
0x7f: {  	s1 =	simm.s32 $0x7;
	s0 =	simm.s32 $0x8D20;
	[tilespmem:s31+$0x20] =	vst v4;
	v1 =	vld [tilespmem:s31+$0x70]  }
.LBB2_5:
0x80: {  	p0 =	sne.s32 s1, $0x18F  }
0x81: {  	[tilespmem:s31+$0x10] =	vst v3;
	v3 =	vld [tilespmem:s31+$0x50];
	s0 =	sadd.s32 $0x100, s0;
	s16 =	smov.u32 s1;
	s1 =	sadd.s32 $0x4, s1  }
0x82: {  	v2 =	vld.idx.msk [tilespmem:v2+s17+$0x0], $0xffff  }
0x83: {  	v4 =	vld [tilespmem:s31+$0x40]  }
0x84: {  	v5 =	vld [tilespmem:s31+$0x60];
	_ =	sdelay $0x2  }
0x85: {  	s16 =	sshll.u32 s16, $0x3  }
0x86: {  	s8 =	sadd.s32 $0xFFFFFFE8, s16;
	s9 =	sadd.s32 $0xFFFFFFF0, s16;
	s7 =	sadd.s32 $0xFFFFFFF8, s16;
	v1 =	vmul.f32 v1, v2;
	v4 =	vmul.f32 v4, v2  }
0x87: {  	v6 =	vmov s8;
	v3 =	vmul.f32 v3, v2;
	v2 =	vmul.f32 v5, v2  }
0x88: {  	[tilespmem:s31+$0x70] =	vst v1  }
0x89: {  	[tilespmem:s31+$0x40] =	vst v4  }
0x8a: {  	v1 =	vld [tilespmem:s0+$0xFFFFFFA0];
	[tilespmem:s31+$0x50] =	vst v3  }
0x8b: {  	v3 =	vld [tilespmem:s0+$0xFFFFFFB0];
	[tilespmem:s31+$0x60] =	vst v2;
	s31 =	smov.u32 s0  }
0x8c: {  	v2 =	vld.idx.msk [tilespmem:v6+s17+$0x0], $0xffff  }
0x8d: {  	v4 =	vld [tilespmem:s0+$0xFFFFFF80]  }
0x8e: {  	v5 =	vld [tilespmem:s0+$0xFFFFFF90];
	_ =	sdelay $0x3  }
0x8f: {  	v3 =	vmul.f32 v3, v2;
	v4 =	vmul.f32 v4, v2  }
0x90: {  	v1 =	vmul.f32 v1, v2;
	v5 =	vmul.f32 v5, v2;
	v2 =	vmov s9  }
0x91: {  	[tilespmem:s0+$0xFFFFFFB0] =	vst v3  }
0x92: {  	[tilespmem:s0+$0xFFFFFF80] =	vst v4  }
0x93: {  	[tilespmem:s0+$0xFFFFFF90] =	vst v5;
	v3 =	vld [tilespmem:s0+$0xFFFFFFF0]  }
0x94: {  	[tilespmem:s0+$0xFFFFFFA0] =	vst v1;
	v1 =	vld [tilespmem:s0+$0xFFFFFFD0]  }
0x95: {  	v2 =	vld.idx.msk [tilespmem:v2+s17+$0x0], $0xffff  }
0x96: {  	v4 =	vld [tilespmem:s0+$0xFFFFFFC0]  }
0x97: {  	v5 =	vld [tilespmem:s0+$0xFFFFFFE0];
	_ =	sdelay $0x3  }
0x98: {  	v1 =	vmul.f32 v1, v2;
	v4 =	vmul.f32 v4, v2  }
0x99: {  	v5 =	vmul.f32 v5, v2;
	v2 =	vmul.f32 v3, v2;
	v3 =	vmov s7  }
0x9a: {  	[tilespmem:s0+$0xFFFFFFC0] =	vst v4  }
0x9b: {  	[tilespmem:s0+$0xFFFFFFD0] =	vst v1  }
0x9c: {  	[tilespmem:s0+$0xFFFFFFF0] =	vst v2;
	v1 =	vld [tilespmem:s0+$0x30]  }
0x9d: {  	[tilespmem:s0+$0xFFFFFFE0] =	vst v5;
	v2 =	vld [tilespmem:s0+$0x0]  }
0x9e: {  	v4 =	vld.idx.msk [tilespmem:v3+s17+$0x0], $0xffff  }
0x9f: {  	v3 =	vld [tilespmem:s0+$0x10]  }
0xa0: {  	v5 =	vld [tilespmem:s0+$0x20];
	_ =	sdelay $0x3  }
.Ltmp1:
0xa1: {  	v6 =	vmul.f32 v2, v4;
	v3 =	vmul.f32 v3, v4;
	(pc) =	sbr.rel @p0 .LBB2_5-.Ltmp1, $4  }
0xa2: {  	v1 =	vmul.f32 v1, v4;
	v2 =	vmov s16;
	v5 =	vmul.f32 v5, v4  }
0xa3: {  	[tilespmem:s0+$0x0] =	vst v6  }
0xa4: {  	[tilespmem:s0+$0x30] =	vst v1  }
0xa5: {  	[tilespmem:s0+$0x20] =	vst v5;
	v1 =	vld [tilespmem:s0+$0x70]  }
0xa6: {  	_ =	sdelay $0x2  }
0xa7: {  	[tilespmem:s31+$0x10] =	vst v3  }
0xa8: {  	v2 =	vld.idx.msk [tilespmem:v2+s17+$0x0], $0xffff  }
0xa9: {  	v3 =	vld [tilespmem:s31+$0x40]  }
0xaa: {  	v4 =	vld [tilespmem:s31+$0x50]  }
0xab: {  	v5 =	vld [tilespmem:s31+$0x60];
	_ =	sdelay $0x1  }
0xac: {  	v1 =	vmul.f32 v1, v2  }
0xad: {  	v3 =	vmul.f32 v3, v2  }
0xae: {  	v4 =	vmul.f32 v4, v2;
	[tilespmem:s31+$0x70] =	vst v1  }
0xaf: {  	v1 =	vmul.f32 v5, v2;
	[tilespmem:s31+$0x40] =	vst v3  }
0xb0: {  	[tilespmem:s31+$0x50] =	vst v4  }
0xb1: {  	[tilespmem:s31+$0x60] =	vst v1  }
0xb2: {  	[spmem:s2] =	stream.indirect.scatter.add.f32 [tilespmem:s22], [sflag:$0x3], $0x40, s30, s21, $0xb8;
	[tilespmem:$0x1A4A0] =	vst v63  }
0xb3: {  	s29 =	sadd.s32 $0x1, s29;
	_ =	swait.ge [sflag:s15], $0x6400  }
0xb4: {  	p0 =	sne.s32 s29, $0x19;
	[sflag:s15] =	ssyncset.done $0x0  }
.Ltmp2:
0xb5: {  	[sflag:s15] =	ssyncadd.s32 $0xFFFF9C00;
	(pc) =	sbr.rel @p0 .LBB2_2-.Ltmp2, $4  }
0xb6: {  	[spmem:s3] =	stream.indirect.scatter.add.f32 [tilespmem:s17], [sflag:$0x3], $0x8, s30, s21, $0xb8;
	[tilespmem:$0x1A4A0] =	vst v63  }
0xb7: {  	_ =	swait.ge [sflag:s15], $0xC80  }
0xb8: {  	[sflag:s15] =	ssyncset.done $0x0  }
0xb9: {  	[sflag:s15] =	ssyncadd.s32 $0xFFFFF380  }
0xba: {  	[bflag:$0x0] =	sbarrier.arrive $0xFFFF  }
0xbb: {  	[hbm:s12], [sflag:s18] =	dma.local [spmem:s19], $0x1400  }
0xbc: {  	s28 =	sadd.s32 $0x1, s28;
	_ =	swait.ge [sflag:s15], $0x1400  }
0xbd: {  	p0 =	sne.s32 s28, s14;
	[sflag:s15] =	ssyncset.done $0x0  }
.Ltmp3:
0xbe: {  	[sflag:s15] =	ssyncadd.s32 $0xFFFFEC00;
	(pc) =	sbr.rel @p0 .LBB2_1-.Ltmp3, $4  }
0xbf: {  	[hbm:s13], [sflag:s18] =	dma.local [spmem:s20], $0x280  }
0xc0: {  	_ =	swait.ge [sflag:s15], $0x280  }
0xc1: {  	[sflag:s15] =	ssyncset.done $0x0  }
0xc2: {  	[sflag:s15] =	ssyncadd.s32 $0xFFFFFD80  }
0xc3: {  	_ =	sfence.sel $0x180000  }
0xc4: {  	[bflag:$0x0] =	sbarrier.arrive $0xFFFF  }
0xc5: {  	_ =	strace $0x9000004D  }
0xc6: {  	s0 =	stileid.u32;
	[bflag:$0x2] =	sbarrier.arrive $0xFFFF  }
0xc7: {  	p0 =	sne.s32 s0, $0x0;
	s0 =	rddreg [dreg:$0x3]  }
0xc8: {  	s0 =	sadd.s32 @!p0 $0x100000, s0  }
0xc9: {  	[sflag:s0] =	ssyncadd.tile.s32 @!p0 $0x1;
	_ =	shalt  }
.Lfunc_end2:
_tile_overlayer_lowered:
.L_overlay_start_2:
0xca: {  	(tag) =	ssettag $0x2  }
0xcb: {  	s0 =	rddreg [dreg:$0x0];
	s2 =	stileid.u32  }
0xcc: {  	s1 =	rddreg [dreg:$0x1];
	p0 =	sne.s32 s2, $0x0  }
0xcd: {  	s3 =	rddreg [dreg:$0x2];
	[bflag:$0x3] =	sbarrier.arrive $0xFFFF;
	s2 =	simm.s32 @!p0 $0x1C03  }
0xce: {  	[timem:s3], [sflag:s2] =	dma.local @!p0 [hbm:s0], s1  }
0xcf: {  	s0 =	simm.s32 @!p0 $0x3  }
0xd0: {  	_ =	swait.ge @!p0 [sflag:s0], s1  }
0xd1: {  	s1 =	ssub.s32 @!p0 $0x0, s1;
	[sflag:s0] =	ssyncset.done @!p0 $0x0  }
0xd2: {  	[sflag:s0] =	ssyncadd.s32 @!p0 s1  }
0xd3: {  	[bflag:$0x3] =	sbarrier.arrive $0xFFFF  }
0xd4: {  	_ =	shalt  }

// kernel: kernel.8.cloned.1.call-start
scs
__scs_entry_jumppad:
0x0: {  	(pc) =	sbr.rel $0x88, $3  }
0x1: {  	(tag) =	ssettag $0x0;
	lr =	simm.s32 $0x1  }
0x2: {  	[smem:$0x3F94] =	sst lr;
	_ =	strace $0xD0000000  }
0x3: {  	_ = 	snop  }
0x4: {  	_ = 	snop  }
0x5: {  	_ = 	snop  }
0x6: {  	_ = 	snop  }
0x7: {  	_ = 	snop  }
__scs_overlays_trampoline_lowered:
0x8: {  	[smem:$0x3FA3] =	sst s0  }
0x9: {  	[smem:$0x3FA4] =	sst s1  }
0xa: {  	[smem:$0x3FA5] =	sst s2  }
0xb: {  	[smem:$0x3FA6] =	sst s3  }
0xc: {  	[smem:$0x3FA7] =	sst s4  }
0xd: {  	[smem:$0x3FA8] =	sst s5  }
0xe: {  	[smem:$0x3FA9] =	sst s6  }
0xf: {  	[smem:$0x3FAA] =	sst s7  }
0x10: {  	[smem:$0x3FAB] =	sst s8  }
0x11: {  	[smem:$0x3FAC] =	sst s9;
	s0 =	simm.s32 @!p0 $0x0  }
0x12: {  	s1 =	sld [smem:$0x3F92];
	s0 =	simm.s32 @p0 $0x1  }
0x13: {  	[smem:$0x3FAD] =	sst s0;
	s0 =	simm.s32 @!p1 $0x0  }
0x14: {  	s2 =	sld [smem:$0x3F91];
	s0 =	simm.s32 @p1 $0x1  }
0x15: {  	[smem:$0x3FAE] =	sst s0;
	s0 =	simm.s32 @!p2 $0x0  }
0x16: {  	s3 =	sld [smem:$0x3FDB];
	s0 =	simm.s32 @p2 $0x1  }
0x17: {  	s4 =	simm.s32 $0x1BF5;
	[smem:$0x3FB0] =	sst s0  }
0x18: {  	s0 =	sld [smem:$0x3F93];
	_ =	swait.ge [sflag:s4], $0x0  }
0x19: {  	s7 =	sld [smem:$0x3F94]  }
0x1a: {  	s8 =	sadd.s32 $0xFFFFE003, lr  }
0x1b: {  	s9 =	sadd.s32 $0xFFFFFEF7, lr;
	s5 =	simm.s32 $0xFFFFFFFF;
	p2 =	slt.u32 s8, $0xFFFFF086  }
0x1c: {  	p1 =	slt.u32 s9, $0xF7A;
	s5 =	simm.s32 @!p2 $0x0  }
0x1d: {  	s5 =	simm.s32 @p1 $0x1;
	p0 =	seq.s32 s7, s2  }
0x1e: {  	s7 =	smul.u32 @!p0 $0xF7A, s2;
	p2 =	seq.s32 @!p0 s5, $0x0  }
0x1f: {  	s9 =	smul.u32 $0xF7A, s1;
	s8 =	simm.s32 @!p0 $0x1BF5;
	p2 =	por !p2, p0  }
0x20: {  	[sflag:s8] =	ssyncset.s32 @!p0 $0xFFFFF086;
	s6 =	sadd.s32 @!p0 s3, s7;
	s7 =	simm.s32 @!p0 $0x108  }
0x21: {  	s3 =	sadd.s32 s3, s9;
	s6 =	sadd.s32 @!p0 $0x88, s6;
	s7 =	simm.s32 @p2 $0x1082  }
0x22: {  	[simem:s7], [sflag:s8] =	dma.local @!p0 [hbm:s6], $0xF7A  }
0x23: {  	s9 =	sor.u32 $0xD0000000, s2;
	s6 =	simm.s32 $0x108;
	_ =	swait.ge @!p0 [sflag:s8], $0x0  }
0x24: {  	s3 =	sadd.s32 $0x88, s3;
	s6 =	simm.s32 @!p1 $0x1082;
	[sflag:s4] =	ssyncset.s32 $0xFFFFF086  }
0x25: {  	[simem:s6], [sflag:s4] =	dma.local [hbm:s3], $0xF7A  }
0x26: {  	[smem:$0x3F94] =	sst s1;
	(tag) =	ssettag s2;
	_ =	strace s9  }
0x27: {  	s1 =	sld [smem:$0x3FA4]  }
0x28: {  	s2 =	sld [smem:$0x3FA5]  }
0x29: {  	s4 =	sld [smem:$0x3FA7]  }
0x2a: {  	p0 =	seq.s32 s5, $0x0;
	s5 =	sld [smem:$0x3FA8]  }
0x2b: {  	s6 =	sld [smem:$0x3FA9]  }
0x2c: {  	s7 =	sld [smem:$0x3FAA]  }
0x2d: {  	s3 =	simm.s32 $0x108;
	s8 =	sld [smem:$0x3FAB]  }
0x2e: {  	s3 =	simm.s32 @!p0 $0x1082;
	s9 =	sld [smem:$0x3FAC]  }
0x2f: {  	lr =	sadd.s32 s0, s3;
	s0 =	sld [smem:$0x3FA3]  }
0x30: {  	s3 =	sld [smem:$0x3FA6]  }
0x31: {  	[smem:$0x3FAF] =	sst s10  }
0x32: {  	s10 =	sld [smem:$0x3FAD];
	_ =	sdelay $0x3  }
0x33: {  	p0 =	seq.s32 s10, $0x1;
	s10 =	sld [smem:$0x3FAF];
	_ =	sdelay $0x3  }
0x34: {  	[smem:$0x3FAF] =	sst s10  }
0x35: {  	s10 =	sld [smem:$0x3FAE];
	_ =	sdelay $0x3  }
0x36: {  	p1 =	seq.s32 s10, $0x1;
	s10 =	sld [smem:$0x3FAF];
	_ =	sdelay $0x3  }
0x37: {  	[smem:$0x3FAF] =	sst s10  }
0x38: {  	s10 =	sld [smem:$0x3FB0]  }
0x39: {  	_ = 	snop;
	(pc) =	sbr.ind lr, $3  }
0x3a: {  	_ = 	snop  }
0x3b: {  	_ = 	snop  }
0x3c: {  	p2 =	seq.s32 s10, $0x1;
	s10 =	sld [smem:$0x3FAF]  }
0x3d: {  	_ =	shalt  }
0x3e: {  	_ =	shalt  }
0x3f: {  	_ =	shalt  }
0x40: {  	_ =	shalt  }
0x41: {  	_ =	shalt  }
0x42: {  	_ =	shalt  }
0x43: {  	_ =	shalt  }
0x44: {  	_ =	shalt  }
0x45: {  	_ =	shalt  }
0x46: {  	_ =	shalt  }
0x47: {  	_ =	shalt  }
0x48: {  	_ =	shalt  }
0x49: {  	_ =	shalt  }
0x4a: {  	_ =	shalt  }
0x4b: {  	_ =	shalt  }
0x4c: {  	_ =	shalt  }
0x4d: {  	_ =	shalt  }
0x4e: {  	_ =	shalt  }
0x4f: {  	_ =	shalt  }
0x50: {  	_ =	shalt  }
0x51: {  	_ =	shalt  }
0x52: {  	_ =	shalt  }
0x53: {  	_ =	shalt  }
0x54: {  	_ =	shalt  }
0x55: {  	_ =	shalt  }
0x56: {  	_ =	shalt  }
0x57: {  	_ =	shalt  }
0x58: {  	_ =	shalt  }
0x59: {  	_ =	shalt  }
0x5a: {  	_ =	shalt  }
0x5b: {  	_ =	shalt  }
0x5c: {  	_ =	shalt  }
0x5d: {  	_ =	shalt  }
0x5e: {  	_ =	shalt  }
0x5f: {  	_ =	shalt  }
0x60: {  	_ =	shalt  }
0x61: {  	_ =	shalt  }
0x62: {  	_ =	shalt  }
0x63: {  	_ =	shalt  }
0x64: {  	_ =	shalt  }
0x65: {  	_ =	shalt  }
0x66: {  	_ =	shalt  }
0x67: {  	_ =	shalt  }
0x68: {  	_ =	shalt  }
0x69: {  	_ =	shalt  }
0x6a: {  	_ =	shalt  }
0x6b: {  	_ =	shalt  }
0x6c: {  	_ =	shalt  }
0x6d: {  	_ =	shalt  }
0x6e: {  	_ =	shalt  }
0x6f: {  	_ =	shalt  }
0x70: {  	_ =	shalt  }
0x71: {  	_ =	shalt  }
0x72: {  	_ =	shalt  }
0x73: {  	_ =	shalt  }
0x74: {  	_ =	shalt  }
0x75: {  	_ =	shalt  }
0x76: {  	_ =	shalt  }
0x77: {  	_ =	shalt  }
0x78: {  	_ =	shalt  }
0x79: {  	_ =	shalt  }
0x7a: {  	_ =	shalt  }
0x7b: {  	_ =	shalt  }
0x7c: {  	_ =	shalt  }
0x7d: {  	_ =	shalt  }
0x7e: {  	_ =	shalt  }
0x7f: {  	_ =	shalt  }
0x80: {  	_ =	shalt  }
0x81: {  	_ =	shalt  }
0x82: {  	_ =	shalt  }
0x83: {  	_ =	shalt  }
0x84: {  	_ =	shalt  }
0x85: {  	_ =	shalt  }
0x86: {  	_ =	shalt  }
0x87: {  	_ =	shalt  }
.Lfunc_end0:
.L_simem_size_0:
called_computation_lowered:
.L_overlay_start_0:
0x88: {  	s2 =	sld [smem:$0x3FD9]  }
0x89: {  	s3 =	sld [smem:$0x3FFE];
	_ =	sdelay $0x1  }
0x8a: {  	s1 =	srdreg.scid  }
0x8b: {  	s0 =	sand.u32 $0x1, s1  }
0x8c: {  	s16 =	sshll.u32 s0, $0xA;
	s2 =	sadd.s32 s3, s2  }
0x8d: {  	s2 =	sadd.s32 s2, s16  }
0x8e: {  	[smem:$0x3FBB] =	sst s2  }
0x8f: {  	_ = 	snop  }
0x90: {  	(tm) =	ssettm $0x1  }
0x91: {  	s17 =	sld [smem:$0x3FFB];
	_ =	sdelay $0x3  }
0x92: {  	_ =	strace s17  }
0x93: {  	s2 =	sld [smem:$0x3FFC];
	_ =	sdelay $0x3  }
0x94: {  	_ =	strace s2  }
0x95: {  	s2 =	sld [smem:$0x3FFD];
	_ =	sdelay $0x3  }
0x96: {  	_ =	strace s2  }
0x97: {  	_ =	strace $0x8FFFFFFF  }
0x98: {  	s18 =	sld [smem:$0x3FDB];
	_ =	sdelay $0x1  }
0x99: {  	s19 =	simm.s32 $_scs_section_size  }
0x9a: {  	s4 =	simm.s32 $_size__tile_overlayer_lowered;
	s5 =	simm.s32 $_tile_overlayer_lowered  }
0x9b: {  	s22 =	simm.s32 $0x1BFF;
	s21 =	sshll.u32 s5, $0x1;
	s2 =	sadd.s32 s19, s18  }
0x9c: {  	s6 =	simm.s32 $0x0;
	s20 =	sshll.u32 s4, $0x1;
	s4 =	sadd.s32 s21, s2  }
0x9d: {  	[timem:s6], [sflag:s22] =	dma.local [hbm:s4], s20  }
0x9e: {  	_ =	swait.ge [sflag:s22], s20  }
0x9f: {  	s3 =	ssub.s32 $0x0, s20;
	[sflag:s22] =	ssyncset.done $0x0  }
0xa0: {  	[sflag:s22] =	ssyncadd.s32 s3;
	_ =	sdelay $0x1  }
0xa1: {  	s23 =	simm.s32 $0x1B8B  }
0xa2: {  	_ =	swait.ge [sflag:s23], $0x1  }
0xa3: {  	[sflag:s23] =	ssyncset.done $0x0  }
0xa4: {  	s25 =	simm.s32 $0x1B8E;
	s24 =	sld [smem:$0x3FFE];
	[sflag:s23] =	ssyncadd.s32 $0xFFFFFFFF  }
0xa5: {  	s26 =	simm.s32 $execute0_lowered;
	[smem:$0x3FD2] =	sst s25  }
0xa6: {  	s4 =	sshll.u32 s26, $0x1;
	_ =	strace $0x80000046;
	[dreg:$0x1] =	wrdreg $0xFFFFFFFF  }
0xa7: {  	s28 =	simm.s32 $_size_execute0_lowered;
	s2 =	sadd.s32 s2, s4;
	[dreg:$0x0] =	wrdreg $0x0  }
0xa8: {  	s4 =	sshll.u32 s28, $0x1;
	[dreg:$0x2] =	wrdreg s2  }
0xa9: {  	[dreg:$0x3] =	wrdreg s4  }
0xaa: {  	[dreg:$0x4] =	wrdreg $0xC0  }
0xab: {  	_ =	task [dreg:s6], $0x5FFFF  }
0xac: {  	[dreg:$0x1] =	wrdreg $0xFFFFFFFF  }
0xad: {  	[dreg:$0x0] =	wrdreg $0x60  }
0xae: {  	[dreg:$0x2] =	wrdreg s24  }
0xaf: {  	[dreg:$0x3] =	wrdreg $0x8CA00  }
0xb0: {  	[dreg:$0x4] =	wrdreg $0x9  }
0xb1: {  	_ =	task.clear_ibuf [dreg:s6], $0x5FFFF;
	_ =	strace $0x90000046  }
0xb2: {  	s29 =	simm.s32 $0x9;
	_ =	strace $0x80000048  }
0xb3: {  	_ =	swait.ge [sflag:s29], $0x1  }
0xb4: {  	[sflag:s29] =	ssyncadd.s32 $0xFFFFFFFF  }
0xb5: {  	_ =	strace $0x90000048  }
0xb6: {  	_ =	sfence  }
0xb7: {  	s30 =	sld [smem:$0x0];
	_ =	sdelay $0x2  }
0xb8: {  	s31 =	sshll.u32 s1, $0xD;
	s1 =	sshrl.u32 s1, $0x2  }
0xb9: {  	s3 =	sand.u32 $0x4000, s31;
	s1 =	sadd.s32 s1, s30  }
0xba: {  	s0 =	sor.u32 s3, s0;
	s1 =	sshll.u32 s1, $0x11  }
0xbb: {  	s0 =	sor.u32 s1, s0  }
0xbc: {  	s0 =	sadd.s32 $0x8F2B, s0  }
0xbd: {  	[sflag:s0] =	ssyncadd.remote.s32 $0x1  }
0xbe: {  	_ =	sfence.sel $0xFFFF  }
0xbf: {  	[dreg:$0x0] =	wrdreg $0xFFFFFFFF;
	(pc) =	sbr.abs _section_cstart, $3  }
0xc0: {  	[dreg:$0x1] =	wrdreg $0xFFFFFFFF  }
0xc1: {  	_ =	task.clear_ibuf [dreg:s6], $0x2FFFF;
	_ =	strace $0x9FFFFFFF  }
0xc2: {  	(tm) =	ssettm $0x7FFFFFFF  }
0xc3: {  	_ =	shalt  }
tec
execute0_lowered:
.L_overlay_start_1:
0x0: {  	(tag) =	ssettag $0x1  }
0x1: {  	s0 =	srdreg.scid;
	s6 =	rddreg [dreg:$0x0]  }
0x2: {  	s2 =	rddreg [dreg:$0x1];
	s3 =	simm.s32 $0x0;
	s15 =	simm.s32 $0x190  }
0x3: {  	s16 =	simm.s32 $0x4E20;
	s17 =	simm.s32 $0x6720;
	s18 =	simm.s32 $0x1  }
0x4: {  	s19 =	simm.s32 $0x8020;
	s5 =	sand.u32 $0x1, s0;
	s0 =	stileid.u32  }
0x5: {  	s20 =	simm.s32 $0x0;
	[smem:$0x7FF] =	sst s3;
	s8 =	smul.u32 $0x1400, s0  }
0x6: {  	s1 =	sshll.u32 s5, $0x4;
	s9 =	smul.u32 $0x14000, s5;
	s5 =	ssub.s32 $0x2, s5  }
0x7: {  	s31 =	sshll.u32 s0, $0x6;
	s1 =	sor.u32 s0, s1;
	s12 =	sshrl.u32 s5, $0x1  }
0x8: {  	s7 =	smul.u32 $0x2710, s1;
	s1 =	rddreg [dreg:$0x2];
	_ =	strace $0x80000047  }
0x9: {  	s11 =	sshrl.u32 s8, $0x3;
	s9 =	sadd.s32 s8, s9;
	s12 =	ssub.s32 s5, s12  }
0xa: {  	s14 =	sadd.s32 s8, s2;
	s11 =	sadd.s32 s11, s6;
	s9 =	sshrl.u32 s9, $0x3  }
0xb: {  	s14 =	sshrl.u32 s14, $0x3;
	s4 =	sshrl.u32 s7, $0x3;
	s13 =	sadd.s32 s7, s6  }
0xc: {  	s9 =	sadd.s32 s9, s6;
	s7 =	sadd.s32 $0xB7C00, s11;
	s11 =	simm.s32 $0x2  }
0xd: {  	s10 =	sadd.s32 s4, s6;
	s4 =	sadd.s32 $0x9F000, s6;
	s8 =	sadd.s32 $0xBF400, s13  }
0xe: {  	s9 =	sadd.s32 $0xBA400, s9;
	s13 =	sor.u32 $0x1C02, s31;
	s5 =	sadd.s32 $0xADE00, s10  }
0xf: {  	v0 =	vlaneseq.u32;
	s6 =	sadd.s32 $0xA4000, s10;
	s10 =	smax.u32 s12, $0x1;
	s12 =	simm.s32 $0x2710  }
.LBB2_1:
0x10: {  	[tilespmem:s3], [sflag:$0x2] =	stream.linear.gather [hbm4b:s5+s3], $0x2710, $0x38;
	[tilespmem:$0xA0A0] =	vst v63  }
0x11: {  	_ =	swait.ge [sflag:s11], $0x2710  }
0x12: {  	[sflag:s11] =	ssyncset.done $0x0  }
0x13: {  	[sflag:s11] =	ssyncadd.s32 $0xFFFFD8F0  }
0x14: {  	[tilespmem:s12], [sflag:$0x2] =	stream.linear.gather [hbm4b:s6+s3], $0x2710, $0x38;
	[tilespmem:$0xA0A0] =	vst v63  }
0x15: {  	_ =	swait.ge [sflag:s11], $0x2710  }
0x16: {  	[sflag:s11] =	ssyncset.done $0x0  }
0x17: {  	[sflag:s11] =	ssyncadd.s32 $0xFFFFD8F0  }
0x18: {  	[spmem:s14], [sflag:s13] =	dma.local [hbm:s7], $0x280  }
0x19: {  	_ =	swait.ge [sflag:s11], $0x280  }
0x1a: {  	[sflag:s11] =	ssyncset.done $0x0  }
0x1b: {  	[sflag:s11] =	ssyncadd.s32 $0xFFFFFD80  }
0x1c: {  	s21 =	simm.s32 $0x0;
	[bflag:$0x0] =	sbarrier.arrive $0xFFFF  }
.LBB2_2:
0x1d: {  	s23 =	smul.u32 $0x190, s21;
	_ =	sdelay $0x1  }
0x1e: {  	[tilespmem:s16], [sflag:$0x1] =	stream.indirect.gather [hbm4b:s4+s15], $0x10, s23, s15, $0xb8;
	[tilespmem:$0xA0A0] =	vst v63  }
0x1f: {  	s24 =	simm.s32 $0x0;
	s22 =	sadd.s32 $0x2710, s23  }
0x20: {  	[tilespmem:s17], [sflag:$0x1] =	stream.indirect.gather [hbm4b:s4+s15], $0x10, s22, s15, $0xb8;
	[tilespmem:$0xA0A0] =	vst v63  }
0x21: {  	v1 =	vor.u32 s24, v0;
	_ =	swait.ge [sflag:s18], $0x1900  }
0x22: {  	v2 =	vshll.u32 v1, $0x4;
	[sflag:s18] =	ssyncset.done $0x0  }
0x23: {  	v3 =	vor.u32 $0x8, v2;
	[sflag:s18] =	ssyncadd.s32 $0xFFFFE700  }
0x24: {  	_ =	swait.ge [sflag:s18], $0x1900  }
0x25: {  	[sflag:s18] =	ssyncset.done $0x0  }
0x26: {  	[sflag:s18] =	ssyncadd.s32 $0xFFFFE700  }
0x27: {  	v4 =	vld.idx.msk [tilespmem:v2+s16+$0x0], $0xffff  }
0x28: {  	v3 =	vld.idx.msk [tilespmem:v3+s17+$0x0], $0xffff;
	_ =	sdelay $0x4  }
0x29: {  	v3 =	vadd.f32 v3, v4;
	_ =	sdelay $0x1  }
0x2a: {  	v4 =	vmul.f32 $2.000000030e-01, v3  }
0x2b: {  	vm0 =	vgt.f32 v3, $0.0e+00  }
0x2c: {  	v3 =	vsel vm0, v3, v4  }
0x2d: {  	v3 =	vmul.f32 $1.442695020e+00, v3;
	_ =	sdelay $0x1  }
0x2e: {  	(erf) = vpow2.f32 v3;
	_ =	sdelay $0x4  }
0x2f: {  	v1 =	vshll.u32 v1, $0x3  }
0x30: {  	v3 =	vor.u32 $0x1, v2  }
0x31: {  	v42 =	vor.u32 $0x9, v2;
	_ =	sdelay $0x1  }
0x32: {  	v5 =	vpop (erf)  }
0x33: {  	[tilespmem:v1+s19+$0x0] =	vst.idx.msk $0xffff, v5  }
0x34: {  	v3 =	vld.idx.msk [tilespmem:v3+s16+$0x0], $0xffff  }
0x35: {  	v4 =	vld.idx.msk [tilespmem:v42+s17+$0x0], $0xffff;
	_ =	sdelay $0x4  }
0x36: {  	v3 =	vadd.f32 v4, v3;
	_ =	sdelay $0x1  }
0x37: {  	v4 =	vmul.f32 $2.000000030e-01, v3  }
0x38: {  	vm9 =	vgt.f32 v3, $0.0e+00  }
0x39: {  	v3 =	vsel vm9, v3, v4  }
0x3a: {  	v3 =	vmul.f32 $1.442695020e+00, v3;
	_ =	sdelay $0x1  }
0x3b: {  	(erf) = vpow2.f32 v3;
	_ =	sdelay $0x4  }
0x3c: {  	v3 =	vor.u32 $0x1, v1  }
0x3d: {  	v43 =	vor.u32 $0x2, v2  }
0x3e: {  	v44 =	vor.u32 $0xA, v2;
	_ =	sdelay $0x1  }
0x3f: {  	v6 =	vpop (erf)  }
0x40: {  	[tilespmem:v3+s19+$0x0] =	vst.idx.msk $0xffff, v6  }
0x41: {  	v3 =	vld.idx.msk [tilespmem:v43+s16+$0x0], $0xffff  }
0x42: {  	v45 =	vld.idx.msk [tilespmem:v44+s17+$0x0], $0xffff;
	_ =	sdelay $0x4  }
0x43: {  	v3 =	vadd.f32 v45, v3;
	_ =	sdelay $0x1  }
0x44: {  	v4 =	vmul.f32 $2.000000030e-01, v3  }
0x45: {  	vm10 =	vgt.f32 v3, $0.0e+00  }
0x46: {  	v3 =	vsel vm10, v3, v4  }
0x47: {  	v3 =	vmul.f32 $1.442695020e+00, v3;
	_ =	sdelay $0x1  }
0x48: {  	(erf) = vpow2.f32 v3;
	_ =	sdelay $0x4  }
0x49: {  	v3 =	vor.u32 $0x2, v1  }
0x4a: {  	v46 =	vor.u32 $0x3, v2  }
0x4b: {  	v47 =	vor.u32 $0xB, v2;
	_ =	sdelay $0x1  }
0x4c: {  	v48 =	vpop (erf)  }
0x4d: {  	[tilespmem:v3+s19+$0x0] =	vst.idx.msk $0xffff, v48  }
0x4e: {  	v3 =	vld.idx.msk [tilespmem:v46+s16+$0x0], $0xffff  }
0x4f: {  	v49 =	vld.idx.msk [tilespmem:v47+s17+$0x0], $0xffff;
	_ =	sdelay $0x4  }
0x50: {  	v3 =	vadd.f32 v49, v3;
	_ =	sdelay $0x1  }
0x51: {  	v4 =	vmul.f32 $2.000000030e-01, v3  }
0x52: {  	vm11 =	vgt.f32 v3, $0.0e+00  }
0x53: {  	v3 =	vsel vm11, v3, v4  }
0x54: {  	v3 =	vmul.f32 $1.442695020e+00, v3;
	_ =	sdelay $0x1  }
0x55: {  	(erf) = vpow2.f32 v3;
	_ =	sdelay $0x4  }
0x56: {  	v3 =	vor.u32 $0x3, v1  }
0x57: {  	v50 =	vor.u32 $0x4, v2  }
0x58: {  	v51 =	vor.u32 $0xC, v2;
	_ =	sdelay $0x1  }
0x59: {  	v52 =	vpop (erf)  }
0x5a: {  	[tilespmem:v3+s19+$0x0] =	vst.idx.msk $0xffff, v52  }
0x5b: {  	v3 =	vld.idx.msk [tilespmem:v50+s16+$0x0], $0xffff  }
0x5c: {  	v53 =	vld.idx.msk [tilespmem:v51+s17+$0x0], $0xffff;
	_ =	sdelay $0x4  }
0x5d: {  	v3 =	vadd.f32 v53, v3;
	_ =	sdelay $0x1  }
0x5e: {  	v4 =	vmul.f32 $2.000000030e-01, v3  }
0x5f: {  	vm12 =	vgt.f32 v3, $0.0e+00  }
0x60: {  	v3 =	vsel vm12, v3, v4  }
0x61: {  	v3 =	vmul.f32 $1.442695020e+00, v3;
	_ =	sdelay $0x1  }
0x62: {  	(erf) = vpow2.f32 v3;
	_ =	sdelay $0x4  }
0x63: {  	v3 =	vor.u32 $0x4, v1  }
0x64: {  	v54 =	vor.u32 $0x5, v2  }
0x65: {  	v55 =	vor.u32 $0xD, v2;
	_ =	sdelay $0x1  }
0x66: {  	v56 =	vpop (erf)  }
0x67: {  	[tilespmem:v3+s19+$0x0] =	vst.idx.msk $0xffff, v56  }
0x68: {  	v3 =	vld.idx.msk [tilespmem:v54+s16+$0x0], $0xffff  }
0x69: {  	v57 =	vld.idx.msk [tilespmem:v55+s17+$0x0], $0xffff;
	_ =	sdelay $0x4  }
0x6a: {  	v3 =	vadd.f32 v57, v3;
	_ =	sdelay $0x1  }
0x6b: {  	v4 =	vmul.f32 $2.000000030e-01, v3  }
0x6c: {  	vm13 =	vgt.f32 v3, $0.0e+00  }
0x6d: {  	v3 =	vsel vm13, v3, v4  }
0x6e: {  	v3 =	vmul.f32 $1.442695020e+00, v3;
	_ =	sdelay $0x1  }
0x6f: {  	(erf) = vpow2.f32 v3;
	_ =	sdelay $0x4  }
0x70: {  	v3 =	vor.u32 $0x5, v1  }
0x71: {  	v58 =	vor.u32 $0x6, v2  }
0x72: {  	v59 =	vor.u32 $0xE, v2;
	_ =	sdelay $0x1  }
0x73: {  	v60 =	vpop (erf)  }
0x74: {  	[tilespmem:v3+s19+$0x0] =	vst.idx.msk $0xffff, v60  }
0x75: {  	v3 =	vld.idx.msk [tilespmem:v58+s16+$0x0], $0xffff  }
0x76: {  	v61 =	vld.idx.msk [tilespmem:v59+s17+$0x0], $0xffff;
	_ =	sdelay $0x4  }
0x77: {  	v3 =	vadd.f32 v61, v3;
	_ =	sdelay $0x1  }
0x78: {  	v4 =	vmul.f32 $2.000000030e-01, v3  }
0x79: {  	vm14 =	vgt.f32 v3, $0.0e+00  }
0x7a: {  	v3 =	vsel vm14, v3, v4  }
0x7b: {  	v3 =	vmul.f32 $1.442695020e+00, v3;
	_ =	sdelay $0x1  }
0x7c: {  	(erf) = vpow2.f32 v3;
	_ =	sdelay $0x4  }
0x7d: {  	v3 =	vor.u32 $0x6, v1  }
0x7e: {  	v62 =	vor.u32 $0x7, v2  }
0x7f: {  	v2 =	vor.u32 $0xF, v2;
	_ =	sdelay $0x1  }
0x80: {  	v63 =	vpop (erf)  }
0x81: {  	[tilespmem:v3+s19+$0x0] =	vst.idx.msk $0xffff, v63  }
0x82: {  	v3 =	vld.idx.msk [tilespmem:v62+s16+$0x0], $0xffff  }
0x83: {  	v2 =	vld.idx.msk [tilespmem:v2+s17+$0x0], $0xffff;
	_ =	sdelay $0x4  }
0x84: {  	v2 =	vadd.f32 v2, v3;
	_ =	sdelay $0x1  }
0x85: {  	v3 =	vmul.f32 $2.000000030e-01, v2  }
0x86: {  	vm15 =	vgt.f32 v2, $0.0e+00  }
0x87: {  	v2 =	vsel vm15, v2, v3  }
0x88: {  	v3 =	vmul.f32 $1.442695020e+00, v2;
	_ =	sdelay $0x1  }
0x89: {  	s24 =	simm.s32 $0x10;
	v2 =	vor.u32 $0x7, v1;
	(erf) = vpow2.f32 v3  }
.LBB2_3:
0x8a: {  	_ =	sdelay $0x1  }
0x8b: {  	p0 =	sne.s32 s24, $0x180;
	s25 =	smov.u32 s24;
	s24 =	sadd.s32 $0x10, s24  }
0x8c: {  	_ = 	snop  }
0x8d: {  	v3 =	vor.u32 s25, v0  }
0x8e: {  	v1 =	vshll.u32 v3, $0x4  }
0x8f: {  	v4 =	vor.u32 $0x8, v1;
	_ =	sdelay $0x1  }
0x90: {  	v5 =	vpop (erf)  }
0x91: {  	[tilespmem:v2+s19+$0x0] =	vst.idx.msk $0xffff, v5  }
0x92: {  	v2 =	vld.idx.msk [tilespmem:v1+s16+$0x0], $0xffff  }
0x93: {  	v4 =	vld.idx.msk [tilespmem:v4+s17+$0x0], $0xffff;
	_ =	sdelay $0x5  }
0x94: {  	v2 =	vadd.f32 v4, v2;
	_ =	sdelay $0x1  }
0x95: {  	v4 =	vmul.f32 $2.000000030e-01, v2  }
0x96: {  	vm0 =	vgt.f32 v2, $0.0e+00  }
0x97: {  	v2 =	vsel vm0, v2, v4  }
0x98: {  	v2 =	vmul.f32 $1.442695020e+00, v2;
	_ =	sdelay $0x1  }
0x99: {  	(erf) = vpow2.f32 v2;
	_ =	sdelay $0x4  }
0x9a: {  	v2 =	vshll.u32 v3, $0x3  }
0x9b: {  	v4 =	vor.u32 $0x9, v1;
	v3 =	vor.u32 $0x1, v1;
	_ =	sdelay $0x2  }
0x9c: {  	v5 =	vpop (erf)  }
0x9d: {  	[tilespmem:v2+s19+$0x0] =	vst.idx.msk $0xffff, v5  }
0x9e: {  	v3 =	vld.idx.msk [tilespmem:v3+s16+$0x0], $0xffff  }
0x9f: {  	v4 =	vld.idx.msk [tilespmem:v4+s17+$0x0], $0xffff;
	_ =	sdelay $0x5  }
0xa0: {  	v3 =	vadd.f32 v4, v3;
	_ =	sdelay $0x1  }
0xa1: {  	vm0 =	vgt.f32 v3, $0.0e+00;
	v4 =	vmul.f32 $2.000000030e-01, v3;
	_ =	sdelay $0x1  }
0xa2: {  	v3 =	vsel vm0, v3, v4  }
0xa3: {  	v3 =	vmul.f32 $1.442695020e+00, v3;
	_ =	sdelay $0x1  }
0xa4: {  	(erf) = vpow2.f32 v3;
	_ =	sdelay $0x3  }
0xa5: {  	v3 =	vor.u32 $0x1, v2;
	_ =	sdelay $0x1  }
0xa6: {  	v5 =	vor.u32 $0xA, v1;
	v4 =	vor.u32 $0x2, v1;
	_ =	sdelay $0x2  }
0xa7: {  	v6 =	vpop (erf)  }
0xa8: {  	[tilespmem:v3+s19+$0x0] =	vst.idx.msk $0xffff, v6  }
0xa9: {  	v3 =	vld.idx.msk [tilespmem:v4+s16+$0x0], $0xffff  }
0xaa: {  	v4 =	vld.idx.msk [tilespmem:v5+s17+$0x0], $0xffff;
	_ =	sdelay $0x5  }
0xab: {  	v3 =	vadd.f32 v4, v3;
	_ =	sdelay $0x1  }
0xac: {  	vm0 =	vgt.f32 v3, $0.0e+00;
	v4 =	vmul.f32 $2.000000030e-01, v3;
	_ =	sdelay $0x1  }
0xad: {  	v3 =	vsel vm0, v3, v4  }
0xae: {  	v3 =	vmul.f32 $1.442695020e+00, v3;
	_ =	sdelay $0x1  }
0xaf: {  	(erf) = vpow2.f32 v3;
	_ =	sdelay $0x2  }
0xb0: {  	v3 =	vor.u32 $0x2, v2;
	_ =	sdelay $0x2  }
0xb1: {  	v5 =	vor.u32 $0xB, v1;
	v4 =	vor.u32 $0x3, v1;
	_ =	sdelay $0x2  }
0xb2: {  	v6 =	vpop (erf)  }
0xb3: {  	[tilespmem:v3+s19+$0x0] =	vst.idx.msk $0xffff, v6  }
0xb4: {  	v3 =	vld.idx.msk [tilespmem:v4+s16+$0x0], $0xffff  }
0xb5: {  	v4 =	vld.idx.msk [tilespmem:v5+s17+$0x0], $0xffff;
	_ =	sdelay $0x5  }
0xb6: {  	v3 =	vadd.f32 v4, v3;
	_ =	sdelay $0x1  }
0xb7: {  	vm0 =	vgt.f32 v3, $0.0e+00;
	v4 =	vmul.f32 $2.000000030e-01, v3;
	_ =	sdelay $0x1  }
0xb8: {  	v3 =	vsel vm0, v3, v4  }
0xb9: {  	v3 =	vmul.f32 $1.442695020e+00, v3;
	_ =	sdelay $0x1  }
0xba: {  	(erf) = vpow2.f32 v3;
	_ =	sdelay $0x1  }
0xbb: {  	v3 =	vor.u32 $0x3, v2;
	_ =	sdelay $0x3  }
0xbc: {  	v5 =	vor.u32 $0xC, v1;
	v4 =	vor.u32 $0x4, v1;
	_ =	sdelay $0x2  }
0xbd: {  	v6 =	vpop (erf)  }
0xbe: {  	[tilespmem:v3+s19+$0x0] =	vst.idx.msk $0xffff, v6  }
0xbf: {  	v3 =	vld.idx.msk [tilespmem:v4+s16+$0x0], $0xffff  }
0xc0: {  	v4 =	vld.idx.msk [tilespmem:v5+s17+$0x0], $0xffff;
	_ =	sdelay $0x5  }
0xc1: {  	v3 =	vadd.f32 v4, v3;
	_ =	sdelay $0x1  }
0xc2: {  	vm0 =	vgt.f32 v3, $0.0e+00;
	v4 =	vmul.f32 $2.000000030e-01, v3;
	_ =	sdelay $0x1  }
0xc3: {  	v3 =	vsel vm0, v3, v4  }
0xc4: {  	v3 =	vmul.f32 $1.442695020e+00, v3;
	_ =	sdelay $0x1  }
0xc5: {  	(erf) = vpow2.f32 v3  }
0xc6: {  	v3 =	vor.u32 $0x4, v2;
	_ =	sdelay $0x4  }
0xc7: {  	v5 =	vor.u32 $0xD, v1;
	v4 =	vor.u32 $0x5, v1;
	_ =	sdelay $0x2  }
0xc8: {  	v6 =	vpop (erf)  }
0xc9: {  	[tilespmem:v3+s19+$0x0] =	vst.idx.msk $0xffff, v6  }
0xca: {  	v3 =	vld.idx.msk [tilespmem:v4+s16+$0x0], $0xffff  }
0xcb: {  	v4 =	vld.idx.msk [tilespmem:v5+s17+$0x0], $0xffff;
	_ =	sdelay $0x5  }
0xcc: {  	v3 =	vadd.f32 v4, v3;
	_ =	sdelay $0x1  }
0xcd: {  	vm0 =	vgt.f32 v3, $0.0e+00;
	v4 =	vmul.f32 $2.000000030e-01, v3;
	_ =	sdelay $0x1  }
0xce: {  	v3 =	vsel vm0, v3, v4  }
0xcf: {  	v3 =	vmul.f32 $1.442695020e+00, v3;
	_ =	sdelay $0x1  }
0xd0: {  	v4 =	vor.u32 $0x5, v2;
	(erf) = vpow2.f32 v3;
	_ =	sdelay $0x5  }
0xd1: {  	v5 =	vor.u32 $0xE, v1;
	v3 =	vor.u32 $0x6, v1;
	_ =	sdelay $0x2  }
0xd2: {  	v6 =	vpop (erf)  }
0xd3: {  	[tilespmem:v4+s19+$0x0] =	vst.idx.msk $0xffff, v6  }
0xd4: {  	v3 =	vld.idx.msk [tilespmem:v3+s16+$0x0], $0xffff  }
0xd5: {  	v4 =	vld.idx.msk [tilespmem:v5+s17+$0x0], $0xffff;
	_ =	sdelay $0x5  }
0xd6: {  	v3 =	vadd.f32 v4, v3;
	_ =	sdelay $0x1  }
0xd7: {  	vm0 =	vgt.f32 v3, $0.0e+00;
	v4 =	vmul.f32 $2.000000030e-01, v3;
	_ =	sdelay $0x1  }
0xd8: {  	v3 =	vsel vm0, v3, v4  }
0xd9: {  	v3 =	vmul.f32 $1.442695020e+00, v3  }
0xda: {  	v4 =	vor.u32 $0x6, v2  }
0xdb: {  	(erf) = vpow2.f32 v3;
	_ =	sdelay $0x5  }
0xdc: {  	v3 =	vor.u32 $0x7, v1;
	v1 =	vor.u32 $0xF, v1;
	_ =	sdelay $0x2  }
0xdd: {  	v5 =	vpop (erf)  }
0xde: {  	[tilespmem:v4+s19+$0x0] =	vst.idx.msk $0xffff, v5  }
0xdf: {  	v3 =	vld.idx.msk [tilespmem:v3+s16+$0x0], $0xffff  }
0xe0: {  	v1 =	vld.idx.msk [tilespmem:v1+s17+$0x0], $0xffff;
	_ =	sdelay $0x5  }
0xe1: {  	v1 =	vadd.f32 v1, v3;
	_ =	sdelay $0x1  }
0xe2: {  	vm0 =	vgt.f32 v1, $0.0e+00;
	v3 =	vmul.f32 $2.000000030e-01, v1  }
.Ltmp0:
0xe3: {  	(pc) =	sbr.rel @p0 .LBB2_3-.Ltmp0, $3  }
0xe4: {  	v1 =	vsel vm0, v1, v3  }
0xe5: {  	v2 =	vor.u32 $0x7, v2;
	v1 =	vmul.f32 $1.442695020e+00, v1;
	_ =	sdelay $0x1  }
0xe6: {  	(erf) = vpow2.f32 v1  }
0xe7: {  	_ =	sdelay $0x7  }
0xe8: {  	v1 =	vpop (erf)  }
0xe9: {  	s23 =	sadd.s32 s23, s8;
	[tilespmem:v2+s19+$0x0] =	vst.idx.msk $0xffff, v1  }
0xea: {  	[hbm4b:s23+s3] =	stream.linear.scatter [tilespmem:s19], [sflag:$0x2], $0xC80, $0x38;
	[tilespmem:$0xA0A0] =	vst v63  }
0xeb: {  	s21 =	sadd.s32 $0x1, s21;
	_ =	swait.ge [sflag:s11], $0xC80  }
0xec: {  	p0 =	sne.s32 s21, $0x19;
	[sflag:s11] =	ssyncset.done $0x0  }
.Ltmp1:
0xed: {  	[sflag:s11] =	ssyncadd.s32 $0xFFFFF380;
	(pc) =	sbr.rel @p0 .LBB2_2-.Ltmp1, $4  }
0xee: {  	[spmem:s2] =	stream.indirect.scatter.add.f32 [tilespmem:s19], [sflag:$0x2], $0x8, s22, s15, $0xb8;
	[tilespmem:$0xA0A0] =	vst v63  }
0xef: {  	_ =	swait.ge [sflag:s11], $0xC80  }
0xf0: {  	[sflag:s11] =	ssyncset.done $0x0  }
0xf1: {  	[sflag:s11] =	ssyncadd.s32 $0xFFFFF380  }
0xf2: {  	s20 =	sadd.s32 $0x1, s20  }
0xf3: {  	p0 =	sne.s32 s20, s10  }
.Ltmp2:
0xf4: {  	[bflag:$0x0] =	sbarrier.arrive $0xFFFF;
	(pc) =	sbr.rel @p0 .LBB2_1-.Ltmp2, $4  }
0xf5: {  	[hbm:s9], [sflag:s13] =	dma.local [spmem:s14], $0x280  }
0xf6: {  	_ =	swait.ge [sflag:s11], $0x280  }
0xf7: {  	[sflag:s11] =	ssyncset.done $0x0  }
0xf8: {  	[sflag:s11] =	ssyncadd.s32 $0xFFFFFD80  }
0xf9: {  	_ =	sfence.sel $0x180000  }
0xfa: {  	[bflag:$0x0] =	sbarrier.arrive $0xFFFF  }
0xfb: {  	p0 =	sne.s32 s0, $0x0;
	_ =	strace $0x90000047  }
0xfc: {  	s0 =	sadd.s32 @!p0 $0x100000, s1;
	[bflag:$0x2] =	sbarrier.arrive $0xFFFF  }
0xfd: {  	[sflag:s0] =	ssyncadd.tile.s32 @!p0 $0x1;
	_ =	shalt  }
.Lfunc_end2:
_tile_overlayer_lowered:
.L_overlay_start_2:
0xfe: {  	(tag) =	ssettag $0x2  }
0xff: {  	s0 =	rddreg [dreg:$0x0];
	s2 =	stileid.u32  }
0x100: {  	s1 =	rddreg [dreg:$0x1];
	p0 =	sne.s32 s2, $0x0  }
0x101: {  	s3 =	rddreg [dreg:$0x2];
	[bflag:$0x3] =	sbarrier.arrive $0xFFFF;
	s2 =	simm.s32 @!p0 $0x1C02  }
0x102: {  	[timem:s3], [sflag:s2] =	dma.local @!p0 [hbm:s0], s1  }
0x103: {  	s0 =	simm.s32 @!p0 $0x2  }
0x104: {  	_ =	swait.ge @!p0 [sflag:s0], s1  }
0x105: {  	s1 =	ssub.s32 @!p0 $0x0, s1;
	[sflag:s0] =	ssyncset.done @!p0 $0x0  }
0x106: {  	[sflag:s0] =	ssyncadd.s32 @!p0 s1  }
0x107: {  	[bflag:$0x3] =	sbarrier.arrive $0xFFFF  }
0x108: {  	_ =	shalt  }

</sc_bundles>
